<compile_context>
chip_gen: v7x
topology: tpu7x:2x2x1
jax: 0.10.2.dev20260603
libtpu: 0.0.44.dev20260713+nightly
codegen_flags: <defaults>
</compile_context>

<pallas_src>
import functools

import jax
import jax.numpy as jnp
from jax import lax
from jax.experimental import pallas as pl
from jax.experimental.pallas import tpu as pltpu
from jax.experimental.pallas import tpu_sc as plsc

N = 10000
E = 320000
P = 100000
F = 128
OUT = 2
NC = 2
NS = 16
NW = NC * NS
L = 16

NP = 10240
ROWS_PER_TILE = NP // NS
EDGE_CHUNK = 80
EDGES_PER_W = E // NW
EDGE_CHUNKS = EDGES_PER_W // EDGE_CHUNK

VPW = 3136
PP = VPW * NW
VCHUNK = 32
VCHUNKS = VPW // VCHUNK
D3 = 3 * F

_mesh = plsc.VectorSubcoreMesh(core_axis_name="c", subcore_axis_name="s",
                               num_cores=NC, num_subcores=NS)


def _make_edge_agg():
    @functools.partial(
        pl.kernel,
        mesh=_mesh,
        compiler_params=pltpu.CompilerParams(needs_layout_passes=False),
        out_type=jax.ShapeDtypeStruct((NC, NP, F), jnp.float32),
        scratch_types=[
            pltpu.VMEM((EDGE_CHUNK,), jnp.int32),
            pltpu.VMEM((EDGE_CHUNK,), jnp.int32),
            pltpu.VMEM((EDGE_CHUNK,), jnp.int32),
            pltpu.VMEM((EDGE_CHUNK,), jnp.int32),
            pltpu.VMEM((EDGE_CHUNK, F), jnp.float32),
            pltpu.VMEM((EDGE_CHUNK, F), jnp.float32),
            pltpu.VMEM_SHARED((NP, F), jnp.float32),
            pltpu.SemaphoreType.DMA,
            pltpu.SemaphoreType.DMA,
        ],
    )
    def edge_agg(table_hbm, src_hbm, dst_hbm, out_hbm,
                 sidx0, didx0, sidx1, didx1, rows0, rows1, acc_sh,
                 sem0, sem1):
        cid = lax.axis_index("c")
        tid = lax.axis_index("s")
        wid = tid * NC + cid
        wbase = wid * EDGES_PER_W
        zbase = pl.multiple_of(tid * ROWS_PER_TILE, 8)
        zv = jnp.zeros((L,), jnp.float32)

        def zrow(r, carry):
            for q in range(F // L):
                rows0[r, pl.ds(q * L, L)] = zv
            return carry

        lax.fori_loop(0, EDGE_CHUNK, zrow, 0)
        for q in range(ROWS_PER_TILE // EDGE_CHUNK):
            pltpu.sync_copy(
                rows0, acc_sh.at[pl.ds(zbase + q * EDGE_CHUNK, EDGE_CHUNK)])
        plsc.subcore_barrier()

        def fetch(ch, sidx, didx, rows, sem):
            base = pl.multiple_of(wbase + ch * EDGE_CHUNK, 8)
            pltpu.sync_copy(src_hbm.at[pl.ds(base, EDGE_CHUNK)], sidx)
            pltpu.sync_copy(dst_hbm.at[pl.ds(base, EDGE_CHUNK)], didx)
            return pltpu.async_copy(table_hbm.at[sidx], rows, sem)

        fetch(0, sidx0, didx0, rows0, sem0)

        def pair_body(j2, carry):
            ch = 2 * j2
            fetch(ch + 1, sidx1, didx1, rows1, sem1)
            pltpu.make_async_copy(table_hbm.at[sidx0], rows0, sem0).wait()
            pltpu.sync_copy(rows0, acc_sh.at[didx0], add=True)
            fetch(ch + 2, sidx0, didx0, rows0, sem0)
            pltpu.make_async_copy(table_hbm.at[sidx1], rows1, sem1).wait()
            pltpu.sync_copy(rows1, acc_sh.at[didx1], add=True)
            return carry

        lax.fori_loop(0, (EDGE_CHUNKS - 1) // 2, pair_body, 0)
        pltpu.make_async_copy(table_hbm.at[sidx0], rows0, sem0).wait()
        pltpu.sync_copy(rows0, acc_sh.at[didx0], add=True)
        plsc.subcore_barrier()
        for q in range(ROWS_PER_TILE // EDGE_CHUNK):
            rb = zbase + q * EDGE_CHUNK
            pltpu.sync_copy(acc_sh.at[pl.ds(rb, EDGE_CHUNK)], rows0)
            pltpu.sync_copy(rows0, out_hbm.at[cid, pl.ds(rb, EDGE_CHUNK)])

    return edge_agg


_edge_agg_f = _make_edge_agg()

NH = NP // F
_EROWS = 625
_EBLK = 25


def _deg_body(d_ref, out_ref):
    i = pl.program_id(0)
    d = d_ref[...].reshape(-1)
    hi = d // F
    lo = d - hi * F
    a = (hi[:, None] == lax.broadcasted_iota(jnp.int32, (1, NH), 1)
         ).astype(jnp.float32)
    b = (lo[:, None] == lax.broadcasted_iota(jnp.int32, (1, F), 1)
         ).astype(jnp.float32)
    blk = lax.dot_general(a, b, (((0,), (0,)), ((), ())),
                          preferred_element_type=jnp.float32)

    @pl.when(i == 0)
    def _():
        out_ref[...] = jnp.zeros_like(out_ref)

    out_ref[...] += blk


def _deg_mm(dst):
    return pl.pallas_call(
        _deg_body,
        grid=(_EROWS // _EBLK,),
        in_specs=[pl.BlockSpec((1, _EBLK, 512), lambda i: (i, 0, 0))],
        out_specs=pl.BlockSpec((NH, F), lambda i: (0, 0)),
        out_shape=jax.ShapeDtypeStruct((NH, F), jnp.float32),
    )(dst.reshape(_EROWS // _EBLK, _EBLK, 512))




_BN = 1000


def _layer1_body(x_ref, aggp_ref, deg_ref, w_ref, b_ref, h_ref, invd_ref):
    s = aggp_ref[0] + aggp_ref[1]
    invd = 1.0 / jnp.maximum(deg_ref[...], 1.0)
    agg = s * invd
    h = jnp.maximum(
        jnp.dot(x_ref[...] + agg, w_ref[...],
                preferred_element_type=jnp.float32) + b_ref[...], 0.0)
    h_ref[...] = h
    invd_ref[...] = jnp.broadcast_to(invd, (invd.shape[0], 8))


def _layer1(x, aggp, degp, W1, b1):
    return pl.pallas_call(
        _layer1_body,
        grid=(N // _BN,),
        in_specs=[
            pl.BlockSpec((_BN, F), lambda i: (i, 0)),
            pl.BlockSpec((NC, _BN, F), lambda i: (0, i, 0)),
            pl.BlockSpec((_BN, 1), lambda i: (i, 0)),
            pl.BlockSpec((F, F), lambda i: (0, 0)),
            pl.BlockSpec((1, F), lambda i: (0, 0)),
        ],
        out_specs=[
            pl.BlockSpec((_BN, F), lambda i: (i, 0)),
            pl.BlockSpec((_BN, 8), lambda i: (i, 0)),
        ],
        out_shape=[
            jax.ShapeDtypeStruct((N, F), jnp.float32),
            jax.ShapeDtypeStruct((N, 8), jnp.float32),
        ],
    )(x, aggp, degp, W1, b1.reshape(1, F))


def _layer2_body(h_ref, aggp_ref, invd_ref, w_ref, b_ref,
                 wa_ref, wb_ref, wc_ref, bd1_ref, a_ref, b2_ref, c_ref):
    s = aggp_ref[0] + aggp_ref[1]
    agg = s * invd_ref[:, 0:1]
    h2 = jnp.maximum(
        jnp.dot(h_ref[...] + agg, w_ref[...],
                preferred_element_type=jnp.float32) + b_ref[...], 0.0)
    a_ref[...] = jnp.dot(h2, wa_ref[...],
                         preferred_element_type=jnp.float32) + bd1_ref[...]
    b2_ref[...] = jnp.dot(h2, wb_ref[...], preferred_element_type=jnp.float32)
    c_ref[...] = jnp.dot(h2, wc_ref[...], preferred_element_type=jnp.float32)


def _layer2(h, aggp, invd, W2, b2, Wd1, bd1):
    return pl.pallas_call(
        _layer2_body,
        grid=(N // _BN,),
        in_specs=[
            pl.BlockSpec((_BN, F), lambda i: (i, 0)),
            pl.BlockSpec((NC, _BN, F), lambda i: (0, i, 0)),
            pl.BlockSpec((_BN, 8), lambda i: (i, 0)),
            pl.BlockSpec((F, F), lambda i: (0, 0)),
            pl.BlockSpec((1, F), lambda i: (0, 0)),
            pl.BlockSpec((F, D3), lambda i: (0, 0)),
            pl.BlockSpec((F, D3), lambda i: (0, 0)),
            pl.BlockSpec((F, D3), lambda i: (0, 0)),
            pl.BlockSpec((1, D3), lambda i: (0, 0)),
        ],
        out_specs=[
            pl.BlockSpec((_BN, D3), lambda i: (i, 0)),
            pl.BlockSpec((_BN, D3), lambda i: (i, 0)),
            pl.BlockSpec((_BN, D3), lambda i: (i, 0)),
        ],
        out_shape=[
            jax.ShapeDtypeStruct((N, D3), jnp.float32),
            jax.ShapeDtypeStruct((N, D3), jnp.float32),
            jax.ShapeDtypeStruct((N, D3), jnp.float32),
        ],
    )(h, aggp, invd, W2, b2.reshape(1, F),
      Wd1[:F], Wd1[F:2 * F], Wd1[2 * F:], bd1.reshape(1, D3))


@functools.partial(
    pl.kernel,
    mesh=_mesh,
    compiler_params=pltpu.CompilerParams(needs_layout_passes=False),
    out_type=jax.ShapeDtypeStruct((PP, D3), jnp.float32),
    scratch_types=[
        pltpu.VMEM((VCHUNK,), jnp.int32),
        pltpu.VMEM((VCHUNK,), jnp.int32),
        pltpu.VMEM((VCHUNK,), jnp.int32),
        pltpu.VMEM((VCHUNK,), jnp.int32),
        pltpu.VMEM((VCHUNK,), jnp.int32),
        pltpu.VMEM((VCHUNK,), jnp.int32),
        pltpu.VMEM((VCHUNK, D3), jnp.float32),
        pltpu.VMEM((VCHUNK, D3), jnp.float32),
        pltpu.VMEM((VCHUNK, D3), jnp.float32),
        pltpu.VMEM((VCHUNK, D3), jnp.float32),
        pltpu.VMEM((VCHUNK, D3), jnp.float32),
        pltpu.VMEM((VCHUNK, D3), jnp.float32),
        pltpu.SemaphoreType.DMA,
        pltpu.SemaphoreType.DMA,
        pltpu.SemaphoreType.DMA,
        pltpu.SemaphoreType.DMA,
        pltpu.SemaphoreType.DMA,
        pltpu.SemaphoreType.DMA,
    ],
)
def _gather_sum(a_hbm, b_hbm, c_hbm, pi_hbm, si_hbm, di_hbm, out_hbm,
                pi0, si0, di0, pi1, si1, di1,
                a0, b0, c0, a1, b1, c1,
                sa0, sb0, sc0, sa1, sb1, sc1):
    cid = lax.axis_index("c")
    tid = lax.axis_index("s")
    wid = tid * NC + cid
    wbase = wid * VPW
    bufs = ((pi0, si0, di0, a0, b0, c0, sa0, sb0, sc0),
            (pi1, si1, di1, a1, b1, c1, sa1, sb1, sc1))

    def fetch(ch, bfr):
        pi_v, si_v, di_v, a_v, b_v, c_v, sa, sb, sc = bufs[bfr]
        base = pl.multiple_of(wbase + ch * VCHUNK, 8)
        pltpu.sync_copy(pi_hbm.at[pl.ds(base, VCHUNK)], pi_v)
        pltpu.sync_copy(si_hbm.at[pl.ds(base, VCHUNK)], si_v)
        pltpu.sync_copy(di_hbm.at[pl.ds(base, VCHUNK)], di_v)
        pltpu.async_copy(a_hbm.at[pi_v], a_v, sa)
        pltpu.async_copy(b_hbm.at[si_v], b_v, sb)
        pltpu.async_copy(c_hbm.at[di_v], c_v, sc)

    def finish(ch, bfr):
        pi_v, si_v, di_v, a_v, b_v, c_v, sa, sb, sc = bufs[bfr]
        pltpu.make_async_copy(a_hbm.at[pi_v], a_v, sa).wait()
        pltpu.make_async_copy(b_hbm.at[si_v], b_v, sb).wait()
        pltpu.make_async_copy(c_hbm.at[di_v], c_v, sc).wait()

        def sum_row(r, c2):
            for q in range(D3 // L):
                sl = pl.ds(q * L, L)
                a_v[r, sl] = a_v[r, sl] + b_v[r, sl] + c_v[r, sl]
            return c2

        lax.fori_loop(0, VCHUNK, sum_row, 0)
        base = pl.multiple_of(wbase + ch * VCHUNK, 8)
        pltpu.sync_copy(a_v, out_hbm.at[pl.ds(base, VCHUNK)])

    fetch(0, 0)

    def pair_body(j2, carry):
        ch = 2 * j2
        fetch(ch + 1, 1)
        finish(ch, 0)
        fetch(ch + 2, 0)
        finish(ch + 1, 1)
        return carry

    lax.fori_loop(0, (VCHUNKS - 2) // 2, pair_body, 0)
    fetch(VCHUNKS - 1, 1)
    finish(VCHUNKS - 2, 0)
    finish(VCHUNKS - 1, 1)


_VB = 3136


def _decode_body(hs_ref, pi_ref, wd2_ref, bd2_ref, m0_ref, m1_ref):
    i = pl.program_id(0)
    hid = jnp.maximum(hs_ref[...], 0.0)
    logits = jnp.dot(hid, wd2_ref[...],
                     preferred_element_type=jnp.float32) + bd2_ref[...]
    lm = jnp.max(logits, axis=1, keepdims=True)
    lse = lm + jnp.log(jnp.sum(jnp.exp(logits - lm), axis=1, keepdims=True))
    logp = logits - lse
    gidx = i * _VB + lax.broadcasted_iota(jnp.int32, (_VB, 1), 0)
    logp = jnp.where(gidx < P, logp, 0.0)
    pv = pi_ref[...].reshape(-1)
    hi = pv // F
    lo = pv - hi * F
    a = (hi[:, None] == lax.broadcasted_iota(jnp.int32, (1, NH), 1)
         ).astype(jnp.float32)
    b = (lo[:, None] == lax.broadcasted_iota(jnp.int32, (1, F), 1)
         ).astype(jnp.float32)
    m0 = lax.dot_general(a, b * logp[:, 0:1], (((0,), (0,)), ((), ())),
                         preferred_element_type=jnp.float32)
    m1 = lax.dot_general(a, b * logp[:, 1:2], (((0,), (0,)), ((), ())),
                         preferred_element_type=jnp.float32)

    @pl.when(i == 0)
    def _():
        m0_ref[...] = jnp.zeros_like(m0_ref)
        m1_ref[...] = jnp.zeros_like(m1_ref)

    m0_ref[...] += m0
    m1_ref[...] += m1


def _decode(hidsum, pi, Wd2, bd2):
    return pl.pallas_call(
        _decode_body,
        grid=(PP // _VB,),
        in_specs=[
            pl.BlockSpec((_VB, D3), lambda i: (i, 0)),
            pl.BlockSpec((1, 1, _VB), lambda i: (i, 0, 0)),
            pl.BlockSpec((D3, OUT), lambda i: (0, 0)),
            pl.BlockSpec((1, OUT), lambda i: (0, 0)),
        ],
        out_specs=[
            pl.BlockSpec((NH, F), lambda i: (0, 0)),
            pl.BlockSpec((NH, F), lambda i: (0, 0)),
        ],
        out_shape=[
            jax.ShapeDtypeStruct((NH, F), jnp.float32),
            jax.ShapeDtypeStruct((NH, F), jnp.float32),
        ],
    )(hidsum, pi.reshape(PP // _VB, 1, _VB), Wd2, bd2.reshape(1, OUT))


def _first(x):
    return x[0] if isinstance(x, (tuple, list)) else x


def kernel(x, edge_index, original, y, nodes, variants,
           W1, b1, W2, b2, Wd1, bd1, Wd2, bd2):
    del original, y, nodes
    src = edge_index[0]
    dst = edge_index[1]

    aggp1 = _first(_edge_agg_f(x, src, dst))
    deg = _deg_mm(dst).reshape(NP, 1)
    h, invd = _layer1(x, aggp1, deg, W1, b1)
    aggp2 = _first(_edge_agg_f(h, src, dst))
    A, B, C = _layer2(h, aggp2, invd, W2, b2, Wd1, bd1)

    pad = jnp.zeros((PP - P,), jnp.int32)
    pi = jnp.concatenate([variants[0], pad])
    si = jnp.concatenate([variants[1], pad])
    di = jnp.concatenate([variants[2], pad])
    hidsum = _first(_gather_sum(A, B, C, pi, si, di))
    m0, m1 = _decode(hidsum, pi, Wd2, bd2)
    return jnp.stack([m0.reshape(NP)[:N], m1.reshape(NP)[:N]], axis=1)

# --- scband reference (transcript-rebuilt; emitter-appended) ---
"""Pipeline reference for scband-supervised-predictor-17901423690326 (READ-ONLY COPY).

The authoritative reference and input builder live on the scoring server;
editing this copy changes nothing except your own understanding.
"""

import jax, jax.numpy as jnp
import numpy as np

N = 10000
E = 320000
P = 100000
F = 128
OUT = 2

def setup_inputs(seed: int = 0):
    key = jax.random.key(seed)
    ks = jax.random.split(key, 12)
    x = jax.random.normal(ks[0], (N, F), dtype=jnp.float32)
    edge_index = jax.random.randint(ks[1], (2, E), 0, N, dtype=jnp.int32)
    original = jax.random.randint(ks[2], (2, E), 0, N, dtype=jnp.int32)
    y = jax.random.randint(ks[3], (N,), 0, OUT, dtype=jnp.int32)
    nodes = jnp.arange(N, dtype=jnp.int32)
    variants = jax.random.randint(ks[4], (3, P), 0, N, dtype=jnp.int32)
    W1 = jax.random.normal(ks[5], (F, F), dtype=jnp.float32) * 0.05
    b1 = jnp.zeros((F,), dtype=jnp.float32)
    W2 = jax.random.normal(ks[6], (F, F), dtype=jnp.float32) * 0.05
    b2 = jnp.zeros((F,), dtype=jnp.float32)
    Wd1 = jax.random.normal(ks[7], (3 * F, 3 * F), dtype=jnp.float32) * 0.05
    bd1 = jnp.zeros((3 * F,), dtype=jnp.float32)
    Wd2 = jax.random.normal(ks[8], (3 * F, OUT), dtype=jnp.float32) * 0.05
    bd2 = jnp.zeros((OUT,), dtype=jnp.float32)
    return {"x": x, "edge_index": edge_index, "original": original, "y": y, "nodes": nodes, "variants": variants, "W1": W1, "b1": b1, "W2": W2, "b2": b2, "Wd1": Wd1, "bd1": bd1, "Wd2": Wd2, "bd2": bd2}

def reference(x, edge_index, original, y, nodes, variants, W1, b1, W2, b2, Wd1, bd1, Wd2, bd2):
    # FirstEncoder: one mean-aggregation GNN layer over edge_index
    src = edge_index[0]
    dst = edge_index[1]
    deg = jnp.maximum(jnp.zeros((N,), jnp.float32).at[dst].add(1.0), 1.0)
    agg = jax.ops.segment_sum(jnp.take(x, src, axis=0), dst, num_segments=N) / deg[:, None]
    h = jax.nn.relu((x + agg) @ W1 + b1)
    # SecondEncoder: second GNN layer refreshing features between variant steps
    agg2 = jax.ops.segment_sum(jnp.take(h, src, axis=0), dst, num_segments=N) / deg[:, None]
    h2 = jax.nn.relu((h + agg2) @ W2 + b2)
    # Vectorized variant loop: gather (place, src, dst) node features, concat,
    # DecoderMLP + log_softmax, scatter-add per-place predictions into the
    # zero-initialized prediction memory (predictions[place] += place_prediction)
    place = variants[0]
    s = variants[1]
    d = variants[2]
    feats = jnp.concatenate([jnp.take(h2, place, axis=0), jnp.take(h2, s, axis=0), jnp.take(h2, d, axis=0)], axis=1)
    hid = jax.nn.relu(feats @ Wd1 + bd1)
    logits = hid @ Wd2 + bd2
    logp = jax.nn.log_softmax(logits, axis=1)
    predictions = jnp.zeros((N, OUT), jnp.float32).at[place].add(logp)
    return predictions

if __name__ == "__main__":
    import jax
    _d = setup_inputs()
    print(jax.jit(kernel)(*tuple(_d.values())))

</pallas_src>

<mosaic_0001>
#map = affine_map<(d0, d1) -> (0, 0)>
#map1 = affine_map<(d0, d1) -> (0)>
#map2 = affine_map<(d0, d1) -> (0, 0, 0)>
module attributes {stable_mosaic.version = 14 : i64} {
  func.func @edge_agg(%arg0: i32, %arg1: i32, %arg2: memref<10000x128xf32, #tpu.memory_space<hbm>>, %arg3: memref<320000xi32, #tpu.memory_space<hbm>>, %arg4: memref<320000xi32, #tpu.memory_space<hbm>>, %arg5: memref<2x10240x128xf32, #tpu.memory_space<hbm>>, %arg6: memref<80xi32, #tpu.memory_space<vmem>>, %arg7: memref<80xi32, #tpu.memory_space<vmem>>, %arg8: memref<80xi32, #tpu.memory_space<vmem>>, %arg9: memref<80xi32, #tpu.memory_space<vmem>>, %arg10: memref<80x128xf32, #tpu.memory_space<vmem>>, %arg11: memref<80x128xf32, #tpu.memory_space<vmem>>, %arg12: memref<10240x128xf32, #tpu.memory_space<vmem_shared>>, %arg13: memref<!tpu.dma_semaphore, #tpu.memory_space<semaphore_mem>>, %arg14: memref<!tpu.dma_semaphore, #tpu.memory_space<semaphore_mem>>) attributes {dimension_semantics = [#tpu.dimension_semantics<core_parallel>, #tpu.dimension_semantics<subcore_parallel>], iteration_bounds = array<i64: 2, 16>, scalar_prefetch = 0 : i64, scratch_operands = 9 : i64, tpu.core_type = #tpu.core_type<sc_vector_subcore>, window_params = [{transform_indices = #map}, {transform_indices = #map1}, {transform_indices = #map1}, {transform_indices = #map2}]} {
    %mul3A = arith.constant 2 : i32
    %mul3A_0 = arith.muli %arg1, %mul3A : i32
    %add3A = arith.addi %mul3A_0, %arg0 : i32
    %mul3A_1 = arith.constant 10000 : i32
    %mul3A_2 = arith.muli %add3A, %mul3A_1 : i32
    %mul3A_3 = arith.constant 640 : i32
    %mul3A_4 = arith.muli %arg1, %mul3A_3 : i32
    %multiple_of3A = tpu.assume_multiple %mul3A_4, 8 : i32
    %broadcast_in_dim3A = arith.constant 0.000000e+00 : f32
    %broadcast_in_dim3A_5 = vector.broadcast %broadcast_in_dim3A : f32 to vector<16xf32>
    %scan3A = arith.constant 0 : i32
    %scan3A_6 = arith.constant 0 : i32
    %scan3A_7 = arith.constant 80 : i32
    %scan3A_8 = arith.addi %scan3A_6, %scan3A_7 : i32
    %scan3A_9 = arith.constant 1 : i32
    scf.for %scan3A_57 = %scan3A_6 to %scan3A_8 step %scan3A_9  : i32 {
      %swap3A = arith.index_cast %scan3A_57 : i32 to index
      %swap3A_58 = arith.constant 0 : index
      %swap3A_59 = tpu.vector_load %arg10[%swap3A, %swap3A_58] {strides = array<i32>} : memref<80x128xf32, #tpu.memory_space<vmem>>, vector<16xf32>,
      tpu.vector_store %arg10[%swap3A, %swap3A_58], %broadcast_in_dim3A_5 {strides = array<i32>} : memref<80x128xf32, #tpu.memory_space<vmem>>, vector<16xf32>,
      %swap3A_60 = arith.index_cast %scan3A_57 : i32 to index
      %swap3A_61 = arith.constant 16 : index
      %swap3A_62 = tpu.vector_load %arg10[%swap3A_60, %swap3A_61] {strides = array<i32>} : memref<80x128xf32, #tpu.memory_space<vmem>>, vector<16xf32>,
      tpu.vector_store %arg10[%swap3A_60, %swap3A_61], %broadcast_in_dim3A_5 {strides = array<i32>} : memref<80x128xf32, #tpu.memory_space<vmem>>, vector<16xf32>,
      %swap3A_63 = arith.index_cast %scan3A_57 : i32 to index
      %swap3A_64 = arith.constant 32 : index
      %swap3A_65 = tpu.vector_load %arg10[%swap3A_63, %swap3A_64] {strides = array<i32>} : memref<80x128xf32, #tpu.memory_space<vmem>>, vector<16xf32>,
      tpu.vector_store %arg10[%swap3A_63, %swap3A_64], %broadcast_in_dim3A_5 {strides = array<i32>} : memref<80x128xf32, #tpu.memory_space<vmem>>, vector<16xf32>,
      %swap3A_66 = arith.index_cast %scan3A_57 : i32 to index
      %swap3A_67 = arith.constant 48 : index
      %swap3A_68 = tpu.vector_load %arg10[%swap3A_66, %swap3A_67] {strides = array<i32>} : memref<80x128xf32, #tpu.memory_space<vmem>>, vector<16xf32>,
      tpu.vector_store %arg10[%swap3A_66, %swap3A_67], %broadcast_in_dim3A_5 {strides = array<i32>} : memref<80x128xf32, #tpu.memory_space<vmem>>, vector<16xf32>,
      %swap3A_69 = arith.index_cast %scan3A_57 : i32 to index
      %swap3A_70 = arith.constant 64 : index
      %swap3A_71 = tpu.vector_load %arg10[%swap3A_69, %swap3A_70] {strides = array<i32>} : memref<80x128xf32, #tpu.memory_space<vmem>>, vector<16xf32>,
      tpu.vector_store %arg10[%swap3A_69, %swap3A_70], %broadcast_in_dim3A_5 {strides = array<i32>} : memref<80x128xf32, #tpu.memory_space<vmem>>, vector<16xf32>,
      %swap3A_72 = arith.index_cast %scan3A_57 : i32 to index
      %swap3A_73 = arith.constant 80 : index
      %swap3A_74 = tpu.vector_load %arg10[%swap3A_72, %swap3A_73] {strides = array<i32>} : memref<80x128xf32, #tpu.memory_space<vmem>>, vector<16xf32>,
      tpu.vector_store %arg10[%swap3A_72, %swap3A_73], %broadcast_in_dim3A_5 {strides = array<i32>} : memref<80x128xf32, #tpu.memory_space<vmem>>, vector<16xf32>,
      %swap3A_75 = arith.index_cast %scan3A_57 : i32 to index
      %swap3A_76 = arith.constant 96 : index
      %swap3A_77 = tpu.vector_load %arg10[%swap3A_75, %swap3A_76] {strides = array<i32>} : memref<80x128xf32, #tpu.memory_space<vmem>>, vector<16xf32>,
      tpu.vector_store %arg10[%swap3A_75, %swap3A_76], %broadcast_in_dim3A_5 {strides = array<i32>} : memref<80x128xf32, #tpu.memory_space<vmem>>, vector<16xf32>,
      %swap3A_78 = arith.index_cast %scan3A_57 : i32 to index
      %swap3A_79 = arith.constant 112 : index
      %swap3A_80 = tpu.vector_load %arg10[%swap3A_78, %swap3A_79] {strides = array<i32>} : memref<80x128xf32, #tpu.memory_space<vmem>>, vector<16xf32>,
      tpu.vector_store %arg10[%swap3A_78, %swap3A_79], %broadcast_in_dim3A_5 {strides = array<i32>} : memref<80x128xf32, #tpu.memory_space<vmem>>, vector<16xf32>,
    }
    %scan3A_10 = arith.constant 80 : i32
    %add3A_11 = arith.constant 0 : i32
    %add3A_12 = arith.addi %multiple_of3A, %add3A_11 : i32
    "tpu.region"() ({
      %run_scoped3A = tpu.sem_alloc : memref<!tpu.dma_semaphore, #tpu.memory_space<semaphore_mem>>
      %dma_start3A_57 = arith.constant 0 : i32
      %dma_start3A_58 = tpu.memref_slice %arg12[%add3A_12, %dma_start3A_57] : memref<10240x128xf32, #tpu.memory_space<vmem_shared>> -> memref<80x128xf32, #tpu.memory_space<vmem_shared>>
      %dma_start3A_59 = arith.constant 0 : i32
      %dma_start3A_60 = tpu.memref_slice %arg12[%add3A_12, %dma_start3A_59] : memref<10240x128xf32, #tpu.memory_space<vmem_shared>> -> memref<80x128xf32, #tpu.memory_space<vmem_shared>>
      tpu.enqueue_dma source(%arg10 : memref<80x128xf32, #tpu.memory_space<vmem>>) target(%dma_start3A_60 : memref<80x128xf32, #tpu.memory_space<vmem_shared>>) target_semaphore(%run_scoped3A : memref<!tpu.dma_semaphore, #tpu.memory_space<semaphore_mem>>)
      %dma_wait3A_61 = arith.constant 0 : i32
      %dma_wait3A_62 = tpu.memref_slice %arg12[%add3A_12, %dma_wait3A_61] : memref<10240x128xf32, #tpu.memory_space<vmem_shared>> -> memref<80x128xf32, #tpu.memory_space<vmem_shared>>
      %dma_wait3A_63 = arith.constant 0 : i32
      %dma_wait3A_64 = tpu.memref_slice %arg12[%add3A_12, %dma_wait3A_63] : memref<10240x128xf32, #tpu.memory_space<vmem_shared>> -> memref<80x128xf32, #tpu.memory_space<vmem_shared>>
      tpu.wait_dma2 semaphore(%run_scoped3A : memref<!tpu.dma_semaphore, #tpu.memory_space<semaphore_mem>>) src(%arg10 : memref<80x128xf32, #tpu.memory_space<vmem>>) dst(%dma_wait3A_64 : memref<80x128xf32, #tpu.memory_space<vmem_shared>>)
      tpu.yield
    }) : () -> ()
    %add3A_13 = arith.constant 80 : i32
    %add3A_14 = arith.addi %multiple_of3A, %add3A_13 : i32
    "tpu.region"() ({
      %run_scoped3A = tpu.sem_alloc : memref<!tpu.dma_semaphore, #tpu.memory_space<semaphore_mem>>
      %dma_start3A_57 = arith.constant 0 : i32
      %dma_start3A_58 = tpu.memref_slice %arg12[%add3A_14, %dma_start3A_57] : memref<10240x128xf32, #tpu.memory_space<vmem_shared>> -> memref<80x128xf32, #tpu.memory_space<vmem_shared>>
      %dma_start3A_59 = arith.constant 0 : i32
      %dma_start3A_60 = tpu.memref_slice %arg12[%add3A_14, %dma_start3A_59] : memref<10240x128xf32, #tpu.memory_space<vmem_shared>> -> memref<80x128xf32, #tpu.memory_space<vmem_shared>>
      tpu.enqueue_dma source(%arg10 : memref<80x128xf32, #tpu.memory_space<vmem>>) target(%dma_start3A_60 : memref<80x128xf32, #tpu.memory_space<vmem_shared>>) target_semaphore(%run_scoped3A : memref<!tpu.dma_semaphore, #tpu.memory_space<semaphore_mem>>)
      %dma_wait3A_61 = arith.constant 0 : i32
      %dma_wait3A_62 = tpu.memref_slice %arg12[%add3A_14, %dma_wait3A_61] : memref<10240x128xf32, #tpu.memory_space<vmem_shared>> -> memref<80x128xf32, #tpu.memory_space<vmem_shared>>
      %dma_wait3A_63 = arith.constant 0 : i32
      %dma_wait3A_64 = tpu.memref_slice %arg12[%add3A_14, %dma_wait3A_63] : memref<10240x128xf32, #tpu.memory_space<vmem_shared>> -> memref<80x128xf32, #tpu.memory_space<vmem_shared>>
      tpu.wait_dma2 semaphore(%run_scoped3A : memref<!tpu.dma_semaphore, #tpu.memory_space<semaphore_mem>>) src(%arg10 : memref<80x128xf32, #tpu.memory_space<vmem>>) dst(%dma_wait3A_64 : memref<80x128xf32, #tpu.memory_space<vmem_shared>>)
      tpu.yield
    }) : () -> ()
    %add3A_15 = arith.constant 160 : i32
    %add3A_16 = arith.addi %multiple_of3A, %add3A_15 : i32
    "tpu.region"() ({
      %run_scoped3A = tpu.sem_alloc : memref<!tpu.dma_semaphore, #tpu.memory_space<semaphore_mem>>
      %dma_start3A_57 = arith.constant 0 : i32
      %dma_start3A_58 = tpu.memref_slice %arg12[%add3A_16, %dma_start3A_57] : memref<10240x128xf32, #tpu.memory_space<vmem_shared>> -> memref<80x128xf32, #tpu.memory_space<vmem_shared>>
      %dma_start3A_59 = arith.constant 0 : i32
      %dma_start3A_60 = tpu.memref_slice %arg12[%add3A_16, %dma_start3A_59] : memref<10240x128xf32, #tpu.memory_space<vmem_shared>> -> memref<80x128xf32, #tpu.memory_space<vmem_shared>>
      tpu.enqueue_dma source(%arg10 : memref<80x128xf32, #tpu.memory_space<vmem>>) target(%dma_start3A_60 : memref<80x128xf32, #tpu.memory_space<vmem_shared>>) target_semaphore(%run_scoped3A : memref<!tpu.dma_semaphore, #tpu.memory_space<semaphore_mem>>)
      %dma_wait3A_61 = arith.constant 0 : i32
      %dma_wait3A_62 = tpu.memref_slice %arg12[%add3A_16, %dma_wait3A_61] : memref<10240x128xf32, #tpu.memory_space<vmem_shared>> -> memref<80x128xf32, #tpu.memory_space<vmem_shared>>
      %dma_wait3A_63 = arith.constant 0 : i32
      %dma_wait3A_64 = tpu.memref_slice %arg12[%add3A_16, %dma_wait3A_63] : memref<10240x128xf32, #tpu.memory_space<vmem_shared>> -> memref<80x128xf32, #tpu.memory_space<vmem_shared>>
      tpu.wait_dma2 semaphore(%run_scoped3A : memref<!tpu.dma_semaphore, #tpu.memory_space<semaphore_mem>>) src(%arg10 : memref<80x128xf32, #tpu.memory_space<vmem>>) dst(%dma_wait3A_64 : memref<80x128xf32, #tpu.memory_space<vmem_shared>>)
      tpu.yield
    }) : () -> ()
    %add3A_17 = arith.constant 240 : i32
    %add3A_18 = arith.addi %multiple_of3A, %add3A_17 : i32
    "tpu.region"() ({
      %run_scoped3A = tpu.sem_alloc : memref<!tpu.dma_semaphore, #tpu.memory_space<semaphore_mem>>
      %dma_start3A_57 = arith.constant 0 : i32
      %dma_start3A_58 = tpu.memref_slice %arg12[%add3A_18, %dma_start3A_57] : memref<10240x128xf32, #tpu.memory_space<vmem_shared>> -> memref<80x128xf32, #tpu.memory_space<vmem_shared>>
      %dma_start3A_59 = arith.constant 0 : i32
      %dma_start3A_60 = tpu.memref_slice %arg12[%add3A_18, %dma_start3A_59] : memref<10240x128xf32, #tpu.memory_space<vmem_shared>> -> memref<80x128xf32, #tpu.memory_space<vmem_shared>>
      tpu.enqueue_dma source(%arg10 : memref<80x128xf32, #tpu.memory_space<vmem>>) target(%dma_start3A_60 : memref<80x128xf32, #tpu.memory_space<vmem_shared>>) target_semaphore(%run_scoped3A : memref<!tpu.dma_semaphore, #tpu.memory_space<semaphore_mem>>)
      %dma_wait3A_61 = arith.constant 0 : i32
      %dma_wait3A_62 = tpu.memref_slice %arg12[%add3A_18, %dma_wait3A_61] : memref<10240x128xf32, #tpu.memory_space<vmem_shared>> -> memref<80x128xf32, #tpu.memory_space<vmem_shared>>
      %dma_wait3A_63 = arith.constant 0 : i32
      %dma_wait3A_64 = tpu.memref_slice %arg12[%add3A_18, %dma_wait3A_63] : memref<10240x128xf32, #tpu.memory_space<vmem_shared>> -> memref<80x128xf32, #tpu.memory_space<vmem_shared>>
      tpu.wait_dma2 semaphore(%run_scoped3A : memref<!tpu.dma_semaphore, #tpu.memory_space<semaphore_mem>>) src(%arg10 : memref<80x128xf32, #tpu.memory_space<vmem>>) dst(%dma_wait3A_64 : memref<80x128xf32, #tpu.memory_space<vmem_shared>>)
      tpu.yield
    }) : () -> ()
    %add3A_19 = arith.constant 320 : i32
    %add3A_20 = arith.addi %multiple_of3A, %add3A_19 : i32
    "tpu.region"() ({
      %run_scoped3A = tpu.sem_alloc : memref<!tpu.dma_semaphore, #tpu.memory_space<semaphore_mem>>
      %dma_start3A_57 = arith.constant 0 : i32
      %dma_start3A_58 = tpu.memref_slice %arg12[%add3A_20, %dma_start3A_57] : memref<10240x128xf32, #tpu.memory_space<vmem_shared>> -> memref<80x128xf32, #tpu.memory_space<vmem_shared>>
      %dma_start3A_59 = arith.constant 0 : i32
      %dma_start3A_60 = tpu.memref_slice %arg12[%add3A_20, %dma_start3A_59] : memref<10240x128xf32, #tpu.memory_space<vmem_shared>> -> memref<80x128xf32, #tpu.memory_space<vmem_shared>>
      tpu.enqueue_dma source(%arg10 : memref<80x128xf32, #tpu.memory_space<vmem>>) target(%dma_start3A_60 : memref<80x128xf32, #tpu.memory_space<vmem_shared>>) target_semaphore(%run_scoped3A : memref<!tpu.dma_semaphore, #tpu.memory_space<semaphore_mem>>)
      %dma_wait3A_61 = arith.constant 0 : i32
      %dma_wait3A_62 = tpu.memref_slice %arg12[%add3A_20, %dma_wait3A_61] : memref<10240x128xf32, #tpu.memory_space<vmem_shared>> -> memref<80x128xf32, #tpu.memory_space<vmem_shared>>
      %dma_wait3A_63 = arith.constant 0 : i32
      %dma_wait3A_64 = tpu.memref_slice %arg12[%add3A_20, %dma_wait3A_63] : memref<10240x128xf32, #tpu.memory_space<vmem_shared>> -> memref<80x128xf32, #tpu.memory_space<vmem_shared>>
      tpu.wait_dma2 semaphore(%run_scoped3A : memref<!tpu.dma_semaphore, #tpu.memory_space<semaphore_mem>>) src(%arg10 : memref<80x128xf32, #tpu.memory_space<vmem>>) dst(%dma_wait3A_64 : memref<80x128xf32, #tpu.memory_space<vmem_shared>>)
      tpu.yield
    }) : () -> ()
    %add3A_21 = arith.constant 400 : i32
    %add3A_22 = arith.addi %multiple_of3A, %add3A_21 : i32
    "tpu.region"() ({
      %run_scoped3A = tpu.sem_alloc : memref<!tpu.dma_semaphore, #tpu.memory_space<semaphore_mem>>
      %dma_start3A_57 = arith.constant 0 : i32
      %dma_start3A_58 = tpu.memref_slice %arg12[%add3A_22, %dma_start3A_57] : memref<10240x128xf32, #tpu.memory_space<vmem_shared>> -> memref<80x128xf32, #tpu.memory_space<vmem_shared>>
      %dma_start3A_59 = arith.constant 0 : i32
      %dma_start3A_60 = tpu.memref_slice %arg12[%add3A_22, %dma_start3A_59] : memref<10240x128xf32, #tpu.memory_space<vmem_shared>> -> memref<80x128xf32, #tpu.memory_space<vmem_shared>>
      tpu.enqueue_dma source(%arg10 : memref<80x128xf32, #tpu.memory_space<vmem>>) target(%dma_start3A_60 : memref<80x128xf32, #tpu.memory_space<vmem_shared>>) target_semaphore(%run_scoped3A : memref<!tpu.dma_semaphore, #tpu.memory_space<semaphore_mem>>)
      %dma_wait3A_61 = arith.constant 0 : i32
      %dma_wait3A_62 = tpu.memref_slice %arg12[%add3A_22, %dma_wait3A_61] : memref<10240x128xf32, #tpu.memory_space<vmem_shared>> -> memref<80x128xf32, #tpu.memory_space<vmem_shared>>
      %dma_wait3A_63 = arith.constant 0 : i32
      %dma_wait3A_64 = tpu.memref_slice %arg12[%add3A_22, %dma_wait3A_63] : memref<10240x128xf32, #tpu.memory_space<vmem_shared>> -> memref<80x128xf32, #tpu.memory_space<vmem_shared>>
      tpu.wait_dma2 semaphore(%run_scoped3A : memref<!tpu.dma_semaphore, #tpu.memory_space<semaphore_mem>>) src(%arg10 : memref<80x128xf32, #tpu.memory_space<vmem>>) dst(%dma_wait3A_64 : memref<80x128xf32, #tpu.memory_space<vmem_shared>>)
      tpu.yield
    }) : () -> ()
    %add3A_23 = arith.constant 480 : i32
    %add3A_24 = arith.addi %multiple_of3A, %add3A_23 : i32
    "tpu.region"() ({
      %run_scoped3A = tpu.sem_alloc : memref<!tpu.dma_semaphore, #tpu.memory_space<semaphore_mem>>
      %dma_start3A_57 = arith.constant 0 : i32
      %dma_start3A_58 = tpu.memref_slice %arg12[%add3A_24, %dma_start3A_57] : memref<10240x128xf32, #tpu.memory_space<vmem_shared>> -> memref<80x128xf32, #tpu.memory_space<vmem_shared>>
      %dma_start3A_59 = arith.constant 0 : i32
      %dma_start3A_60 = tpu.memref_slice %arg12[%add3A_24, %dma_start3A_59] : memref<10240x128xf32, #tpu.memory_space<vmem_shared>> -> memref<80x128xf32, #tpu.memory_space<vmem_shared>>
      tpu.enqueue_dma source(%arg10 : memref<80x128xf32, #tpu.memory_space<vmem>>) target(%dma_start3A_60 : memref<80x128xf32, #tpu.memory_space<vmem_shared>>) target_semaphore(%run_scoped3A : memref<!tpu.dma_semaphore, #tpu.memory_space<semaphore_mem>>)
      %dma_wait3A_61 = arith.constant 0 : i32
      %dma_wait3A_62 = tpu.memref_slice %arg12[%add3A_24, %dma_wait3A_61] : memref<10240x128xf32, #tpu.memory_space<vmem_shared>> -> memref<80x128xf32, #tpu.memory_space<vmem_shared>>
      %dma_wait3A_63 = arith.constant 0 : i32
      %dma_wait3A_64 = tpu.memref_slice %arg12[%add3A_24, %dma_wait3A_63] : memref<10240x128xf32, #tpu.memory_space<vmem_shared>> -> memref<80x128xf32, #tpu.memory_space<vmem_shared>>
      tpu.wait_dma2 semaphore(%run_scoped3A : memref<!tpu.dma_semaphore, #tpu.memory_space<semaphore_mem>>) src(%arg10 : memref<80x128xf32, #tpu.memory_space<vmem>>) dst(%dma_wait3A_64 : memref<80x128xf32, #tpu.memory_space<vmem_shared>>)
      tpu.yield
    }) : () -> ()
    %add3A_25 = arith.constant 560 : i32
    %add3A_26 = arith.addi %multiple_of3A, %add3A_25 : i32
    "tpu.region"() ({
      %run_scoped3A = tpu.sem_alloc : memref<!tpu.dma_semaphore, #tpu.memory_space<semaphore_mem>>
      %dma_start3A_57 = arith.constant 0 : i32
      %dma_start3A_58 = tpu.memref_slice %arg12[%add3A_26, %dma_start3A_57] : memref<10240x128xf32, #tpu.memory_space<vmem_shared>> -> memref<80x128xf32, #tpu.memory_space<vmem_shared>>
      %dma_start3A_59 = arith.constant 0 : i32
      %dma_start3A_60 = tpu.memref_slice %arg12[%add3A_26, %dma_start3A_59] : memref<10240x128xf32, #tpu.memory_space<vmem_shared>> -> memref<80x128xf32, #tpu.memory_space<vmem_shared>>
      tpu.enqueue_dma source(%arg10 : memref<80x128xf32, #tpu.memory_space<vmem>>) target(%dma_start3A_60 : memref<80x128xf32, #tpu.memory_space<vmem_shared>>) target_semaphore(%run_scoped3A : memref<!tpu.dma_semaphore, #tpu.memory_space<semaphore_mem>>)
      %dma_wait3A_61 = arith.constant 0 : i32
      %dma_wait3A_62 = tpu.memref_slice %arg12[%add3A_26, %dma_wait3A_61] : memref<10240x128xf32, #tpu.memory_space<vmem_shared>> -> memref<80x128xf32, #tpu.memory_space<vmem_shared>>
      %dma_wait3A_63 = arith.constant 0 : i32
      %dma_wait3A_64 = tpu.memref_slice %arg12[%add3A_26, %dma_wait3A_63] : memref<10240x128xf32, #tpu.memory_space<vmem_shared>> -> memref<80x128xf32, #tpu.memory_space<vmem_shared>>
      tpu.wait_dma2 semaphore(%run_scoped3A : memref<!tpu.dma_semaphore, #tpu.memory_space<semaphore_mem>>) src(%arg10 : memref<80x128xf32, #tpu.memory_space<vmem>>) dst(%dma_wait3A_64 : memref<80x128xf32, #tpu.memory_space<vmem_shared>>)
      tpu.yield
    }) : () -> ()
    %barrier3A = arith.constant 0 : index
    tpu.barrier barrier_id(%barrier3A)
    %add3A_27 = arith.constant 0 : i32
    %add3A_28 = arith.addi %mul3A_2, %add3A_27 : i32
    %multiple_of3A_29 = tpu.assume_multiple %add3A_28, 8 : i32
    "tpu.region"() ({
      %run_scoped3A = tpu.sem_alloc : memref<!tpu.dma_semaphore, #tpu.memory_space<semaphore_mem>>
      %dma_start3A_57 = tpu.memref_slice %arg3[%multiple_of3A_29] : memref<320000xi32, #tpu.memory_space<hbm>> -> memref<80xi32, #tpu.memory_space<hbm>>
      %dma_start3A_58 = tpu.memref_slice %arg3[%multiple_of3A_29] : memref<320000xi32, #tpu.memory_space<hbm>> -> memref<80xi32, #tpu.memory_space<hbm>>
      tpu.enqueue_dma source(%dma_start3A_58 : memref<80xi32, #tpu.memory_space<hbm>>) target(%arg6 : memref<80xi32, #tpu.memory_space<vmem>>) target_semaphore(%run_scoped3A : memref<!tpu.dma_semaphore, #tpu.memory_space<semaphore_mem>>)
      %dma_wait3A_59 = tpu.memref_slice %arg3[%multiple_of3A_29] : memref<320000xi32, #tpu.memory_space<hbm>> -> memref<80xi32, #tpu.memory_space<hbm>>
      %dma_wait3A_60 = tpu.memref_slice %arg3[%multiple_of3A_29] : memref<320000xi32, #tpu.memory_space<hbm>> -> memref<80xi32, #tpu.memory_space<hbm>>
      tpu.wait_dma2 semaphore(%run_scoped3A : memref<!tpu.dma_semaphore, #tpu.memory_space<semaphore_mem>>) src(%dma_wait3A_60 : memref<80xi32, #tpu.memory_space<hbm>>) dst(%arg6 : memref<80xi32, #tpu.memory_space<vmem>>)
      tpu.yield
    }) : () -> ()
    "tpu.region"() ({
      %run_scoped3A = tpu.sem_alloc : memref<!tpu.dma_semaphore, #tpu.memory_space<semaphore_mem>>
      %dma_start3A_57 = tpu.memref_slice %arg4[%multiple_of3A_29] : memref<320000xi32, #tpu.memory_space<hbm>> -> memref<80xi32, #tpu.memory_space<hbm>>
      %dma_start3A_58 = tpu.memref_slice %arg4[%multiple_of3A_29] : memref<320000xi32, #tpu.memory_space<hbm>> -> memref<80xi32, #tpu.memory_space<hbm>>
      tpu.enqueue_dma source(%dma_start3A_58 : memref<80xi32, #tpu.memory_space<hbm>>) target(%arg7 : memref<80xi32, #tpu.memory_space<vmem>>) target_semaphore(%run_scoped3A : memref<!tpu.dma_semaphore, #tpu.memory_space<semaphore_mem>>)
      %dma_wait3A_59 = tpu.memref_slice %arg4[%multiple_of3A_29] : memref<320000xi32, #tpu.memory_space<hbm>> -> memref<80xi32, #tpu.memory_space<hbm>>
      %dma_wait3A_60 = tpu.memref_slice %arg4[%multiple_of3A_29] : memref<320000xi32, #tpu.memory_space<hbm>> -> memref<80xi32, #tpu.memory_space<hbm>>
      tpu.wait_dma2 semaphore(%run_scoped3A : memref<!tpu.dma_semaphore, #tpu.memory_space<semaphore_mem>>) src(%dma_wait3A_60 : memref<80xi32, #tpu.memory_space<hbm>>) dst(%arg7 : memref<80xi32, #tpu.memory_space<vmem>>)
      tpu.yield
    }) : () -> ()
    %dma_start3A = arith.constant 0 : i32
    %dma_start3A_30 = arith.constant 0 : i32
    %dma_start3A_31 = tpu.memref_slice %arg2[%dma_start3A, %dma_start3A_30] : memref<10000x128xf32, #tpu.memory_space<hbm>> -> memref<10000x128xf32, #tpu.memory_space<hbm>>
    tpu.enqueue_indirect_dma source(%dma_start3A_31 : memref<10000x128xf32, #tpu.memory_space<hbm>>) target(%arg10 : memref<80x128xf32, #tpu.memory_space<vmem>>) offsets(%arg6 : memref<80xi32, #tpu.memory_space<vmem>>) semaphore(%arg13 : memref<!tpu.dma_semaphore, #tpu.memory_space<semaphore_mem>>)
    %scan3A_32 = arith.constant 0 : i32
    %scan3A_33 = arith.constant 0 : i32
    %scan3A_34 = arith.constant 62 : i32
    %scan3A_35 = arith.addi %scan3A_33, %scan3A_34 : i32
    %scan3A_36 = arith.constant 1 : i32
    scf.for %scan3A_57 = %scan3A_33 to %scan3A_35 step %scan3A_36  : i32 {
      %mul3A_58 = arith.constant 2 : i32
      %mul3A_59 = arith.muli %mul3A_58, %scan3A_57 : i32
      %add3A_60 = arith.constant 1 : i32
      %add3A_61 = arith.addi %mul3A_59, %add3A_60 : i32
      %mul3A_62 = arith.constant 80 : i32
      %mul3A_63 = arith.muli %add3A_61, %mul3A_62 : i32
      %add3A_64 = arith.addi %mul3A_2, %mul3A_63 : i32
      %multiple_of3A_65 = tpu.assume_multiple %add3A_64, 8 : i32
      "tpu.region"() ({
        %run_scoped3A = tpu.sem_alloc : memref<!tpu.dma_semaphore, #tpu.memory_space<semaphore_mem>>
        %dma_start3A_84 = tpu.memref_slice %arg3[%multiple_of3A_65] : memref<320000xi32, #tpu.memory_space<hbm>> -> memref<80xi32, #tpu.memory_space<hbm>>
        %dma_start3A_85 = tpu.memref_slice %arg3[%multiple_of3A_65] : memref<320000xi32, #tpu.memory_space<hbm>> -> memref<80xi32, #tpu.memory_space<hbm>>
        tpu.enqueue_dma source(%dma_start3A_85 : memref<80xi32, #tpu.memory_space<hbm>>) target(%arg8 : memref<80xi32, #tpu.memory_space<vmem>>) target_semaphore(%run_scoped3A : memref<!tpu.dma_semaphore, #tpu.memory_space<semaphore_mem>>)
        %dma_wait3A_86 = tpu.memref_slice %arg3[%multiple_of3A_65] : memref<320000xi32, #tpu.memory_space<hbm>> -> memref<80xi32, #tpu.memory_space<hbm>>
        %dma_wait3A_87 = tpu.memref_slice %arg3[%multiple_of3A_65] : memref<320000xi32, #tpu.memory_space<hbm>> -> memref<80xi32, #tpu.memory_space<hbm>>
        tpu.wait_dma2 semaphore(%run_scoped3A : memref<!tpu.dma_semaphore, #tpu.memory_space<semaphore_mem>>) src(%dma_wait3A_87 : memref<80xi32, #tpu.memory_space<hbm>>) dst(%arg8 : memref<80xi32, #tpu.memory_space<vmem>>)
        tpu.yield
      }) : () -> ()
      "tpu.region"() ({
        %run_scoped3A = tpu.sem_alloc : memref<!tpu.dma_semaphore, #tpu.memory_space<semaphore_mem>>
        %dma_start3A_84 = tpu.memref_slice %arg4[%multiple_of3A_65] : memref<320000xi32, #tpu.memory_space<hbm>> -> memref<80xi32, #tpu.memory_space<hbm>>
        %dma_start3A_85 = tpu.memref_slice %arg4[%multiple_of3A_65] : memref<320000xi32, #tpu.memory_space<hbm>> -> memref<80xi32, #tpu.memory_space<hbm>>
        tpu.enqueue_dma source(%dma_start3A_85 : memref<80xi32, #tpu.memory_space<hbm>>) target(%arg9 : memref<80xi32, #tpu.memory_space<vmem>>) target_semaphore(%run_scoped3A : memref<!tpu.dma_semaphore, #tpu.memory_space<semaphore_mem>>)
        %dma_wait3A_86 = tpu.memref_slice %arg4[%multiple_of3A_65] : memref<320000xi32, #tpu.memory_space<hbm>> -> memref<80xi32, #tpu.memory_space<hbm>>
        %dma_wait3A_87 = tpu.memref_slice %arg4[%multiple_of3A_65] : memref<320000xi32, #tpu.memory_space<hbm>> -> memref<80xi32, #tpu.memory_space<hbm>>
        tpu.wait_dma2 semaphore(%run_scoped3A : memref<!tpu.dma_semaphore, #tpu.memory_space<semaphore_mem>>) src(%dma_wait3A_87 : memref<80xi32, #tpu.memory_space<hbm>>) dst(%arg9 : memref<80xi32, #tpu.memory_space<vmem>>)
        tpu.yield
      }) : () -> ()
      %dma_start3A_66 = arith.constant 0 : i32
      %dma_start3A_67 = arith.constant 0 : i32
      %dma_start3A_68 = tpu.memref_slice %arg2[%dma_start3A_66, %dma_start3A_67] : memref<10000x128xf32, #tpu.memory_space<hbm>> -> memref<10000x128xf32, #tpu.memory_space<hbm>>
      tpu.enqueue_indirect_dma source(%dma_start3A_68 : memref<10000x128xf32, #tpu.memory_space<hbm>>) target(%arg11 : memref<80x128xf32, #tpu.memory_space<vmem>>) offsets(%arg8 : memref<80xi32, #tpu.memory_space<vmem>>) semaphore(%arg14 : memref<!tpu.dma_semaphore, #tpu.memory_space<semaphore_mem>>)
      %dma_wait3A_69 = arith.constant 0 : i32
      %dma_wait3A_70 = arith.constant 0 : i32
      %dma_wait3A_71 = tpu.memref_slice %arg2[%dma_wait3A_69, %dma_wait3A_70] : memref<10000x128xf32, #tpu.memory_space<hbm>> -> memref<10000x128xf32, #tpu.memory_space<hbm>>
      tpu.wait_indirect_dma semaphore(%arg13 : memref<!tpu.dma_semaphore, #tpu.memory_space<semaphore_mem>>) src(%dma_wait3A_71 : memref<10000x128xf32, #tpu.memory_space<hbm>>) dst(%arg10 : memref<80x128xf32, #tpu.memory_space<vmem>>)
      "tpu.region"() ({
        %run_scoped3A = tpu.sem_alloc : memref<!tpu.dma_semaphore, #tpu.memory_space<semaphore_mem>>
        %dma_start3A_84 = arith.constant 0 : i32
        %dma_start3A_85 = arith.constant 0 : i32
        %dma_start3A_86 = tpu.memref_slice %arg12[%dma_start3A_84, %dma_start3A_85] : memref<10240x128xf32, #tpu.memory_space<vmem_shared>> -> memref<10240x128xf32, #tpu.memory_space<vmem_shared>>
        tpu.enqueue_indirect_dma source(%arg10 : memref<80x128xf32, #tpu.memory_space<vmem>>) target(%dma_start3A_86 : memref<10240x128xf32, #tpu.memory_space<vmem_shared>>) offsets(%arg7 : memref<80xi32, #tpu.memory_space<vmem>>) semaphore(%run_scoped3A : memref<!tpu.dma_semaphore, #tpu.memory_space<semaphore_mem>>) {add = true}
        %dma_wait3A_87 = arith.constant 0 : i32
        %dma_wait3A_88 = arith.constant 0 : i32
        %dma_wait3A_89 = tpu.memref_slice %arg12[%dma_wait3A_87, %dma_wait3A_88] : memref<10240x128xf32, #tpu.memory_space<vmem_shared>> -> memref<10240x128xf32, #tpu.memory_space<vmem_shared>>
        tpu.wait_indirect_dma semaphore(%run_scoped3A : memref<!tpu.dma_semaphore, #tpu.memory_space<semaphore_mem>>) src(%arg10 : memref<80x128xf32, #tpu.memory_space<vmem>>) dst(%dma_wait3A_89 : memref<10240x128xf32, #tpu.memory_space<vmem_shared>>)
        tpu.yield
      }) : () -> ()
      %add3A_72 = arith.constant 2 : i32
      %add3A_73 = arith.addi %mul3A_59, %add3A_72 : i32
      %mul3A_74 = arith.constant 80 : i32
      %mul3A_75 = arith.muli %add3A_73, %mul3A_74 : i32
      %add3A_76 = arith.addi %mul3A_2, %mul3A_75 : i32
      %multiple_of3A_77 = tpu.assume_multiple %add3A_76, 8 : i32
      "tpu.region"() ({
        %run_scoped3A = tpu.sem_alloc : memref<!tpu.dma_semaphore, #tpu.memory_space<semaphore_mem>>
        %dma_start3A_84 = tpu.memref_slice %arg3[%multiple_of3A_77] : memref<320000xi32, #tpu.memory_space<hbm>> -> memref<80xi32, #tpu.memory_space<hbm>>
        %dma_start3A_85 = tpu.memref_slice %arg3[%multiple_of3A_77] : memref<320000xi32, #tpu.memory_space<hbm>> -> memref<80xi32, #tpu.memory_space<hbm>>
        tpu.enqueue_dma source(%dma_start3A_85 : memref<80xi32, #tpu.memory_space<hbm>>) target(%arg6 : memref<80xi32, #tpu.memory_space<vmem>>) target_semaphore(%run_scoped3A : memref<!tpu.dma_semaphore, #tpu.memory_space<semaphore_mem>>)
        %dma_wait3A_86 = tpu.memref_slice %arg3[%multiple_of3A_77] : memref<320000xi32, #tpu.memory_space<hbm>> -> memref<80xi32, #tpu.memory_space<hbm>>
        %dma_wait3A_87 = tpu.memref_slice %arg3[%multiple_of3A_77] : memref<320000xi32, #tpu.memory_space<hbm>> -> memref<80xi32, #tpu.memory_space<hbm>>
        tpu.wait_dma2 semaphore(%run_scoped3A : memref<!tpu.dma_semaphore, #tpu.memory_space<semaphore_mem>>) src(%dma_wait3A_87 : memref<80xi32, #tpu.memory_space<hbm>>) dst(%arg6 : memref<80xi32, #tpu.memory_space<vmem>>)
        tpu.yield
      }) : () -> ()
      "tpu.region"() ({
        %run_scoped3A = tpu.sem_alloc : memref<!tpu.dma_semaphore, #tpu.memory_space<semaphore_mem>>
        %dma_start3A_84 = tpu.memref_slice %arg4[%multiple_of3A_77] : memref<320000xi32, #tpu.memory_space<hbm>> -> memref<80xi32, #tpu.memory_space<hbm>>
        %dma_start3A_85 = tpu.memref_slice %arg4[%multiple_of3A_77] : memref<320000xi32, #tpu.memory_space<hbm>> -> memref<80xi32, #tpu.memory_space<hbm>>
        tpu.enqueue_dma source(%dma_start3A_85 : memref<80xi32, #tpu.memory_space<hbm>>) target(%arg7 : memref<80xi32, #tpu.memory_space<vmem>>) target_semaphore(%run_scoped3A : memref<!tpu.dma_semaphore, #tpu.memory_space<semaphore_mem>>)
        %dma_wait3A_86 = tpu.memref_slice %arg4[%multiple_of3A_77] : memref<320000xi32, #tpu.memory_space<hbm>> -> memref<80xi32, #tpu.memory_space<hbm>>
        %dma_wait3A_87 = tpu.memref_slice %arg4[%multiple_of3A_77] : memref<320000xi32, #tpu.memory_space<hbm>> -> memref<80xi32, #tpu.memory_space<hbm>>
        tpu.wait_dma2 semaphore(%run_scoped3A : memref<!tpu.dma_semaphore, #tpu.memory_space<semaphore_mem>>) src(%dma_wait3A_87 : memref<80xi32, #tpu.memory_space<hbm>>) dst(%arg7 : memref<80xi32, #tpu.memory_space<vmem>>)
        tpu.yield
      }) : () -> ()
      %dma_start3A_78 = arith.constant 0 : i32
      %dma_start3A_79 = arith.constant 0 : i32
      %dma_start3A_80 = tpu.memref_slice %arg2[%dma_start3A_78, %dma_start3A_79] : memref<10000x128xf32, #tpu.memory_space<hbm>> -> memref<10000x128xf32, #tpu.memory_space<hbm>>
      tpu.enqueue_indirect_dma source(%dma_start3A_80 : memref<10000x128xf32, #tpu.memory_space<hbm>>) target(%arg10 : memref<80x128xf32, #tpu.memory_space<vmem>>) offsets(%arg6 : memref<80xi32, #tpu.memory_space<vmem>>) semaphore(%arg13 : memref<!tpu.dma_semaphore, #tpu.memory_space<semaphore_mem>>)
      %dma_wait3A_81 = arith.constant 0 : i32
      %dma_wait3A_82 = arith.constant 0 : i32
      %dma_wait3A_83 = tpu.memref_slice %arg2[%dma_wait3A_81, %dma_wait3A_82] : memref<10000x128xf32, #tpu.memory_space<hbm>> -> memref<10000x128xf32, #tpu.memory_space<hbm>>
      tpu.wait_indirect_dma semaphore(%arg14 : memref<!tpu.dma_semaphore, #tpu.memory_space<semaphore_mem>>) src(%dma_wait3A_83 : memref<10000x128xf32, #tpu.memory_space<hbm>>) dst(%arg11 : memref<80x128xf32, #tpu.memory_space<vmem>>)
      "tpu.region"() ({
        %run_scoped3A = tpu.sem_alloc : memref<!tpu.dma_semaphore, #tpu.memory_space<semaphore_mem>>
        %dma_start3A_84 = arith.constant 0 : i32
        %dma_start3A_85 = arith.constant 0 : i32
        %dma_start3A_86 = tpu.memref_slice %arg12[%dma_start3A_84, %dma_start3A_85] : memref<10240x128xf32, #tpu.memory_space<vmem_shared>> -> memref<10240x128xf32, #tpu.memory_space<vmem_shared>>
        tpu.enqueue_indirect_dma source(%arg11 : memref<80x128xf32, #tpu.memory_space<vmem>>) target(%dma_start3A_86 : memref<10240x128xf32, #tpu.memory_space<vmem_shared>>) offsets(%arg9 : memref<80xi32, #tpu.memory_space<vmem>>) semaphore(%run_scoped3A : memref<!tpu.dma_semaphore, #tpu.memory_space<semaphore_mem>>) {add = true}
        %dma_wait3A_87 = arith.constant 0 : i32
        %dma_wait3A_88 = arith.constant 0 : i32
        %dma_wait3A_89 = tpu.memref_slice %arg12[%dma_wait3A_87, %dma_wait3A_88] : memref<10240x128xf32, #tpu.memory_space<vmem_shared>> -> memref<10240x128xf32, #tpu.memory_space<vmem_shared>>
        tpu.wait_indirect_dma semaphore(%run_scoped3A : memref<!tpu.dma_semaphore, #tpu.memory_space<semaphore_mem>>) src(%arg11 : memref<80x128xf32, #tpu.memory_space<vmem>>) dst(%dma_wait3A_89 : memref<10240x128xf32, #tpu.memory_space<vmem_shared>>)
        tpu.yield
      }) : () -> ()
    }
    %scan3A_37 = arith.constant 62 : i32
    %dma_wait3A = arith.constant 0 : i32
    %dma_wait3A_38 = arith.constant 0 : i32
    %dma_wait3A_39 = tpu.memref_slice %arg2[%dma_wait3A, %dma_wait3A_38] : memref<10000x128xf32, #tpu.memory_space<hbm>> -> memref<10000x128xf32, #tpu.memory_space<hbm>>
    tpu.wait_indirect_dma semaphore(%arg13 : memref<!tpu.dma_semaphore, #tpu.memory_space<semaphore_mem>>) src(%dma_wait3A_39 : memref<10000x128xf32, #tpu.memory_space<hbm>>) dst(%arg10 : memref<80x128xf32, #tpu.memory_space<vmem>>)
    "tpu.region"() ({
      %run_scoped3A = tpu.sem_alloc : memref<!tpu.dma_semaphore, #tpu.memory_space<semaphore_mem>>
      %dma_start3A_57 = arith.constant 0 : i32
      %dma_start3A_58 = arith.constant 0 : i32
      %dma_start3A_59 = tpu.memref_slice %arg12[%dma_start3A_57, %dma_start3A_58] : memref<10240x128xf32, #tpu.memory_space<vmem_shared>> -> memref<10240x128xf32, #tpu.memory_space<vmem_shared>>
      tpu.enqueue_indirect_dma source(%arg10 : memref<80x128xf32, #tpu.memory_space<vmem>>) target(%dma_start3A_59 : memref<10240x128xf32, #tpu.memory_space<vmem_shared>>) offsets(%arg7 : memref<80xi32, #tpu.memory_space<vmem>>) semaphore(%run_scoped3A : memref<!tpu.dma_semaphore, #tpu.memory_space<semaphore_mem>>) {add = true}
      %dma_wait3A_60 = arith.constant 0 : i32
      %dma_wait3A_61 = arith.constant 0 : i32
      %dma_wait3A_62 = tpu.memref_slice %arg12[%dma_wait3A_60, %dma_wait3A_61] : memref<10240x128xf32, #tpu.memory_space<vmem_shared>> -> memref<10240x128xf32, #tpu.memory_space<vmem_shared>>
      tpu.wait_indirect_dma semaphore(%run_scoped3A : memref<!tpu.dma_semaphore, #tpu.memory_space<semaphore_mem>>) src(%arg10 : memref<80x128xf32, #tpu.memory_space<vmem>>) dst(%dma_wait3A_62 : memref<10240x128xf32, #tpu.memory_space<vmem_shared>>)
      tpu.yield
    }) : () -> ()
    %barrier3A_40 = arith.constant 0 : index
    tpu.barrier barrier_id(%barrier3A_40)
    %add3A_41 = arith.constant 0 : i32
    %add3A_42 = arith.addi %multiple_of3A, %add3A_41 : i32
    "tpu.region"() ({
      %run_scoped3A = tpu.sem_alloc : memref<!tpu.dma_semaphore, #tpu.memory_space<semaphore_mem>>
      %dma_start3A_57 = arith.constant 0 : i32
      %dma_start3A_58 = tpu.memref_slice %arg12[%add3A_42, %dma_start3A_57] : memref<10240x128xf32, #tpu.memory_space<vmem_shared>> -> memref<80x128xf32, #tpu.memory_space<vmem_shared>>
      %dma_start3A_59 = arith.constant 0 : i32
      %dma_start3A_60 = tpu.memref_slice %arg12[%add3A_42, %dma_start3A_59] : memref<10240x128xf32, #tpu.memory_space<vmem_shared>> -> memref<80x128xf32, #tpu.memory_space<vmem_shared>>
      tpu.enqueue_dma source(%dma_start3A_60 : memref<80x128xf32, #tpu.memory_space<vmem_shared>>) target(%arg10 : memref<80x128xf32, #tpu.memory_space<vmem>>) target_semaphore(%run_scoped3A : memref<!tpu.dma_semaphore, #tpu.memory_space<semaphore_mem>>)
      %dma_wait3A_61 = arith.constant 0 : i32
      %dma_wait3A_62 = tpu.memref_slice %arg12[%add3A_42, %dma_wait3A_61] : memref<10240x128xf32, #tpu.memory_space<vmem_shared>> -> memref<80x128xf32, #tpu.memory_space<vmem_shared>>
      %dma_wait3A_63 = arith.constant 0 : i32
      %dma_wait3A_64 = tpu.memref_slice %arg12[%add3A_42, %dma_wait3A_63] : memref<10240x128xf32, #tpu.memory_space<vmem_shared>> -> memref<80x128xf32, #tpu.memory_space<vmem_shared>>
      tpu.wait_dma2 semaphore(%run_scoped3A : memref<!tpu.dma_semaphore, #tpu.memory_space<semaphore_mem>>) src(%dma_wait3A_64 : memref<80x128xf32, #tpu.memory_space<vmem_shared>>) dst(%arg10 : memref<80x128xf32, #tpu.memory_space<vmem>>)
      tpu.yield
    }) : () -> ()
    "tpu.region"() ({
      %run_scoped3A = tpu.sem_alloc : memref<!tpu.dma_semaphore, #tpu.memory_space<semaphore_mem>>
      %dma_start3A_57 = arith.constant 0 : i32
      %dma_start3A_58 = tpu.memref_slice %arg5[%arg0, %add3A_42, %dma_start3A_57] : memref<2x10240x128xf32, #tpu.memory_space<hbm>> -> memref<1x80x128xf32, #tpu.memory_space<hbm>>
      %dma_start3A_59 = tpu.memref_squeeze %dma_start3A_58 : memref<1x80x128xf32, #tpu.memory_space<hbm>> -> memref<80x128xf32, #tpu.memory_space<hbm>>
      %dma_start3A_60 = arith.constant 0 : i32
      %dma_start3A_61 = tpu.memref_slice %arg5[%arg0, %add3A_42, %dma_start3A_60] : memref<2x10240x128xf32, #tpu.memory_space<hbm>> -> memref<1x80x128xf32, #tpu.memory_space<hbm>>
      %dma_start3A_62 = tpu.memref_squeeze %dma_start3A_61 : memref<1x80x128xf32, #tpu.memory_space<hbm>> -> memref<80x128xf32, #tpu.memory_space<hbm>>
      tpu.enqueue_dma source(%arg10 : memref<80x128xf32, #tpu.memory_space<vmem>>) target(%dma_start3A_62 : memref<80x128xf32, #tpu.memory_space<hbm>>) target_semaphore(%run_scoped3A : memref<!tpu.dma_semaphore, #tpu.memory_space<semaphore_mem>>)
      %dma_wait3A_63 = arith.constant 0 : i32
      %dma_wait3A_64 = tpu.memref_slice %arg5[%arg0, %add3A_42, %dma_wait3A_63] : memref<2x10240x128xf32, #tpu.memory_space<hbm>> -> memref<1x80x128xf32, #tpu.memory_space<hbm>>
      %dma_wait3A_65 = tpu.memref_squeeze %dma_wait3A_64 : memref<1x80x128xf32, #tpu.memory_space<hbm>> -> memref<80x128xf32, #tpu.memory_space<hbm>>
      %dma_wait3A_66 = arith.constant 0 : i32
      %dma_wait3A_67 = tpu.memref_slice %arg5[%arg0, %add3A_42, %dma_wait3A_66] : memref<2x10240x128xf32, #tpu.memory_space<hbm>> -> memref<1x80x128xf32, #tpu.memory_space<hbm>>
      %dma_wait3A_68 = tpu.memref_squeeze %dma_wait3A_67 : memref<1x80x128xf32, #tpu.memory_space<hbm>> -> memref<80x128xf32, #tpu.memory_space<hbm>>
      tpu.wait_dma2 semaphore(%run_scoped3A : memref<!tpu.dma_semaphore, #tpu.memory_space<semaphore_mem>>) src(%arg10 : memref<80x128xf32, #tpu.memory_space<vmem>>) dst(%dma_wait3A_68 : memref<80x128xf32, #tpu.memory_space<hbm>>)
      tpu.yield
    }) : () -> ()
    %add3A_43 = arith.constant 80 : i32
    %add3A_44 = arith.addi %multiple_of3A, %add3A_43 : i32
    "tpu.region"() ({
      %run_scoped3A = tpu.sem_alloc : memref<!tpu.dma_semaphore, #tpu.memory_space<semaphore_mem>>
      %dma_start3A_57 = arith.constant 0 : i32
      %dma_start3A_58 = tpu.memref_slice %arg12[%add3A_44, %dma_start3A_57] : memref<10240x128xf32, #tpu.memory_space<vmem_shared>> -> memref<80x128xf32, #tpu.memory_space<vmem_shared>>
      %dma_start3A_59 = arith.constant 0 : i32
      %dma_start3A_60 = tpu.memref_slice %arg12[%add3A_44, %dma_start3A_59] : memref<10240x128xf32, #tpu.memory_space<vmem_shared>> -> memref<80x128xf32, #tpu.memory_space<vmem_shared>>
      tpu.enqueue_dma source(%dma_start3A_60 : memref<80x128xf32, #tpu.memory_space<vmem_shared>>) target(%arg10 : memref<80x128xf32, #tpu.memory_space<vmem>>) target_semaphore(%run_scoped3A : memref<!tpu.dma_semaphore, #tpu.memory_space<semaphore_mem>>)
      %dma_wait3A_61 = arith.constant 0 : i32
      %dma_wait3A_62 = tpu.memref_slice %arg12[%add3A_44, %dma_wait3A_61] : memref<10240x128xf32, #tpu.memory_space<vmem_shared>> -> memref<80x128xf32, #tpu.memory_space<vmem_shared>>
      %dma_wait3A_63 = arith.constant 0 : i32
      %dma_wait3A_64 = tpu.memref_slice %arg12[%add3A_44, %dma_wait3A_63] : memref<10240x128xf32, #tpu.memory_space<vmem_shared>> -> memref<80x128xf32, #tpu.memory_space<vmem_shared>>
      tpu.wait_dma2 semaphore(%run_scoped3A : memref<!tpu.dma_semaphore, #tpu.memory_space<semaphore_mem>>) src(%dma_wait3A_64 : memref<80x128xf32, #tpu.memory_space<vmem_shared>>) dst(%arg10 : memref<80x128xf32, #tpu.memory_space<vmem>>)
      tpu.yield
    }) : () -> ()
    "tpu.region"() ({
      %run_scoped3A = tpu.sem_alloc : memref<!tpu.dma_semaphore, #tpu.memory_space<semaphore_mem>>
      %dma_start3A_57 = arith.constant 0 : i32
      %dma_start3A_58 = tpu.memref_slice %arg5[%arg0, %add3A_44, %dma_start3A_57] : memref<2x10240x128xf32, #tpu.memory_space<hbm>> -> memref<1x80x128xf32, #tpu.memory_space<hbm>>
      %dma_start3A_59 = tpu.memref_squeeze %dma_start3A_58 : memref<1x80x128xf32, #tpu.memory_space<hbm>> -> memref<80x128xf32, #tpu.memory_space<hbm>>
      %dma_start3A_60 = arith.constant 0 : i32
      %dma_start3A_61 = tpu.memref_slice %arg5[%arg0, %add3A_44, %dma_start3A_60] : memref<2x10240x128xf32, #tpu.memory_space<hbm>> -> memref<1x80x128xf32, #tpu.memory_space<hbm>>
      %dma_start3A_62 = tpu.memref_squeeze %dma_start3A_61 : memref<1x80x128xf32, #tpu.memory_space<hbm>> -> memref<80x128xf32, #tpu.memory_space<hbm>>
      tpu.enqueue_dma source(%arg10 : memref<80x128xf32, #tpu.memory_space<vmem>>) target(%dma_start3A_62 : memref<80x128xf32, #tpu.memory_space<hbm>>) target_semaphore(%run_scoped3A : memref<!tpu.dma_semaphore, #tpu.memory_space<semaphore_mem>>)
      %dma_wait3A_63 = arith.constant 0 : i32
      %dma_wait3A_64 = tpu.memref_slice %arg5[%arg0, %add3A_44, %dma_wait3A_63] : memref<2x10240x128xf32, #tpu.memory_space<hbm>> -> memref<1x80x128xf32, #tpu.memory_space<hbm>>
      %dma_wait3A_65 = tpu.memref_squeeze %dma_wait3A_64 : memref<1x80x128xf32, #tpu.memory_space<hbm>> -> memref<80x128xf32, #tpu.memory_space<hbm>>
      %dma_wait3A_66 = arith.constant 0 : i32
      %dma_wait3A_67 = tpu.memref_slice %arg5[%arg0, %add3A_44, %dma_wait3A_66] : memref<2x10240x128xf32, #tpu.memory_space<hbm>> -> memref<1x80x128xf32, #tpu.memory_space<hbm>>
      %dma_wait3A_68 = tpu.memref_squeeze %dma_wait3A_67 : memref<1x80x128xf32, #tpu.memory_space<hbm>> -> memref<80x128xf32, #tpu.memory_space<hbm>>
      tpu.wait_dma2 semaphore(%run_scoped3A : memref<!tpu.dma_semaphore, #tpu.memory_space<semaphore_mem>>) src(%arg10 : memref<80x128xf32, #tpu.memory_space<vmem>>) dst(%dma_wait3A_68 : memref<80x128xf32, #tpu.memory_space<hbm>>)
      tpu.yield
    }) : () -> ()
    %add3A_45 = arith.constant 160 : i32
    %add3A_46 = arith.addi %multiple_of3A, %add3A_45 : i32
    "tpu.region"() ({
      %run_scoped3A = tpu.sem_alloc : memref<!tpu.dma_semaphore, #tpu.memory_space<semaphore_mem>>
      %dma_start3A_57 = arith.constant 0 : i32
      %dma_start3A_58 = tpu.memref_slice %arg12[%add3A_46, %dma_start3A_57] : memref<10240x128xf32, #tpu.memory_space<vmem_shared>> -> memref<80x128xf32, #tpu.memory_space<vmem_shared>>
      %dma_start3A_59 = arith.constant 0 : i32
      %dma_start3A_60 = tpu.memref_slice %arg12[%add3A_46, %dma_start3A_59] : memref<10240x128xf32, #tpu.memory_space<vmem_shared>> -> memref<80x128xf32, #tpu.memory_space<vmem_shared>>
      tpu.enqueue_dma source(%dma_start3A_60 : memref<80x128xf32, #tpu.memory_space<vmem_shared>>) target(%arg10 : memref<80x128xf32, #tpu.memory_space<vmem>>) target_semaphore(%run_scoped3A : memref<!tpu.dma_semaphore, #tpu.memory_space<semaphore_mem>>)
      %dma_wait3A_61 = arith.constant 0 : i32
      %dma_wait3A_62 = tpu.memref_slice %arg12[%add3A_46, %dma_wait3A_61] : memref<10240x128xf32, #tpu.memory_space<vmem_shared>> -> memref<80x128xf32, #tpu.memory_space<vmem_shared>>
      %dma_wait3A_63 = arith.constant 0 : i32
      %dma_wait3A_64 = tpu.memref_slice %arg12[%add3A_46, %dma_wait3A_63] : memref<10240x128xf32, #tpu.memory_space<vmem_shared>> -> memref<80x128xf32, #tpu.memory_space<vmem_shared>>
      tpu.wait_dma2 semaphore(%run_scoped3A : memref<!tpu.dma_semaphore, #tpu.memory_space<semaphore_mem>>) src(%dma_wait3A_64 : memref<80x128xf32, #tpu.memory_space<vmem_shared>>) dst(%arg10 : memref<80x128xf32, #tpu.memory_space<vmem>>)
      tpu.yield
    }) : () -> ()
    "tpu.region"() ({
      %run_scoped3A = tpu.sem_alloc : memref<!tpu.dma_semaphore, #tpu.memory_space<semaphore_mem>>
      %dma_start3A_57 = arith.constant 0 : i32
      %dma_start3A_58 = tpu.memref_slice %arg5[%arg0, %add3A_46, %dma_start3A_57] : memref<2x10240x128xf32, #tpu.memory_space<hbm>> -> memref<1x80x128xf32, #tpu.memory_space<hbm>>
      %dma_start3A_59 = tpu.memref_squeeze %dma_start3A_58 : memref<1x80x128xf32, #tpu.memory_space<hbm>> -> memref<80x128xf32, #tpu.memory_space<hbm>>
      %dma_start3A_60 = arith.constant 0 : i32
      %dma_start3A_61 = tpu.memref_slice %arg5[%arg0, %add3A_46, %dma_start3A_60] : memref<2x10240x128xf32, #tpu.memory_space<hbm>> -> memref<1x80x128xf32, #tpu.memory_space<hbm>>
      %dma_start3A_62 = tpu.memref_squeeze %dma_start3A_61 : memref<1x80x128xf32, #tpu.memory_space<hbm>> -> memref<80x128xf32, #tpu.memory_space<hbm>>
      tpu.enqueue_dma source(%arg10 : memref<80x128xf32, #tpu.memory_space<vmem>>) target(%dma_start3A_62 : memref<80x128xf32, #tpu.memory_space<hbm>>) target_semaphore(%run_scoped3A : memref<!tpu.dma_semaphore, #tpu.memory_space<semaphore_mem>>)
      %dma_wait3A_63 = arith.constant 0 : i32
      %dma_wait3A_64 = tpu.memref_slice %arg5[%arg0, %add3A_46, %dma_wait3A_63] : memref<2x10240x128xf32, #tpu.memory_space<hbm>> -> memref<1x80x128xf32, #tpu.memory_space<hbm>>
      %dma_wait3A_65 = tpu.memref_squeeze %dma_wait3A_64 : memref<1x80x128xf32, #tpu.memory_space<hbm>> -> memref<80x128xf32, #tpu.memory_space<hbm>>
      %dma_wait3A_66 = arith.constant 0 : i32
      %dma_wait3A_67 = tpu.memref_slice %arg5[%arg0, %add3A_46, %dma_wait3A_66] : memref<2x10240x128xf32, #tpu.memory_space<hbm>> -> memref<1x80x128xf32, #tpu.memory_space<hbm>>
      %dma_wait3A_68 = tpu.memref_squeeze %dma_wait3A_67 : memref<1x80x128xf32, #tpu.memory_space<hbm>> -> memref<80x128xf32, #tpu.memory_space<hbm>>
      tpu.wait_dma2 semaphore(%run_scoped3A : memref<!tpu.dma_semaphore, #tpu.memory_space<semaphore_mem>>) src(%arg10 : memref<80x128xf32, #tpu.memory_space<vmem>>) dst(%dma_wait3A_68 : memref<80x128xf32, #tpu.memory_space<hbm>>)
      tpu.yield
    }) : () -> ()
    %add3A_47 = arith.constant 240 : i32
    %add3A_48 = arith.addi %multiple_of3A, %add3A_47 : i32
    "tpu.region"() ({
      %run_scoped3A = tpu.sem_alloc : memref<!tpu.dma_semaphore, #tpu.memory_space<semaphore_mem>>
      %dma_start3A_57 = arith.constant 0 : i32
      %dma_start3A_58 = tpu.memref_slice %arg12[%add3A_48, %dma_start3A_57] : memref<10240x128xf32, #tpu.memory_space<vmem_shared>> -> memref<80x128xf32, #tpu.memory_space<vmem_shared>>
      %dma_start3A_59 = arith.constant 0 : i32
      %dma_start3A_60 = tpu.memref_slice %arg12[%add3A_48, %dma_start3A_59] : memref<10240x128xf32, #tpu.memory_space<vmem_shared>> -> memref<80x128xf32, #tpu.memory_space<vmem_shared>>
      tpu.enqueue_dma source(%dma_start3A_60 : memref<80x128xf32, #tpu.memory_space<vmem_shared>>) target(%arg10 : memref<80x128xf32, #tpu.memory_space<vmem>>) target_semaphore(%run_scoped3A : memref<!tpu.dma_semaphore, #tpu.memory_space<semaphore_mem>>)
      %dma_wait3A_61 = arith.constant 0 : i32
      %dma_wait3A_62 = tpu.memref_slice %arg12[%add3A_48, %dma_wait3A_61] : memref<10240x128xf32, #tpu.memory_space<vmem_shared>> -> memref<80x128xf32, #tpu.memory_space<vmem_shared>>
      %dma_wait3A_63 = arith.constant 0 : i32
      %dma_wait3A_64 = tpu.memref_slice %arg12[%add3A_48, %dma_wait3A_63] : memref<10240x128xf32, #tpu.memory_space<vmem_shared>> -> memref<80x128xf32, #tpu.memory_space<vmem_shared>>
      tpu.wait_dma2 semaphore(%run_scoped3A : memref<!tpu.dma_semaphore, #tpu.memory_space<semaphore_mem>>) src(%dma_wait3A_64 : memref<80x128xf32, #tpu.memory_space<vmem_shared>>) dst(%arg10 : memref<80x128xf32, #tpu.memory_space<vmem>>)
      tpu.yield
    }) : () -> ()
    "tpu.region"() ({
      %run_scoped3A = tpu.sem_alloc : memref<!tpu.dma_semaphore, #tpu.memory_space<semaphore_mem>>
      %dma_start3A_57 = arith.constant 0 : i32
      %dma_start3A_58 = tpu.memref_slice %arg5[%arg0, %add3A_48, %dma_start3A_57] : memref<2x10240x128xf32, #tpu.memory_space<hbm>> -> memref<1x80x128xf32, #tpu.memory_space<hbm>>
      %dma_start3A_59 = tpu.memref_squeeze %dma_start3A_58 : memref<1x80x128xf32, #tpu.memory_space<hbm>> -> memref<80x128xf32, #tpu.memory_space<hbm>>
      %dma_start3A_60 = arith.constant 0 : i32
      %dma_start3A_61 = tpu.memref_slice %arg5[%arg0, %add3A_48, %dma_start3A_60] : memref<2x10240x128xf32, #tpu.memory_space<hbm>> -> memref<1x80x128xf32, #tpu.memory_space<hbm>>
      %dma_start3A_62 = tpu.memref_squeeze %dma_start3A_61 : memref<1x80x128xf32, #tpu.memory_space<hbm>> -> memref<80x128xf32, #tpu.memory_space<hbm>>
      tpu.enqueue_dma source(%arg10 : memref<80x128xf32, #tpu.memory_space<vmem>>) target(%dma_start3A_62 : memref<80x128xf32, #tpu.memory_space<hbm>>) target_semaphore(%run_scoped3A : memref<!tpu.dma_semaphore, #tpu.memory_space<semaphore_mem>>)
      %dma_wait3A_63 = arith.constant 0 : i32
      %dma_wait3A_64 = tpu.memref_slice %arg5[%arg0, %add3A_48, %dma_wait3A_63] : memref<2x10240x128xf32, #tpu.memory_space<hbm>> -> memref<1x80x128xf32, #tpu.memory_space<hbm>>
      %dma_wait3A_65 = tpu.memref_squeeze %dma_wait3A_64 : memref<1x80x128xf32, #tpu.memory_space<hbm>> -> memref<80x128xf32, #tpu.memory_space<hbm>>
      %dma_wait3A_66 = arith.constant 0 : i32
      %dma_wait3A_67 = tpu.memref_slice %arg5[%arg0, %add3A_48, %dma_wait3A_66] : memref<2x10240x128xf32, #tpu.memory_space<hbm>> -> memref<1x80x128xf32, #tpu.memory_space<hbm>>
      %dma_wait3A_68 = tpu.memref_squeeze %dma_wait3A_67 : memref<1x80x128xf32, #tpu.memory_space<hbm>> -> memref<80x128xf32, #tpu.memory_space<hbm>>
      tpu.wait_dma2 semaphore(%run_scoped3A : memref<!tpu.dma_semaphore, #tpu.memory_space<semaphore_mem>>) src(%arg10 : memref<80x128xf32, #tpu.memory_space<vmem>>) dst(%dma_wait3A_68 : memref<80x128xf32, #tpu.memory_space<hbm>>)
      tpu.yield
    }) : () -> ()
    %add3A_49 = arith.constant 320 : i32
    %add3A_50 = arith.addi %multiple_of3A, %add3A_49 : i32
    "tpu.region"() ({
      %run_scoped3A = tpu.sem_alloc : memref<!tpu.dma_semaphore, #tpu.memory_space<semaphore_mem>>
      %dma_start3A_57 = arith.constant 0 : i32
      %dma_start3A_58 = tpu.memref_slice %arg12[%add3A_50, %dma_start3A_57] : memref<10240x128xf32, #tpu.memory_space<vmem_shared>> -> memref<80x128xf32, #tpu.memory_space<vmem_shared>>
      %dma_start3A_59 = arith.constant 0 : i32
      %dma_start3A_60 = tpu.memref_slice %arg12[%add3A_50, %dma_start3A_59] : memref<10240x128xf32, #tpu.memory_space<vmem_shared>> -> memref<80x128xf32, #tpu.memory_space<vmem_shared>>
      tpu.enqueue_dma source(%dma_start3A_60 : memref<80x128xf32, #tpu.memory_space<vmem_shared>>) target(%arg10 : memref<80x128xf32, #tpu.memory_space<vmem>>) target_semaphore(%run_scoped3A : memref<!tpu.dma_semaphore, #tpu.memory_space<semaphore_mem>>)
      %dma_wait3A_61 = arith.constant 0 : i32
      %dma_wait3A_62 = tpu.memref_slice %arg12[%add3A_50, %dma_wait3A_61] : memref<10240x128xf32, #tpu.memory_space<vmem_shared>> -> memref<80x128xf32, #tpu.memory_space<vmem_shared>>
      %dma_wait3A_63 = arith.constant 0 : i32
      %dma_wait3A_64 = tpu.memref_slice %arg12[%add3A_50, %dma_wait3A_63] : memref<10240x128xf32, #tpu.memory_space<vmem_shared>> -> memref<80x128xf32, #tpu.memory_space<vmem_shared>>
      tpu.wait_dma2 semaphore(%run_scoped3A : memref<!tpu.dma_semaphore, #tpu.memory_space<semaphore_mem>>) src(%dma_wait3A_64 : memref<80x128xf32, #tpu.memory_space<vmem_shared>>) dst(%arg10 : memref<80x128xf32, #tpu.memory_space<vmem>>)
      tpu.yield
    }) : () -> ()
    "tpu.region"() ({
      %run_scoped3A = tpu.sem_alloc : memref<!tpu.dma_semaphore, #tpu.memory_space<semaphore_mem>>
      %dma_start3A_57 = arith.constant 0 : i32
      %dma_start3A_58 = tpu.memref_slice %arg5[%arg0, %add3A_50, %dma_start3A_57] : memref<2x10240x128xf32, #tpu.memory_space<hbm>> -> memref<1x80x128xf32, #tpu.memory_space<hbm>>
      %dma_start3A_59 = tpu.memref_squeeze %dma_start3A_58 : memref<1x80x128xf32, #tpu.memory_space<hbm>> -> memref<80x128xf32, #tpu.memory_space<hbm>>
      %dma_start3A_60 = arith.constant 0 : i32
      %dma_start3A_61 = tpu.memref_slice %arg5[%arg0, %add3A_50, %dma_start3A_60] : memref<2x10240x128xf32, #tpu.memory_space<hbm>> -> memref<1x80x128xf32, #tpu.memory_space<hbm>>
      %dma_start3A_62 = tpu.memref_squeeze %dma_start3A_61 : memref<1x80x128xf32, #tpu.memory_space<hbm>> -> memref<80x128xf32, #tpu.memory_space<hbm>>
      tpu.enqueue_dma source(%arg10 : memref<80x128xf32, #tpu.memory_space<vmem>>) target(%dma_start3A_62 : memref<80x128xf32, #tpu.memory_space<hbm>>) target_semaphore(%run_scoped3A : memref<!tpu.dma_semaphore, #tpu.memory_space<semaphore_mem>>)
      %dma_wait3A_63 = arith.constant 0 : i32
      %dma_wait3A_64 = tpu.memref_slice %arg5[%arg0, %add3A_50, %dma_wait3A_63] : memref<2x10240x128xf32, #tpu.memory_space<hbm>> -> memref<1x80x128xf32, #tpu.memory_space<hbm>>
      %dma_wait3A_65 = tpu.memref_squeeze %dma_wait3A_64 : memref<1x80x128xf32, #tpu.memory_space<hbm>> -> memref<80x128xf32, #tpu.memory_space<hbm>>
      %dma_wait3A_66 = arith.constant 0 : i32
      %dma_wait3A_67 = tpu.memref_slice %arg5[%arg0, %add3A_50, %dma_wait3A_66] : memref<2x10240x128xf32, #tpu.memory_space<hbm>> -> memref<1x80x128xf32, #tpu.memory_space<hbm>>
      %dma_wait3A_68 = tpu.memref_squeeze %dma_wait3A_67 : memref<1x80x128xf32, #tpu.memory_space<hbm>> -> memref<80x128xf32, #tpu.memory_space<hbm>>
      tpu.wait_dma2 semaphore(%run_scoped3A : memref<!tpu.dma_semaphore, #tpu.memory_space<semaphore_mem>>) src(%arg10 : memref<80x128xf32, #tpu.memory_space<vmem>>) dst(%dma_wait3A_68 : memref<80x128xf32, #tpu.memory_space<hbm>>)
      tpu.yield
    }) : () -> ()
    %add3A_51 = arith.constant 400 : i32
    %add3A_52 = arith.addi %multiple_of3A, %add3A_51 : i32
    "tpu.region"() ({
      %run_scoped3A = tpu.sem_alloc : memref<!tpu.dma_semaphore, #tpu.memory_space<semaphore_mem>>
      %dma_start3A_57 = arith.constant 0 : i32
      %dma_start3A_58 = tpu.memref_slice %arg12[%add3A_52, %dma_start3A_57] : memref<10240x128xf32, #tpu.memory_space<vmem_shared>> -> memref<80x128xf32, #tpu.memory_space<vmem_shared>>
      %dma_start3A_59 = arith.constant 0 : i32
      %dma_start3A_60 = tpu.memref_slice %arg12[%add3A_52, %dma_start3A_59] : memref<10240x128xf32, #tpu.memory_space<vmem_shared>> -> memref<80x128xf32, #tpu.memory_space<vmem_shared>>
      tpu.enqueue_dma source(%dma_start3A_60 : memref<80x128xf32, #tpu.memory_space<vmem_shared>>) target(%arg10 : memref<80x128xf32, #tpu.memory_space<vmem>>) target_semaphore(%run_scoped3A : memref<!tpu.dma_semaphore, #tpu.memory_space<semaphore_mem>>)
      %dma_wait3A_61 = arith.constant 0 : i32
      %dma_wait3A_62 = tpu.memref_slice %arg12[%add3A_52, %dma_wait3A_61] : memref<10240x128xf32, #tpu.memory_space<vmem_shared>> -> memref<80x128xf32, #tpu.memory_space<vmem_shared>>
      %dma_wait3A_63 = arith.constant 0 : i32
      %dma_wait3A_64 = tpu.memref_slice %arg12[%add3A_52, %dma_wait3A_63] : memref<10240x128xf32, #tpu.memory_space<vmem_shared>> -> memref<80x128xf32, #tpu.memory_space<vmem_shared>>
      tpu.wait_dma2 semaphore(%run_scoped3A : memref<!tpu.dma_semaphore, #tpu.memory_space<semaphore_mem>>) src(%dma_wait3A_64 : memref<80x128xf32, #tpu.memory_space<vmem_shared>>) dst(%arg10 : memref<80x128xf32, #tpu.memory_space<vmem>>)
      tpu.yield
    }) : () -> ()
    "tpu.region"() ({
      %run_scoped3A = tpu.sem_alloc : memref<!tpu.dma_semaphore, #tpu.memory_space<semaphore_mem>>
      %dma_start3A_57 = arith.constant 0 : i32
      %dma_start3A_58 = tpu.memref_slice %arg5[%arg0, %add3A_52, %dma_start3A_57] : memref<2x10240x128xf32, #tpu.memory_space<hbm>> -> memref<1x80x128xf32, #tpu.memory_space<hbm>>
      %dma_start3A_59 = tpu.memref_squeeze %dma_start3A_58 : memref<1x80x128xf32, #tpu.memory_space<hbm>> -> memref<80x128xf32, #tpu.memory_space<hbm>>
      %dma_start3A_60 = arith.constant 0 : i32
      %dma_start3A_61 = tpu.memref_slice %arg5[%arg0, %add3A_52, %dma_start3A_60] : memref<2x10240x128xf32, #tpu.memory_space<hbm>> -> memref<1x80x128xf32, #tpu.memory_space<hbm>>
      %dma_start3A_62 = tpu.memref_squeeze %dma_start3A_61 : memref<1x80x128xf32, #tpu.memory_space<hbm>> -> memref<80x128xf32, #tpu.memory_space<hbm>>
      tpu.enqueue_dma source(%arg10 : memref<80x128xf32, #tpu.memory_space<vmem>>) target(%dma_start3A_62 : memref<80x128xf32, #tpu.memory_space<hbm>>) target_semaphore(%run_scoped3A : memref<!tpu.dma_semaphore, #tpu.memory_space<semaphore_mem>>)
      %dma_wait3A_63 = arith.constant 0 : i32
      %dma_wait3A_64 = tpu.memref_slice %arg5[%arg0, %add3A_52, %dma_wait3A_63] : memref<2x10240x128xf32, #tpu.memory_space<hbm>> -> memref<1x80x128xf32, #tpu.memory_space<hbm>>
      %dma_wait3A_65 = tpu.memref_squeeze %dma_wait3A_64 : memref<1x80x128xf32, #tpu.memory_space<hbm>> -> memref<80x128xf32, #tpu.memory_space<hbm>>
      %dma_wait3A_66 = arith.constant 0 : i32
      %dma_wait3A_67 = tpu.memref_slice %arg5[%arg0, %add3A_52, %dma_wait3A_66] : memref<2x10240x128xf32, #tpu.memory_space<hbm>> -> memref<1x80x128xf32, #tpu.memory_space<hbm>>
      %dma_wait3A_68 = tpu.memref_squeeze %dma_wait3A_67 : memref<1x80x128xf32, #tpu.memory_space<hbm>> -> memref<80x128xf32, #tpu.memory_space<hbm>>
      tpu.wait_dma2 semaphore(%run_scoped3A : memref<!tpu.dma_semaphore, #tpu.memory_space<semaphore_mem>>) src(%arg10 : memref<80x128xf32, #tpu.memory_space<vmem>>) dst(%dma_wait3A_68 : memref<80x128xf32, #tpu.memory_space<hbm>>)
      tpu.yield
    }) : () -> ()
    %add3A_53 = arith.constant 480 : i32
    %add3A_54 = arith.addi %multiple_of3A, %add3A_53 : i32
    "tpu.region"() ({
      %run_scoped3A = tpu.sem_alloc : memref<!tpu.dma_semaphore, #tpu.memory_space<semaphore_mem>>
      %dma_start3A_57 = arith.constant 0 : i32
      %dma_start3A_58 = tpu.memref_slice %arg12[%add3A_54, %dma_start3A_57] : memref<10240x128xf32, #tpu.memory_space<vmem_shared>> -> memref<80x128xf32, #tpu.memory_space<vmem_shared>>
      %dma_start3A_59 = arith.constant 0 : i32
      %dma_start3A_60 = tpu.memref_slice %arg12[%add3A_54, %dma_start3A_59] : memref<10240x128xf32, #tpu.memory_space<vmem_shared>> -> memref<80x128xf32, #tpu.memory_space<vmem_shared>>
      tpu.enqueue_dma source(%dma_start3A_60 : memref<80x128xf32, #tpu.memory_space<vmem_shared>>) target(%arg10 : memref<80x128xf32, #tpu.memory_space<vmem>>) target_semaphore(%run_scoped3A : memref<!tpu.dma_semaphore, #tpu.memory_space<semaphore_mem>>)
      %dma_wait3A_61 = arith.constant 0 : i32
      %dma_wait3A_62 = tpu.memref_slice %arg12[%add3A_54, %dma_wait3A_61] : memref<10240x128xf32, #tpu.memory_space<vmem_shared>> -> memref<80x128xf32, #tpu.memory_space<vmem_shared>>
      %dma_wait3A_63 = arith.constant 0 : i32
      %dma_wait3A_64 = tpu.memref_slice %arg12[%add3A_54, %dma_wait3A_63] : memref<10240x128xf32, #tpu.memory_space<vmem_shared>> -> memref<80x128xf32, #tpu.memory_space<vmem_shared>>
      tpu.wait_dma2 semaphore(%run_scoped3A : memref<!tpu.dma_semaphore, #tpu.memory_space<semaphore_mem>>) src(%dma_wait3A_64 : memref<80x128xf32, #tpu.memory_space<vmem_shared>>) dst(%arg10 : memref<80x128xf32, #tpu.memory_space<vmem>>)
      tpu.yield
    }) : () -> ()
    "tpu.region"() ({
      %run_scoped3A = tpu.sem_alloc : memref<!tpu.dma_semaphore, #tpu.memory_space<semaphore_mem>>
      %dma_start3A_57 = arith.constant 0 : i32
      %dma_start3A_58 = tpu.memref_slice %arg5[%arg0, %add3A_54, %dma_start3A_57] : memref<2x10240x128xf32, #tpu.memory_space<hbm>> -> memref<1x80x128xf32, #tpu.memory_space<hbm>>
      %dma_start3A_59 = tpu.memref_squeeze %dma_start3A_58 : memref<1x80x128xf32, #tpu.memory_space<hbm>> -> memref<80x128xf32, #tpu.memory_space<hbm>>
      %dma_start3A_60 = arith.constant 0 : i32
      %dma_start3A_61 = tpu.memref_slice %arg5[%arg0, %add3A_54, %dma_start3A_60] : memref<2x10240x128xf32, #tpu.memory_space<hbm>> -> memref<1x80x128xf32, #tpu.memory_space<hbm>>
      %dma_start3A_62 = tpu.memref_squeeze %dma_start3A_61 : memref<1x80x128xf32, #tpu.memory_space<hbm>> -> memref<80x128xf32, #tpu.memory_space<hbm>>
      tpu.enqueue_dma source(%arg10 : memref<80x128xf32, #tpu.memory_space<vmem>>) target(%dma_start3A_62 : memref<80x128xf32, #tpu.memory_space<hbm>>) target_semaphore(%run_scoped3A : memref<!tpu.dma_semaphore, #tpu.memory_space<semaphore_mem>>)
      %dma_wait3A_63 = arith.constant 0 : i32
      %dma_wait3A_64 = tpu.memref_slice %arg5[%arg0, %add3A_54, %dma_wait3A_63] : memref<2x10240x128xf32, #tpu.memory_space<hbm>> -> memref<1x80x128xf32, #tpu.memory_space<hbm>>
      %dma_wait3A_65 = tpu.memref_squeeze %dma_wait3A_64 : memref<1x80x128xf32, #tpu.memory_space<hbm>> -> memref<80x128xf32, #tpu.memory_space<hbm>>
      %dma_wait3A_66 = arith.constant 0 : i32
      %dma_wait3A_67 = tpu.memref_slice %arg5[%arg0, %add3A_54, %dma_wait3A_66] : memref<2x10240x128xf32, #tpu.memory_space<hbm>> -> memref<1x80x128xf32, #tpu.memory_space<hbm>>
      %dma_wait3A_68 = tpu.memref_squeeze %dma_wait3A_67 : memref<1x80x128xf32, #tpu.memory_space<hbm>> -> memref<80x128xf32, #tpu.memory_space<hbm>>
      tpu.wait_dma2 semaphore(%run_scoped3A : memref<!tpu.dma_semaphore, #tpu.memory_space<semaphore_mem>>) src(%arg10 : memref<80x128xf32, #tpu.memory_space<vmem>>) dst(%dma_wait3A_68 : memref<80x128xf32, #tpu.memory_space<hbm>>)
      tpu.yield
    }) : () -> ()
    %add3A_55 = arith.constant 560 : i32
    %add3A_56 = arith.addi %multiple_of3A, %add3A_55 : i32
    "tpu.region"() ({
      %run_scoped3A = tpu.sem_alloc : memref<!tpu.dma_semaphore, #tpu.memory_space<semaphore_mem>>
      %dma_start3A_57 = arith.constant 0 : i32
      %dma_start3A_58 = tpu.memref_slice %arg12[%add3A_56, %dma_start3A_57] : memref<10240x128xf32, #tpu.memory_space<vmem_shared>> -> memref<80x128xf32, #tpu.memory_space<vmem_shared>>
      %dma_start3A_59 = arith.constant 0 : i32
      %dma_start3A_60 = tpu.memref_slice %arg12[%add3A_56, %dma_start3A_59] : memref<10240x128xf32, #tpu.memory_space<vmem_shared>> -> memref<80x128xf32, #tpu.memory_space<vmem_shared>>
      tpu.enqueue_dma source(%dma_start3A_60 : memref<80x128xf32, #tpu.memory_space<vmem_shared>>) target(%arg10 : memref<80x128xf32, #tpu.memory_space<vmem>>) target_semaphore(%run_scoped3A : memref<!tpu.dma_semaphore, #tpu.memory_space<semaphore_mem>>)
      %dma_wait3A_61 = arith.constant 0 : i32
      %dma_wait3A_62 = tpu.memref_slice %arg12[%add3A_56, %dma_wait3A_61] : memref<10240x128xf32, #tpu.memory_space<vmem_shared>> -> memref<80x128xf32, #tpu.memory_space<vmem_shared>>
      %dma_wait3A_63 = arith.constant 0 : i32
      %dma_wait3A_64 = tpu.memref_slice %arg12[%add3A_56, %dma_wait3A_63] : memref<10240x128xf32, #tpu.memory_space<vmem_shared>> -> memref<80x128xf32, #tpu.memory_space<vmem_shared>>
      tpu.wait_dma2 semaphore(%run_scoped3A : memref<!tpu.dma_semaphore, #tpu.memory_space<semaphore_mem>>) src(%dma_wait3A_64 : memref<80x128xf32, #tpu.memory_space<vmem_shared>>) dst(%arg10 : memref<80x128xf32, #tpu.memory_space<vmem>>)
      tpu.yield
    }) : () -> ()
    "tpu.region"() ({
      %run_scoped3A = tpu.sem_alloc : memref<!tpu.dma_semaphore, #tpu.memory_space<semaphore_mem>>
      %dma_start3A_57 = arith.constant 0 : i32
      %dma_start3A_58 = tpu.memref_slice %arg5[%arg0, %add3A_56, %dma_start3A_57] : memref<2x10240x128xf32, #tpu.memory_space<hbm>> -> memref<1x80x128xf32, #tpu.memory_space<hbm>>
      %dma_start3A_59 = tpu.memref_squeeze %dma_start3A_58 : memref<1x80x128xf32, #tpu.memory_space<hbm>> -> memref<80x128xf32, #tpu.memory_space<hbm>>
      %dma_start3A_60 = arith.constant 0 : i32
      %dma_start3A_61 = tpu.memref_slice %arg5[%arg0, %add3A_56, %dma_start3A_60] : memref<2x10240x128xf32, #tpu.memory_space<hbm>> -> memref<1x80x128xf32, #tpu.memory_space<hbm>>
      %dma_start3A_62 = tpu.memref_squeeze %dma_start3A_61 : memref<1x80x128xf32, #tpu.memory_space<hbm>> -> memref<80x128xf32, #tpu.memory_space<hbm>>
      tpu.enqueue_dma source(%arg10 : memref<80x128xf32, #tpu.memory_space<vmem>>) target(%dma_start3A_62 : memref<80x128xf32, #tpu.memory_space<hbm>>) target_semaphore(%run_scoped3A : memref<!tpu.dma_semaphore, #tpu.memory_space<semaphore_mem>>)
      %dma_wait3A_63 = arith.constant 0 : i32
      %dma_wait3A_64 = tpu.memref_slice %arg5[%arg0, %add3A_56, %dma_wait3A_63] : memref<2x10240x128xf32, #tpu.memory_space<hbm>> -> memref<1x80x128xf32, #tpu.memory_space<hbm>>
      %dma_wait3A_65 = tpu.memref_squeeze %dma_wait3A_64 : memref<1x80x128xf32, #tpu.memory_space<hbm>> -> memref<80x128xf32, #tpu.memory_space<hbm>>
      %dma_wait3A_66 = arith.constant 0 : i32
      %dma_wait3A_67 = tpu.memref_slice %arg5[%arg0, %add3A_56, %dma_wait3A_66] : memref<2x10240x128xf32, #tpu.memory_space<hbm>> -> memref<1x80x128xf32, #tpu.memory_space<hbm>>
      %dma_wait3A_68 = tpu.memref_squeeze %dma_wait3A_67 : memref<1x80x128xf32, #tpu.memory_space<hbm>> -> memref<80x128xf32, #tpu.memory_space<hbm>>
      tpu.wait_dma2 semaphore(%run_scoped3A : memref<!tpu.dma_semaphore, #tpu.memory_space<semaphore_mem>>) src(%arg10 : memref<80x128xf32, #tpu.memory_space<vmem>>) dst(%dma_wait3A_68 : memref<80x128xf32, #tpu.memory_space<hbm>>)
      tpu.yield
    }) : () -> ()
    return
  }
}

#map = affine_map<(d0, d1) -> (0, 0)>
#map1 = affine_map<(d0, d1) -> (0)>
module attributes {stable_mosaic.version = 14 : i64} {
  func.func @_gather_sum(%arg0: i32, %arg1: i32, %arg2: memref<10000x384xf32, #tpu.memory_space<hbm>>, %arg3: memref<10000x384xf32, #tpu.memory_space<hbm>>, %arg4: memref<10000x384xf32, #tpu.memory_space<hbm>>, %arg5: memref<100352xi32, #tpu.memory_space<hbm>>, %arg6: memref<100352xi32, #tpu.memory_space<hbm>>, %arg7: memref<100352xi32, #tpu.memory_space<hbm>>, %arg8: memref<100352x384xf32, #tpu.memory_space<hbm>>, %arg9: memref<32xi32, #tpu.memory_space<vmem>>, %arg10: memref<32xi32, #tpu.memory_space<vmem>>, %arg11: memref<32xi32, #tpu.memory_space<vmem>>, %arg12: memref<32xi32, #tpu.memory_space<vmem>>, %arg13: memref<32xi32, #tpu.memory_space<vmem>>, %arg14: memref<32xi32, #tpu.memory_space<vmem>>, %arg15: memref<32x384xf32, #tpu.memory_space<vmem>>, %arg16: memref<32x384xf32, #tpu.memory_space<vmem>>, %arg17: memref<32x384xf32, #tpu.memory_space<vmem>>, %arg18: memref<32x384xf32, #tpu.memory_space<vmem>>, %arg19: memref<32x384xf32, #tpu.memory_space<vmem>>, %arg20: memref<32x384xf32, #tpu.memory_space<vmem>>, %arg21: memref<!tpu.dma_semaphore, #tpu.memory_space<semaphore_mem>>, %arg22: memref<!tpu.dma_semaphore, #tpu.memory_space<semaphore_mem>>, %arg23: memref<!tpu.dma_semaphore, #tpu.memory_space<semaphore_mem>>, %arg24: memref<!tpu.dma_semaphore, #tpu.memory_space<semaphore_mem>>, %arg25: memref<!tpu.dma_semaphore, #tpu.memory_space<semaphore_mem>>, %arg26: memref<!tpu.dma_semaphore, #tpu.memory_space<semaphore_mem>>) attributes {dimension_semantics = [#tpu.dimension_semantics<core_parallel>, #tpu.dimension_semantics<subcore_parallel>], iteration_bounds = array<i64: 2, 16>, scalar_prefetch = 0 : i64, scratch_operands = 18 : i64, tpu.core_type = #tpu.core_type<sc_vector_subcore>, window_params = [{transform_indices = #map}, {transform_indices = #map}, {transform_indices = #map}, {transform_indices = #map1}, {transform_indices = #map1}, {transform_indices = #map1}, {transform_indices = #map}]} {
    %mul3A = arith.constant 2 : i32
    %mul3A_0 = arith.muli %arg1, %mul3A : i32
    %add3A = arith.addi %mul3A_0, %arg0 : i32
    %mul3A_1 = arith.constant 3136 : i32
    %mul3A_2 = arith.muli %add3A, %mul3A_1 : i32
    %add3A_3 = arith.constant 0 : i32
    %add3A_4 = arith.addi %mul3A_2, %add3A_3 : i32
    %multiple_of3A = tpu.assume_multiple %add3A_4, 8 : i32
    "tpu.region"() ({
      %run_scoped3A = tpu.sem_alloc : memref<!tpu.dma_semaphore, #tpu.memory_space<semaphore_mem>>
      %dma_start3A_65 = tpu.memref_slice %arg5[%multiple_of3A] : memref<100352xi32, #tpu.memory_space<hbm>> -> memref<32xi32, #tpu.memory_space<hbm>>
      %dma_start3A_66 = tpu.memref_slice %arg5[%multiple_of3A] : memref<100352xi32, #tpu.memory_space<hbm>> -> memref<32xi32, #tpu.memory_space<hbm>>
      tpu.enqueue_dma source(%dma_start3A_66 : memref<32xi32, #tpu.memory_space<hbm>>) target(%arg9 : memref<32xi32, #tpu.memory_space<vmem>>) target_semaphore(%run_scoped3A : memref<!tpu.dma_semaphore, #tpu.memory_space<semaphore_mem>>)
      %dma_wait3A_67 = tpu.memref_slice %arg5[%multiple_of3A] : memref<100352xi32, #tpu.memory_space<hbm>> -> memref<32xi32, #tpu.memory_space<hbm>>
      %dma_wait3A_68 = tpu.memref_slice %arg5[%multiple_of3A] : memref<100352xi32, #tpu.memory_space<hbm>> -> memref<32xi32, #tpu.memory_space<hbm>>
      tpu.wait_dma2 semaphore(%run_scoped3A : memref<!tpu.dma_semaphore, #tpu.memory_space<semaphore_mem>>) src(%dma_wait3A_68 : memref<32xi32, #tpu.memory_space<hbm>>) dst(%arg9 : memref<32xi32, #tpu.memory_space<vmem>>)
      tpu.yield
    }) : () -> ()
    "tpu.region"() ({
      %run_scoped3A = tpu.sem_alloc : memref<!tpu.dma_semaphore, #tpu.memory_space<semaphore_mem>>
      %dma_start3A_65 = tpu.memref_slice %arg6[%multiple_of3A] : memref<100352xi32, #tpu.memory_space<hbm>> -> memref<32xi32, #tpu.memory_space<hbm>>
      %dma_start3A_66 = tpu.memref_slice %arg6[%multiple_of3A] : memref<100352xi32, #tpu.memory_space<hbm>> -> memref<32xi32, #tpu.memory_space<hbm>>
      tpu.enqueue_dma source(%dma_start3A_66 : memref<32xi32, #tpu.memory_space<hbm>>) target(%arg10 : memref<32xi32, #tpu.memory_space<vmem>>) target_semaphore(%run_scoped3A : memref<!tpu.dma_semaphore, #tpu.memory_space<semaphore_mem>>)
      %dma_wait3A_67 = tpu.memref_slice %arg6[%multiple_of3A] : memref<100352xi32, #tpu.memory_space<hbm>> -> memref<32xi32, #tpu.memory_space<hbm>>
      %dma_wait3A_68 = tpu.memref_slice %arg6[%multiple_of3A] : memref<100352xi32, #tpu.memory_space<hbm>> -> memref<32xi32, #tpu.memory_space<hbm>>
      tpu.wait_dma2 semaphore(%run_scoped3A : memref<!tpu.dma_semaphore, #tpu.memory_space<semaphore_mem>>) src(%dma_wait3A_68 : memref<32xi32, #tpu.memory_space<hbm>>) dst(%arg10 : memref<32xi32, #tpu.memory_space<vmem>>)
      tpu.yield
    }) : () -> ()
    "tpu.region"() ({
      %run_scoped3A = tpu.sem_alloc : memref<!tpu.dma_semaphore, #tpu.memory_space<semaphore_mem>>
      %dma_start3A_65 = tpu.memref_slice %arg7[%multiple_of3A] : memref<100352xi32, #tpu.memory_space<hbm>> -> memref<32xi32, #tpu.memory_space<hbm>>
      %dma_start3A_66 = tpu.memref_slice %arg7[%multiple_of3A] : memref<100352xi32, #tpu.memory_space<hbm>> -> memref<32xi32, #tpu.memory_space<hbm>>
      tpu.enqueue_dma source(%dma_start3A_66 : memref<32xi32, #tpu.memory_space<hbm>>) target(%arg11 : memref<32xi32, #tpu.memory_space<vmem>>) target_semaphore(%run_scoped3A : memref<!tpu.dma_semaphore, #tpu.memory_space<semaphore_mem>>)
      %dma_wait3A_67 = tpu.memref_slice %arg7[%multiple_of3A] : memref<100352xi32, #tpu.memory_space<hbm>> -> memref<32xi32, #tpu.memory_space<hbm>>
      %dma_wait3A_68 = tpu.memref_slice %arg7[%multiple_of3A] : memref<100352xi32, #tpu.memory_space<hbm>> -> memref<32xi32, #tpu.memory_space<hbm>>
      tpu.wait_dma2 semaphore(%run_scoped3A : memref<!tpu.dma_semaphore, #tpu.memory_space<semaphore_mem>>) src(%dma_wait3A_68 : memref<32xi32, #tpu.memory_space<hbm>>) dst(%arg11 : memref<32xi32, #tpu.memory_space<vmem>>)
      tpu.yield
    }) : () -> ()
    %dma_start3A = arith.constant 0 : i32
    %dma_start3A_5 = arith.constant 0 : i32
    %dma_start3A_6 = tpu.memref_slice %arg2[%dma_start3A, %dma_start3A_5] : memref<10000x384xf32, #tpu.memory_space<hbm>> -> memref<10000x384xf32, #tpu.memory_space<hbm>>
    tpu.enqueue_indirect_dma source(%dma_start3A_6 : memref<10000x384xf32, #tpu.memory_space<hbm>>) target(%arg15 : memref<32x384xf32, #tpu.memory_space<vmem>>) offsets(%arg9 : memref<32xi32, #tpu.memory_space<vmem>>) semaphore(%arg21 : memref<!tpu.dma_semaphore, #tpu.memory_space<semaphore_mem>>)
    %dma_start3A_7 = arith.constant 0 : i32
    %dma_start3A_8 = arith.constant 0 : i32
    %dma_start3A_9 = tpu.memref_slice %arg3[%dma_start3A_7, %dma_start3A_8] : memref<10000x384xf32, #tpu.memory_space<hbm>> -> memref<10000x384xf32, #tpu.memory_space<hbm>>
    tpu.enqueue_indirect_dma source(%dma_start3A_9 : memref<10000x384xf32, #tpu.memory_space<hbm>>) target(%arg16 : memref<32x384xf32, #tpu.memory_space<vmem>>) offsets(%arg10 : memref<32xi32, #tpu.memory_space<vmem>>) semaphore(%arg22 : memref<!tpu.dma_semaphore, #tpu.memory_space<semaphore_mem>>)
    %dma_start3A_10 = arith.constant 0 : i32
    %dma_start3A_11 = arith.constant 0 : i32
    %dma_start3A_12 = tpu.memref_slice %arg4[%dma_start3A_10, %dma_start3A_11] : memref<10000x384xf32, #tpu.memory_space<hbm>> -> memref<10000x384xf32, #tpu.memory_space<hbm>>
    tpu.enqueue_indirect_dma source(%dma_start3A_12 : memref<10000x384xf32, #tpu.memory_space<hbm>>) target(%arg17 : memref<32x384xf32, #tpu.memory_space<vmem>>) offsets(%arg11 : memref<32xi32, #tpu.memory_space<vmem>>) semaphore(%arg23 : memref<!tpu.dma_semaphore, #tpu.memory_space<semaphore_mem>>)
    %scan3A = arith.constant 0 : i32
    %scan3A_13 = arith.constant 0 : i32
    %scan3A_14 = arith.constant 48 : i32
    %scan3A_15 = arith.addi %scan3A_13, %scan3A_14 : i32
    %scan3A_16 = arith.constant 1 : i32
    scf.for %scan3A_65 = %scan3A_13 to %scan3A_15 step %scan3A_16  : i32 {
      %mul3A_66 = arith.constant 2 : i32
      %mul3A_67 = arith.muli %mul3A_66, %scan3A_65 : i32
      %add3A_68 = arith.constant 1 : i32
      %add3A_69 = arith.addi %mul3A_67, %add3A_68 : i32
      %mul3A_70 = arith.constant 32 : i32
      %mul3A_71 = arith.muli %add3A_69, %mul3A_70 : i32
      %add3A_72 = arith.addi %mul3A_2, %mul3A_71 : i32
      %multiple_of3A_73 = tpu.assume_multiple %add3A_72, 8 : i32
      "tpu.region"() ({
        %run_scoped3A = tpu.sem_alloc : memref<!tpu.dma_semaphore, #tpu.memory_space<semaphore_mem>>
        %dma_start3A_138 = tpu.memref_slice %arg5[%multiple_of3A_73] : memref<100352xi32, #tpu.memory_space<hbm>> -> memref<32xi32, #tpu.memory_space<hbm>>
        %dma_start3A_139 = tpu.memref_slice %arg5[%multiple_of3A_73] : memref<100352xi32, #tpu.memory_space<hbm>> -> memref<32xi32, #tpu.memory_space<hbm>>
        tpu.enqueue_dma source(%dma_start3A_139 : memref<32xi32, #tpu.memory_space<hbm>>) target(%arg12 : memref<32xi32, #tpu.memory_space<vmem>>) target_semaphore(%run_scoped3A : memref<!tpu.dma_semaphore, #tpu.memory_space<semaphore_mem>>)
        %dma_wait3A_140 = tpu.memref_slice %arg5[%multiple_of3A_73] : memref<100352xi32, #tpu.memory_space<hbm>> -> memref<32xi32, #tpu.memory_space<hbm>>
        %dma_wait3A_141 = tpu.memref_slice %arg5[%multiple_of3A_73] : memref<100352xi32, #tpu.memory_space<hbm>> -> memref<32xi32, #tpu.memory_space<hbm>>
        tpu.wait_dma2 semaphore(%run_scoped3A : memref<!tpu.dma_semaphore, #tpu.memory_space<semaphore_mem>>) src(%dma_wait3A_141 : memref<32xi32, #tpu.memory_space<hbm>>) dst(%arg12 : memref<32xi32, #tpu.memory_space<vmem>>)
        tpu.yield
      }) : () -> ()
      "tpu.region"() ({
        %run_scoped3A = tpu.sem_alloc : memref<!tpu.dma_semaphore, #tpu.memory_space<semaphore_mem>>
        %dma_start3A_138 = tpu.memref_slice %arg6[%multiple_of3A_73] : memref<100352xi32, #tpu.memory_space<hbm>> -> memref<32xi32, #tpu.memory_space<hbm>>
        %dma_start3A_139 = tpu.memref_slice %arg6[%multiple_of3A_73] : memref<100352xi32, #tpu.memory_space<hbm>> -> memref<32xi32, #tpu.memory_space<hbm>>
        tpu.enqueue_dma source(%dma_start3A_139 : memref<32xi32, #tpu.memory_space<hbm>>) target(%arg13 : memref<32xi32, #tpu.memory_space<vmem>>) target_semaphore(%run_scoped3A : memref<!tpu.dma_semaphore, #tpu.memory_space<semaphore_mem>>)
        %dma_wait3A_140 = tpu.memref_slice %arg6[%multiple_of3A_73] : memref<100352xi32, #tpu.memory_space<hbm>> -> memref<32xi32, #tpu.memory_space<hbm>>
        %dma_wait3A_141 = tpu.memref_slice %arg6[%multiple_of3A_73] : memref<100352xi32, #tpu.memory_space<hbm>> -> memref<32xi32, #tpu.memory_space<hbm>>
        tpu.wait_dma2 semaphore(%run_scoped3A : memref<!tpu.dma_semaphore, #tpu.memory_space<semaphore_mem>>) src(%dma_wait3A_141 : memref<32xi32, #tpu.memory_space<hbm>>) dst(%arg13 : memref<32xi32, #tpu.memory_space<vmem>>)
        tpu.yield
      }) : () -> ()
      "tpu.region"() ({
        %run_scoped3A = tpu.sem_alloc : memref<!tpu.dma_semaphore, #tpu.memory_space<semaphore_mem>>
        %dma_start3A_138 = tpu.memref_slice %arg7[%multiple_of3A_73] : memref<100352xi32, #tpu.memory_space<hbm>> -> memref<32xi32, #tpu.memory_space<hbm>>
        %dma_start3A_139 = tpu.memref_slice %arg7[%multiple_of3A_73] : memref<100352xi32, #tpu.memory_space<hbm>> -> memref<32xi32, #tpu.memory_space<hbm>>
        tpu.enqueue_dma source(%dma_start3A_139 : memref<32xi32, #tpu.memory_space<hbm>>) target(%arg14 : memref<32xi32, #tpu.memory_space<vmem>>) target_semaphore(%run_scoped3A : memref<!tpu.dma_semaphore, #tpu.memory_space<semaphore_mem>>)
        %dma_wait3A_140 = tpu.memref_slice %arg7[%multiple_of3A_73] : memref<100352xi32, #tpu.memory_space<hbm>> -> memref<32xi32, #tpu.memory_space<hbm>>
        %dma_wait3A_141 = tpu.memref_slice %arg7[%multiple_of3A_73] : memref<100352xi32, #tpu.memory_space<hbm>> -> memref<32xi32, #tpu.memory_space<hbm>>
        tpu.wait_dma2 semaphore(%run_scoped3A : memref<!tpu.dma_semaphore, #tpu.memory_space<semaphore_mem>>) src(%dma_wait3A_141 : memref<32xi32, #tpu.memory_space<hbm>>) dst(%arg14 : memref<32xi32, #tpu.memory_space<vmem>>)
        tpu.yield
      }) : () -> ()
      %dma_start3A_74 = arith.constant 0 : i32
      %dma_start3A_75 = arith.constant 0 : i32
      %dma_start3A_76 = tpu.memref_slice %arg2[%dma_start3A_74, %dma_start3A_75] : memref<10000x384xf32, #tpu.memory_space<hbm>> -> memref<10000x384xf32, #tpu.memory_space<hbm>>
      tpu.enqueue_indirect_dma source(%dma_start3A_76 : memref<10000x384xf32, #tpu.memory_space<hbm>>) target(%arg18 : memref<32x384xf32, #tpu.memory_space<vmem>>) offsets(%arg12 : memref<32xi32, #tpu.memory_space<vmem>>) semaphore(%arg24 : memref<!tpu.dma_semaphore, #tpu.memory_space<semaphore_mem>>)
      %dma_start3A_77 = arith.constant 0 : i32
      %dma_start3A_78 = arith.constant 0 : i32
      %dma_start3A_79 = tpu.memref_slice %arg3[%dma_start3A_77, %dma_start3A_78] : memref<10000x384xf32, #tpu.memory_space<hbm>> -> memref<10000x384xf32, #tpu.memory_space<hbm>>
      tpu.enqueue_indirect_dma source(%dma_start3A_79 : memref<10000x384xf32, #tpu.memory_space<hbm>>) target(%arg19 : memref<32x384xf32, #tpu.memory_space<vmem>>) offsets(%arg13 : memref<32xi32, #tpu.memory_space<vmem>>) semaphore(%arg25 : memref<!tpu.dma_semaphore, #tpu.memory_space<semaphore_mem>>)
      %dma_start3A_80 = arith.constant 0 : i32
      %dma_start3A_81 = arith.constant 0 : i32
      %dma_start3A_82 = tpu.memref_slice %arg4[%dma_start3A_80, %dma_start3A_81] : memref<10000x384xf32, #tpu.memory_space<hbm>> -> memref<10000x384xf32, #tpu.memory_space<hbm>>
      tpu.enqueue_indirect_dma source(%dma_start3A_82 : memref<10000x384xf32, #tpu.memory_space<hbm>>) target(%arg20 : memref<32x384xf32, #tpu.memory_space<vmem>>) offsets(%arg14 : memref<32xi32, #tpu.memory_space<vmem>>) semaphore(%arg26 : memref<!tpu.dma_semaphore, #tpu.memory_space<semaphore_mem>>)
      %dma_wait3A_83 = arith.constant 0 : i32
      %dma_wait3A_84 = arith.constant 0 : i32
      %dma_wait3A_85 = tpu.memref_slice %arg2[%dma_wait3A_83, %dma_wait3A_84] : memref<10000x384xf32, #tpu.memory_space<hbm>> -> memref<10000x384xf32, #tpu.memory_space<hbm>>
      tpu.wait_indirect_dma semaphore(%arg21 : memref<!tpu.dma_semaphore, #tpu.memory_space<semaphore_mem>>) src(%dma_wait3A_85 : memref<10000x384xf32, #tpu.memory_space<hbm>>) dst(%arg15 : memref<32x384xf32, #tpu.memory_space<vmem>>)
      %dma_wait3A_86 = arith.constant 0 : i32
      %dma_wait3A_87 = arith.constant 0 : i32
      %dma_wait3A_88 = tpu.memref_slice %arg3[%dma_wait3A_86, %dma_wait3A_87] : memref<10000x384xf32, #tpu.memory_space<hbm>> -> memref<10000x384xf32, #tpu.memory_space<hbm>>
      tpu.wait_indirect_dma semaphore(%arg22 : memref<!tpu.dma_semaphore, #tpu.memory_space<semaphore_mem>>) src(%dma_wait3A_88 : memref<10000x384xf32, #tpu.memory_space<hbm>>) dst(%arg16 : memref<32x384xf32, #tpu.memory_space<vmem>>)
      %dma_wait3A_89 = arith.constant 0 : i32
      %dma_wait3A_90 = arith.constant 0 : i32
      %dma_wait3A_91 = tpu.memref_slice %arg4[%dma_wait3A_89, %dma_wait3A_90] : memref<10000x384xf32, #tpu.memory_space<hbm>> -> memref<10000x384xf32, #tpu.memory_space<hbm>>
      tpu.wait_indirect_dma semaphore(%arg23 : memref<!tpu.dma_semaphore, #tpu.memory_space<semaphore_mem>>) src(%dma_wait3A_91 : memref<10000x384xf32, #tpu.memory_space<hbm>>) dst(%arg17 : memref<32x384xf32, #tpu.memory_space<vmem>>)
      %scan3A_92 = arith.constant 0 : i32
      %scan3A_93 = arith.constant 0 : i32
      %scan3A_94 = arith.constant 32 : i32
      %scan3A_95 = arith.addi %scan3A_93, %scan3A_94 : i32
      %scan3A_96 = arith.constant 1 : i32
      scf.for %scan3A_138 = %scan3A_93 to %scan3A_95 step %scan3A_96  : i32 {
        %get3A = arith.index_cast %scan3A_138 : i32 to index
        %get3A_139 = arith.constant 0 : index
        %get3A_140 = tpu.vector_load %arg15[%get3A, %get3A_139] {strides = array<i32>} : memref<32x384xf32, #tpu.memory_space<vmem>>, vector<16xf32>,
        %get3A_141 = arith.index_cast %scan3A_138 : i32 to index
        %get3A_142 = arith.constant 0 : index
        %get3A_143 = tpu.vector_load %arg16[%get3A_141, %get3A_142] {strides = array<i32>} : memref<32x384xf32, #tpu.memory_space<vmem>>, vector<16xf32>,
        %add3A_144 = arith.addf %get3A_140, %get3A_143 : vector<16xf32>
        %get3A_145 = arith.index_cast %scan3A_138 : i32 to index
        %get3A_146 = arith.constant 0 : index
        %get3A_147 = tpu.vector_load %arg17[%get3A_145, %get3A_146] {strides = array<i32>} : memref<32x384xf32, #tpu.memory_space<vmem>>, vector<16xf32>,
        %add3A_148 = arith.addf %add3A_144, %get3A_147 : vector<16xf32>
        %swap3A = arith.index_cast %scan3A_138 : i32 to index
        %swap3A_149 = arith.constant 0 : index
        %swap3A_150 = tpu.vector_load %arg15[%swap3A, %swap3A_149] {strides = array<i32>} : memref<32x384xf32, #tpu.memory_space<vmem>>, vector<16xf32>,
        tpu.vector_store %arg15[%swap3A, %swap3A_149], %add3A_148 {strides = array<i32>} : memref<32x384xf32, #tpu.memory_space<vmem>>, vector<16xf32>,
        %get3A_151 = arith.index_cast %scan3A_138 : i32 to index
        %get3A_152 = arith.constant 16 : index
        %get3A_153 = tpu.vector_load %arg15[%get3A_151, %get3A_152] {strides = array<i32>} : memref<32x384xf32, #tpu.memory_space<vmem>>, vector<16xf32>,
        %get3A_154 = arith.index_cast %scan3A_138 : i32 to index
        %get3A_155 = arith.constant 16 : index
        %get3A_156 = tpu.vector_load %arg16[%get3A_154, %get3A_155] {strides = array<i32>} : memref<32x384xf32, #tpu.memory_space<vmem>>, vector<16xf32>,
        %add3A_157 = arith.addf %get3A_153, %get3A_156 : vector<16xf32>
        %get3A_158 = arith.index_cast %scan3A_138 : i32 to index
        %get3A_159 = arith.constant 16 : index
        %get3A_160 = tpu.vector_load %arg17[%get3A_158, %get3A_159] {strides = array<i32>} : memref<32x384xf32, #tpu.memory_space<vmem>>, vector<16xf32>,
        %add3A_161 = arith.addf %add3A_157, %get3A_160 : vector<16xf32>
        %swap3A_162 = arith.index_cast %scan3A_138 : i32 to index
        %swap3A_163 = arith.constant 16 : index
        %swap3A_164 = tpu.vector_load %arg15[%swap3A_162, %swap3A_163] {strides = array<i32>} : memref<32x384xf32, #tpu.memory_space<vmem>>, vector<16xf32>,
        tpu.vector_store %arg15[%swap3A_162, %swap3A_163], %add3A_161 {strides = array<i32>} : memref<32x384xf32, #tpu.memory_space<vmem>>, vector<16xf32>,
        %get3A_165 = arith.index_cast %scan3A_138 : i32 to index
        %get3A_166 = arith.constant 32 : index
        %get3A_167 = tpu.vector_load %arg15[%get3A_165, %get3A_166] {strides = array<i32>} : memref<32x384xf32, #tpu.memory_space<vmem>>, vector<16xf32>,
        %get3A_168 = arith.index_cast %scan3A_138 : i32 to index
        %get3A_169 = arith.constant 32 : index
        %get3A_170 = tpu.vector_load %arg16[%get3A_168, %get3A_169] {strides = array<i32>} : memref<32x384xf32, #tpu.memory_space<vmem>>, vector<16xf32>,
        %add3A_171 = arith.addf %get3A_167, %get3A_170 : vector<16xf32>
        %get3A_172 = arith.index_cast %scan3A_138 : i32 to index
        %get3A_173 = arith.constant 32 : index
        %get3A_174 = tpu.vector_load %arg17[%get3A_172, %get3A_173] {strides = array<i32>} : memref<32x384xf32, #tpu.memory_space<vmem>>, vector<16xf32>,
        %add3A_175 = arith.addf %add3A_171, %get3A_174 : vector<16xf32>
        %swap3A_176 = arith.index_cast %scan3A_138 : i32 to index
        %swap3A_177 = arith.constant 32 : index
        %swap3A_178 = tpu.vector_load %arg15[%swap3A_176, %swap3A_177] {strides = array<i32>} : memref<32x384xf32, #tpu.memory_space<vmem>>, vector<16xf32>,
        tpu.vector_store %arg15[%swap3A_176, %swap3A_177], %add3A_175 {strides = array<i32>} : memref<32x384xf32, #tpu.memory_space<vmem>>, vector<16xf32>,
        %get3A_179 = arith.index_cast %scan3A_138 : i32 to index
        %get3A_180 = arith.constant 48 : index
        %get3A_181 = tpu.vector_load %arg15[%get3A_179, %get3A_180] {strides = array<i32>} : memref<32x384xf32, #tpu.memory_space<vmem>>, vector<16xf32>,
        %get3A_182 = arith.index_cast %scan3A_138 : i32 to index
        %get3A_183 = arith.constant 48 : index
        %get3A_184 = tpu.vector_load %arg16[%get3A_182, %get3A_183] {strides = array<i32>} : memref<32x384xf32, #tpu.memory_space<vmem>>, vector<16xf32>,
        %add3A_185 = arith.addf %get3A_181, %get3A_184 : vector<16xf32>
        %get3A_186 = arith.index_cast %scan3A_138 : i32 to index
        %get3A_187 = arith.constant 48 : index
        %get3A_188 = tpu.vector_load %arg17[%get3A_186, %get3A_187] {strides = array<i32>} : memref<32x384xf32, #tpu.memory_space<vmem>>, vector<16xf32>,
        %add3A_189 = arith.addf %add3A_185, %get3A_188 : vector<16xf32>
        %swap3A_190 = arith.index_cast %scan3A_138 : i32 to index
        %swap3A_191 = arith.constant 48 : index
        %swap3A_192 = tpu.vector_load %arg15[%swap3A_190, %swap3A_191] {strides = array<i32>} : memref<32x384xf32, #tpu.memory_space<vmem>>, vector<16xf32>,
        tpu.vector_store %arg15[%swap3A_190, %swap3A_191], %add3A_189 {strides = array<i32>} : memref<32x384xf32, #tpu.memory_space<vmem>>, vector<16xf32>,
        %get3A_193 = arith.index_cast %scan3A_138 : i32 to index
        %get3A_194 = arith.constant 64 : index
        %get3A_195 = tpu.vector_load %arg15[%get3A_193, %get3A_194] {strides = array<i32>} : memref<32x384xf32, #tpu.memory_space<vmem>>, vector<16xf32>,
        %get3A_196 = arith.index_cast %scan3A_138 : i32 to index
        %get3A_197 = arith.constant 64 : index
        %get3A_198 = tpu.vector_load %arg16[%get3A_196, %get3A_197] {strides = array<i32>} : memref<32x384xf32, #tpu.memory_space<vmem>>, vector<16xf32>,
        %add3A_199 = arith.addf %get3A_195, %get3A_198 : vector<16xf32>
        %get3A_200 = arith.index_cast %scan3A_138 : i32 to index
        %get3A_201 = arith.constant 64 : index
        %get3A_202 = tpu.vector_load %arg17[%get3A_200, %get3A_201] {strides = array<i32>} : memref<32x384xf32, #tpu.memory_space<vmem>>, vector<16xf32>,
        %add3A_203 = arith.addf %add3A_199, %get3A_202 : vector<16xf32>
        %swap3A_204 = arith.index_cast %scan3A_138 : i32 to index
        %swap3A_205 = arith.constant 64 : index
        %swap3A_206 = tpu.vector_load %arg15[%swap3A_204, %swap3A_205] {strides = array<i32>} : memref<32x384xf32, #tpu.memory_space<vmem>>, vector<16xf32>,
        tpu.vector_store %arg15[%swap3A_204, %swap3A_205], %add3A_203 {strides = array<i32>} : memref<32x384xf32, #tpu.memory_space<vmem>>, vector<16xf32>,
        %get3A_207 = arith.index_cast %scan3A_138 : i32 to index
        %get3A_208 = arith.constant 80 : index
        %get3A_209 = tpu.vector_load %arg15[%get3A_207, %get3A_208] {strides = array<i32>} : memref<32x384xf32, #tpu.memory_space<vmem>>, vector<16xf32>,
        %get3A_210 = arith.index_cast %scan3A_138 : i32 to index
        %get3A_211 = arith.constant 80 : index
        %get3A_212 = tpu.vector_load %arg16[%get3A_210, %get3A_211] {strides = array<i32>} : memref<32x384xf32, #tpu.memory_space<vmem>>, vector<16xf32>,
        %add3A_213 = arith.addf %get3A_209, %get3A_212 : vector<16xf32>
        %get3A_214 = arith.index_cast %scan3A_138 : i32 to index
        %get3A_215 = arith.constant 80 : index
        %get3A_216 = tpu.vector_load %arg17[%get3A_214, %get3A_215] {strides = array<i32>} : memref<32x384xf32, #tpu.memory_space<vmem>>, vector<16xf32>,
        %add3A_217 = arith.addf %add3A_213, %get3A_216 : vector<16xf32>
        %swap3A_218 = arith.index_cast %scan3A_138 : i32 to index
        %swap3A_219 = arith.constant 80 : index
        %swap3A_220 = tpu.vector_load %arg15[%swap3A_218, %swap3A_219] {strides = array<i32>} : memref<32x384xf32, #tpu.memory_space<vmem>>, vector<16xf32>,
        tpu.vector_store %arg15[%swap3A_218, %swap3A_219], %add3A_217 {strides = array<i32>} : memref<32x384xf32, #tpu.memory_space<vmem>>, vector<16xf32>,
        %get3A_221 = arith.index_cast %scan3A_138 : i32 to index
        %get3A_222 = arith.constant 96 : index
        %get3A_223 = tpu.vector_load %arg15[%get3A_221, %get3A_222] {strides = array<i32>} : memref<32x384xf32, #tpu.memory_space<vmem>>, vector<16xf32>,
        %get3A_224 = arith.index_cast %scan3A_138 : i32 to index
        %get3A_225 = arith.constant 96 : index
        %get3A_226 = tpu.vector_load %arg16[%get3A_224, %get3A_225] {strides = array<i32>} : memref<32x384xf32, #tpu.memory_space<vmem>>, vector<16xf32>,
        %add3A_227 = arith.addf %get3A_223, %get3A_226 : vector<16xf32>
        %get3A_228 = arith.index_cast %scan3A_138 : i32 to index
        %get3A_229 = arith.constant 96 : index
        %get3A_230 = tpu.vector_load %arg17[%get3A_228, %get3A_229] {strides = array<i32>} : memref<32x384xf32, #tpu.memory_space<vmem>>, vector<16xf32>,
        %add3A_231 = arith.addf %add3A_227, %get3A_230 : vector<16xf32>
        %swap3A_232 = arith.index_cast %scan3A_138 : i32 to index
        %swap3A_233 = arith.constant 96 : index
        %swap3A_234 = tpu.vector_load %arg15[%swap3A_232, %swap3A_233] {strides = array<i32>} : memref<32x384xf32, #tpu.memory_space<vmem>>, vector<16xf32>,
        tpu.vector_store %arg15[%swap3A_232, %swap3A_233], %add3A_231 {strides = array<i32>} : memref<32x384xf32, #tpu.memory_space<vmem>>, vector<16xf32>,
        %get3A_235 = arith.index_cast %scan3A_138 : i32 to index
        %get3A_236 = arith.constant 112 : index
        %get3A_237 = tpu.vector_load %arg15[%get3A_235, %get3A_236] {strides = array<i32>} : memref<32x384xf32, #tpu.memory_space<vmem>>, vector<16xf32>,
        %get3A_238 = arith.index_cast %scan3A_138 : i32 to index
        %get3A_239 = arith.constant 112 : index
        %get3A_240 = tpu.vector_load %arg16[%get3A_238, %get3A_239] {strides = array<i32>} : memref<32x384xf32, #tpu.memory_space<vmem>>, vector<16xf32>,
        %add3A_241 = arith.addf %get3A_237, %get3A_240 : vector<16xf32>
        %get3A_242 = arith.index_cast %scan3A_138 : i32 to index
        %get3A_243 = arith.constant 112 : index
        %get3A_244 = tpu.vector_load %arg17[%get3A_242, %get3A_243] {strides = array<i32>} : memref<32x384xf32, #tpu.memory_space<vmem>>, vector<16xf32>,
        %add3A_245 = arith.addf %add3A_241, %get3A_244 : vector<16xf32>
        %swap3A_246 = arith.index_cast %scan3A_138 : i32 to index
        %swap3A_247 = arith.constant 112 : index
        %swap3A_248 = tpu.vector_load %arg15[%swap3A_246, %swap3A_247] {strides = array<i32>} : memref<32x384xf32, #tpu.memory_space<vmem>>, vector<16xf32>,
        tpu.vector_store %arg15[%swap3A_246, %swap3A_247], %add3A_245 {strides = array<i32>} : memref<32x384xf32, #tpu.memory_space<vmem>>, vector<16xf32>,
        %get3A_249 = arith.index_cast %scan3A_138 : i32 to index
        %get3A_250 = arith.constant 128 : index
        %get3A_251 = tpu.vector_load %arg15[%get3A_249, %get3A_250] {strides = array<i32>} : memref<32x384xf32, #tpu.memory_space<vmem>>, vector<16xf32>,
        %get3A_252 = arith.index_cast %scan3A_138 : i32 to index
        %get3A_253 = arith.constant 128 : index
        %get3A_254 = tpu.vector_load %arg16[%get3A_252, %get3A_253] {strides = array<i32>} : memref<32x384xf32, #tpu.memory_space<vmem>>, vector<16xf32>,
        %add3A_255 = arith.addf %get3A_251, %get3A_254 : vector<16xf32>
        %get3A_256 = arith.index_cast %scan3A_138 : i32 to index
        %get3A_257 = arith.constant 128 : index
        %get3A_258 = tpu.vector_load %arg17[%get3A_256, %get3A_257] {strides = array<i32>} : memref<32x384xf32, #tpu.memory_space<vmem>>, vector<16xf32>,
        %add3A_259 = arith.addf %add3A_255, %get3A_258 : vector<16xf32>
        %swap3A_260 = arith.index_cast %scan3A_138 : i32 to index
        %swap3A_261 = arith.constant 128 : index
        %swap3A_262 = tpu.vector_load %arg15[%swap3A_260, %swap3A_261] {strides = array<i32>} : memref<32x384xf32, #tpu.memory_space<vmem>>, vector<16xf32>,
        tpu.vector_store %arg15[%swap3A_260, %swap3A_261], %add3A_259 {strides = array<i32>} : memref<32x384xf32, #tpu.memory_space<vmem>>, vector<16xf32>,
        %get3A_263 = arith.index_cast %scan3A_138 : i32 to index
        %get3A_264 = arith.constant 144 : index
        %get3A_265 = tpu.vector_load %arg15[%get3A_263, %get3A_264] {strides = array<i32>} : memref<32x384xf32, #tpu.memory_space<vmem>>, vector<16xf32>,
        %get3A_266 = arith.index_cast %scan3A_138 : i32 to index
        %get3A_267 = arith.constant 144 : index
        %get3A_268 = tpu.vector_load %arg16[%get3A_266, %get3A_267] {strides = array<i32>} : memref<32x384xf32, #tpu.memory_space<vmem>>, vector<16xf32>,
        %add3A_269 = arith.addf %get3A_265, %get3A_268 : vector<16xf32>
        %get3A_270 = arith.index_cast %scan3A_138 : i32 to index
        %get3A_271 = arith.constant 144 : index
        %get3A_272 = tpu.vector_load %arg17[%get3A_270, %get3A_271] {strides = array<i32>} : memref<32x384xf32, #tpu.memory_space<vmem>>, vector<16xf32>,
        %add3A_273 = arith.addf %add3A_269, %get3A_272 : vector<16xf32>
        %swap3A_274 = arith.index_cast %scan3A_138 : i32 to index
        %swap3A_275 = arith.constant 144 : index
        %swap3A_276 = tpu.vector_load %arg15[%swap3A_274, %swap3A_275] {strides = array<i32>} : memref<32x384xf32, #tpu.memory_space<vmem>>, vector<16xf32>,
        tpu.vector_store %arg15[%swap3A_274, %swap3A_275], %add3A_273 {strides = array<i32>} : memref<32x384xf32, #tpu.memory_space<vmem>>, vector<16xf32>,
        %get3A_277 = arith.index_cast %scan3A_138 : i32 to index
        %get3A_278 = arith.constant 160 : index
        %get3A_279 = tpu.vector_load %arg15[%get3A_277, %get3A_278] {strides = array<i32>} : memref<32x384xf32, #tpu.memory_space<vmem>>, vector<16xf32>,
        %get3A_280 = arith.index_cast %scan3A_138 : i32 to index
        %get3A_281 = arith.constant 160 : index
        %get3A_282 = tpu.vector_load %arg16[%get3A_280, %get3A_281] {strides = array<i32>} : memref<32x384xf32, #tpu.memory_space<vmem>>, vector<16xf32>,
        %add3A_283 = arith.addf %get3A_279, %get3A_282 : vector<16xf32>
        %get3A_284 = arith.index_cast %scan3A_138 : i32 to index
        %get3A_285 = arith.constant 160 : index
        %get3A_286 = tpu.vector_load %arg17[%get3A_284, %get3A_285] {strides = array<i32>} : memref<32x384xf32, #tpu.memory_space<vmem>>, vector<16xf32>,
        %add3A_287 = arith.addf %add3A_283, %get3A_286 : vector<16xf32>
        %swap3A_288 = arith.index_cast %scan3A_138 : i32 to index
        %swap3A_289 = arith.constant 160 : index
        %swap3A_290 = tpu.vector_load %arg15[%swap3A_288, %swap3A_289] {strides = array<i32>} : memref<32x384xf32, #tpu.memory_space<vmem>>, vector<16xf32>,
        tpu.vector_store %arg15[%swap3A_288, %swap3A_289], %add3A_287 {strides = array<i32>} : memref<32x384xf32, #tpu.memory_space<vmem>>, vector<16xf32>,
        %get3A_291 = arith.index_cast %scan3A_138 : i32 to index
        %get3A_292 = arith.constant 176 : index
        %get3A_293 = tpu.vector_load %arg15[%get3A_291, %get3A_292] {strides = array<i32>} : memref<32x384xf32, #tpu.memory_space<vmem>>, vector<16xf32>,
        %get3A_294 = arith.index_cast %scan3A_138 : i32 to index
        %get3A_295 = arith.constant 176 : index
        %get3A_296 = tpu.vector_load %arg16[%get3A_294, %get3A_295] {strides = array<i32>} : memref<32x384xf32, #tpu.memory_space<vmem>>, vector<16xf32>,
        %add3A_297 = arith.addf %get3A_293, %get3A_296 : vector<16xf32>
        %get3A_298 = arith.index_cast %scan3A_138 : i32 to index
        %get3A_299 = arith.constant 176 : index
        %get3A_300 = tpu.vector_load %arg17[%get3A_298, %get3A_299] {strides = array<i32>} : memref<32x384xf32, #tpu.memory_space<vmem>>, vector<16xf32>,
        %add3A_301 = arith.addf %add3A_297, %get3A_300 : vector<16xf32>
        %swap3A_302 = arith.index_cast %scan3A_138 : i32 to index
        %swap3A_303 = arith.constant 176 : index
        %swap3A_304 = tpu.vector_load %arg15[%swap3A_302, %swap3A_303] {strides = array<i32>} : memref<32x384xf32, #tpu.memory_space<vmem>>, vector<16xf32>,
        tpu.vector_store %arg15[%swap3A_302, %swap3A_303], %add3A_301 {strides = array<i32>} : memref<32x384xf32, #tpu.memory_space<vmem>>, vector<16xf32>,
        %get3A_305 = arith.index_cast %scan3A_138 : i32 to index
        %get3A_306 = arith.constant 192 : index
        %get3A_307 = tpu.vector_load %arg15[%get3A_305, %get3A_306] {strides = array<i32>} : memref<32x384xf32, #tpu.memory_space<vmem>>, vector<16xf32>,
        %get3A_308 = arith.index_cast %scan3A_138 : i32 to index
        %get3A_309 = arith.constant 192 : index
        %get3A_310 = tpu.vector_load %arg16[%get3A_308, %get3A_309] {strides = array<i32>} : memref<32x384xf32, #tpu.memory_space<vmem>>, vector<16xf32>,
        %add3A_311 = arith.addf %get3A_307, %get3A_310 : vector<16xf32>
        %get3A_312 = arith.index_cast %scan3A_138 : i32 to index
        %get3A_313 = arith.constant 192 : index
        %get3A_314 = tpu.vector_load %arg17[%get3A_312, %get3A_313] {strides = array<i32>} : memref<32x384xf32, #tpu.memory_space<vmem>>, vector<16xf32>,
        %add3A_315 = arith.addf %add3A_311, %get3A_314 : vector<16xf32>
        %swap3A_316 = arith.index_cast %scan3A_138 : i32 to index
        %swap3A_317 = arith.constant 192 : index
        %swap3A_318 = tpu.vector_load %arg15[%swap3A_316, %swap3A_317] {strides = array<i32>} : memref<32x384xf32, #tpu.memory_space<vmem>>, vector<16xf32>,
        tpu.vector_store %arg15[%swap3A_316, %swap3A_317], %add3A_315 {strides = array<i32>} : memref<32x384xf32, #tpu.memory_space<vmem>>, vector<16xf32>,
        %get3A_319 = arith.index_cast %scan3A_138 : i32 to index
        %get3A_320 = arith.constant 208 : index
        %get3A_321 = tpu.vector_load %arg15[%get3A_319, %get3A_320] {strides = array<i32>} : memref<32x384xf32, #tpu.memory_space<vmem>>, vector<16xf32>,
        %get3A_322 = arith.index_cast %scan3A_138 : i32 to index
        %get3A_323 = arith.constant 208 : index
        %get3A_324 = tpu.vector_load %arg16[%get3A_322, %get3A_323] {strides = array<i32>} : memref<32x384xf32, #tpu.memory_space<vmem>>, vector<16xf32>,
        %add3A_325 = arith.addf %get3A_321, %get3A_324 : vector<16xf32>
        %get3A_326 = arith.index_cast %scan3A_138 : i32 to index
        %get3A_327 = arith.constant 208 : index
        %get3A_328 = tpu.vector_load %arg17[%get3A_326, %get3A_327] {strides = array<i32>} : memref<32x384xf32, #tpu.memory_space<vmem>>, vector<16xf32>,
        %add3A_329 = arith.addf %add3A_325, %get3A_328 : vector<16xf32>
        %swap3A_330 = arith.index_cast %scan3A_138 : i32 to index
        %swap3A_331 = arith.constant 208 : index
        %swap3A_332 = tpu.vector_load %arg15[%swap3A_330, %swap3A_331] {strides = array<i32>} : memref<32x384xf32, #tpu.memory_space<vmem>>, vector<16xf32>,
        tpu.vector_store %arg15[%swap3A_330, %swap3A_331], %add3A_329 {strides = array<i32>} : memref<32x384xf32, #tpu.memory_space<vmem>>, vector<16xf32>,
        %get3A_333 = arith.index_cast %scan3A_138 : i32 to index
        %get3A_334 = arith.constant 224 : index
        %get3A_335 = tpu.vector_load %arg15[%get3A_333, %get3A_334] {strides = array<i32>} : memref<32x384xf32, #tpu.memory_space<vmem>>, vector<16xf32>,
        %get3A_336 = arith.index_cast %scan3A_138 : i32 to index
        %get3A_337 = arith.constant 224 : index
        %get3A_338 = tpu.vector_load %arg16[%get3A_336, %get3A_337] {strides = array<i32>} : memref<32x384xf32, #tpu.memory_space<vmem>>, vector<16xf32>,
        %add3A_339 = arith.addf %get3A_335, %get3A_338 : vector<16xf32>
        %get3A_340 = arith.index_cast %scan3A_138 : i32 to index
        %get3A_341 = arith.constant 224 : index
        %get3A_342 = tpu.vector_load %arg17[%get3A_340, %get3A_341] {strides = array<i32>} : memref<32x384xf32, #tpu.memory_space<vmem>>, vector<16xf32>,
        %add3A_343 = arith.addf %add3A_339, %get3A_342 : vector<16xf32>
        %swap3A_344 = arith.index_cast %scan3A_138 : i32 to index
        %swap3A_345 = arith.constant 224 : index
        %swap3A_346 = tpu.vector_load %arg15[%swap3A_344, %swap3A_345] {strides = array<i32>} : memref<32x384xf32, #tpu.memory_space<vmem>>, vector<16xf32>,
        tpu.vector_store %arg15[%swap3A_344, %swap3A_345], %add3A_343 {strides = array<i32>} : memref<32x384xf32, #tpu.memory_space<vmem>>, vector<16xf32>,
        %get3A_347 = arith.index_cast %scan3A_138 : i32 to index
        %get3A_348 = arith.constant 240 : index
        %get3A_349 = tpu.vector_load %arg15[%get3A_347, %get3A_348] {strides = array<i32>} : memref<32x384xf32, #tpu.memory_space<vmem>>, vector<16xf32>,
        %get3A_350 = arith.index_cast %scan3A_138 : i32 to index
        %get3A_351 = arith.constant 240 : index
        %get3A_352 = tpu.vector_load %arg16[%get3A_350, %get3A_351] {strides = array<i32>} : memref<32x384xf32, #tpu.memory_space<vmem>>, vector<16xf32>,
        %add3A_353 = arith.addf %get3A_349, %get3A_352 : vector<16xf32>
        %get3A_354 = arith.index_cast %scan3A_138 : i32 to index
        %get3A_355 = arith.constant 240 : index
        %get3A_356 = tpu.vector_load %arg17[%get3A_354, %get3A_355] {strides = array<i32>} : memref<32x384xf32, #tpu.memory_space<vmem>>, vector<16xf32>,
        %add3A_357 = arith.addf %add3A_353, %get3A_356 : vector<16xf32>
        %swap3A_358 = arith.index_cast %scan3A_138 : i32 to index
        %swap3A_359 = arith.constant 240 : index
        %swap3A_360 = tpu.vector_load %arg15[%swap3A_358, %swap3A_359] {strides = array<i32>} : memref<32x384xf32, #tpu.memory_space<vmem>>, vector<16xf32>,
        tpu.vector_store %arg15[%swap3A_358, %swap3A_359], %add3A_357 {strides = array<i32>} : memref<32x384xf32, #tpu.memory_space<vmem>>, vector<16xf32>,
        %get3A_361 = arith.index_cast %scan3A_138 : i32 to index
        %get3A_362 = arith.constant 256 : index
        %get3A_363 = tpu.vector_load %arg15[%get3A_361, %get3A_362] {strides = array<i32>} : memref<32x384xf32, #tpu.memory_space<vmem>>, vector<16xf32>,
        %get3A_364 = arith.index_cast %scan3A_138 : i32 to index
        %get3A_365 = arith.constant 256 : index
        %get3A_366 = tpu.vector_load %arg16[%get3A_364, %get3A_365] {strides = array<i32>} : memref<32x384xf32, #tpu.memory_space<vmem>>, vector<16xf32>,
        %add3A_367 = arith.addf %get3A_363, %get3A_366 : vector<16xf32>
        %get3A_368 = arith.index_cast %scan3A_138 : i32 to index
        %get3A_369 = arith.constant 256 : index
        %get3A_370 = tpu.vector_load %arg17[%get3A_368, %get3A_369] {strides = array<i32>} : memref<32x384xf32, #tpu.memory_space<vmem>>, vector<16xf32>,
        %add3A_371 = arith.addf %add3A_367, %get3A_370 : vector<16xf32>
        %swap3A_372 = arith.index_cast %scan3A_138 : i32 to index
        %swap3A_373 = arith.constant 256 : index
        %swap3A_374 = tpu.vector_load %arg15[%swap3A_372, %swap3A_373] {strides = array<i32>} : memref<32x384xf32, #tpu.memory_space<vmem>>, vector<16xf32>,
        tpu.vector_store %arg15[%swap3A_372, %swap3A_373], %add3A_371 {strides = array<i32>} : memref<32x384xf32, #tpu.memory_space<vmem>>, vector<16xf32>,
        %get3A_375 = arith.index_cast %scan3A_138 : i32 to index
        %get3A_376 = arith.constant 272 : index
        %get3A_377 = tpu.vector_load %arg15[%get3A_375, %get3A_376] {strides = array<i32>} : memref<32x384xf32, #tpu.memory_space<vmem>>, vector<16xf32>,
        %get3A_378 = arith.index_cast %scan3A_138 : i32 to index
        %get3A_379 = arith.constant 272 : index
        %get3A_380 = tpu.vector_load %arg16[%get3A_378, %get3A_379] {strides = array<i32>} : memref<32x384xf32, #tpu.memory_space<vmem>>, vector<16xf32>,
        %add3A_381 = arith.addf %get3A_377, %get3A_380 : vector<16xf32>
        %get3A_382 = arith.index_cast %scan3A_138 : i32 to index
        %get3A_383 = arith.constant 272 : index
        %get3A_384 = tpu.vector_load %arg17[%get3A_382, %get3A_383] {strides = array<i32>} : memref<32x384xf32, #tpu.memory_space<vmem>>, vector<16xf32>,
        %add3A_385 = arith.addf %add3A_381, %get3A_384 : vector<16xf32>
        %swap3A_386 = arith.index_cast %scan3A_138 : i32 to index
        %swap3A_387 = arith.constant 272 : index
        %swap3A_388 = tpu.vector_load %arg15[%swap3A_386, %swap3A_387] {strides = array<i32>} : memref<32x384xf32, #tpu.memory_space<vmem>>, vector<16xf32>,
        tpu.vector_store %arg15[%swap3A_386, %swap3A_387], %add3A_385 {strides = array<i32>} : memref<32x384xf32, #tpu.memory_space<vmem>>, vector<16xf32>,
        %get3A_389 = arith.index_cast %scan3A_138 : i32 to index
        %get3A_390 = arith.constant 288 : index
        %get3A_391 = tpu.vector_load %arg15[%get3A_389, %get3A_390] {strides = array<i32>} : memref<32x384xf32, #tpu.memory_space<vmem>>, vector<16xf32>,
        %get3A_392 = arith.index_cast %scan3A_138 : i32 to index
        %get3A_393 = arith.constant 288 : index
        %get3A_394 = tpu.vector_load %arg16[%get3A_392, %get3A_393] {strides = array<i32>} : memref<32x384xf32, #tpu.memory_space<vmem>>, vector<16xf32>,
        %add3A_395 = arith.addf %get3A_391, %get3A_394 : vector<16xf32>
        %get3A_396 = arith.index_cast %scan3A_138 : i32 to index
        %get3A_397 = arith.constant 288 : index
        %get3A_398 = tpu.vector_load %arg17[%get3A_396, %get3A_397] {strides = array<i32>} : memref<32x384xf32, #tpu.memory_space<vmem>>, vector<16xf32>,
        %add3A_399 = arith.addf %add3A_395, %get3A_398 : vector<16xf32>
        %swap3A_400 = arith.index_cast %scan3A_138 : i32 to index
        %swap3A_401 = arith.constant 288 : index
        %swap3A_402 = tpu.vector_load %arg15[%swap3A_400, %swap3A_401] {strides = array<i32>} : memref<32x384xf32, #tpu.memory_space<vmem>>, vector<16xf32>,
        tpu.vector_store %arg15[%swap3A_400, %swap3A_401], %add3A_399 {strides = array<i32>} : memref<32x384xf32, #tpu.memory_space<vmem>>, vector<16xf32>,
        %get3A_403 = arith.index_cast %scan3A_138 : i32 to index
        %get3A_404 = arith.constant 304 : index
        %get3A_405 = tpu.vector_load %arg15[%get3A_403, %get3A_404] {strides = array<i32>} : memref<32x384xf32, #tpu.memory_space<vmem>>, vector<16xf32>,
        %get3A_406 = arith.index_cast %scan3A_138 : i32 to index
        %get3A_407 = arith.constant 304 : index
        %get3A_408 = tpu.vector_load %arg16[%get3A_406, %get3A_407] {strides = array<i32>} : memref<32x384xf32, #tpu.memory_space<vmem>>, vector<16xf32>,
        %add3A_409 = arith.addf %get3A_405, %get3A_408 : vector<16xf32>
        %get3A_410 = arith.index_cast %scan3A_138 : i32 to index
        %get3A_411 = arith.constant 304 : index
        %get3A_412 = tpu.vector_load %arg17[%get3A_410, %get3A_411] {strides = array<i32>} : memref<32x384xf32, #tpu.memory_space<vmem>>, vector<16xf32>,
        %add3A_413 = arith.addf %add3A_409, %get3A_412 : vector<16xf32>
        %swap3A_414 = arith.index_cast %scan3A_138 : i32 to index
        %swap3A_415 = arith.constant 304 : index
        %swap3A_416 = tpu.vector_load %arg15[%swap3A_414, %swap3A_415] {strides = array<i32>} : memref<32x384xf32, #tpu.memory_space<vmem>>, vector<16xf32>,
        tpu.vector_store %arg15[%swap3A_414, %swap3A_415], %add3A_413 {strides = array<i32>} : memref<32x384xf32, #tpu.memory_space<vmem>>, vector<16xf32>,
        %get3A_417 = arith.index_cast %scan3A_138 : i32 to index
        %get3A_418 = arith.constant 320 : index
        %get3A_419 = tpu.vector_load %arg15[%get3A_417, %get3A_418] {strides = array<i32>} : memref<32x384xf32, #tpu.memory_space<vmem>>, vector<16xf32>,
        %get3A_420 = arith.index_cast %scan3A_138 : i32 to index
        %get3A_421 = arith.constant 320 : index
        %get3A_422 = tpu.vector_load %arg16[%get3A_420, %get3A_421] {strides = array<i32>} : memref<32x384xf32, #tpu.memory_space<vmem>>, vector<16xf32>,
        %add3A_423 = arith.addf %get3A_419, %get3A_422 : vector<16xf32>
        %get3A_424 = arith.index_cast %scan3A_138 : i32 to index
        %get3A_425 = arith.constant 320 : index
        %get3A_426 = tpu.vector_load %arg17[%get3A_424, %get3A_425] {strides = array<i32>} : memref<32x384xf32, #tpu.memory_space<vmem>>, vector<16xf32>,
        %add3A_427 = arith.addf %add3A_423, %get3A_426 : vector<16xf32>
        %swap3A_428 = arith.index_cast %scan3A_138 : i32 to index
        %swap3A_429 = arith.constant 320 : index
        %swap3A_430 = tpu.vector_load %arg15[%swap3A_428, %swap3A_429] {strides = array<i32>} : memref<32x384xf32, #tpu.memory_space<vmem>>, vector<16xf32>,
        tpu.vector_store %arg15[%swap3A_428, %swap3A_429], %add3A_427 {strides = array<i32>} : memref<32x384xf32, #tpu.memory_space<vmem>>, vector<16xf32>,
        %get3A_431 = arith.index_cast %scan3A_138 : i32 to index
        %get3A_432 = arith.constant 336 : index
        %get3A_433 = tpu.vector_load %arg15[%get3A_431, %get3A_432] {strides = array<i32>} : memref<32x384xf32, #tpu.memory_space<vmem>>, vector<16xf32>,
        %get3A_434 = arith.index_cast %scan3A_138 : i32 to index
        %get3A_435 = arith.constant 336 : index
        %get3A_436 = tpu.vector_load %arg16[%get3A_434, %get3A_435] {strides = array<i32>} : memref<32x384xf32, #tpu.memory_space<vmem>>, vector<16xf32>,
        %add3A_437 = arith.addf %get3A_433, %get3A_436 : vector<16xf32>
        %get3A_438 = arith.index_cast %scan3A_138 : i32 to index
        %get3A_439 = arith.constant 336 : index
        %get3A_440 = tpu.vector_load %arg17[%get3A_438, %get3A_439] {strides = array<i32>} : memref<32x384xf32, #tpu.memory_space<vmem>>, vector<16xf32>,
        %add3A_441 = arith.addf %add3A_437, %get3A_440 : vector<16xf32>
        %swap3A_442 = arith.index_cast %scan3A_138 : i32 to index
        %swap3A_443 = arith.constant 336 : index
        %swap3A_444 = tpu.vector_load %arg15[%swap3A_442, %swap3A_443] {strides = array<i32>} : memref<32x384xf32, #tpu.memory_space<vmem>>, vector<16xf32>,
        tpu.vector_store %arg15[%swap3A_442, %swap3A_443], %add3A_441 {strides = array<i32>} : memref<32x384xf32, #tpu.memory_space<vmem>>, vector<16xf32>,
        %get3A_445 = arith.index_cast %scan3A_138 : i32 to index
        %get3A_446 = arith.constant 352 : index
        %get3A_447 = tpu.vector_load %arg15[%get3A_445, %get3A_446] {strides = array<i32>} : memref<32x384xf32, #tpu.memory_space<vmem>>, vector<16xf32>,
        %get3A_448 = arith.index_cast %scan3A_138 : i32 to index
        %get3A_449 = arith.constant 352 : index
        %get3A_450 = tpu.vector_load %arg16[%get3A_448, %get3A_449] {strides = array<i32>} : memref<32x384xf32, #tpu.memory_space<vmem>>, vector<16xf32>,
        %add3A_451 = arith.addf %get3A_447, %get3A_450 : vector<16xf32>
        %get3A_452 = arith.index_cast %scan3A_138 : i32 to index
        %get3A_453 = arith.constant 352 : index
        %get3A_454 = tpu.vector_load %arg17[%get3A_452, %get3A_453] {strides = array<i32>} : memref<32x384xf32, #tpu.memory_space<vmem>>, vector<16xf32>,
        %add3A_455 = arith.addf %add3A_451, %get3A_454 : vector<16xf32>
        %swap3A_456 = arith.index_cast %scan3A_138 : i32 to index
        %swap3A_457 = arith.constant 352 : index
        %swap3A_458 = tpu.vector_load %arg15[%swap3A_456, %swap3A_457] {strides = array<i32>} : memref<32x384xf32, #tpu.memory_space<vmem>>, vector<16xf32>,
        tpu.vector_store %arg15[%swap3A_456, %swap3A_457], %add3A_455 {strides = array<i32>} : memref<32x384xf32, #tpu.memory_space<vmem>>, vector<16xf32>,
        %get3A_459 = arith.index_cast %scan3A_138 : i32 to index
        %get3A_460 = arith.constant 368 : index
        %get3A_461 = tpu.vector_load %arg15[%get3A_459, %get3A_460] {strides = array<i32>} : memref<32x384xf32, #tpu.memory_space<vmem>>, vector<16xf32>,
        %get3A_462 = arith.index_cast %scan3A_138 : i32 to index
        %get3A_463 = arith.constant 368 : index
        %get3A_464 = tpu.vector_load %arg16[%get3A_462, %get3A_463] {strides = array<i32>} : memref<32x384xf32, #tpu.memory_space<vmem>>, vector<16xf32>,
        %add3A_465 = arith.addf %get3A_461, %get3A_464 : vector<16xf32>
        %get3A_466 = arith.index_cast %scan3A_138 : i32 to index
        %get3A_467 = arith.constant 368 : index
        %get3A_468 = tpu.vector_load %arg17[%get3A_466, %get3A_467] {strides = array<i32>} : memref<32x384xf32, #tpu.memory_space<vmem>>, vector<16xf32>,
        %add3A_469 = arith.addf %add3A_465, %get3A_468 : vector<16xf32>
        %swap3A_470 = arith.index_cast %scan3A_138 : i32 to index
        %swap3A_471 = arith.constant 368 : index
        %swap3A_472 = tpu.vector_load %arg15[%swap3A_470, %swap3A_471] {strides = array<i32>} : memref<32x384xf32, #tpu.memory_space<vmem>>, vector<16xf32>,
        tpu.vector_store %arg15[%swap3A_470, %swap3A_471], %add3A_469 {strides = array<i32>} : memref<32x384xf32, #tpu.memory_space<vmem>>, vector<16xf32>,
      }
      %scan3A_97 = arith.constant 32 : i32
      %mul3A_98 = arith.constant 32 : i32
      %mul3A_99 = arith.muli %mul3A_67, %mul3A_98 : i32
      %add3A_100 = arith.addi %mul3A_2, %mul3A_99 : i32
      %multiple_of3A_101 = tpu.assume_multiple %add3A_100, 8 : i32
      "tpu.region"() ({
        %run_scoped3A = tpu.sem_alloc : memref<!tpu.dma_semaphore, #tpu.memory_space<semaphore_mem>>
        %dma_start3A_138 = arith.constant 0 : i32
        %dma_start3A_139 = tpu.memref_slice %arg8[%multiple_of3A_101, %dma_start3A_138] : memref<100352x384xf32, #tpu.memory_space<hbm>> -> memref<32x384xf32, #tpu.memory_space<hbm>>
        %dma_start3A_140 = arith.constant 0 : i32
        %dma_start3A_141 = tpu.memref_slice %arg8[%multiple_of3A_101, %dma_start3A_140] : memref<100352x384xf32, #tpu.memory_space<hbm>> -> memref<32x384xf32, #tpu.memory_space<hbm>>
        tpu.enqueue_dma source(%arg15 : memref<32x384xf32, #tpu.memory_space<vmem>>) target(%dma_start3A_141 : memref<32x384xf32, #tpu.memory_space<hbm>>) target_semaphore(%run_scoped3A : memref<!tpu.dma_semaphore, #tpu.memory_space<semaphore_mem>>)
        %dma_wait3A_142 = arith.constant 0 : i32
        %dma_wait3A_143 = tpu.memref_slice %arg8[%multiple_of3A_101, %dma_wait3A_142] : memref<100352x384xf32, #tpu.memory_space<hbm>> -> memref<32x384xf32, #tpu.memory_space<hbm>>
        %dma_wait3A_144 = arith.constant 0 : i32
        %dma_wait3A_145 = tpu.memref_slice %arg8[%multiple_of3A_101, %dma_wait3A_144] : memref<100352x384xf32, #tpu.memory_space<hbm>> -> memref<32x384xf32, #tpu.memory_space<hbm>>
        tpu.wait_dma2 semaphore(%run_scoped3A : memref<!tpu.dma_semaphore, #tpu.memory_space<semaphore_mem>>) src(%arg15 : memref<32x384xf32, #tpu.memory_space<vmem>>) dst(%dma_wait3A_145 : memref<32x384xf32, #tpu.memory_space<hbm>>)
        tpu.yield
      }) : () -> ()
      %add3A_102 = arith.constant 2 : i32
      %add3A_103 = arith.addi %mul3A_67, %add3A_102 : i32
      %mul3A_104 = arith.constant 32 : i32
      %mul3A_105 = arith.muli %add3A_103, %mul3A_104 : i32
      %add3A_106 = arith.addi %mul3A_2, %mul3A_105 : i32
      %multiple_of3A_107 = tpu.assume_multiple %add3A_106, 8 : i32
      "tpu.region"() ({
        %run_scoped3A = tpu.sem_alloc : memref<!tpu.dma_semaphore, #tpu.memory_space<semaphore_mem>>
        %dma_start3A_138 = tpu.memref_slice %arg5[%multiple_of3A_107] : memref<100352xi32, #tpu.memory_space<hbm>> -> memref<32xi32, #tpu.memory_space<hbm>>
        %dma_start3A_139 = tpu.memref_slice %arg5[%multiple_of3A_107] : memref<100352xi32, #tpu.memory_space<hbm>> -> memref<32xi32, #tpu.memory_space<hbm>>
        tpu.enqueue_dma source(%dma_start3A_139 : memref<32xi32, #tpu.memory_space<hbm>>) target(%arg9 : memref<32xi32, #tpu.memory_space<vmem>>) target_semaphore(%run_scoped3A : memref<!tpu.dma_semaphore, #tpu.memory_space<semaphore_mem>>)
        %dma_wait3A_140 = tpu.memref_slice %arg5[%multiple_of3A_107] : memref<100352xi32, #tpu.memory_space<hbm>> -> memref<32xi32, #tpu.memory_space<hbm>>
        %dma_wait3A_141 = tpu.memref_slice %arg5[%multiple_of3A_107] : memref<100352xi32, #tpu.memory_space<hbm>> -> memref<32xi32, #tpu.memory_space<hbm>>
        tpu.wait_dma2 semaphore(%run_scoped3A : memref<!tpu.dma_semaphore, #tpu.memory_space<semaphore_mem>>) src(%dma_wait3A_141 : memref<32xi32, #tpu.memory_space<hbm>>) dst(%arg9 : memref<32xi32, #tpu.memory_space<vmem>>)
        tpu.yield
      }) : () -> ()
      "tpu.region"() ({
        %run_scoped3A = tpu.sem_alloc : memref<!tpu.dma_semaphore, #tpu.memory_space<semaphore_mem>>
        %dma_start3A_138 = tpu.memref_slice %arg6[%multiple_of3A_107] : memref<100352xi32, #tpu.memory_space<hbm>> -> memref<32xi32, #tpu.memory_space<hbm>>
        %dma_start3A_139 = tpu.memref_slice %arg6[%multiple_of3A_107] : memref<100352xi32, #tpu.memory_space<hbm>> -> memref<32xi32, #tpu.memory_space<hbm>>
        tpu.enqueue_dma source(%dma_start3A_139 : memref<32xi32, #tpu.memory_space<hbm>>) target(%arg10 : memref<32xi32, #tpu.memory_space<vmem>>) target_semaphore(%run_scoped3A : memref<!tpu.dma_semaphore, #tpu.memory_space<semaphore_mem>>)
        %dma_wait3A_140 = tpu.memref_slice %arg6[%multiple_of3A_107] : memref<100352xi32, #tpu.memory_space<hbm>> -> memref<32xi32, #tpu.memory_space<hbm>>
        %dma_wait3A_141 = tpu.memref_slice %arg6[%multiple_of3A_107] : memref<100352xi32, #tpu.memory_space<hbm>> -> memref<32xi32, #tpu.memory_space<hbm>>
        tpu.wait_dma2 semaphore(%run_scoped3A : memref<!tpu.dma_semaphore, #tpu.memory_space<semaphore_mem>>) src(%dma_wait3A_141 : memref<32xi32, #tpu.memory_space<hbm>>) dst(%arg10 : memref<32xi32, #tpu.memory_space<vmem>>)
        tpu.yield
      }) : () -> ()
      "tpu.region"() ({
        %run_scoped3A = tpu.sem_alloc : memref<!tpu.dma_semaphore, #tpu.memory_space<semaphore_mem>>
        %dma_start3A_138 = tpu.memref_slice %arg7[%multiple_of3A_107] : memref<100352xi32, #tpu.memory_space<hbm>> -> memref<32xi32, #tpu.memory_space<hbm>>
        %dma_start3A_139 = tpu.memref_slice %arg7[%multiple_of3A_107] : memref<100352xi32, #tpu.memory_space<hbm>> -> memref<32xi32, #tpu.memory_space<hbm>>
        tpu.enqueue_dma source(%dma_start3A_139 : memref<32xi32, #tpu.memory_space<hbm>>) target(%arg11 : memref<32xi32, #tpu.memory_space<vmem>>) target_semaphore(%run_scoped3A : memref<!tpu.dma_semaphore, #tpu.memory_space<semaphore_mem>>)
        %dma_wait3A_140 = tpu.memref_slice %arg7[%multiple_of3A_107] : memref<100352xi32, #tpu.memory_space<hbm>> -> memref<32xi32, #tpu.memory_space<hbm>>
        %dma_wait3A_141 = tpu.memref_slice %arg7[%multiple_of3A_107] : memref<100352xi32, #tpu.memory_space<hbm>> -> memref<32xi32, #tpu.memory_space<hbm>>
        tpu.wait_dma2 semaphore(%run_scoped3A : memref<!tpu.dma_semaphore, #tpu.memory_space<semaphore_mem>>) src(%dma_wait3A_141 : memref<32xi32, #tpu.memory_space<hbm>>) dst(%arg11 : memref<32xi32, #tpu.memory_space<vmem>>)
        tpu.yield
      }) : () -> ()
      %dma_start3A_108 = arith.constant 0 : i32
      %dma_start3A_109 = arith.constant 0 : i32
      %dma_start3A_110 = tpu.memref_slice %arg2[%dma_start3A_108, %dma_start3A_109] : memref<10000x384xf32, #tpu.memory_space<hbm>> -> memref<10000x384xf32, #tpu.memory_space<hbm>>
      tpu.enqueue_indirect_dma source(%dma_start3A_110 : memref<10000x384xf32, #tpu.memory_space<hbm>>) target(%arg15 : memref<32x384xf32, #tpu.memory_space<vmem>>) offsets(%arg9 : memref<32xi32, #tpu.memory_space<vmem>>) semaphore(%arg21 : memref<!tpu.dma_semaphore, #tpu.memory_space<semaphore_mem>>)
      %dma_start3A_111 = arith.constant 0 : i32
      %dma_start3A_112 = arith.constant 0 : i32
      %dma_start3A_113 = tpu.memref_slice %arg3[%dma_start3A_111, %dma_start3A_112] : memref<10000x384xf32, #tpu.memory_space<hbm>> -> memref<10000x384xf32, #tpu.memory_space<hbm>>
      tpu.enqueue_indirect_dma source(%dma_start3A_113 : memref<10000x384xf32, #tpu.memory_space<hbm>>) target(%arg16 : memref<32x384xf32, #tpu.memory_space<vmem>>) offsets(%arg10 : memref<32xi32, #tpu.memory_space<vmem>>) semaphore(%arg22 : memref<!tpu.dma_semaphore, #tpu.memory_space<semaphore_mem>>)
      %dma_start3A_114 = arith.constant 0 : i32
      %dma_start3A_115 = arith.constant 0 : i32
      %dma_start3A_116 = tpu.memref_slice %arg4[%dma_start3A_114, %dma_start3A_115] : memref<10000x384xf32, #tpu.memory_space<hbm>> -> memref<10000x384xf32, #tpu.memory_space<hbm>>
      tpu.enqueue_indirect_dma source(%dma_start3A_116 : memref<10000x384xf32, #tpu.memory_space<hbm>>) target(%arg17 : memref<32x384xf32, #tpu.memory_space<vmem>>) offsets(%arg11 : memref<32xi32, #tpu.memory_space<vmem>>) semaphore(%arg23 : memref<!tpu.dma_semaphore, #tpu.memory_space<semaphore_mem>>)
      %add3A_117 = arith.constant 1 : i32
      %add3A_118 = arith.addi %mul3A_67, %add3A_117 : i32
      %dma_wait3A_119 = arith.constant 0 : i32
      %dma_wait3A_120 = arith.constant 0 : i32
      %dma_wait3A_121 = tpu.memref_slice %arg2[%dma_wait3A_119, %dma_wait3A_120] : memref<10000x384xf32, #tpu.memory_space<hbm>> -> memref<10000x384xf32, #tpu.memory_space<hbm>>
      tpu.wait_indirect_dma semaphore(%arg24 : memref<!tpu.dma_semaphore, #tpu.memory_space<semaphore_mem>>) src(%dma_wait3A_121 : memref<10000x384xf32, #tpu.memory_space<hbm>>) dst(%arg18 : memref<32x384xf32, #tpu.memory_space<vmem>>)
      %dma_wait3A_122 = arith.constant 0 : i32
      %dma_wait3A_123 = arith.constant 0 : i32
      %dma_wait3A_124 = tpu.memref_slice %arg3[%dma_wait3A_122, %dma_wait3A_123] : memref<10000x384xf32, #tpu.memory_space<hbm>> -> memref<10000x384xf32, #tpu.memory_space<hbm>>
      tpu.wait_indirect_dma semaphore(%arg25 : memref<!tpu.dma_semaphore, #tpu.memory_space<semaphore_mem>>) src(%dma_wait3A_124 : memref<10000x384xf32, #tpu.memory_space<hbm>>) dst(%arg19 : memref<32x384xf32, #tpu.memory_space<vmem>>)
      %dma_wait3A_125 = arith.constant 0 : i32
      %dma_wait3A_126 = arith.constant 0 : i32
      %dma_wait3A_127 = tpu.memref_slice %arg4[%dma_wait3A_125, %dma_wait3A_126] : memref<10000x384xf32, #tpu.memory_space<hbm>> -> memref<10000x384xf32, #tpu.memory_space<hbm>>
      tpu.wait_indirect_dma semaphore(%arg26 : memref<!tpu.dma_semaphore, #tpu.memory_space<semaphore_mem>>) src(%dma_wait3A_127 : memref<10000x384xf32, #tpu.memory_space<hbm>>) dst(%arg20 : memref<32x384xf32, #tpu.memory_space<vmem>>)
      %scan3A_128 = arith.constant 0 : i32
      %scan3A_129 = arith.constant 0 : i32
      %scan3A_130 = arith.constant 32 : i32
      %scan3A_131 = arith.addi %scan3A_129, %scan3A_130 : i32
      %scan3A_132 = arith.constant 1 : i32
      scf.for %scan3A_138 = %scan3A_129 to %scan3A_131 step %scan3A_132  : i32 {
        %get3A = arith.index_cast %scan3A_138 : i32 to index
        %get3A_139 = arith.constant 0 : index
        %get3A_140 = tpu.vector_load %arg18[%get3A, %get3A_139] {strides = array<i32>} : memref<32x384xf32, #tpu.memory_space<vmem>>, vector<16xf32>,
        %get3A_141 = arith.index_cast %scan3A_138 : i32 to index
        %get3A_142 = arith.constant 0 : index
        %get3A_143 = tpu.vector_load %arg19[%get3A_141, %get3A_142] {strides = array<i32>} : memref<32x384xf32, #tpu.memory_space<vmem>>, vector<16xf32>,
        %add3A_144 = arith.addf %get3A_140, %get3A_143 : vector<16xf32>
        %get3A_145 = arith.index_cast %scan3A_138 : i32 to index
        %get3A_146 = arith.constant 0 : index
        %get3A_147 = tpu.vector_load %arg20[%get3A_145, %get3A_146] {strides = array<i32>} : memref<32x384xf32, #tpu.memory_space<vmem>>, vector<16xf32>,
        %add3A_148 = arith.addf %add3A_144, %get3A_147 : vector<16xf32>
        %swap3A = arith.index_cast %scan3A_138 : i32 to index
        %swap3A_149 = arith.constant 0 : index
        %swap3A_150 = tpu.vector_load %arg18[%swap3A, %swap3A_149] {strides = array<i32>} : memref<32x384xf32, #tpu.memory_space<vmem>>, vector<16xf32>,
        tpu.vector_store %arg18[%swap3A, %swap3A_149], %add3A_148 {strides = array<i32>} : memref<32x384xf32, #tpu.memory_space<vmem>>, vector<16xf32>,
        %get3A_151 = arith.index_cast %scan3A_138 : i32 to index
        %get3A_152 = arith.constant 16 : index
        %get3A_153 = tpu.vector_load %arg18[%get3A_151, %get3A_152] {strides = array<i32>} : memref<32x384xf32, #tpu.memory_space<vmem>>, vector<16xf32>,
        %get3A_154 = arith.index_cast %scan3A_138 : i32 to index
        %get3A_155 = arith.constant 16 : index
        %get3A_156 = tpu.vector_load %arg19[%get3A_154, %get3A_155] {strides = array<i32>} : memref<32x384xf32, #tpu.memory_space<vmem>>, vector<16xf32>,
        %add3A_157 = arith.addf %get3A_153, %get3A_156 : vector<16xf32>
        %get3A_158 = arith.index_cast %scan3A_138 : i32 to index
        %get3A_159 = arith.constant 16 : index
        %get3A_160 = tpu.vector_load %arg20[%get3A_158, %get3A_159] {strides = array<i32>} : memref<32x384xf32, #tpu.memory_space<vmem>>, vector<16xf32>,
        %add3A_161 = arith.addf %add3A_157, %get3A_160 : vector<16xf32>
        %swap3A_162 = arith.index_cast %scan3A_138 : i32 to index
        %swap3A_163 = arith.constant 16 : index
        %swap3A_164 = tpu.vector_load %arg18[%swap3A_162, %swap3A_163] {strides = array<i32>} : memref<32x384xf32, #tpu.memory_space<vmem>>, vector<16xf32>,
        tpu.vector_store %arg18[%swap3A_162, %swap3A_163], %add3A_161 {strides = array<i32>} : memref<32x384xf32, #tpu.memory_space<vmem>>, vector<16xf32>,
        %get3A_165 = arith.index_cast %scan3A_138 : i32 to index
        %get3A_166 = arith.constant 32 : index
        %get3A_167 = tpu.vector_load %arg18[%get3A_165, %get3A_166] {strides = array<i32>} : memref<32x384xf32, #tpu.memory_space<vmem>>, vector<16xf32>,
        %get3A_168 = arith.index_cast %scan3A_138 : i32 to index
        %get3A_169 = arith.constant 32 : index
        %get3A_170 = tpu.vector_load %arg19[%get3A_168, %get3A_169] {strides = array<i32>} : memref<32x384xf32, #tpu.memory_space<vmem>>, vector<16xf32>,
        %add3A_171 = arith.addf %get3A_167, %get3A_170 : vector<16xf32>
        %get3A_172 = arith.index_cast %scan3A_138 : i32 to index
        %get3A_173 = arith.constant 32 : index
        %get3A_174 = tpu.vector_load %arg20[%get3A_172, %get3A_173] {strides = array<i32>} : memref<32x384xf32, #tpu.memory_space<vmem>>, vector<16xf32>,
        %add3A_175 = arith.addf %add3A_171, %get3A_174 : vector<16xf32>
        %swap3A_176 = arith.index_cast %scan3A_138 : i32 to index
        %swap3A_177 = arith.constant 32 : index
        %swap3A_178 = tpu.vector_load %arg18[%swap3A_176, %swap3A_177] {strides = array<i32>} : memref<32x384xf32, #tpu.memory_space<vmem>>, vector<16xf32>,
        tpu.vector_store %arg18[%swap3A_176, %swap3A_177], %add3A_175 {strides = array<i32>} : memref<32x384xf32, #tpu.memory_space<vmem>>, vector<16xf32>,
        %get3A_179 = arith.index_cast %scan3A_138 : i32 to index
        %get3A_180 = arith.constant 48 : index
        %get3A_181 = tpu.vector_load %arg18[%get3A_179, %get3A_180] {strides = array<i32>} : memref<32x384xf32, #tpu.memory_space<vmem>>, vector<16xf32>,
        %get3A_182 = arith.index_cast %scan3A_138 : i32 to index
        %get3A_183 = arith.constant 48 : index
        %get3A_184 = tpu.vector_load %arg19[%get3A_182, %get3A_183] {strides = array<i32>} : memref<32x384xf32, #tpu.memory_space<vmem>>, vector<16xf32>,
        %add3A_185 = arith.addf %get3A_181, %get3A_184 : vector<16xf32>
        %get3A_186 = arith.index_cast %scan3A_138 : i32 to index
        %get3A_187 = arith.constant 48 : index
        %get3A_188 = tpu.vector_load %arg20[%get3A_186, %get3A_187] {strides = array<i32>} : memref<32x384xf32, #tpu.memory_space<vmem>>, vector<16xf32>,
        %add3A_189 = arith.addf %add3A_185, %get3A_188 : vector<16xf32>
        %swap3A_190 = arith.index_cast %scan3A_138 : i32 to index
        %swap3A_191 = arith.constant 48 : index
        %swap3A_192 = tpu.vector_load %arg18[%swap3A_190, %swap3A_191] {strides = array<i32>} : memref<32x384xf32, #tpu.memory_space<vmem>>, vector<16xf32>,
        tpu.vector_store %arg18[%swap3A_190, %swap3A_191], %add3A_189 {strides = array<i32>} : memref<32x384xf32, #tpu.memory_space<vmem>>, vector<16xf32>,
        %get3A_193 = arith.index_cast %scan3A_138 : i32 to index
        %get3A_194 = arith.constant 64 : index
        %get3A_195 = tpu.vector_load %arg18[%get3A_193, %get3A_194] {strides = array<i32>} : memref<32x384xf32, #tpu.memory_space<vmem>>, vector<16xf32>,
        %get3A_196 = arith.index_cast %scan3A_138 : i32 to index
        %get3A_197 = arith.constant 64 : index
        %get3A_198 = tpu.vector_load %arg19[%get3A_196, %get3A_197] {strides = array<i32>} : memref<32x384xf32, #tpu.memory_space<vmem>>, vector<16xf32>,
        %add3A_199 = arith.addf %get3A_195, %get3A_198 : vector<16xf32>
        %get3A_200 = arith.index_cast %scan3A_138 : i32 to index
        %get3A_201 = arith.constant 64 : index
        %get3A_202 = tpu.vector_load %arg20[%get3A_200, %get3A_201] {strides = array<i32>} : memref<32x384xf32, #tpu.memory_space<vmem>>, vector<16xf32>,
        %add3A_203 = arith.addf %add3A_199, %get3A_202 : vector<16xf32>
        %swap3A_204 = arith.index_cast %scan3A_138 : i32 to index
        %swap3A_205 = arith.constant 64 : index
        %swap3A_206 = tpu.vector_load %arg18[%swap3A_204, %swap3A_205] {strides = array<i32>} : memref<32x384xf32, #tpu.memory_space<vmem>>, vector<16xf32>,
        tpu.vector_store %arg18[%swap3A_204, %swap3A_205], %add3A_203 {strides = array<i32>} : memref<32x384xf32, #tpu.memory_space<vmem>>, vector<16xf32>,
        %get3A_207 = arith.index_cast %scan3A_138 : i32 to index
        %get3A_208 = arith.constant 80 : index
        %get3A_209 = tpu.vector_load %arg18[%get3A_207, %get3A_208] {strides = array<i32>} : memref<32x384xf32, #tpu.memory_space<vmem>>, vector<16xf32>,
        %get3A_210 = arith.index_cast %scan3A_138 : i32 to index
        %get3A_211 = arith.constant 80 : index
        %get3A_212 = tpu.vector_load %arg19[%get3A_210, %get3A_211] {strides = array<i32>} : memref<32x384xf32, #tpu.memory_space<vmem>>, vector<16xf32>,
        %add3A_213 = arith.addf %get3A_209, %get3A_212 : vector<16xf32>
        %get3A_214 = arith.index_cast %scan3A_138 : i32 to index
        %get3A_215 = arith.constant 80 : index
        %get3A_216 = tpu.vector_load %arg20[%get3A_214, %get3A_215] {strides = array<i32>} : memref<32x384xf32, #tpu.memory_space<vmem>>, vector<16xf32>,
        %add3A_217 = arith.addf %add3A_213, %get3A_216 : vector<16xf32>
        %swap3A_218 = arith.index_cast %scan3A_138 : i32 to index
        %swap3A_219 = arith.constant 80 : index
        %swap3A_220 = tpu.vector_load %arg18[%swap3A_218, %swap3A_219] {strides = array<i32>} : memref<32x384xf32, #tpu.memory_space<vmem>>, vector<16xf32>,
        tpu.vector_store %arg18[%swap3A_218, %swap3A_219], %add3A_217 {strides = array<i32>} : memref<32x384xf32, #tpu.memory_space<vmem>>, vector<16xf32>,
        %get3A_221 = arith.index_cast %scan3A_138 : i32 to index
        %get3A_222 = arith.constant 96 : index
        %get3A_223 = tpu.vector_load %arg18[%get3A_221, %get3A_222] {strides = array<i32>} : memref<32x384xf32, #tpu.memory_space<vmem>>, vector<16xf32>,
        %get3A_224 = arith.index_cast %scan3A_138 : i32 to index
        %get3A_225 = arith.constant 96 : index
        %get3A_226 = tpu.vector_load %arg19[%get3A_224, %get3A_225] {strides = array<i32>} : memref<32x384xf32, #tpu.memory_space<vmem>>, vector<16xf32>,
        %add3A_227 = arith.addf %get3A_223, %get3A_226 : vector<16xf32>
        %get3A_228 = arith.index_cast %scan3A_138 : i32 to index
        %get3A_229 = arith.constant 96 : index
        %get3A_230 = tpu.vector_load %arg20[%get3A_228, %get3A_229] {strides = array<i32>} : memref<32x384xf32, #tpu.memory_space<vmem>>, vector<16xf32>,
        %add3A_231 = arith.addf %add3A_227, %get3A_230 : vector<16xf32>
        %swap3A_232 = arith.index_cast %scan3A_138 : i32 to index
        %swap3A_233 = arith.constant 96 : index
        %swap3A_234 = tpu.vector_load %arg18[%swap3A_232, %swap3A_233] {strides = array<i32>} : memref<32x384xf32, #tpu.memory_space<vmem>>, vector<16xf32>,
        tpu.vector_store %arg18[%swap3A_232, %swap3A_233], %add3A_231 {strides = array<i32>} : memref<32x384xf32, #tpu.memory_space<vmem>>, vector<16xf32>,
        %get3A_235 = arith.index_cast %scan3A_138 : i32 to index
        %get3A_236 = arith.constant 112 : index
        %get3A_237 = tpu.vector_load %arg18[%get3A_235, %get3A_236] {strides = array<i32>} : memref<32x384xf32, #tpu.memory_space<vmem>>, vector<16xf32>,
        %get3A_238 = arith.index_cast %scan3A_138 : i32 to index
        %get3A_239 = arith.constant 112 : index
        %get3A_240 = tpu.vector_load %arg19[%get3A_238, %get3A_239] {strides = array<i32>} : memref<32x384xf32, #tpu.memory_space<vmem>>, vector<16xf32>,
        %add3A_241 = arith.addf %get3A_237, %get3A_240 : vector<16xf32>
        %get3A_242 = arith.index_cast %scan3A_138 : i32 to index
        %get3A_243 = arith.constant 112 : index
        %get3A_244 = tpu.vector_load %arg20[%get3A_242, %get3A_243] {strides = array<i32>} : memref<32x384xf32, #tpu.memory_space<vmem>>, vector<16xf32>,
        %add3A_245 = arith.addf %add3A_241, %get3A_244 : vector<16xf32>
        %swap3A_246 = arith.index_cast %scan3A_138 : i32 to index
        %swap3A_247 = arith.constant 112 : index
        %swap3A_248 = tpu.vector_load %arg18[%swap3A_246, %swap3A_247] {strides = array<i32>} : memref<32x384xf32, #tpu.memory_space<vmem>>, vector<16xf32>,
        tpu.vector_store %arg18[%swap3A_246, %swap3A_247], %add3A_245 {strides = array<i32>} : memref<32x384xf32, #tpu.memory_space<vmem>>, vector<16xf32>,
        %get3A_249 = arith.index_cast %scan3A_138 : i32 to index
        %get3A_250 = arith.constant 128 : index
        %get3A_251 = tpu.vector_load %arg18[%get3A_249, %get3A_250] {strides = array<i32>} : memref<32x384xf32, #tpu.memory_space<vmem>>, vector<16xf32>,
        %get3A_252 = arith.index_cast %scan3A_138 : i32 to index
        %get3A_253 = arith.constant 128 : index
        %get3A_254 = tpu.vector_load %arg19[%get3A_252, %get3A_253] {strides = array<i32>} : memref<32x384xf32, #tpu.memory_space<vmem>>, vector<16xf32>,
        %add3A_255 = arith.addf %get3A_251, %get3A_254 : vector<16xf32>
        %get3A_256 = arith.index_cast %scan3A_138 : i32 to index
        %get3A_257 = arith.constant 128 : index
        %get3A_258 = tpu.vector_load %arg20[%get3A_256, %get3A_257] {strides = array<i32>} : memref<32x384xf32, #tpu.memory_space<vmem>>, vector<16xf32>,
        %add3A_259 = arith.addf %add3A_255, %get3A_258 : vector<16xf32>
        %swap3A_260 = arith.index_cast %scan3A_138 : i32 to index
        %swap3A_261 = arith.constant 128 : index
        %swap3A_262 = tpu.vector_load %arg18[%swap3A_260, %swap3A_261] {strides = array<i32>} : memref<32x384xf32, #tpu.memory_space<vmem>>, vector<16xf32>,
        tpu.vector_store %arg18[%swap3A_260, %swap3A_261], %add3A_259 {strides = array<i32>} : memref<32x384xf32, #tpu.memory_space<vmem>>, vector<16xf32>,
        %get3A_263 = arith.index_cast %scan3A_138 : i32 to index
        %get3A_264 = arith.constant 144 : index
        %get3A_265 = tpu.vector_load %arg18[%get3A_263, %get3A_264] {strides = array<i32>} : memref<32x384xf32, #tpu.memory_space<vmem>>, vector<16xf32>,
        %get3A_266 = arith.index_cast %scan3A_138 : i32 to index
        %get3A_267 = arith.constant 144 : index
        %get3A_268 = tpu.vector_load %arg19[%get3A_266, %get3A_267] {strides = array<i32>} : memref<32x384xf32, #tpu.memory_space<vmem>>, vector<16xf32>,
        %add3A_269 = arith.addf %get3A_265, %get3A_268 : vector<16xf32>
        %get3A_270 = arith.index_cast %scan3A_138 : i32 to index
        %get3A_271 = arith.constant 144 : index
        %get3A_272 = tpu.vector_load %arg20[%get3A_270, %get3A_271] {strides = array<i32>} : memref<32x384xf32, #tpu.memory_space<vmem>>, vector<16xf32>,
        %add3A_273 = arith.addf %add3A_269, %get3A_272 : vector<16xf32>
        %swap3A_274 = arith.index_cast %scan3A_138 : i32 to index
        %swap3A_275 = arith.constant 144 : index
        %swap3A_276 = tpu.vector_load %arg18[%swap3A_274, %swap3A_275] {strides = array<i32>} : memref<32x384xf32, #tpu.memory_space<vmem>>, vector<16xf32>,
        tpu.vector_store %arg18[%swap3A_274, %swap3A_275], %add3A_273 {strides = array<i32>} : memref<32x384xf32, #tpu.memory_space<vmem>>, vector<16xf32>,
        %get3A_277 = arith.index_cast %scan3A_138 : i32 to index
        %get3A_278 = arith.constant 160 : index
        %get3A_279 = tpu.vector_load %arg18[%get3A_277, %get3A_278] {strides = array<i32>} : memref<32x384xf32, #tpu.memory_space<vmem>>, vector<16xf32>,
        %get3A_280 = arith.index_cast %scan3A_138 : i32 to index
        %get3A_281 = arith.constant 160 : index
        %get3A_282 = tpu.vector_load %arg19[%get3A_280, %get3A_281] {strides = array<i32>} : memref<32x384xf32, #tpu.memory_space<vmem>>, vector<16xf32>,
        %add3A_283 = arith.addf %get3A_279, %get3A_282 : vector<16xf32>
        %get3A_284 = arith.index_cast %scan3A_138 : i32 to index
        %get3A_285 = arith.constant 160 : index
        %get3A_286 = tpu.vector_load %arg20[%get3A_284, %get3A_285] {strides = array<i32>} : memref<32x384xf32, #tpu.memory_space<vmem>>, vector<16xf32>,
        %add3A_287 = arith.addf %add3A_283, %get3A_286 : vector<16xf32>
        %swap3A_288 = arith.index_cast %scan3A_138 : i32 to index
        %swap3A_289 = arith.constant 160 : index
        %swap3A_290 = tpu.vector_load %arg18[%swap3A_288, %swap3A_289] {strides = array<i32>} : memref<32x384xf32, #tpu.memory_space<vmem>>, vector<16xf32>,
        tpu.vector_store %arg18[%swap3A_288, %swap3A_289], %add3A_287 {strides = array<i32>} : memref<32x384xf32, #tpu.memory_space<vmem>>, vector<16xf32>,
        %get3A_291 = arith.index_cast %scan3A_138 : i32 to index
        %get3A_292 = arith.constant 176 : index
        %get3A_293 = tpu.vector_load %arg18[%get3A_291, %get3A_292] {strides = array<i32>} : memref<32x384xf32, #tpu.memory_space<vmem>>, vector<16xf32>,
        %get3A_294 = arith.index_cast %scan3A_138 : i32 to index
        %get3A_295 = arith.constant 176 : index
        %get3A_296 = tpu.vector_load %arg19[%get3A_294, %get3A_295] {strides = array<i32>} : memref<32x384xf32, #tpu.memory_space<vmem>>, vector<16xf32>,
        %add3A_297 = arith.addf %get3A_293, %get3A_296 : vector<16xf32>
        %get3A_298 = arith.index_cast %scan3A_138 : i32 to index
        %get3A_299 = arith.constant 176 : index
        %get3A_300 = tpu.vector_load %arg20[%get3A_298, %get3A_299] {strides = array<i32>} : memref<32x384xf32, #tpu.memory_space<vmem>>, vector<16xf32>,
        %add3A_301 = arith.addf %add3A_297, %get3A_300 : vector<16xf32>
        %swap3A_302 = arith.index_cast %scan3A_138 : i32 to index
        %swap3A_303 = arith.constant 176 : index
        %swap3A_304 = tpu.vector_load %arg18[%swap3A_302, %swap3A_303] {strides = array<i32>} : memref<32x384xf32, #tpu.memory_space<vmem>>, vector<16xf32>,
        tpu.vector_store %arg18[%swap3A_302, %swap3A_303], %add3A_301 {strides = array<i32>} : memref<32x384xf32, #tpu.memory_space<vmem>>, vector<16xf32>,
        %get3A_305 = arith.index_cast %scan3A_138 : i32 to index
        %get3A_306 = arith.constant 192 : index
        %get3A_307 = tpu.vector_load %arg18[%get3A_305, %get3A_306] {strides = array<i32>} : memref<32x384xf32, #tpu.memory_space<vmem>>, vector<16xf32>,
        %get3A_308 = arith.index_cast %scan3A_138 : i32 to index
        %get3A_309 = arith.constant 192 : index
        %get3A_310 = tpu.vector_load %arg19[%get3A_308, %get3A_309] {strides = array<i32>} : memref<32x384xf32, #tpu.memory_space<vmem>>, vector<16xf32>,
        %add3A_311 = arith.addf %get3A_307, %get3A_310 : vector<16xf32>
        %get3A_312 = arith.index_cast %scan3A_138 : i32 to index
        %get3A_313 = arith.constant 192 : index
        %get3A_314 = tpu.vector_load %arg20[%get3A_312, %get3A_313] {strides = array<i32>} : memref<32x384xf32, #tpu.memory_space<vmem>>, vector<16xf32>,
        %add3A_315 = arith.addf %add3A_311, %get3A_314 : vector<16xf32>
        %swap3A_316 = arith.index_cast %scan3A_138 : i32 to index
        %swap3A_317 = arith.constant 192 : index
        %swap3A_318 = tpu.vector_load %arg18[%swap3A_316, %swap3A_317] {strides = array<i32>} : memref<32x384xf32, #tpu.memory_space<vmem>>, vector<16xf32>,
        tpu.vector_store %arg18[%swap3A_316, %swap3A_317], %add3A_315 {strides = array<i32>} : memref<32x384xf32, #tpu.memory_space<vmem>>, vector<16xf32>,
        %get3A_319 = arith.index_cast %scan3A_138 : i32 to index
        %get3A_320 = arith.constant 208 : index
        %get3A_321 = tpu.vector_load %arg18[%get3A_319, %get3A_320] {strides = array<i32>} : memref<32x384xf32, #tpu.memory_space<vmem>>, vector<16xf32>,
        %get3A_322 = arith.index_cast %scan3A_138 : i32 to index
        %get3A_323 = arith.constant 208 : index
        %get3A_324 = tpu.vector_load %arg19[%get3A_322, %get3A_323] {strides = array<i32>} : memref<32x384xf32, #tpu.memory_space<vmem>>, vector<16xf32>,
        %add3A_325 = arith.addf %get3A_321, %get3A_324 : vector<16xf32>
        %get3A_326 = arith.index_cast %scan3A_138 : i32 to index
        %get3A_327 = arith.constant 208 : index
        %get3A_328 = tpu.vector_load %arg20[%get3A_326, %get3A_327] {strides = array<i32>} : memref<32x384xf32, #tpu.memory_space<vmem>>, vector<16xf32>,
        %add3A_329 = arith.addf %add3A_325, %get3A_328 : vector<16xf32>
        %swap3A_330 = arith.index_cast %scan3A_138 : i32 to index
        %swap3A_331 = arith.constant 208 : index
        %swap3A_332 = tpu.vector_load %arg18[%swap3A_330, %swap3A_331] {strides = array<i32>} : memref<32x384xf32, #tpu.memory_space<vmem>>, vector<16xf32>,
        tpu.vector_store %arg18[%swap3A_330, %swap3A_331], %add3A_329 {strides = array<i32>} : memref<32x384xf32, #tpu.memory_space<vmem>>, vector<16xf32>,
        %get3A_333 = arith.index_cast %scan3A_138 : i32 to index
        %get3A_334 = arith.constant 224 : index
        %get3A_335 = tpu.vector_load %arg18[%get3A_333, %get3A_334] {strides = array<i32>} : memref<32x384xf32, #tpu.memory_space<vmem>>, vector<16xf32>,
        %get3A_336 = arith.index_cast %scan3A_138 : i32 to index
        %get3A_337 = arith.constant 224 : index
        %get3A_338 = tpu.vector_load %arg19[%get3A_336, %get3A_337] {strides = array<i32>} : memref<32x384xf32, #tpu.memory_space<vmem>>, vector<16xf32>,
        %add3A_339 = arith.addf %get3A_335, %get3A_338 : vector<16xf32>
        %get3A_340 = arith.index_cast %scan3A_138 : i32 to index
        %get3A_341 = arith.constant 224 : index
        %get3A_342 = tpu.vector_load %arg20[%get3A_340, %get3A_341] {strides = array<i32>} : memref<32x384xf32, #tpu.memory_space<vmem>>, vector<16xf32>,
        %add3A_343 = arith.addf %add3A_339, %get3A_342 : vector<16xf32>
        %swap3A_344 = arith.index_cast %scan3A_138 : i32 to index
        %swap3A_345 = arith.constant 224 : index
        %swap3A_346 = tpu.vector_load %arg18[%swap3A_344, %swap3A_345] {strides = array<i32>} : memref<32x384xf32, #tpu.memory_space<vmem>>, vector<16xf32>,
        tpu.vector_store %arg18[%swap3A_344, %swap3A_345], %add3A_343 {strides = array<i32>} : memref<32x384xf32, #tpu.memory_space<vmem>>, vector<16xf32>,
        %get3A_347 = arith.index_cast %scan3A_138 : i32 to index
        %get3A_348 = arith.constant 240 : index
        %get3A_349 = tpu.vector_load %arg18[%get3A_347, %get3A_348] {strides = array<i32>} : memref<32x384xf32, #tpu.memory_space<vmem>>, vector<16xf32>,
        %get3A_350 = arith.index_cast %scan3A_138 : i32 to index
        %get3A_351 = arith.constant 240 : index
        %get3A_352 = tpu.vector_load %arg19[%get3A_350, %get3A_351] {strides = array<i32>} : memref<32x384xf32, #tpu.memory_space<vmem>>, vector<16xf32>,
        %add3A_353 = arith.addf %get3A_349, %get3A_352 : vector<16xf32>
        %get3A_354 = arith.index_cast %scan3A_138 : i32 to index
        %get3A_355 = arith.constant 240 : index
        %get3A_356 = tpu.vector_load %arg20[%get3A_354, %get3A_355] {strides = array<i32>} : memref<32x384xf32, #tpu.memory_space<vmem>>, vector<16xf32>,
        %add3A_357 = arith.addf %add3A_353, %get3A_356 : vector<16xf32>
        %swap3A_358 = arith.index_cast %scan3A_138 : i32 to index
        %swap3A_359 = arith.constant 240 : index
        %swap3A_360 = tpu.vector_load %arg18[%swap3A_358, %swap3A_359] {strides = array<i32>} : memref<32x384xf32, #tpu.memory_space<vmem>>, vector<16xf32>,
        tpu.vector_store %arg18[%swap3A_358, %swap3A_359], %add3A_357 {strides = array<i32>} : memref<32x384xf32, #tpu.memory_space<vmem>>, vector<16xf32>,
        %get3A_361 = arith.index_cast %scan3A_138 : i32 to index
        %get3A_362 = arith.constant 256 : index
        %get3A_363 = tpu.vector_load %arg18[%get3A_361, %get3A_362] {strides = array<i32>} : memref<32x384xf32, #tpu.memory_space<vmem>>, vector<16xf32>,
        %get3A_364 = arith.index_cast %scan3A_138 : i32 to index
        %get3A_365 = arith.constant 256 : index
        %get3A_366 = tpu.vector_load %arg19[%get3A_364, %get3A_365] {strides = array<i32>} : memref<32x384xf32, #tpu.memory_space<vmem>>, vector<16xf32>,
        %add3A_367 = arith.addf %get3A_363, %get3A_366 : vector<16xf32>
        %get3A_368 = arith.index_cast %scan3A_138 : i32 to index
        %get3A_369 = arith.constant 256 : index
        %get3A_370 = tpu.vector_load %arg20[%get3A_368, %get3A_369] {strides = array<i32>} : memref<32x384xf32, #tpu.memory_space<vmem>>, vector<16xf32>,
        %add3A_371 = arith.addf %add3A_367, %get3A_370 : vector<16xf32>
        %swap3A_372 = arith.index_cast %scan3A_138 : i32 to index
        %swap3A_373 = arith.constant 256 : index
        %swap3A_374 = tpu.vector_load %arg18[%swap3A_372, %swap3A_373] {strides = array<i32>} : memref<32x384xf32, #tpu.memory_space<vmem>>, vector<16xf32>,
        tpu.vector_store %arg18[%swap3A_372, %swap3A_373], %add3A_371 {strides = array<i32>} : memref<32x384xf32, #tpu.memory_space<vmem>>, vector<16xf32>,
        %get3A_375 = arith.index_cast %scan3A_138 : i32 to index
        %get3A_376 = arith.constant 272 : index
        %get3A_377 = tpu.vector_load %arg18[%get3A_375, %get3A_376] {strides = array<i32>} : memref<32x384xf32, #tpu.memory_space<vmem>>, vector<16xf32>,
        %get3A_378 = arith.index_cast %scan3A_138 : i32 to index
        %get3A_379 = arith.constant 272 : index
        %get3A_380 = tpu.vector_load %arg19[%get3A_378, %get3A_379] {strides = array<i32>} : memref<32x384xf32, #tpu.memory_space<vmem>>, vector<16xf32>,
        %add3A_381 = arith.addf %get3A_377, %get3A_380 : vector<16xf32>
        %get3A_382 = arith.index_cast %scan3A_138 : i32 to index
        %get3A_383 = arith.constant 272 : index
        %get3A_384 = tpu.vector_load %arg20[%get3A_382, %get3A_383] {strides = array<i32>} : memref<32x384xf32, #tpu.memory_space<vmem>>, vector<16xf32>,
        %add3A_385 = arith.addf %add3A_381, %get3A_384 : vector<16xf32>
        %swap3A_386 = arith.index_cast %scan3A_138 : i32 to index
        %swap3A_387 = arith.constant 272 : index
        %swap3A_388 = tpu.vector_load %arg18[%swap3A_386, %swap3A_387] {strides = array<i32>} : memref<32x384xf32, #tpu.memory_space<vmem>>, vector<16xf32>,
        tpu.vector_store %arg18[%swap3A_386, %swap3A_387], %add3A_385 {strides = array<i32>} : memref<32x384xf32, #tpu.memory_space<vmem>>, vector<16xf32>,
        %get3A_389 = arith.index_cast %scan3A_138 : i32 to index
        %get3A_390 = arith.constant 288 : index
        %get3A_391 = tpu.vector_load %arg18[%get3A_389, %get3A_390] {strides = array<i32>} : memref<32x384xf32, #tpu.memory_space<vmem>>, vector<16xf32>,
        %get3A_392 = arith.index_cast %scan3A_138 : i32 to index
        %get3A_393 = arith.constant 288 : index
        %get3A_394 = tpu.vector_load %arg19[%get3A_392, %get3A_393] {strides = array<i32>} : memref<32x384xf32, #tpu.memory_space<vmem>>, vector<16xf32>,
        %add3A_395 = arith.addf %get3A_391, %get3A_394 : vector<16xf32>
        %get3A_396 = arith.index_cast %scan3A_138 : i32 to index
        %get3A_397 = arith.constant 288 : index
        %get3A_398 = tpu.vector_load %arg20[%get3A_396, %get3A_397] {strides = array<i32>} : memref<32x384xf32, #tpu.memory_space<vmem>>, vector<16xf32>,
        %add3A_399 = arith.addf %add3A_395, %get3A_398 : vector<16xf32>
        %swap3A_400 = arith.index_cast %scan3A_138 : i32 to index
        %swap3A_401 = arith.constant 288 : index
        %swap3A_402 = tpu.vector_load %arg18[%swap3A_400, %swap3A_401] {strides = array<i32>} : memref<32x384xf32, #tpu.memory_space<vmem>>, vector<16xf32>,
        tpu.vector_store %arg18[%swap3A_400, %swap3A_401], %add3A_399 {strides = array<i32>} : memref<32x384xf32, #tpu.memory_space<vmem>>, vector<16xf32>,
        %get3A_403 = arith.index_cast %scan3A_138 : i32 to index
        %get3A_404 = arith.constant 304 : index
        %get3A_405 = tpu.vector_load %arg18[%get3A_403, %get3A_404] {strides = array<i32>} : memref<32x384xf32, #tpu.memory_space<vmem>>, vector<16xf32>,
        %get3A_406 = arith.index_cast %scan3A_138 : i32 to index
        %get3A_407 = arith.constant 304 : index
        %get3A_408 = tpu.vector_load %arg19[%get3A_406, %get3A_407] {strides = array<i32>} : memref<32x384xf32, #tpu.memory_space<vmem>>, vector<16xf32>,
        %add3A_409 = arith.addf %get3A_405, %get3A_408 : vector<16xf32>
        %get3A_410 = arith.index_cast %scan3A_138 : i32 to index
        %get3A_411 = arith.constant 304 : index
        %get3A_412 = tpu.vector_load %arg20[%get3A_410, %get3A_411] {strides = array<i32>} : memref<32x384xf32, #tpu.memory_space<vmem>>, vector<16xf32>,
        %add3A_413 = arith.addf %add3A_409, %get3A_412 : vector<16xf32>
        %swap3A_414 = arith.index_cast %scan3A_138 : i32 to index
        %swap3A_415 = arith.constant 304 : index
        %swap3A_416 = tpu.vector_load %arg18[%swap3A_414, %swap3A_415] {strides = array<i32>} : memref<32x384xf32, #tpu.memory_space<vmem>>, vector<16xf32>,
        tpu.vector_store %arg18[%swap3A_414, %swap3A_415], %add3A_413 {strides = array<i32>} : memref<32x384xf32, #tpu.memory_space<vmem>>, vector<16xf32>,
        %get3A_417 = arith.index_cast %scan3A_138 : i32 to index
        %get3A_418 = arith.constant 320 : index
        %get3A_419 = tpu.vector_load %arg18[%get3A_417, %get3A_418] {strides = array<i32>} : memref<32x384xf32, #tpu.memory_space<vmem>>, vector<16xf32>,
        %get3A_420 = arith.index_cast %scan3A_138 : i32 to index
        %get3A_421 = arith.constant 320 : index
        %get3A_422 = tpu.vector_load %arg19[%get3A_420, %get3A_421] {strides = array<i32>} : memref<32x384xf32, #tpu.memory_space<vmem>>, vector<16xf32>,
        %add3A_423 = arith.addf %get3A_419, %get3A_422 : vector<16xf32>
        %get3A_424 = arith.index_cast %scan3A_138 : i32 to index
        %get3A_425 = arith.constant 320 : index
        %get3A_426 = tpu.vector_load %arg20[%get3A_424, %get3A_425] {strides = array<i32>} : memref<32x384xf32, #tpu.memory_space<vmem>>, vector<16xf32>,
        %add3A_427 = arith.addf %add3A_423, %get3A_426 : vector<16xf32>
        %swap3A_428 = arith.index_cast %scan3A_138 : i32 to index
        %swap3A_429 = arith.constant 320 : index
        %swap3A_430 = tpu.vector_load %arg18[%swap3A_428, %swap3A_429] {strides = array<i32>} : memref<32x384xf32, #tpu.memory_space<vmem>>, vector<16xf32>,
        tpu.vector_store %arg18[%swap3A_428, %swap3A_429], %add3A_427 {strides = array<i32>} : memref<32x384xf32, #tpu.memory_space<vmem>>, vector<16xf32>,
        %get3A_431 = arith.index_cast %scan3A_138 : i32 to index
        %get3A_432 = arith.constant 336 : index
        %get3A_433 = tpu.vector_load %arg18[%get3A_431, %get3A_432] {strides = array<i32>} : memref<32x384xf32, #tpu.memory_space<vmem>>, vector<16xf32>,
        %get3A_434 = arith.index_cast %scan3A_138 : i32 to index
        %get3A_435 = arith.constant 336 : index
        %get3A_436 = tpu.vector_load %arg19[%get3A_434, %get3A_435] {strides = array<i32>} : memref<32x384xf32, #tpu.memory_space<vmem>>, vector<16xf32>,
        %add3A_437 = arith.addf %get3A_433, %get3A_436 : vector<16xf32>
        %get3A_438 = arith.index_cast %scan3A_138 : i32 to index
        %get3A_439 = arith.constant 336 : index
        %get3A_440 = tpu.vector_load %arg20[%get3A_438, %get3A_439] {strides = array<i32>} : memref<32x384xf32, #tpu.memory_space<vmem>>, vector<16xf32>,
        %add3A_441 = arith.addf %add3A_437, %get3A_440 : vector<16xf32>
        %swap3A_442 = arith.index_cast %scan3A_138 : i32 to index
        %swap3A_443 = arith.constant 336 : index
        %swap3A_444 = tpu.vector_load %arg18[%swap3A_442, %swap3A_443] {strides = array<i32>} : memref<32x384xf32, #tpu.memory_space<vmem>>, vector<16xf32>,
        tpu.vector_store %arg18[%swap3A_442, %swap3A_443], %add3A_441 {strides = array<i32>} : memref<32x384xf32, #tpu.memory_space<vmem>>, vector<16xf32>,
        %get3A_445 = arith.index_cast %scan3A_138 : i32 to index
        %get3A_446 = arith.constant 352 : index
        %get3A_447 = tpu.vector_load %arg18[%get3A_445, %get3A_446] {strides = array<i32>} : memref<32x384xf32, #tpu.memory_space<vmem>>, vector<16xf32>,
        %get3A_448 = arith.index_cast %scan3A_138 : i32 to index
        %get3A_449 = arith.constant 352 : index
        %get3A_450 = tpu.vector_load %arg19[%get3A_448, %get3A_449] {strides = array<i32>} : memref<32x384xf32, #tpu.memory_space<vmem>>, vector<16xf32>,
        %add3A_451 = arith.addf %get3A_447, %get3A_450 : vector<16xf32>
        %get3A_452 = arith.index_cast %scan3A_138 : i32 to index
        %get3A_453 = arith.constant 352 : index
        %get3A_454 = tpu.vector_load %arg20[%get3A_452, %get3A_453] {strides = array<i32>} : memref<32x384xf32, #tpu.memory_space<vmem>>, vector<16xf32>,
        %add3A_455 = arith.addf %add3A_451, %get3A_454 : vector<16xf32>
        %swap3A_456 = arith.index_cast %scan3A_138 : i32 to index
        %swap3A_457 = arith.constant 352 : index
        %swap3A_458 = tpu.vector_load %arg18[%swap3A_456, %swap3A_457] {strides = array<i32>} : memref<32x384xf32, #tpu.memory_space<vmem>>, vector<16xf32>,
        tpu.vector_store %arg18[%swap3A_456, %swap3A_457], %add3A_455 {strides = array<i32>} : memref<32x384xf32, #tpu.memory_space<vmem>>, vector<16xf32>,
        %get3A_459 = arith.index_cast %scan3A_138 : i32 to index
        %get3A_460 = arith.constant 368 : index
        %get3A_461 = tpu.vector_load %arg18[%get3A_459, %get3A_460] {strides = array<i32>} : memref<32x384xf32, #tpu.memory_space<vmem>>, vector<16xf32>,
        %get3A_462 = arith.index_cast %scan3A_138 : i32 to index
        %get3A_463 = arith.constant 368 : index
        %get3A_464 = tpu.vector_load %arg19[%get3A_462, %get3A_463] {strides = array<i32>} : memref<32x384xf32, #tpu.memory_space<vmem>>, vector<16xf32>,
        %add3A_465 = arith.addf %get3A_461, %get3A_464 : vector<16xf32>
        %get3A_466 = arith.index_cast %scan3A_138 : i32 to index
        %get3A_467 = arith.constant 368 : index
        %get3A_468 = tpu.vector_load %arg20[%get3A_466, %get3A_467] {strides = array<i32>} : memref<32x384xf32, #tpu.memory_space<vmem>>, vector<16xf32>,
        %add3A_469 = arith.addf %add3A_465, %get3A_468 : vector<16xf32>
        %swap3A_470 = arith.index_cast %scan3A_138 : i32 to index
        %swap3A_471 = arith.constant 368 : index
        %swap3A_472 = tpu.vector_load %arg18[%swap3A_470, %swap3A_471] {strides = array<i32>} : memref<32x384xf32, #tpu.memory_space<vmem>>, vector<16xf32>,
        tpu.vector_store %arg18[%swap3A_470, %swap3A_471], %add3A_469 {strides = array<i32>} : memref<32x384xf32, #tpu.memory_space<vmem>>, vector<16xf32>,
      }
      %scan3A_133 = arith.constant 32 : i32
      %mul3A_134 = arith.constant 32 : i32
      %mul3A_135 = arith.muli %add3A_118, %mul3A_134 : i32
      %add3A_136 = arith.addi %mul3A_2, %mul3A_135 : i32
      %multiple_of3A_137 = tpu.assume_multiple %add3A_136, 8 : i32
      "tpu.region"() ({
        %run_scoped3A = tpu.sem_alloc : memref<!tpu.dma_semaphore, #tpu.memory_space<semaphore_mem>>
        %dma_start3A_138 = arith.constant 0 : i32
        %dma_start3A_139 = tpu.memref_slice %arg8[%multiple_of3A_137, %dma_start3A_138] : memref<100352x384xf32, #tpu.memory_space<hbm>> -> memref<32x384xf32, #tpu.memory_space<hbm>>
        %dma_start3A_140 = arith.constant 0 : i32
        %dma_start3A_141 = tpu.memref_slice %arg8[%multiple_of3A_137, %dma_start3A_140] : memref<100352x384xf32, #tpu.memory_space<hbm>> -> memref<32x384xf32, #tpu.memory_space<hbm>>
        tpu.enqueue_dma source(%arg18 : memref<32x384xf32, #tpu.memory_space<vmem>>) target(%dma_start3A_141 : memref<32x384xf32, #tpu.memory_space<hbm>>) target_semaphore(%run_scoped3A : memref<!tpu.dma_semaphore, #tpu.memory_space<semaphore_mem>>)
        %dma_wait3A_142 = arith.constant 0 : i32
        %dma_wait3A_143 = tpu.memref_slice %arg8[%multiple_of3A_137, %dma_wait3A_142] : memref<100352x384xf32, #tpu.memory_space<hbm>> -> memref<32x384xf32, #tpu.memory_space<hbm>>
        %dma_wait3A_144 = arith.constant 0 : i32
        %dma_wait3A_145 = tpu.memref_slice %arg8[%multiple_of3A_137, %dma_wait3A_144] : memref<100352x384xf32, #tpu.memory_space<hbm>> -> memref<32x384xf32, #tpu.memory_space<hbm>>
        tpu.wait_dma2 semaphore(%run_scoped3A : memref<!tpu.dma_semaphore, #tpu.memory_space<semaphore_mem>>) src(%arg18 : memref<32x384xf32, #tpu.memory_space<vmem>>) dst(%dma_wait3A_145 : memref<32x384xf32, #tpu.memory_space<hbm>>)
        tpu.yield
      }) : () -> ()
    }
    %scan3A_17 = arith.constant 48 : i32
    %add3A_18 = arith.constant 3104 : i32
    %add3A_19 = arith.addi %mul3A_2, %add3A_18 : i32
    %multiple_of3A_20 = tpu.assume_multiple %add3A_19, 8 : i32
    "tpu.region"() ({
      %run_scoped3A = tpu.sem_alloc : memref<!tpu.dma_semaphore, #tpu.memory_space<semaphore_mem>>
      %dma_start3A_65 = tpu.memref_slice %arg5[%multiple_of3A_20] : memref<100352xi32, #tpu.memory_space<hbm>> -> memref<32xi32, #tpu.memory_space<hbm>>
      %dma_start3A_66 = tpu.memref_slice %arg5[%multiple_of3A_20] : memref<100352xi32, #tpu.memory_space<hbm>> -> memref<32xi32, #tpu.memory_space<hbm>>
      tpu.enqueue_dma source(%dma_start3A_66 : memref<32xi32, #tpu.memory_space<hbm>>) target(%arg12 : memref<32xi32, #tpu.memory_space<vmem>>) target_semaphore(%run_scoped3A : memref<!tpu.dma_semaphore, #tpu.memory_space<semaphore_mem>>)
      %dma_wait3A_67 = tpu.memref_slice %arg5[%multiple_of3A_20] : memref<100352xi32, #tpu.memory_space<hbm>> -> memref<32xi32, #tpu.memory_space<hbm>>
      %dma_wait3A_68 = tpu.memref_slice %arg5[%multiple_of3A_20] : memref<100352xi32, #tpu.memory_space<hbm>> -> memref<32xi32, #tpu.memory_space<hbm>>
      tpu.wait_dma2 semaphore(%run_scoped3A : memref<!tpu.dma_semaphore, #tpu.memory_space<semaphore_mem>>) src(%dma_wait3A_68 : memref<32xi32, #tpu.memory_space<hbm>>) dst(%arg12 : memref<32xi32, #tpu.memory_space<vmem>>)
      tpu.yield
    }) : () -> ()
    "tpu.region"() ({
      %run_scoped3A = tpu.sem_alloc : memref<!tpu.dma_semaphore, #tpu.memory_space<semaphore_mem>>
      %dma_start3A_65 = tpu.memref_slice %arg6[%multiple_of3A_20] : memref<100352xi32, #tpu.memory_space<hbm>> -> memref<32xi32, #tpu.memory_space<hbm>>
      %dma_start3A_66 = tpu.memref_slice %arg6[%multiple_of3A_20] : memref<100352xi32, #tpu.memory_space<hbm>> -> memref<32xi32, #tpu.memory_space<hbm>>
      tpu.enqueue_dma source(%dma_start3A_66 : memref<32xi32, #tpu.memory_space<hbm>>) target(%arg13 : memref<32xi32, #tpu.memory_space<vmem>>) target_semaphore(%run_scoped3A : memref<!tpu.dma_semaphore, #tpu.memory_space<semaphore_mem>>)
      %dma_wait3A_67 = tpu.memref_slice %arg6[%multiple_of3A_20] : memref<100352xi32, #tpu.memory_space<hbm>> -> memref<32xi32, #tpu.memory_space<hbm>>
      %dma_wait3A_68 = tpu.memref_slice %arg6[%multiple_of3A_20] : memref<100352xi32, #tpu.memory_space<hbm>> -> memref<32xi32, #tpu.memory_space<hbm>>
      tpu.wait_dma2 semaphore(%run_scoped3A : memref<!tpu.dma_semaphore, #tpu.memory_space<semaphore_mem>>) src(%dma_wait3A_68 : memref<32xi32, #tpu.memory_space<hbm>>) dst(%arg13 : memref<32xi32, #tpu.memory_space<vmem>>)
      tpu.yield
    }) : () -> ()
    "tpu.region"() ({
      %run_scoped3A = tpu.sem_alloc : memref<!tpu.dma_semaphore, #tpu.memory_space<semaphore_mem>>
      %dma_start3A_65 = tpu.memref_slice %arg7[%multiple_of3A_20] : memref<100352xi32, #tpu.memory_space<hbm>> -> memref<32xi32, #tpu.memory_space<hbm>>
      %dma_start3A_66 = tpu.memref_slice %arg7[%multiple_of3A_20] : memref<100352xi32, #tpu.memory_space<hbm>> -> memref<32xi32, #tpu.memory_space<hbm>>
      tpu.enqueue_dma source(%dma_start3A_66 : memref<32xi32, #tpu.memory_space<hbm>>) target(%arg14 : memref<32xi32, #tpu.memory_space<vmem>>) target_semaphore(%run_scoped3A : memref<!tpu.dma_semaphore, #tpu.memory_space<semaphore_mem>>)
      %dma_wait3A_67 = tpu.memref_slice %arg7[%multiple_of3A_20] : memref<100352xi32, #tpu.memory_space<hbm>> -> memref<32xi32, #tpu.memory_space<hbm>>
      %dma_wait3A_68 = tpu.memref_slice %arg7[%multiple_of3A_20] : memref<100352xi32, #tpu.memory_space<hbm>> -> memref<32xi32, #tpu.memory_space<hbm>>
      tpu.wait_dma2 semaphore(%run_scoped3A : memref<!tpu.dma_semaphore, #tpu.memory_space<semaphore_mem>>) src(%dma_wait3A_68 : memref<32xi32, #tpu.memory_space<hbm>>) dst(%arg14 : memref<32xi32, #tpu.memory_space<vmem>>)
      tpu.yield
    }) : () -> ()
    %dma_start3A_21 = arith.constant 0 : i32
    %dma_start3A_22 = arith.constant 0 : i32
    %dma_start3A_23 = tpu.memref_slice %arg2[%dma_start3A_21, %dma_start3A_22] : memref<10000x384xf32, #tpu.memory_space<hbm>> -> memref<10000x384xf32, #tpu.memory_space<hbm>>
    tpu.enqueue_indirect_dma source(%dma_start3A_23 : memref<10000x384xf32, #tpu.memory_space<hbm>>) target(%arg18 : memref<32x384xf32, #tpu.memory_space<vmem>>) offsets(%arg12 : memref<32xi32, #tpu.memory_space<vmem>>) semaphore(%arg24 : memref<!tpu.dma_semaphore, #tpu.memory_space<semaphore_mem>>)
    %dma_start3A_24 = arith.constant 0 : i32
    %dma_start3A_25 = arith.constant 0 : i32
    %dma_start3A_26 = tpu.memref_slice %arg3[%dma_start3A_24, %dma_start3A_25] : memref<10000x384xf32, #tpu.memory_space<hbm>> -> memref<10000x384xf32, #tpu.memory_space<hbm>>
    tpu.enqueue_indirect_dma source(%dma_start3A_26 : memref<10000x384xf32, #tpu.memory_space<hbm>>) target(%arg19 : memref<32x384xf32, #tpu.memory_space<vmem>>) offsets(%arg13 : memref<32xi32, #tpu.memory_space<vmem>>) semaphore(%arg25 : memref<!tpu.dma_semaphore, #tpu.memory_space<semaphore_mem>>)
    %dma_start3A_27 = arith.constant 0 : i32
    %dma_start3A_28 = arith.constant 0 : i32
    %dma_start3A_29 = tpu.memref_slice %arg4[%dma_start3A_27, %dma_start3A_28] : memref<10000x384xf32, #tpu.memory_space<hbm>> -> memref<10000x384xf32, #tpu.memory_space<hbm>>
    tpu.enqueue_indirect_dma source(%dma_start3A_29 : memref<10000x384xf32, #tpu.memory_space<hbm>>) target(%arg20 : memref<32x384xf32, #tpu.memory_space<vmem>>) offsets(%arg14 : memref<32xi32, #tpu.memory_space<vmem>>) semaphore(%arg26 : memref<!tpu.dma_semaphore, #tpu.memory_space<semaphore_mem>>)
    %dma_wait3A = arith.constant 0 : i32
    %dma_wait3A_30 = arith.constant 0 : i32
    %dma_wait3A_31 = tpu.memref_slice %arg2[%dma_wait3A, %dma_wait3A_30] : memref<10000x384xf32, #tpu.memory_space<hbm>> -> memref<10000x384xf32, #tpu.memory_space<hbm>>
    tpu.wait_indirect_dma semaphore(%arg21 : memref<!tpu.dma_semaphore, #tpu.memory_space<semaphore_mem>>) src(%dma_wait3A_31 : memref<10000x384xf32, #tpu.memory_space<hbm>>) dst(%arg15 : memref<32x384xf32, #tpu.memory_space<vmem>>)
    %dma_wait3A_32 = arith.constant 0 : i32
    %dma_wait3A_33 = arith.constant 0 : i32
    %dma_wait3A_34 = tpu.memref_slice %arg3[%dma_wait3A_32, %dma_wait3A_33] : memref<10000x384xf32, #tpu.memory_space<hbm>> -> memref<10000x384xf32, #tpu.memory_space<hbm>>
    tpu.wait_indirect_dma semaphore(%arg22 : memref<!tpu.dma_semaphore, #tpu.memory_space<semaphore_mem>>) src(%dma_wait3A_34 : memref<10000x384xf32, #tpu.memory_space<hbm>>) dst(%arg16 : memref<32x384xf32, #tpu.memory_space<vmem>>)
    %dma_wait3A_35 = arith.constant 0 : i32
    %dma_wait3A_36 = arith.constant 0 : i32
    %dma_wait3A_37 = tpu.memref_slice %arg4[%dma_wait3A_35, %dma_wait3A_36] : memref<10000x384xf32, #tpu.memory_space<hbm>> -> memref<10000x384xf32, #tpu.memory_space<hbm>>
    tpu.wait_indirect_dma semaphore(%arg23 : memref<!tpu.dma_semaphore, #tpu.memory_space<semaphore_mem>>) src(%dma_wait3A_37 : memref<10000x384xf32, #tpu.memory_space<hbm>>) dst(%arg17 : memref<32x384xf32, #tpu.memory_space<vmem>>)
    %scan3A_38 = arith.constant 0 : i32
    %scan3A_39 = arith.constant 0 : i32
    %scan3A_40 = arith.constant 32 : i32
    %scan3A_41 = arith.addi %scan3A_39, %scan3A_40 : i32
    %scan3A_42 = arith.constant 1 : i32
    scf.for %scan3A_65 = %scan3A_39 to %scan3A_41 step %scan3A_42  : i32 {
      %get3A = arith.index_cast %scan3A_65 : i32 to index
      %get3A_66 = arith.constant 0 : index
      %get3A_67 = tpu.vector_load %arg15[%get3A, %get3A_66] {strides = array<i32>} : memref<32x384xf32, #tpu.memory_space<vmem>>, vector<16xf32>,
      %get3A_68 = arith.index_cast %scan3A_65 : i32 to index
      %get3A_69 = arith.constant 0 : index
      %get3A_70 = tpu.vector_load %arg16[%get3A_68, %get3A_69] {strides = array<i32>} : memref<32x384xf32, #tpu.memory_space<vmem>>, vector<16xf32>,
      %add3A_71 = arith.addf %get3A_67, %get3A_70 : vector<16xf32>
      %get3A_72 = arith.index_cast %scan3A_65 : i32 to index
      %get3A_73 = arith.constant 0 : index
      %get3A_74 = tpu.vector_load %arg17[%get3A_72, %get3A_73] {strides = array<i32>} : memref<32x384xf32, #tpu.memory_space<vmem>>, vector<16xf32>,
      %add3A_75 = arith.addf %add3A_71, %get3A_74 : vector<16xf32>
      %swap3A = arith.index_cast %scan3A_65 : i32 to index
      %swap3A_76 = arith.constant 0 : index
      %swap3A_77 = tpu.vector_load %arg15[%swap3A, %swap3A_76] {strides = array<i32>} : memref<32x384xf32, #tpu.memory_space<vmem>>, vector<16xf32>,
      tpu.vector_store %arg15[%swap3A, %swap3A_76], %add3A_75 {strides = array<i32>} : memref<32x384xf32, #tpu.memory_space<vmem>>, vector<16xf32>,
      %get3A_78 = arith.index_cast %scan3A_65 : i32 to index
      %get3A_79 = arith.constant 16 : index
      %get3A_80 = tpu.vector_load %arg15[%get3A_78, %get3A_79] {strides = array<i32>} : memref<32x384xf32, #tpu.memory_space<vmem>>, vector<16xf32>,
      %get3A_81 = arith.index_cast %scan3A_65 : i32 to index
      %get3A_82 = arith.constant 16 : index
      %get3A_83 = tpu.vector_load %arg16[%get3A_81, %get3A_82] {strides = array<i32>} : memref<32x384xf32, #tpu.memory_space<vmem>>, vector<16xf32>,
      %add3A_84 = arith.addf %get3A_80, %get3A_83 : vector<16xf32>
      %get3A_85 = arith.index_cast %scan3A_65 : i32 to index
      %get3A_86 = arith.constant 16 : index
      %get3A_87 = tpu.vector_load %arg17[%get3A_85, %get3A_86] {strides = array<i32>} : memref<32x384xf32, #tpu.memory_space<vmem>>, vector<16xf32>,
      %add3A_88 = arith.addf %add3A_84, %get3A_87 : vector<16xf32>
      %swap3A_89 = arith.index_cast %scan3A_65 : i32 to index
      %swap3A_90 = arith.constant 16 : index
      %swap3A_91 = tpu.vector_load %arg15[%swap3A_89, %swap3A_90] {strides = array<i32>} : memref<32x384xf32, #tpu.memory_space<vmem>>, vector<16xf32>,
      tpu.vector_store %arg15[%swap3A_89, %swap3A_90], %add3A_88 {strides = array<i32>} : memref<32x384xf32, #tpu.memory_space<vmem>>, vector<16xf32>,
      %get3A_92 = arith.index_cast %scan3A_65 : i32 to index
      %get3A_93 = arith.constant 32 : index
      %get3A_94 = tpu.vector_load %arg15[%get3A_92, %get3A_93] {strides = array<i32>} : memref<32x384xf32, #tpu.memory_space<vmem>>, vector<16xf32>,
      %get3A_95 = arith.index_cast %scan3A_65 : i32 to index
      %get3A_96 = arith.constant 32 : index
      %get3A_97 = tpu.vector_load %arg16[%get3A_95, %get3A_96] {strides = array<i32>} : memref<32x384xf32, #tpu.memory_space<vmem>>, vector<16xf32>,
      %add3A_98 = arith.addf %get3A_94, %get3A_97 : vector<16xf32>
      %get3A_99 = arith.index_cast %scan3A_65 : i32 to index
      %get3A_100 = arith.constant 32 : index
      %get3A_101 = tpu.vector_load %arg17[%get3A_99, %get3A_100] {strides = array<i32>} : memref<32x384xf32, #tpu.memory_space<vmem>>, vector<16xf32>,
      %add3A_102 = arith.addf %add3A_98, %get3A_101 : vector<16xf32>
      %swap3A_103 = arith.index_cast %scan3A_65 : i32 to index
      %swap3A_104 = arith.constant 32 : index
      %swap3A_105 = tpu.vector_load %arg15[%swap3A_103, %swap3A_104] {strides = array<i32>} : memref<32x384xf32, #tpu.memory_space<vmem>>, vector<16xf32>,
      tpu.vector_store %arg15[%swap3A_103, %swap3A_104], %add3A_102 {strides = array<i32>} : memref<32x384xf32, #tpu.memory_space<vmem>>, vector<16xf32>,
      %get3A_106 = arith.index_cast %scan3A_65 : i32 to index
      %get3A_107 = arith.constant 48 : index
      %get3A_108 = tpu.vector_load %arg15[%get3A_106, %get3A_107] {strides = array<i32>} : memref<32x384xf32, #tpu.memory_space<vmem>>, vector<16xf32>,
      %get3A_109 = arith.index_cast %scan3A_65 : i32 to index
      %get3A_110 = arith.constant 48 : index
      %get3A_111 = tpu.vector_load %arg16[%get3A_109, %get3A_110] {strides = array<i32>} : memref<32x384xf32, #tpu.memory_space<vmem>>, vector<16xf32>,
      %add3A_112 = arith.addf %get3A_108, %get3A_111 : vector<16xf32>
      %get3A_113 = arith.index_cast %scan3A_65 : i32 to index
      %get3A_114 = arith.constant 48 : index
      %get3A_115 = tpu.vector_load %arg17[%get3A_113, %get3A_114] {strides = array<i32>} : memref<32x384xf32, #tpu.memory_space<vmem>>, vector<16xf32>,
      %add3A_116 = arith.addf %add3A_112, %get3A_115 : vector<16xf32>
      %swap3A_117 = arith.index_cast %scan3A_65 : i32 to index
      %swap3A_118 = arith.constant 48 : index
      %swap3A_119 = tpu.vector_load %arg15[%swap3A_117, %swap3A_118] {strides = array<i32>} : memref<32x384xf32, #tpu.memory_space<vmem>>, vector<16xf32>,
      tpu.vector_store %arg15[%swap3A_117, %swap3A_118], %add3A_116 {strides = array<i32>} : memref<32x384xf32, #tpu.memory_space<vmem>>, vector<16xf32>,
      %get3A_120 = arith.index_cast %scan3A_65 : i32 to index
      %get3A_121 = arith.constant 64 : index
      %get3A_122 = tpu.vector_load %arg15[%get3A_120, %get3A_121] {strides = array<i32>} : memref<32x384xf32, #tpu.memory_space<vmem>>, vector<16xf32>,
      %get3A_123 = arith.index_cast %scan3A_65 : i32 to index
      %get3A_124 = arith.constant 64 : index
      %get3A_125 = tpu.vector_load %arg16[%get3A_123, %get3A_124] {strides = array<i32>} : memref<32x384xf32, #tpu.memory_space<vmem>>, vector<16xf32>,
      %add3A_126 = arith.addf %get3A_122, %get3A_125 : vector<16xf32>
      %get3A_127 = arith.index_cast %scan3A_65 : i32 to index
      %get3A_128 = arith.constant 64 : index
      %get3A_129 = tpu.vector_load %arg17[%get3A_127, %get3A_128] {strides = array<i32>} : memref<32x384xf32, #tpu.memory_space<vmem>>, vector<16xf32>,
      %add3A_130 = arith.addf %add3A_126, %get3A_129 : vector<16xf32>
      %swap3A_131 = arith.index_cast %scan3A_65 : i32 to index
      %swap3A_132 = arith.constant 64 : index
      %swap3A_133 = tpu.vector_load %arg15[%swap3A_131, %swap3A_132] {strides = array<i32>} : memref<32x384xf32, #tpu.memory_space<vmem>>, vector<16xf32>,
      tpu.vector_store %arg15[%swap3A_131, %swap3A_132], %add3A_130 {strides = array<i32>} : memref<32x384xf32, #tpu.memory_space<vmem>>, vector<16xf32>,
      %get3A_134 = arith.index_cast %scan3A_65 : i32 to index
      %get3A_135 = arith.constant 80 : index
      %get3A_136 = tpu.vector_load %arg15[%get3A_134, %get3A_135] {strides = array<i32>} : memref<32x384xf32, #tpu.memory_space<vmem>>, vector<16xf32>,
      %get3A_137 = arith.index_cast %scan3A_65 : i32 to index
      %get3A_138 = arith.constant 80 : index
      %get3A_139 = tpu.vector_load %arg16[%get3A_137, %get3A_138] {strides = array<i32>} : memref<32x384xf32, #tpu.memory_space<vmem>>, vector<16xf32>,
      %add3A_140 = arith.addf %get3A_136, %get3A_139 : vector<16xf32>
      %get3A_141 = arith.index_cast %scan3A_65 : i32 to index
      %get3A_142 = arith.constant 80 : index
      %get3A_143 = tpu.vector_load %arg17[%get3A_141, %get3A_142] {strides = array<i32>} : memref<32x384xf32, #tpu.memory_space<vmem>>, vector<16xf32>,
      %add3A_144 = arith.addf %add3A_140, %get3A_143 : vector<16xf32>
      %swap3A_145 = arith.index_cast %scan3A_65 : i32 to index
      %swap3A_146 = arith.constant 80 : index
      %swap3A_147 = tpu.vector_load %arg15[%swap3A_145, %swap3A_146] {strides = array<i32>} : memref<32x384xf32, #tpu.memory_space<vmem>>, vector<16xf32>,
      tpu.vector_store %arg15[%swap3A_145, %swap3A_146], %add3A_144 {strides = array<i32>} : memref<32x384xf32, #tpu.memory_space<vmem>>, vector<16xf32>,
      %get3A_148 = arith.index_cast %scan3A_65 : i32 to index
      %get3A_149 = arith.constant 96 : index
      %get3A_150 = tpu.vector_load %arg15[%get3A_148, %get3A_149] {strides = array<i32>} : memref<32x384xf32, #tpu.memory_space<vmem>>, vector<16xf32>,
      %get3A_151 = arith.index_cast %scan3A_65 : i32 to index
      %get3A_152 = arith.constant 96 : index
      %get3A_153 = tpu.vector_load %arg16[%get3A_151, %get3A_152] {strides = array<i32>} : memref<32x384xf32, #tpu.memory_space<vmem>>, vector<16xf32>,
      %add3A_154 = arith.addf %get3A_150, %get3A_153 : vector<16xf32>
      %get3A_155 = arith.index_cast %scan3A_65 : i32 to index
      %get3A_156 = arith.constant 96 : index
      %get3A_157 = tpu.vector_load %arg17[%get3A_155, %get3A_156] {strides = array<i32>} : memref<32x384xf32, #tpu.memory_space<vmem>>, vector<16xf32>,
      %add3A_158 = arith.addf %add3A_154, %get3A_157 : vector<16xf32>
      %swap3A_159 = arith.index_cast %scan3A_65 : i32 to index
      %swap3A_160 = arith.constant 96 : index
      %swap3A_161 = tpu.vector_load %arg15[%swap3A_159, %swap3A_160] {strides = array<i32>} : memref<32x384xf32, #tpu.memory_space<vmem>>, vector<16xf32>,
      tpu.vector_store %arg15[%swap3A_159, %swap3A_160], %add3A_158 {strides = array<i32>} : memref<32x384xf32, #tpu.memory_space<vmem>>, vector<16xf32>,
      %get3A_162 = arith.index_cast %scan3A_65 : i32 to index
      %get3A_163 = arith.constant 112 : index
      %get3A_164 = tpu.vector_load %arg15[%get3A_162, %get3A_163] {strides = array<i32>} : memref<32x384xf32, #tpu.memory_space<vmem>>, vector<16xf32>,
      %get3A_165 = arith.index_cast %scan3A_65 : i32 to index
      %get3A_166 = arith.constant 112 : index
      %get3A_167 = tpu.vector_load %arg16[%get3A_165, %get3A_166] {strides = array<i32>} : memref<32x384xf32, #tpu.memory_space<vmem>>, vector<16xf32>,
      %add3A_168 = arith.addf %get3A_164, %get3A_167 : vector<16xf32>
      %get3A_169 = arith.index_cast %scan3A_65 : i32 to index
      %get3A_170 = arith.constant 112 : index
      %get3A_171 = tpu.vector_load %arg17[%get3A_169, %get3A_170] {strides = array<i32>} : memref<32x384xf32, #tpu.memory_space<vmem>>, vector<16xf32>,
      %add3A_172 = arith.addf %add3A_168, %get3A_171 : vector<16xf32>
      %swap3A_173 = arith.index_cast %scan3A_65 : i32 to index
      %swap3A_174 = arith.constant 112 : index
      %swap3A_175 = tpu.vector_load %arg15[%swap3A_173, %swap3A_174] {strides = array<i32>} : memref<32x384xf32, #tpu.memory_space<vmem>>, vector<16xf32>,
      tpu.vector_store %arg15[%swap3A_173, %swap3A_174], %add3A_172 {strides = array<i32>} : memref<32x384xf32, #tpu.memory_space<vmem>>, vector<16xf32>,
      %get3A_176 = arith.index_cast %scan3A_65 : i32 to index
      %get3A_177 = arith.constant 128 : index
      %get3A_178 = tpu.vector_load %arg15[%get3A_176, %get3A_177] {strides = array<i32>} : memref<32x384xf32, #tpu.memory_space<vmem>>, vector<16xf32>,
      %get3A_179 = arith.index_cast %scan3A_65 : i32 to index
      %get3A_180 = arith.constant 128 : index
      %get3A_181 = tpu.vector_load %arg16[%get3A_179, %get3A_180] {strides = array<i32>} : memref<32x384xf32, #tpu.memory_space<vmem>>, vector<16xf32>,
      %add3A_182 = arith.addf %get3A_178, %get3A_181 : vector<16xf32>
      %get3A_183 = arith.index_cast %scan3A_65 : i32 to index
      %get3A_184 = arith.constant 128 : index
      %get3A_185 = tpu.vector_load %arg17[%get3A_183, %get3A_184] {strides = array<i32>} : memref<32x384xf32, #tpu.memory_space<vmem>>, vector<16xf32>,
      %add3A_186 = arith.addf %add3A_182, %get3A_185 : vector<16xf32>
      %swap3A_187 = arith.index_cast %scan3A_65 : i32 to index
      %swap3A_188 = arith.constant 128 : index
      %swap3A_189 = tpu.vector_load %arg15[%swap3A_187, %swap3A_188] {strides = array<i32>} : memref<32x384xf32, #tpu.memory_space<vmem>>, vector<16xf32>,
      tpu.vector_store %arg15[%swap3A_187, %swap3A_188], %add3A_186 {strides = array<i32>} : memref<32x384xf32, #tpu.memory_space<vmem>>, vector<16xf32>,
      %get3A_190 = arith.index_cast %scan3A_65 : i32 to index
      %get3A_191 = arith.constant 144 : index
      %get3A_192 = tpu.vector_load %arg15[%get3A_190, %get3A_191] {strides = array<i32>} : memref<32x384xf32, #tpu.memory_space<vmem>>, vector<16xf32>,
      %get3A_193 = arith.index_cast %scan3A_65 : i32 to index
      %get3A_194 = arith.constant 144 : index
      %get3A_195 = tpu.vector_load %arg16[%get3A_193, %get3A_194] {strides = array<i32>} : memref<32x384xf32, #tpu.memory_space<vmem>>, vector<16xf32>,
      %add3A_196 = arith.addf %get3A_192, %get3A_195 : vector<16xf32>
      %get3A_197 = arith.index_cast %scan3A_65 : i32 to index
      %get3A_198 = arith.constant 144 : index
      %get3A_199 = tpu.vector_load %arg17[%get3A_197, %get3A_198] {strides = array<i32>} : memref<32x384xf32, #tpu.memory_space<vmem>>, vector<16xf32>,
      %add3A_200 = arith.addf %add3A_196, %get3A_199 : vector<16xf32>
      %swap3A_201 = arith.index_cast %scan3A_65 : i32 to index
      %swap3A_202 = arith.constant 144 : index
      %swap3A_203 = tpu.vector_load %arg15[%swap3A_201, %swap3A_202] {strides = array<i32>} : memref<32x384xf32, #tpu.memory_space<vmem>>, vector<16xf32>,
      tpu.vector_store %arg15[%swap3A_201, %swap3A_202], %add3A_200 {strides = array<i32>} : memref<32x384xf32, #tpu.memory_space<vmem>>, vector<16xf32>,
      %get3A_204 = arith.index_cast %scan3A_65 : i32 to index
      %get3A_205 = arith.constant 160 : index
      %get3A_206 = tpu.vector_load %arg15[%get3A_204, %get3A_205] {strides = array<i32>} : memref<32x384xf32, #tpu.memory_space<vmem>>, vector<16xf32>,
      %get3A_207 = arith.index_cast %scan3A_65 : i32 to index
      %get3A_208 = arith.constant 160 : index
      %get3A_209 = tpu.vector_load %arg16[%get3A_207, %get3A_208] {strides = array<i32>} : memref<32x384xf32, #tpu.memory_space<vmem>>, vector<16xf32>,
      %add3A_210 = arith.addf %get3A_206, %get3A_209 : vector<16xf32>
      %get3A_211 = arith.index_cast %scan3A_65 : i32 to index
      %get3A_212 = arith.constant 160 : index
      %get3A_213 = tpu.vector_load %arg17[%get3A_211, %get3A_212] {strides = array<i32>} : memref<32x384xf32, #tpu.memory_space<vmem>>, vector<16xf32>,
      %add3A_214 = arith.addf %add3A_210, %get3A_213 : vector<16xf32>
      %swap3A_215 = arith.index_cast %scan3A_65 : i32 to index
      %swap3A_216 = arith.constant 160 : index
      %swap3A_217 = tpu.vector_load %arg15[%swap3A_215, %swap3A_216] {strides = array<i32>} : memref<32x384xf32, #tpu.memory_space<vmem>>, vector<16xf32>,
      tpu.vector_store %arg15[%swap3A_215, %swap3A_216], %add3A_214 {strides = array<i32>} : memref<32x384xf32, #tpu.memory_space<vmem>>, vector<16xf32>,
      %get3A_218 = arith.index_cast %scan3A_65 : i32 to index
      %get3A_219 = arith.constant 176 : index
      %get3A_220 = tpu.vector_load %arg15[%get3A_218, %get3A_219] {strides = array<i32>} : memref<32x384xf32, #tpu.memory_space<vmem>>, vector<16xf32>,
      %get3A_221 = arith.index_cast %scan3A_65 : i32 to index
      %get3A_222 = arith.constant 176 : index
      %get3A_223 = tpu.vector_load %arg16[%get3A_221, %get3A_222] {strides = array<i32>} : memref<32x384xf32, #tpu.memory_space<vmem>>, vector<16xf32>,
      %add3A_224 = arith.addf %get3A_220, %get3A_223 : vector<16xf32>
      %get3A_225 = arith.index_cast %scan3A_65 : i32 to index
      %get3A_226 = arith.constant 176 : index
      %get3A_227 = tpu.vector_load %arg17[%get3A_225, %get3A_226] {strides = array<i32>} : memref<32x384xf32, #tpu.memory_space<vmem>>, vector<16xf32>,
      %add3A_228 = arith.addf %add3A_224, %get3A_227 : vector<16xf32>
      %swap3A_229 = arith.index_cast %scan3A_65 : i32 to index
      %swap3A_230 = arith.constant 176 : index
      %swap3A_231 = tpu.vector_load %arg15[%swap3A_229, %swap3A_230] {strides = array<i32>} : memref<32x384xf32, #tpu.memory_space<vmem>>, vector<16xf32>,
      tpu.vector_store %arg15[%swap3A_229, %swap3A_230], %add3A_228 {strides = array<i32>} : memref<32x384xf32, #tpu.memory_space<vmem>>, vector<16xf32>,
      %get3A_232 = arith.index_cast %scan3A_65 : i32 to index
      %get3A_233 = arith.constant 192 : index
      %get3A_234 = tpu.vector_load %arg15[%get3A_232, %get3A_233] {strides = array<i32>} : memref<32x384xf32, #tpu.memory_space<vmem>>, vector<16xf32>,
      %get3A_235 = arith.index_cast %scan3A_65 : i32 to index
      %get3A_236 = arith.constant 192 : index
      %get3A_237 = tpu.vector_load %arg16[%get3A_235, %get3A_236] {strides = array<i32>} : memref<32x384xf32, #tpu.memory_space<vmem>>, vector<16xf32>,
      %add3A_238 = arith.addf %get3A_234, %get3A_237 : vector<16xf32>
      %get3A_239 = arith.index_cast %scan3A_65 : i32 to index
      %get3A_240 = arith.constant 192 : index
      %get3A_241 = tpu.vector_load %arg17[%get3A_239, %get3A_240] {strides = array<i32>} : memref<32x384xf32, #tpu.memory_space<vmem>>, vector<16xf32>,
      %add3A_242 = arith.addf %add3A_238, %get3A_241 : vector<16xf32>
      %swap3A_243 = arith.index_cast %scan3A_65 : i32 to index
      %swap3A_244 = arith.constant 192 : index
      %swap3A_245 = tpu.vector_load %arg15[%swap3A_243, %swap3A_244] {strides = array<i32>} : memref<32x384xf32, #tpu.memory_space<vmem>>, vector<16xf32>,
      tpu.vector_store %arg15[%swap3A_243, %swap3A_244], %add3A_242 {strides = array<i32>} : memref<32x384xf32, #tpu.memory_space<vmem>>, vector<16xf32>,
      %get3A_246 = arith.index_cast %scan3A_65 : i32 to index
      %get3A_247 = arith.constant 208 : index
      %get3A_248 = tpu.vector_load %arg15[%get3A_246, %get3A_247] {strides = array<i32>} : memref<32x384xf32, #tpu.memory_space<vmem>>, vector<16xf32>,
      %get3A_249 = arith.index_cast %scan3A_65 : i32 to index
      %get3A_250 = arith.constant 208 : index
      %get3A_251 = tpu.vector_load %arg16[%get3A_249, %get3A_250] {strides = array<i32>} : memref<32x384xf32, #tpu.memory_space<vmem>>, vector<16xf32>,
      %add3A_252 = arith.addf %get3A_248, %get3A_251 : vector<16xf32>
      %get3A_253 = arith.index_cast %scan3A_65 : i32 to index
      %get3A_254 = arith.constant 208 : index
      %get3A_255 = tpu.vector_load %arg17[%get3A_253, %get3A_254] {strides = array<i32>} : memref<32x384xf32, #tpu.memory_space<vmem>>, vector<16xf32>,
      %add3A_256 = arith.addf %add3A_252, %get3A_255 : vector<16xf32>
      %swap3A_257 = arith.index_cast %scan3A_65 : i32 to index
      %swap3A_258 = arith.constant 208 : index
      %swap3A_259 = tpu.vector_load %arg15[%swap3A_257, %swap3A_258] {strides = array<i32>} : memref<32x384xf32, #tpu.memory_space<vmem>>, vector<16xf32>,
      tpu.vector_store %arg15[%swap3A_257, %swap3A_258], %add3A_256 {strides = array<i32>} : memref<32x384xf32, #tpu.memory_space<vmem>>, vector<16xf32>,
      %get3A_260 = arith.index_cast %scan3A_65 : i32 to index
      %get3A_261 = arith.constant 224 : index
      %get3A_262 = tpu.vector_load %arg15[%get3A_260, %get3A_261] {strides = array<i32>} : memref<32x384xf32, #tpu.memory_space<vmem>>, vector<16xf32>,
      %get3A_263 = arith.index_cast %scan3A_65 : i32 to index
      %get3A_264 = arith.constant 224 : index
      %get3A_265 = tpu.vector_load %arg16[%get3A_263, %get3A_264] {strides = array<i32>} : memref<32x384xf32, #tpu.memory_space<vmem>>, vector<16xf32>,
      %add3A_266 = arith.addf %get3A_262, %get3A_265 : vector<16xf32>
      %get3A_267 = arith.index_cast %scan3A_65 : i32 to index
      %get3A_268 = arith.constant 224 : index
      %get3A_269 = tpu.vector_load %arg17[%get3A_267, %get3A_268] {strides = array<i32>} : memref<32x384xf32, #tpu.memory_space<vmem>>, vector<16xf32>,
      %add3A_270 = arith.addf %add3A_266, %get3A_269 : vector<16xf32>
      %swap3A_271 = arith.index_cast %scan3A_65 : i32 to index
      %swap3A_272 = arith.constant 224 : index
      %swap3A_273 = tpu.vector_load %arg15[%swap3A_271, %swap3A_272] {strides = array<i32>} : memref<32x384xf32, #tpu.memory_space<vmem>>, vector<16xf32>,
      tpu.vector_store %arg15[%swap3A_271, %swap3A_272], %add3A_270 {strides = array<i32>} : memref<32x384xf32, #tpu.memory_space<vmem>>, vector<16xf32>,
      %get3A_274 = arith.index_cast %scan3A_65 : i32 to index
      %get3A_275 = arith.constant 240 : index
      %get3A_276 = tpu.vector_load %arg15[%get3A_274, %get3A_275] {strides = array<i32>} : memref<32x384xf32, #tpu.memory_space<vmem>>, vector<16xf32>,
      %get3A_277 = arith.index_cast %scan3A_65 : i32 to index
      %get3A_278 = arith.constant 240 : index
      %get3A_279 = tpu.vector_load %arg16[%get3A_277, %get3A_278] {strides = array<i32>} : memref<32x384xf32, #tpu.memory_space<vmem>>, vector<16xf32>,
      %add3A_280 = arith.addf %get3A_276, %get3A_279 : vector<16xf32>
      %get3A_281 = arith.index_cast %scan3A_65 : i32 to index
      %get3A_282 = arith.constant 240 : index
      %get3A_283 = tpu.vector_load %arg17[%get3A_281, %get3A_282] {strides = array<i32>} : memref<32x384xf32, #tpu.memory_space<vmem>>, vector<16xf32>,
      %add3A_284 = arith.addf %add3A_280, %get3A_283 : vector<16xf32>
      %swap3A_285 = arith.index_cast %scan3A_65 : i32 to index
      %swap3A_286 = arith.constant 240 : index
      %swap3A_287 = tpu.vector_load %arg15[%swap3A_285, %swap3A_286] {strides = array<i32>} : memref<32x384xf32, #tpu.memory_space<vmem>>, vector<16xf32>,
      tpu.vector_store %arg15[%swap3A_285, %swap3A_286], %add3A_284 {strides = array<i32>} : memref<32x384xf32, #tpu.memory_space<vmem>>, vector<16xf32>,
      %get3A_288 = arith.index_cast %scan3A_65 : i32 to index
      %get3A_289 = arith.constant 256 : index
      %get3A_290 = tpu.vector_load %arg15[%get3A_288, %get3A_289] {strides = array<i32>} : memref<32x384xf32, #tpu.memory_space<vmem>>, vector<16xf32>,
      %get3A_291 = arith.index_cast %scan3A_65 : i32 to index
      %get3A_292 = arith.constant 256 : index
      %get3A_293 = tpu.vector_load %arg16[%get3A_291, %get3A_292] {strides = array<i32>} : memref<32x384xf32, #tpu.memory_space<vmem>>, vector<16xf32>,
      %add3A_294 = arith.addf %get3A_290, %get3A_293 : vector<16xf32>
      %get3A_295 = arith.index_cast %scan3A_65 : i32 to index
      %get3A_296 = arith.constant 256 : index
      %get3A_297 = tpu.vector_load %arg17[%get3A_295, %get3A_296] {strides = array<i32>} : memref<32x384xf32, #tpu.memory_space<vmem>>, vector<16xf32>,
      %add3A_298 = arith.addf %add3A_294, %get3A_297 : vector<16xf32>
      %swap3A_299 = arith.index_cast %scan3A_65 : i32 to index
      %swap3A_300 = arith.constant 256 : index
      %swap3A_301 = tpu.vector_load %arg15[%swap3A_299, %swap3A_300] {strides = array<i32>} : memref<32x384xf32, #tpu.memory_space<vmem>>, vector<16xf32>,
      tpu.vector_store %arg15[%swap3A_299, %swap3A_300], %add3A_298 {strides = array<i32>} : memref<32x384xf32, #tpu.memory_space<vmem>>, vector<16xf32>,
      %get3A_302 = arith.index_cast %scan3A_65 : i32 to index
      %get3A_303 = arith.constant 272 : index
      %get3A_304 = tpu.vector_load %arg15[%get3A_302, %get3A_303] {strides = array<i32>} : memref<32x384xf32, #tpu.memory_space<vmem>>, vector<16xf32>,
      %get3A_305 = arith.index_cast %scan3A_65 : i32 to index
      %get3A_306 = arith.constant 272 : index
      %get3A_307 = tpu.vector_load %arg16[%get3A_305, %get3A_306] {strides = array<i32>} : memref<32x384xf32, #tpu.memory_space<vmem>>, vector<16xf32>,
      %add3A_308 = arith.addf %get3A_304, %get3A_307 : vector<16xf32>
      %get3A_309 = arith.index_cast %scan3A_65 : i32 to index
      %get3A_310 = arith.constant 272 : index
      %get3A_311 = tpu.vector_load %arg17[%get3A_309, %get3A_310] {strides = array<i32>} : memref<32x384xf32, #tpu.memory_space<vmem>>, vector<16xf32>,
      %add3A_312 = arith.addf %add3A_308, %get3A_311 : vector<16xf32>
      %swap3A_313 = arith.index_cast %scan3A_65 : i32 to index
      %swap3A_314 = arith.constant 272 : index
      %swap3A_315 = tpu.vector_load %arg15[%swap3A_313, %swap3A_314] {strides = array<i32>} : memref<32x384xf32, #tpu.memory_space<vmem>>, vector<16xf32>,
      tpu.vector_store %arg15[%swap3A_313, %swap3A_314], %add3A_312 {strides = array<i32>} : memref<32x384xf32, #tpu.memory_space<vmem>>, vector<16xf32>,
      %get3A_316 = arith.index_cast %scan3A_65 : i32 to index
      %get3A_317 = arith.constant 288 : index
      %get3A_318 = tpu.vector_load %arg15[%get3A_316, %get3A_317] {strides = array<i32>} : memref<32x384xf32, #tpu.memory_space<vmem>>, vector<16xf32>,
      %get3A_319 = arith.index_cast %scan3A_65 : i32 to index
      %get3A_320 = arith.constant 288 : index
      %get3A_321 = tpu.vector_load %arg16[%get3A_319, %get3A_320] {strides = array<i32>} : memref<32x384xf32, #tpu.memory_space<vmem>>, vector<16xf32>,
      %add3A_322 = arith.addf %get3A_318, %get3A_321 : vector<16xf32>
      %get3A_323 = arith.index_cast %scan3A_65 : i32 to index
      %get3A_324 = arith.constant 288 : index
      %get3A_325 = tpu.vector_load %arg17[%get3A_323, %get3A_324] {strides = array<i32>} : memref<32x384xf32, #tpu.memory_space<vmem>>, vector<16xf32>,
      %add3A_326 = arith.addf %add3A_322, %get3A_325 : vector<16xf32>
      %swap3A_327 = arith.index_cast %scan3A_65 : i32 to index
      %swap3A_328 = arith.constant 288 : index
      %swap3A_329 = tpu.vector_load %arg15[%swap3A_327, %swap3A_328] {strides = array<i32>} : memref<32x384xf32, #tpu.memory_space<vmem>>, vector<16xf32>,
      tpu.vector_store %arg15[%swap3A_327, %swap3A_328], %add3A_326 {strides = array<i32>} : memref<32x384xf32, #tpu.memory_space<vmem>>, vector<16xf32>,
      %get3A_330 = arith.index_cast %scan3A_65 : i32 to index
      %get3A_331 = arith.constant 304 : index
      %get3A_332 = tpu.vector_load %arg15[%get3A_330, %get3A_331] {strides = array<i32>} : memref<32x384xf32, #tpu.memory_space<vmem>>, vector<16xf32>,
      %get3A_333 = arith.index_cast %scan3A_65 : i32 to index
      %get3A_334 = arith.constant 304 : index
      %get3A_335 = tpu.vector_load %arg16[%get3A_333, %get3A_334] {strides = array<i32>} : memref<32x384xf32, #tpu.memory_space<vmem>>, vector<16xf32>,
      %add3A_336 = arith.addf %get3A_332, %get3A_335 : vector<16xf32>
      %get3A_337 = arith.index_cast %scan3A_65 : i32 to index
      %get3A_338 = arith.constant 304 : index
      %get3A_339 = tpu.vector_load %arg17[%get3A_337, %get3A_338] {strides = array<i32>} : memref<32x384xf32, #tpu.memory_space<vmem>>, vector<16xf32>,
      %add3A_340 = arith.addf %add3A_336, %get3A_339 : vector<16xf32>
      %swap3A_341 = arith.index_cast %scan3A_65 : i32 to index
      %swap3A_342 = arith.constant 304 : index
      %swap3A_343 = tpu.vector_load %arg15[%swap3A_341, %swap3A_342] {strides = array<i32>} : memref<32x384xf32, #tpu.memory_space<vmem>>, vector<16xf32>,
      tpu.vector_store %arg15[%swap3A_341, %swap3A_342], %add3A_340 {strides = array<i32>} : memref<32x384xf32, #tpu.memory_space<vmem>>, vector<16xf32>,
      %get3A_344 = arith.index_cast %scan3A_65 : i32 to index
      %get3A_345 = arith.constant 320 : index
      %get3A_346 = tpu.vector_load %arg15[%get3A_344, %get3A_345] {strides = array<i32>} : memref<32x384xf32, #tpu.memory_space<vmem>>, vector<16xf32>,
      %get3A_347 = arith.index_cast %scan3A_65 : i32 to index
      %get3A_348 = arith.constant 320 : index
      %get3A_349 = tpu.vector_load %arg16[%get3A_347, %get3A_348] {strides = array<i32>} : memref<32x384xf32, #tpu.memory_space<vmem>>, vector<16xf32>,
      %add3A_350 = arith.addf %get3A_346, %get3A_349 : vector<16xf32>
      %get3A_351 = arith.index_cast %scan3A_65 : i32 to index
      %get3A_352 = arith.constant 320 : index
      %get3A_353 = tpu.vector_load %arg17[%get3A_351, %get3A_352] {strides = array<i32>} : memref<32x384xf32, #tpu.memory_space<vmem>>, vector<16xf32>,
      %add3A_354 = arith.addf %add3A_350, %get3A_353 : vector<16xf32>
      %swap3A_355 = arith.index_cast %scan3A_65 : i32 to index
      %swap3A_356 = arith.constant 320 : index
      %swap3A_357 = tpu.vector_load %arg15[%swap3A_355, %swap3A_356] {strides = array<i32>} : memref<32x384xf32, #tpu.memory_space<vmem>>, vector<16xf32>,
      tpu.vector_store %arg15[%swap3A_355, %swap3A_356], %add3A_354 {strides = array<i32>} : memref<32x384xf32, #tpu.memory_space<vmem>>, vector<16xf32>,
      %get3A_358 = arith.index_cast %scan3A_65 : i32 to index
      %get3A_359 = arith.constant 336 : index
      %get3A_360 = tpu.vector_load %arg15[%get3A_358, %get3A_359] {strides = array<i32>} : memref<32x384xf32, #tpu.memory_space<vmem>>, vector<16xf32>,
      %get3A_361 = arith.index_cast %scan3A_65 : i32 to index
      %get3A_362 = arith.constant 336 : index
      %get3A_363 = tpu.vector_load %arg16[%get3A_361, %get3A_362] {strides = array<i32>} : memref<32x384xf32, #tpu.memory_space<vmem>>, vector<16xf32>,
      %add3A_364 = arith.addf %get3A_360, %get3A_363 : vector<16xf32>
      %get3A_365 = arith.index_cast %scan3A_65 : i32 to index
      %get3A_366 = arith.constant 336 : index
      %get3A_367 = tpu.vector_load %arg17[%get3A_365, %get3A_366] {strides = array<i32>} : memref<32x384xf32, #tpu.memory_space<vmem>>, vector<16xf32>,
      %add3A_368 = arith.addf %add3A_364, %get3A_367 : vector<16xf32>
      %swap3A_369 = arith.index_cast %scan3A_65 : i32 to index
      %swap3A_370 = arith.constant 336 : index
      %swap3A_371 = tpu.vector_load %arg15[%swap3A_369, %swap3A_370] {strides = array<i32>} : memref<32x384xf32, #tpu.memory_space<vmem>>, vector<16xf32>,
      tpu.vector_store %arg15[%swap3A_369, %swap3A_370], %add3A_368 {strides = array<i32>} : memref<32x384xf32, #tpu.memory_space<vmem>>, vector<16xf32>,
      %get3A_372 = arith.index_cast %scan3A_65 : i32 to index
      %get3A_373 = arith.constant 352 : index
      %get3A_374 = tpu.vector_load %arg15[%get3A_372, %get3A_373] {strides = array<i32>} : memref<32x384xf32, #tpu.memory_space<vmem>>, vector<16xf32>,
      %get3A_375 = arith.index_cast %scan3A_65 : i32 to index
      %get3A_376 = arith.constant 352 : index
      %get3A_377 = tpu.vector_load %arg16[%get3A_375, %get3A_376] {strides = array<i32>} : memref<32x384xf32, #tpu.memory_space<vmem>>, vector<16xf32>,
      %add3A_378 = arith.addf %get3A_374, %get3A_377 : vector<16xf32>
      %get3A_379 = arith.index_cast %scan3A_65 : i32 to index
      %get3A_380 = arith.constant 352 : index
      %get3A_381 = tpu.vector_load %arg17[%get3A_379, %get3A_380] {strides = array<i32>} : memref<32x384xf32, #tpu.memory_space<vmem>>, vector<16xf32>,
      %add3A_382 = arith.addf %add3A_378, %get3A_381 : vector<16xf32>
      %swap3A_383 = arith.index_cast %scan3A_65 : i32 to index
      %swap3A_384 = arith.constant 352 : index
      %swap3A_385 = tpu.vector_load %arg15[%swap3A_383, %swap3A_384] {strides = array<i32>} : memref<32x384xf32, #tpu.memory_space<vmem>>, vector<16xf32>,
      tpu.vector_store %arg15[%swap3A_383, %swap3A_384], %add3A_382 {strides = array<i32>} : memref<32x384xf32, #tpu.memory_space<vmem>>, vector<16xf32>,
      %get3A_386 = arith.index_cast %scan3A_65 : i32 to index
      %get3A_387 = arith.constant 368 : index
      %get3A_388 = tpu.vector_load %arg15[%get3A_386, %get3A_387] {strides = array<i32>} : memref<32x384xf32, #tpu.memory_space<vmem>>, vector<16xf32>,
      %get3A_389 = arith.index_cast %scan3A_65 : i32 to index
      %get3A_390 = arith.constant 368 : index
      %get3A_391 = tpu.vector_load %arg16[%get3A_389, %get3A_390] {strides = array<i32>} : memref<32x384xf32, #tpu.memory_space<vmem>>, vector<16xf32>,
      %add3A_392 = arith.addf %get3A_388, %get3A_391 : vector<16xf32>
      %get3A_393 = arith.index_cast %scan3A_65 : i32 to index
      %get3A_394 = arith.constant 368 : index
      %get3A_395 = tpu.vector_load %arg17[%get3A_393, %get3A_394] {strides = array<i32>} : memref<32x384xf32, #tpu.memory_space<vmem>>, vector<16xf32>,
      %add3A_396 = arith.addf %add3A_392, %get3A_395 : vector<16xf32>
      %swap3A_397 = arith.index_cast %scan3A_65 : i32 to index
      %swap3A_398 = arith.constant 368 : index
      %swap3A_399 = tpu.vector_load %arg15[%swap3A_397, %swap3A_398] {strides = array<i32>} : memref<32x384xf32, #tpu.memory_space<vmem>>, vector<16xf32>,
      tpu.vector_store %arg15[%swap3A_397, %swap3A_398], %add3A_396 {strides = array<i32>} : memref<32x384xf32, #tpu.memory_space<vmem>>, vector<16xf32>,
    }
    %scan3A_43 = arith.constant 32 : i32
    %add3A_44 = arith.constant 3072 : i32
    %add3A_45 = arith.addi %mul3A_2, %add3A_44 : i32
    %multiple_of3A_46 = tpu.assume_multiple %add3A_45, 8 : i32
    "tpu.region"() ({
      %run_scoped3A = tpu.sem_alloc : memref<!tpu.dma_semaphore, #tpu.memory_space<semaphore_mem>>
      %dma_start3A_65 = arith.constant 0 : i32
      %dma_start3A_66 = tpu.memref_slice %arg8[%multiple_of3A_46, %dma_start3A_65] : memref<100352x384xf32, #tpu.memory_space<hbm>> -> memref<32x384xf32, #tpu.memory_space<hbm>>
      %dma_start3A_67 = arith.constant 0 : i32
      %dma_start3A_68 = tpu.memref_slice %arg8[%multiple_of3A_46, %dma_start3A_67] : memref<100352x384xf32, #tpu.memory_space<hbm>> -> memref<32x384xf32, #tpu.memory_space<hbm>>
      tpu.enqueue_dma source(%arg15 : memref<32x384xf32, #tpu.memory_space<vmem>>) target(%dma_start3A_68 : memref<32x384xf32, #tpu.memory_space<hbm>>) target_semaphore(%run_scoped3A : memref<!tpu.dma_semaphore, #tpu.memory_space<semaphore_mem>>)
      %dma_wait3A_69 = arith.constant 0 : i32
      %dma_wait3A_70 = tpu.memref_slice %arg8[%multiple_of3A_46, %dma_wait3A_69] : memref<100352x384xf32, #tpu.memory_space<hbm>> -> memref<32x384xf32, #tpu.memory_space<hbm>>
      %dma_wait3A_71 = arith.constant 0 : i32
      %dma_wait3A_72 = tpu.memref_slice %arg8[%multiple_of3A_46, %dma_wait3A_71] : memref<100352x384xf32, #tpu.memory_space<hbm>> -> memref<32x384xf32, #tpu.memory_space<hbm>>
      tpu.wait_dma2 semaphore(%run_scoped3A : memref<!tpu.dma_semaphore, #tpu.memory_space<semaphore_mem>>) src(%arg15 : memref<32x384xf32, #tpu.memory_space<vmem>>) dst(%dma_wait3A_72 : memref<32x384xf32, #tpu.memory_space<hbm>>)
      tpu.yield
    }) : () -> ()
    %dma_wait3A_47 = arith.constant 0 : i32
    %dma_wait3A_48 = arith.constant 0 : i32
    %dma_wait3A_49 = tpu.memref_slice %arg2[%dma_wait3A_47, %dma_wait3A_48] : memref<10000x384xf32, #tpu.memory_space<hbm>> -> memref<10000x384xf32, #tpu.memory_space<hbm>>
    tpu.wait_indirect_dma semaphore(%arg24 : memref<!tpu.dma_semaphore, #tpu.memory_space<semaphore_mem>>) src(%dma_wait3A_49 : memref<10000x384xf32, #tpu.memory_space<hbm>>) dst(%arg18 : memref<32x384xf32, #tpu.memory_space<vmem>>)
    %dma_wait3A_50 = arith.constant 0 : i32
    %dma_wait3A_51 = arith.constant 0 : i32
    %dma_wait3A_52 = tpu.memref_slice %arg3[%dma_wait3A_50, %dma_wait3A_51] : memref<10000x384xf32, #tpu.memory_space<hbm>> -> memref<10000x384xf32, #tpu.memory_space<hbm>>
    tpu.wait_indirect_dma semaphore(%arg25 : memref<!tpu.dma_semaphore, #tpu.memory_space<semaphore_mem>>) src(%dma_wait3A_52 : memref<10000x384xf32, #tpu.memory_space<hbm>>) dst(%arg19 : memref<32x384xf32, #tpu.memory_space<vmem>>)
    %dma_wait3A_53 = arith.constant 0 : i32
    %dma_wait3A_54 = arith.constant 0 : i32
    %dma_wait3A_55 = tpu.memref_slice %arg4[%dma_wait3A_53, %dma_wait3A_54] : memref<10000x384xf32, #tpu.memory_space<hbm>> -> memref<10000x384xf32, #tpu.memory_space<hbm>>
    tpu.wait_indirect_dma semaphore(%arg26 : memref<!tpu.dma_semaphore, #tpu.memory_space<semaphore_mem>>) src(%dma_wait3A_55 : memref<10000x384xf32, #tpu.memory_space<hbm>>) dst(%arg20 : memref<32x384xf32, #tpu.memory_space<vmem>>)
    %scan3A_56 = arith.constant 0 : i32
    %scan3A_57 = arith.constant 0 : i32
    %scan3A_58 = arith.constant 32 : i32
    %scan3A_59 = arith.addi %scan3A_57, %scan3A_58 : i32
    %scan3A_60 = arith.constant 1 : i32
    scf.for %scan3A_65 = %scan3A_57 to %scan3A_59 step %scan3A_60  : i32 {
      %get3A = arith.index_cast %scan3A_65 : i32 to index
      %get3A_66 = arith.constant 0 : index
      %get3A_67 = tpu.vector_load %arg18[%get3A, %get3A_66] {strides = array<i32>} : memref<32x384xf32, #tpu.memory_space<vmem>>, vector<16xf32>,
      %get3A_68 = arith.index_cast %scan3A_65 : i32 to index
      %get3A_69 = arith.constant 0 : index
      %get3A_70 = tpu.vector_load %arg19[%get3A_68, %get3A_69] {strides = array<i32>} : memref<32x384xf32, #tpu.memory_space<vmem>>, vector<16xf32>,
      %add3A_71 = arith.addf %get3A_67, %get3A_70 : vector<16xf32>
      %get3A_72 = arith.index_cast %scan3A_65 : i32 to index
      %get3A_73 = arith.constant 0 : index
      %get3A_74 = tpu.vector_load %arg20[%get3A_72, %get3A_73] {strides = array<i32>} : memref<32x384xf32, #tpu.memory_space<vmem>>, vector<16xf32>,
      %add3A_75 = arith.addf %add3A_71, %get3A_74 : vector<16xf32>
      %swap3A = arith.index_cast %scan3A_65 : i32 to index
      %swap3A_76 = arith.constant 0 : index
      %swap3A_77 = tpu.vector_load %arg18[%swap3A, %swap3A_76] {strides = array<i32>} : memref<32x384xf32, #tpu.memory_space<vmem>>, vector<16xf32>,
      tpu.vector_store %arg18[%swap3A, %swap3A_76], %add3A_75 {strides = array<i32>} : memref<32x384xf32, #tpu.memory_space<vmem>>, vector<16xf32>,
      %get3A_78 = arith.index_cast %scan3A_65 : i32 to index
      %get3A_79 = arith.constant 16 : index
      %get3A_80 = tpu.vector_load %arg18[%get3A_78, %get3A_79] {strides = array<i32>} : memref<32x384xf32, #tpu.memory_space<vmem>>, vector<16xf32>,
      %get3A_81 = arith.index_cast %scan3A_65 : i32 to index
      %get3A_82 = arith.constant 16 : index
      %get3A_83 = tpu.vector_load %arg19[%get3A_81, %get3A_82] {strides = array<i32>} : memref<32x384xf32, #tpu.memory_space<vmem>>, vector<16xf32>,
      %add3A_84 = arith.addf %get3A_80, %get3A_83 : vector<16xf32>
      %get3A_85 = arith.index_cast %scan3A_65 : i32 to index
      %get3A_86 = arith.constant 16 : index
      %get3A_87 = tpu.vector_load %arg20[%get3A_85, %get3A_86] {strides = array<i32>} : memref<32x384xf32, #tpu.memory_space<vmem>>, vector<16xf32>,
      %add3A_88 = arith.addf %add3A_84, %get3A_87 : vector<16xf32>
      %swap3A_89 = arith.index_cast %scan3A_65 : i32 to index
      %swap3A_90 = arith.constant 16 : index
      %swap3A_91 = tpu.vector_load %arg18[%swap3A_89, %swap3A_90] {strides = array<i32>} : memref<32x384xf32, #tpu.memory_space<vmem>>, vector<16xf32>,
      tpu.vector_store %arg18[%swap3A_89, %swap3A_90], %add3A_88 {strides = array<i32>} : memref<32x384xf32, #tpu.memory_space<vmem>>, vector<16xf32>,
      %get3A_92 = arith.index_cast %scan3A_65 : i32 to index
      %get3A_93 = arith.constant 32 : index
      %get3A_94 = tpu.vector_load %arg18[%get3A_92, %get3A_93] {strides = array<i32>} : memref<32x384xf32, #tpu.memory_space<vmem>>, vector<16xf32>,
      %get3A_95 = arith.index_cast %scan3A_65 : i32 to index
      %get3A_96 = arith.constant 32 : index
      %get3A_97 = tpu.vector_load %arg19[%get3A_95, %get3A_96] {strides = array<i32>} : memref<32x384xf32, #tpu.memory_space<vmem>>, vector<16xf32>,
      %add3A_98 = arith.addf %get3A_94, %get3A_97 : vector<16xf32>
      %get3A_99 = arith.index_cast %scan3A_65 : i32 to index
      %get3A_100 = arith.constant 32 : index
      %get3A_101 = tpu.vector_load %arg20[%get3A_99, %get3A_100] {strides = array<i32>} : memref<32x384xf32, #tpu.memory_space<vmem>>, vector<16xf32>,
      %add3A_102 = arith.addf %add3A_98, %get3A_101 : vector<16xf32>
      %swap3A_103 = arith.index_cast %scan3A_65 : i32 to index
      %swap3A_104 = arith.constant 32 : index
      %swap3A_105 = tpu.vector_load %arg18[%swap3A_103, %swap3A_104] {strides = array<i32>} : memref<32x384xf32, #tpu.memory_space<vmem>>, vector<16xf32>,
      tpu.vector_store %arg18[%swap3A_103, %swap3A_104], %add3A_102 {strides = array<i32>} : memref<32x384xf32, #tpu.memory_space<vmem>>, vector<16xf32>,
      %get3A_106 = arith.index_cast %scan3A_65 : i32 to index
      %get3A_107 = arith.constant 48 : index
      %get3A_108 = tpu.vector_load %arg18[%get3A_106, %get3A_107] {strides = array<i32>} : memref<32x384xf32, #tpu.memory_space<vmem>>, vector<16xf32>,
      %get3A_109 = arith.index_cast %scan3A_65 : i32 to index
      %get3A_110 = arith.constant 48 : index
      %get3A_111 = tpu.vector_load %arg19[%get3A_109, %get3A_110] {strides = array<i32>} : memref<32x384xf32, #tpu.memory_space<vmem>>, vector<16xf32>,
      %add3A_112 = arith.addf %get3A_108, %get3A_111 : vector<16xf32>
      %get3A_113 = arith.index_cast %scan3A_65 : i32 to index
      %get3A_114 = arith.constant 48 : index
      %get3A_115 = tpu.vector_load %arg20[%get3A_113, %get3A_114] {strides = array<i32>} : memref<32x384xf32, #tpu.memory_space<vmem>>, vector<16xf32>,
      %add3A_116 = arith.addf %add3A_112, %get3A_115 : vector<16xf32>
      %swap3A_117 = arith.index_cast %scan3A_65 : i32 to index
      %swap3A_118 = arith.constant 48 : index
      %swap3A_119 = tpu.vector_load %arg18[%swap3A_117, %swap3A_118] {strides = array<i32>} : memref<32x384xf32, #tpu.memory_space<vmem>>, vector<16xf32>,
      tpu.vector_store %arg18[%swap3A_117, %swap3A_118], %add3A_116 {strides = array<i32>} : memref<32x384xf32, #tpu.memory_space<vmem>>, vector<16xf32>,
      %get3A_120 = arith.index_cast %scan3A_65 : i32 to index
      %get3A_121 = arith.constant 64 : index
      %get3A_122 = tpu.vector_load %arg18[%get3A_120, %get3A_121] {strides = array<i32>} : memref<32x384xf32, #tpu.memory_space<vmem>>, vector<16xf32>,
      %get3A_123 = arith.index_cast %scan3A_65 : i32 to index
      %get3A_124 = arith.constant 64 : index
      %get3A_125 = tpu.vector_load %arg19[%get3A_123, %get3A_124] {strides = array<i32>} : memref<32x384xf32, #tpu.memory_space<vmem>>, vector<16xf32>,
      %add3A_126 = arith.addf %get3A_122, %get3A_125 : vector<16xf32>
      %get3A_127 = arith.index_cast %scan3A_65 : i32 to index
      %get3A_128 = arith.constant 64 : index
      %get3A_129 = tpu.vector_load %arg20[%get3A_127, %get3A_128] {strides = array<i32>} : memref<32x384xf32, #tpu.memory_space<vmem>>, vector<16xf32>,
      %add3A_130 = arith.addf %add3A_126, %get3A_129 : vector<16xf32>
      %swap3A_131 = arith.index_cast %scan3A_65 : i32 to index
      %swap3A_132 = arith.constant 64 : index
      %swap3A_133 = tpu.vector_load %arg18[%swap3A_131, %swap3A_132] {strides = array<i32>} : memref<32x384xf32, #tpu.memory_space<vmem>>, vector<16xf32>,
      tpu.vector_store %arg18[%swap3A_131, %swap3A_132], %add3A_130 {strides = array<i32>} : memref<32x384xf32, #tpu.memory_space<vmem>>, vector<16xf32>,
      %get3A_134 = arith.index_cast %scan3A_65 : i32 to index
      %get3A_135 = arith.constant 80 : index
      %get3A_136 = tpu.vector_load %arg18[%get3A_134, %get3A_135] {strides = array<i32>} : memref<32x384xf32, #tpu.memory_space<vmem>>, vector<16xf32>,
      %get3A_137 = arith.index_cast %scan3A_65 : i32 to index
      %get3A_138 = arith.constant 80 : index
      %get3A_139 = tpu.vector_load %arg19[%get3A_137, %get3A_138] {strides = array<i32>} : memref<32x384xf32, #tpu.memory_space<vmem>>, vector<16xf32>,
      %add3A_140 = arith.addf %get3A_136, %get3A_139 : vector<16xf32>
      %get3A_141 = arith.index_cast %scan3A_65 : i32 to index
      %get3A_142 = arith.constant 80 : index
      %get3A_143 = tpu.vector_load %arg20[%get3A_141, %get3A_142] {strides = array<i32>} : memref<32x384xf32, #tpu.memory_space<vmem>>, vector<16xf32>,
      %add3A_144 = arith.addf %add3A_140, %get3A_143 : vector<16xf32>
      %swap3A_145 = arith.index_cast %scan3A_65 : i32 to index
      %swap3A_146 = arith.constant 80 : index
      %swap3A_147 = tpu.vector_load %arg18[%swap3A_145, %swap3A_146] {strides = array<i32>} : memref<32x384xf32, #tpu.memory_space<vmem>>, vector<16xf32>,
      tpu.vector_store %arg18[%swap3A_145, %swap3A_146], %add3A_144 {strides = array<i32>} : memref<32x384xf32, #tpu.memory_space<vmem>>, vector<16xf32>,
      %get3A_148 = arith.index_cast %scan3A_65 : i32 to index
      %get3A_149 = arith.constant 96 : index
      %get3A_150 = tpu.vector_load %arg18[%get3A_148, %get3A_149] {strides = array<i32>} : memref<32x384xf32, #tpu.memory_space<vmem>>, vector<16xf32>,
      %get3A_151 = arith.index_cast %scan3A_65 : i32 to index
      %get3A_152 = arith.constant 96 : index
      %get3A_153 = tpu.vector_load %arg19[%get3A_151, %get3A_152] {strides = array<i32>} : memref<32x384xf32, #tpu.memory_space<vmem>>, vector<16xf32>,
      %add3A_154 = arith.addf %get3A_150, %get3A_153 : vector<16xf32>
      %get3A_155 = arith.index_cast %scan3A_65 : i32 to index
      %get3A_156 = arith.constant 96 : index
      %get3A_157 = tpu.vector_load %arg20[%get3A_155, %get3A_156] {strides = array<i32>} : memref<32x384xf32, #tpu.memory_space<vmem>>, vector<16xf32>,
      %add3A_158 = arith.addf %add3A_154, %get3A_157 : vector<16xf32>
      %swap3A_159 = arith.index_cast %scan3A_65 : i32 to index
      %swap3A_160 = arith.constant 96 : index
      %swap3A_161 = tpu.vector_load %arg18[%swap3A_159, %swap3A_160] {strides = array<i32>} : memref<32x384xf32, #tpu.memory_space<vmem>>, vector<16xf32>,
      tpu.vector_store %arg18[%swap3A_159, %swap3A_160], %add3A_158 {strides = array<i32>} : memref<32x384xf32, #tpu.memory_space<vmem>>, vector<16xf32>,
      %get3A_162 = arith.index_cast %scan3A_65 : i32 to index
      %get3A_163 = arith.constant 112 : index
      %get3A_164 = tpu.vector_load %arg18[%get3A_162, %get3A_163] {strides = array<i32>} : memref<32x384xf32, #tpu.memory_space<vmem>>, vector<16xf32>,
      %get3A_165 = arith.index_cast %scan3A_65 : i32 to index
      %get3A_166 = arith.constant 112 : index
      %get3A_167 = tpu.vector_load %arg19[%get3A_165, %get3A_166] {strides = array<i32>} : memref<32x384xf32, #tpu.memory_space<vmem>>, vector<16xf32>,
      %add3A_168 = arith.addf %get3A_164, %get3A_167 : vector<16xf32>
      %get3A_169 = arith.index_cast %scan3A_65 : i32 to index
      %get3A_170 = arith.constant 112 : index
      %get3A_171 = tpu.vector_load %arg20[%get3A_169, %get3A_170] {strides = array<i32>} : memref<32x384xf32, #tpu.memory_space<vmem>>, vector<16xf32>,
      %add3A_172 = arith.addf %add3A_168, %get3A_171 : vector<16xf32>
      %swap3A_173 = arith.index_cast %scan3A_65 : i32 to index
      %swap3A_174 = arith.constant 112 : index
      %swap3A_175 = tpu.vector_load %arg18[%swap3A_173, %swap3A_174] {strides = array<i32>} : memref<32x384xf32, #tpu.memory_space<vmem>>, vector<16xf32>,
      tpu.vector_store %arg18[%swap3A_173, %swap3A_174], %add3A_172 {strides = array<i32>} : memref<32x384xf32, #tpu.memory_space<vmem>>, vector<16xf32>,
      %get3A_176 = arith.index_cast %scan3A_65 : i32 to index
      %get3A_177 = arith.constant 128 : index
      %get3A_178 = tpu.vector_load %arg18[%get3A_176, %get3A_177] {strides = array<i32>} : memref<32x384xf32, #tpu.memory_space<vmem>>, vector<16xf32>,
      %get3A_179 = arith.index_cast %scan3A_65 : i32 to index
      %get3A_180 = arith.constant 128 : index
      %get3A_181 = tpu.vector_load %arg19[%get3A_179, %get3A_180] {strides = array<i32>} : memref<32x384xf32, #tpu.memory_space<vmem>>, vector<16xf32>,
      %add3A_182 = arith.addf %get3A_178, %get3A_181 : vector<16xf32>
      %get3A_183 = arith.index_cast %scan3A_65 : i32 to index
      %get3A_184 = arith.constant 128 : index
      %get3A_185 = tpu.vector_load %arg20[%get3A_183, %get3A_184] {strides = array<i32>} : memref<32x384xf32, #tpu.memory_space<vmem>>, vector<16xf32>,
      %add3A_186 = arith.addf %add3A_182, %get3A_185 : vector<16xf32>
      %swap3A_187 = arith.index_cast %scan3A_65 : i32 to index
      %swap3A_188 = arith.constant 128 : index
      %swap3A_189 = tpu.vector_load %arg18[%swap3A_187, %swap3A_188] {strides = array<i32>} : memref<32x384xf32, #tpu.memory_space<vmem>>, vector<16xf32>,
      tpu.vector_store %arg18[%swap3A_187, %swap3A_188], %add3A_186 {strides = array<i32>} : memref<32x384xf32, #tpu.memory_space<vmem>>, vector<16xf32>,
      %get3A_190 = arith.index_cast %scan3A_65 : i32 to index
      %get3A_191 = arith.constant 144 : index
      %get3A_192 = tpu.vector_load %arg18[%get3A_190, %get3A_191] {strides = array<i32>} : memref<32x384xf32, #tpu.memory_space<vmem>>, vector<16xf32>,
      %get3A_193 = arith.index_cast %scan3A_65 : i32 to index
      %get3A_194 = arith.constant 144 : index
      %get3A_195 = tpu.vector_load %arg19[%get3A_193, %get3A_194] {strides = array<i32>} : memref<32x384xf32, #tpu.memory_space<vmem>>, vector<16xf32>,
      %add3A_196 = arith.addf %get3A_192, %get3A_195 : vector<16xf32>
      %get3A_197 = arith.index_cast %scan3A_65 : i32 to index
      %get3A_198 = arith.constant 144 : index
      %get3A_199 = tpu.vector_load %arg20[%get3A_197, %get3A_198] {strides = array<i32>} : memref<32x384xf32, #tpu.memory_space<vmem>>, vector<16xf32>,
      %add3A_200 = arith.addf %add3A_196, %get3A_199 : vector<16xf32>
      %swap3A_201 = arith.index_cast %scan3A_65 : i32 to index
      %swap3A_202 = arith.constant 144 : index
      %swap3A_203 = tpu.vector_load %arg18[%swap3A_201, %swap3A_202] {strides = array<i32>} : memref<32x384xf32, #tpu.memory_space<vmem>>, vector<16xf32>,
      tpu.vector_store %arg18[%swap3A_201, %swap3A_202], %add3A_200 {strides = array<i32>} : memref<32x384xf32, #tpu.memory_space<vmem>>, vector<16xf32>,
      %get3A_204 = arith.index_cast %scan3A_65 : i32 to index
      %get3A_205 = arith.constant 160 : index
      %get3A_206 = tpu.vector_load %arg18[%get3A_204, %get3A_205] {strides = array<i32>} : memref<32x384xf32, #tpu.memory_space<vmem>>, vector<16xf32>,
      %get3A_207 = arith.index_cast %scan3A_65 : i32 to index
      %get3A_208 = arith.constant 160 : index
      %get3A_209 = tpu.vector_load %arg19[%get3A_207, %get3A_208] {strides = array<i32>} : memref<32x384xf32, #tpu.memory_space<vmem>>, vector<16xf32>,
      %add3A_210 = arith.addf %get3A_206, %get3A_209 : vector<16xf32>
      %get3A_211 = arith.index_cast %scan3A_65 : i32 to index
      %get3A_212 = arith.constant 160 : index
      %get3A_213 = tpu.vector_load %arg20[%get3A_211, %get3A_212] {strides = array<i32>} : memref<32x384xf32, #tpu.memory_space<vmem>>, vector<16xf32>,
      %add3A_214 = arith.addf %add3A_210, %get3A_213 : vector<16xf32>
      %swap3A_215 = arith.index_cast %scan3A_65 : i32 to index
      %swap3A_216 = arith.constant 160 : index
      %swap3A_217 = tpu.vector_load %arg18[%swap3A_215, %swap3A_216] {strides = array<i32>} : memref<32x384xf32, #tpu.memory_space<vmem>>, vector<16xf32>,
      tpu.vector_store %arg18[%swap3A_215, %swap3A_216], %add3A_214 {strides = array<i32>} : memref<32x384xf32, #tpu.memory_space<vmem>>, vector<16xf32>,
      %get3A_218 = arith.index_cast %scan3A_65 : i32 to index
      %get3A_219 = arith.constant 176 : index
      %get3A_220 = tpu.vector_load %arg18[%get3A_218, %get3A_219] {strides = array<i32>} : memref<32x384xf32, #tpu.memory_space<vmem>>, vector<16xf32>,
      %get3A_221 = arith.index_cast %scan3A_65 : i32 to index
      %get3A_222 = arith.constant 176 : index
      %get3A_223 = tpu.vector_load %arg19[%get3A_221, %get3A_222] {strides = array<i32>} : memref<32x384xf32, #tpu.memory_space<vmem>>, vector<16xf32>,
      %add3A_224 = arith.addf %get3A_220, %get3A_223 : vector<16xf32>
      %get3A_225 = arith.index_cast %scan3A_65 : i32 to index
      %get3A_226 = arith.constant 176 : index
      %get3A_227 = tpu.vector_load %arg20[%get3A_225, %get3A_226] {strides = array<i32>} : memref<32x384xf32, #tpu.memory_space<vmem>>, vector<16xf32>,
      %add3A_228 = arith.addf %add3A_224, %get3A_227 : vector<16xf32>
      %swap3A_229 = arith.index_cast %scan3A_65 : i32 to index
      %swap3A_230 = arith.constant 176 : index
      %swap3A_231 = tpu.vector_load %arg18[%swap3A_229, %swap3A_230] {strides = array<i32>} : memref<32x384xf32, #tpu.memory_space<vmem>>, vector<16xf32>,
      tpu.vector_store %arg18[%swap3A_229, %swap3A_230], %add3A_228 {strides = array<i32>} : memref<32x384xf32, #tpu.memory_space<vmem>>, vector<16xf32>,
      %get3A_232 = arith.index_cast %scan3A_65 : i32 to index
      %get3A_233 = arith.constant 192 : index
      %get3A_234 = tpu.vector_load %arg18[%get3A_232, %get3A_233] {strides = array<i32>} : memref<32x384xf32, #tpu.memory_space<vmem>>, vector<16xf32>,
      %get3A_235 = arith.index_cast %scan3A_65 : i32 to index
      %get3A_236 = arith.constant 192 : index
      %get3A_237 = tpu.vector_load %arg19[%get3A_235, %get3A_236] {strides = array<i32>} : memref<32x384xf32, #tpu.memory_space<vmem>>, vector<16xf32>,
      %add3A_238 = arith.addf %get3A_234, %get3A_237 : vector<16xf32>
      %get3A_239 = arith.index_cast %scan3A_65 : i32 to index
      %get3A_240 = arith.constant 192 : index
      %get3A_241 = tpu.vector_load %arg20[%get3A_239, %get3A_240] {strides = array<i32>} : memref<32x384xf32, #tpu.memory_space<vmem>>, vector<16xf32>,
      %add3A_242 = arith.addf %add3A_238, %get3A_241 : vector<16xf32>
      %swap3A_243 = arith.index_cast %scan3A_65 : i32 to index
      %swap3A_244 = arith.constant 192 : index
      %swap3A_245 = tpu.vector_load %arg18[%swap3A_243, %swap3A_244] {strides = array<i32>} : memref<32x384xf32, #tpu.memory_space<vmem>>, vector<16xf32>,
      tpu.vector_store %arg18[%swap3A_243, %swap3A_244], %add3A_242 {strides = array<i32>} : memref<32x384xf32, #tpu.memory_space<vmem>>, vector<16xf32>,
      %get3A_246 = arith.index_cast %scan3A_65 : i32 to index
      %get3A_247 = arith.constant 208 : index
      %get3A_248 = tpu.vector_load %arg18[%get3A_246, %get3A_247] {strides = array<i32>} : memref<32x384xf32, #tpu.memory_space<vmem>>, vector<16xf32>,
      %get3A_249 = arith.index_cast %scan3A_65 : i32 to index
      %get3A_250 = arith.constant 208 : index
      %get3A_251 = tpu.vector_load %arg19[%get3A_249, %get3A_250] {strides = array<i32>} : memref<32x384xf32, #tpu.memory_space<vmem>>, vector<16xf32>,
      %add3A_252 = arith.addf %get3A_248, %get3A_251 : vector<16xf32>
      %get3A_253 = arith.index_cast %scan3A_65 : i32 to index
      %get3A_254 = arith.constant 208 : index
      %get3A_255 = tpu.vector_load %arg20[%get3A_253, %get3A_254] {strides = array<i32>} : memref<32x384xf32, #tpu.memory_space<vmem>>, vector<16xf32>,
      %add3A_256 = arith.addf %add3A_252, %get3A_255 : vector<16xf32>
      %swap3A_257 = arith.index_cast %scan3A_65 : i32 to index
      %swap3A_258 = arith.constant 208 : index
      %swap3A_259 = tpu.vector_load %arg18[%swap3A_257, %swap3A_258] {strides = array<i32>} : memref<32x384xf32, #tpu.memory_space<vmem>>, vector<16xf32>,
      tpu.vector_store %arg18[%swap3A_257, %swap3A_258], %add3A_256 {strides = array<i32>} : memref<32x384xf32, #tpu.memory_space<vmem>>, vector<16xf32>,
      %get3A_260 = arith.index_cast %scan3A_65 : i32 to index
      %get3A_261 = arith.constant 224 : index
      %get3A_262 = tpu.vector_load %arg18[%get3A_260, %get3A_261] {strides = array<i32>} : memref<32x384xf32, #tpu.memory_space<vmem>>, vector<16xf32>,
      %get3A_263 = arith.index_cast %scan3A_65 : i32 to index
      %get3A_264 = arith.constant 224 : index
      %get3A_265 = tpu.vector_load %arg19[%get3A_263, %get3A_264] {strides = array<i32>} : memref<32x384xf32, #tpu.memory_space<vmem>>, vector<16xf32>,
      %add3A_266 = arith.addf %get3A_262, %get3A_265 : vector<16xf32>
      %get3A_267 = arith.index_cast %scan3A_65 : i32 to index
      %get3A_268 = arith.constant 224 : index
      %get3A_269 = tpu.vector_load %arg20[%get3A_267, %get3A_268] {strides = array<i32>} : memref<32x384xf32, #tpu.memory_space<vmem>>, vector<16xf32>,
      %add3A_270 = arith.addf %add3A_266, %get3A_269 : vector<16xf32>
      %swap3A_271 = arith.index_cast %scan3A_65 : i32 to index
      %swap3A_272 = arith.constant 224 : index
      %swap3A_273 = tpu.vector_load %arg18[%swap3A_271, %swap3A_272] {strides = array<i32>} : memref<32x384xf32, #tpu.memory_space<vmem>>, vector<16xf32>,
      tpu.vector_store %arg18[%swap3A_271, %swap3A_272], %add3A_270 {strides = array<i32>} : memref<32x384xf32, #tpu.memory_space<vmem>>, vector<16xf32>,
      %get3A_274 = arith.index_cast %scan3A_65 : i32 to index
      %get3A_275 = arith.constant 240 : index
      %get3A_276 = tpu.vector_load %arg18[%get3A_274, %get3A_275] {strides = array<i32>} : memref<32x384xf32, #tpu.memory_space<vmem>>, vector<16xf32>,
      %get3A_277 = arith.index_cast %scan3A_65 : i32 to index
      %get3A_278 = arith.constant 240 : index
      %get3A_279 = tpu.vector_load %arg19[%get3A_277, %get3A_278] {strides = array<i32>} : memref<32x384xf32, #tpu.memory_space<vmem>>, vector<16xf32>,
      %add3A_280 = arith.addf %get3A_276, %get3A_279 : vector<16xf32>
      %get3A_281 = arith.index_cast %scan3A_65 : i32 to index
      %get3A_282 = arith.constant 240 : index
      %get3A_283 = tpu.vector_load %arg20[%get3A_281, %get3A_282] {strides = array<i32>} : memref<32x384xf32, #tpu.memory_space<vmem>>, vector<16xf32>,
      %add3A_284 = arith.addf %add3A_280, %get3A_283 : vector<16xf32>
      %swap3A_285 = arith.index_cast %scan3A_65 : i32 to index
      %swap3A_286 = arith.constant 240 : index
      %swap3A_287 = tpu.vector_load %arg18[%swap3A_285, %swap3A_286] {strides = array<i32>} : memref<32x384xf32, #tpu.memory_space<vmem>>, vector<16xf32>,
      tpu.vector_store %arg18[%swap3A_285, %swap3A_286], %add3A_284 {strides = array<i32>} : memref<32x384xf32, #tpu.memory_space<vmem>>, vector<16xf32>,
      %get3A_288 = arith.index_cast %scan3A_65 : i32 to index
      %get3A_289 = arith.constant 256 : index
      %get3A_290 = tpu.vector_load %arg18[%get3A_288, %get3A_289] {strides = array<i32>} : memref<32x384xf32, #tpu.memory_space<vmem>>, vector<16xf32>,
      %get3A_291 = arith.index_cast %scan3A_65 : i32 to index
      %get3A_292 = arith.constant 256 : index
      %get3A_293 = tpu.vector_load %arg19[%get3A_291, %get3A_292] {strides = array<i32>} : memref<32x384xf32, #tpu.memory_space<vmem>>, vector<16xf32>,
      %add3A_294 = arith.addf %get3A_290, %get3A_293 : vector<16xf32>
      %get3A_295 = arith.index_cast %scan3A_65 : i32 to index
      %get3A_296 = arith.constant 256 : index
      %get3A_297 = tpu.vector_load %arg20[%get3A_295, %get3A_296] {strides = array<i32>} : memref<32x384xf32, #tpu.memory_space<vmem>>, vector<16xf32>,
      %add3A_298 = arith.addf %add3A_294, %get3A_297 : vector<16xf32>
      %swap3A_299 = arith.index_cast %scan3A_65 : i32 to index
      %swap3A_300 = arith.constant 256 : index
      %swap3A_301 = tpu.vector_load %arg18[%swap3A_299, %swap3A_300] {strides = array<i32>} : memref<32x384xf32, #tpu.memory_space<vmem>>, vector<16xf32>,
      tpu.vector_store %arg18[%swap3A_299, %swap3A_300], %add3A_298 {strides = array<i32>} : memref<32x384xf32, #tpu.memory_space<vmem>>, vector<16xf32>,
      %get3A_302 = arith.index_cast %scan3A_65 : i32 to index
      %get3A_303 = arith.constant 272 : index
      %get3A_304 = tpu.vector_load %arg18[%get3A_302, %get3A_303] {strides = array<i32>} : memref<32x384xf32, #tpu.memory_space<vmem>>, vector<16xf32>,
      %get3A_305 = arith.index_cast %scan3A_65 : i32 to index
      %get3A_306 = arith.constant 272 : index
      %get3A_307 = tpu.vector_load %arg19[%get3A_305, %get3A_306] {strides = array<i32>} : memref<32x384xf32, #tpu.memory_space<vmem>>, vector<16xf32>,
      %add3A_308 = arith.addf %get3A_304, %get3A_307 : vector<16xf32>
      %get3A_309 = arith.index_cast %scan3A_65 : i32 to index
      %get3A_310 = arith.constant 272 : index
      %get3A_311 = tpu.vector_load %arg20[%get3A_309, %get3A_310] {strides = array<i32>} : memref<32x384xf32, #tpu.memory_space<vmem>>, vector<16xf32>,
      %add3A_312 = arith.addf %add3A_308, %get3A_311 : vector<16xf32>
      %swap3A_313 = arith.index_cast %scan3A_65 : i32 to index
      %swap3A_314 = arith.constant 272 : index
      %swap3A_315 = tpu.vector_load %arg18[%swap3A_313, %swap3A_314] {strides = array<i32>} : memref<32x384xf32, #tpu.memory_space<vmem>>, vector<16xf32>,
      tpu.vector_store %arg18[%swap3A_313, %swap3A_314], %add3A_312 {strides = array<i32>} : memref<32x384xf32, #tpu.memory_space<vmem>>, vector<16xf32>,
      %get3A_316 = arith.index_cast %scan3A_65 : i32 to index
      %get3A_317 = arith.constant 288 : index
      %get3A_318 = tpu.vector_load %arg18[%get3A_316, %get3A_317] {strides = array<i32>} : memref<32x384xf32, #tpu.memory_space<vmem>>, vector<16xf32>,
      %get3A_319 = arith.index_cast %scan3A_65 : i32 to index
      %get3A_320 = arith.constant 288 : index
      %get3A_321 = tpu.vector_load %arg19[%get3A_319, %get3A_320] {strides = array<i32>} : memref<32x384xf32, #tpu.memory_space<vmem>>, vector<16xf32>,
      %add3A_322 = arith.addf %get3A_318, %get3A_321 : vector<16xf32>
      %get3A_323 = arith.index_cast %scan3A_65 : i32 to index
      %get3A_324 = arith.constant 288 : index
      %get3A_325 = tpu.vector_load %arg20[%get3A_323, %get3A_324] {strides = array<i32>} : memref<32x384xf32, #tpu.memory_space<vmem>>, vector<16xf32>,
      %add3A_326 = arith.addf %add3A_322, %get3A_325 : vector<16xf32>
      %swap3A_327 = arith.index_cast %scan3A_65 : i32 to index
      %swap3A_328 = arith.constant 288 : index
      %swap3A_329 = tpu.vector_load %arg18[%swap3A_327, %swap3A_328] {strides = array<i32>} : memref<32x384xf32, #tpu.memory_space<vmem>>, vector<16xf32>,
      tpu.vector_store %arg18[%swap3A_327, %swap3A_328], %add3A_326 {strides = array<i32>} : memref<32x384xf32, #tpu.memory_space<vmem>>, vector<16xf32>,
      %get3A_330 = arith.index_cast %scan3A_65 : i32 to index
      %get3A_331 = arith.constant 304 : index
      %get3A_332 = tpu.vector_load %arg18[%get3A_330, %get3A_331] {strides = array<i32>} : memref<32x384xf32, #tpu.memory_space<vmem>>, vector<16xf32>,
      %get3A_333 = arith.index_cast %scan3A_65 : i32 to index
      %get3A_334 = arith.constant 304 : index
      %get3A_335 = tpu.vector_load %arg19[%get3A_333, %get3A_334] {strides = array<i32>} : memref<32x384xf32, #tpu.memory_space<vmem>>, vector<16xf32>,
      %add3A_336 = arith.addf %get3A_332, %get3A_335 : vector<16xf32>
      %get3A_337 = arith.index_cast %scan3A_65 : i32 to index
      %get3A_338 = arith.constant 304 : index
      %get3A_339 = tpu.vector_load %arg20[%get3A_337, %get3A_338] {strides = array<i32>} : memref<32x384xf32, #tpu.memory_space<vmem>>, vector<16xf32>,
      %add3A_340 = arith.addf %add3A_336, %get3A_339 : vector<16xf32>
      %swap3A_341 = arith.index_cast %scan3A_65 : i32 to index
      %swap3A_342 = arith.constant 304 : index
      %swap3A_343 = tpu.vector_load %arg18[%swap3A_341, %swap3A_342] {strides = array<i32>} : memref<32x384xf32, #tpu.memory_space<vmem>>, vector<16xf32>,
      tpu.vector_store %arg18[%swap3A_341, %swap3A_342], %add3A_340 {strides = array<i32>} : memref<32x384xf32, #tpu.memory_space<vmem>>, vector<16xf32>,
      %get3A_344 = arith.index_cast %scan3A_65 : i32 to index
      %get3A_345 = arith.constant 320 : index
      %get3A_346 = tpu.vector_load %arg18[%get3A_344, %get3A_345] {strides = array<i32>} : memref<32x384xf32, #tpu.memory_space<vmem>>, vector<16xf32>,
      %get3A_347 = arith.index_cast %scan3A_65 : i32 to index
      %get3A_348 = arith.constant 320 : index
      %get3A_349 = tpu.vector_load %arg19[%get3A_347, %get3A_348] {strides = array<i32>} : memref<32x384xf32, #tpu.memory_space<vmem>>, vector<16xf32>,
      %add3A_350 = arith.addf %get3A_346, %get3A_349 : vector<16xf32>
      %get3A_351 = arith.index_cast %scan3A_65 : i32 to index
      %get3A_352 = arith.constant 320 : index
      %get3A_353 = tpu.vector_load %arg20[%get3A_351, %get3A_352] {strides = array<i32>} : memref<32x384xf32, #tpu.memory_space<vmem>>, vector<16xf32>,
      %add3A_354 = arith.addf %add3A_350, %get3A_353 : vector<16xf32>
      %swap3A_355 = arith.index_cast %scan3A_65 : i32 to index
      %swap3A_356 = arith.constant 320 : index
      %swap3A_357 = tpu.vector_load %arg18[%swap3A_355, %swap3A_356] {strides = array<i32>} : memref<32x384xf32, #tpu.memory_space<vmem>>, vector<16xf32>,
      tpu.vector_store %arg18[%swap3A_355, %swap3A_356], %add3A_354 {strides = array<i32>} : memref<32x384xf32, #tpu.memory_space<vmem>>, vector<16xf32>,
      %get3A_358 = arith.index_cast %scan3A_65 : i32 to index
      %get3A_359 = arith.constant 336 : index
      %get3A_360 = tpu.vector_load %arg18[%get3A_358, %get3A_359] {strides = array<i32>} : memref<32x384xf32, #tpu.memory_space<vmem>>, vector<16xf32>,
      %get3A_361 = arith.index_cast %scan3A_65 : i32 to index
      %get3A_362 = arith.constant 336 : index
      %get3A_363 = tpu.vector_load %arg19[%get3A_361, %get3A_362] {strides = array<i32>} : memref<32x384xf32, #tpu.memory_space<vmem>>, vector<16xf32>,
      %add3A_364 = arith.addf %get3A_360, %get3A_363 : vector<16xf32>
      %get3A_365 = arith.index_cast %scan3A_65 : i32 to index
      %get3A_366 = arith.constant 336 : index
      %get3A_367 = tpu.vector_load %arg20[%get3A_365, %get3A_366] {strides = array<i32>} : memref<32x384xf32, #tpu.memory_space<vmem>>, vector<16xf32>,
      %add3A_368 = arith.addf %add3A_364, %get3A_367 : vector<16xf32>
      %swap3A_369 = arith.index_cast %scan3A_65 : i32 to index
      %swap3A_370 = arith.constant 336 : index
      %swap3A_371 = tpu.vector_load %arg18[%swap3A_369, %swap3A_370] {strides = array<i32>} : memref<32x384xf32, #tpu.memory_space<vmem>>, vector<16xf32>,
      tpu.vector_store %arg18[%swap3A_369, %swap3A_370], %add3A_368 {strides = array<i32>} : memref<32x384xf32, #tpu.memory_space<vmem>>, vector<16xf32>,
      %get3A_372 = arith.index_cast %scan3A_65 : i32 to index
      %get3A_373 = arith.constant 352 : index
      %get3A_374 = tpu.vector_load %arg18[%get3A_372, %get3A_373] {strides = array<i32>} : memref<32x384xf32, #tpu.memory_space<vmem>>, vector<16xf32>,
      %get3A_375 = arith.index_cast %scan3A_65 : i32 to index
      %get3A_376 = arith.constant 352 : index
      %get3A_377 = tpu.vector_load %arg19[%get3A_375, %get3A_376] {strides = array<i32>} : memref<32x384xf32, #tpu.memory_space<vmem>>, vector<16xf32>,
      %add3A_378 = arith.addf %get3A_374, %get3A_377 : vector<16xf32>
      %get3A_379 = arith.index_cast %scan3A_65 : i32 to index
      %get3A_380 = arith.constant 352 : index
      %get3A_381 = tpu.vector_load %arg20[%get3A_379, %get3A_380] {strides = array<i32>} : memref<32x384xf32, #tpu.memory_space<vmem>>, vector<16xf32>,
      %add3A_382 = arith.addf %add3A_378, %get3A_381 : vector<16xf32>
      %swap3A_383 = arith.index_cast %scan3A_65 : i32 to index
      %swap3A_384 = arith.constant 352 : index
      %swap3A_385 = tpu.vector_load %arg18[%swap3A_383, %swap3A_384] {strides = array<i32>} : memref<32x384xf32, #tpu.memory_space<vmem>>, vector<16xf32>,
      tpu.vector_store %arg18[%swap3A_383, %swap3A_384], %add3A_382 {strides = array<i32>} : memref<32x384xf32, #tpu.memory_space<vmem>>, vector<16xf32>,
      %get3A_386 = arith.index_cast %scan3A_65 : i32 to index
      %get3A_387 = arith.constant 368 : index
      %get3A_388 = tpu.vector_load %arg18[%get3A_386, %get3A_387] {strides = array<i32>} : memref<32x384xf32, #tpu.memory_space<vmem>>, vector<16xf32>,
      %get3A_389 = arith.index_cast %scan3A_65 : i32 to index
      %get3A_390 = arith.constant 368 : index
      %get3A_391 = tpu.vector_load %arg19[%get3A_389, %get3A_390] {strides = array<i32>} : memref<32x384xf32, #tpu.memory_space<vmem>>, vector<16xf32>,
      %add3A_392 = arith.addf %get3A_388, %get3A_391 : vector<16xf32>
      %get3A_393 = arith.index_cast %scan3A_65 : i32 to index
      %get3A_394 = arith.constant 368 : index
      %get3A_395 = tpu.vector_load %arg20[%get3A_393, %get3A_394] {strides = array<i32>} : memref<32x384xf32, #tpu.memory_space<vmem>>, vector<16xf32>,
      %add3A_396 = arith.addf %add3A_392, %get3A_395 : vector<16xf32>
      %swap3A_397 = arith.index_cast %scan3A_65 : i32 to index
      %swap3A_398 = arith.constant 368 : index
      %swap3A_399 = tpu.vector_load %arg18[%swap3A_397, %swap3A_398] {strides = array<i32>} : memref<32x384xf32, #tpu.memory_space<vmem>>, vector<16xf32>,
      tpu.vector_store %arg18[%swap3A_397, %swap3A_398], %add3A_396 {strides = array<i32>} : memref<32x384xf32, #tpu.memory_space<vmem>>, vector<16xf32>,
    }
    %scan3A_61 = arith.constant 32 : i32
    %add3A_62 = arith.constant 3104 : i32
    %add3A_63 = arith.addi %mul3A_2, %add3A_62 : i32
    %multiple_of3A_64 = tpu.assume_multiple %add3A_63, 8 : i32
    "tpu.region"() ({
      %run_scoped3A = tpu.sem_alloc : memref<!tpu.dma_semaphore, #tpu.memory_space<semaphore_mem>>
      %dma_start3A_65 = arith.constant 0 : i32
      %dma_start3A_66 = tpu.memref_slice %arg8[%multiple_of3A_64, %dma_start3A_65] : memref<100352x384xf32, #tpu.memory_space<hbm>> -> memref<32x384xf32, #tpu.memory_space<hbm>>
      %dma_start3A_67 = arith.constant 0 : i32
      %dma_start3A_68 = tpu.memref_slice %arg8[%multiple_of3A_64, %dma_start3A_67] : memref<100352x384xf32, #tpu.memory_space<hbm>> -> memref<32x384xf32, #tpu.memory_space<hbm>>
      tpu.enqueue_dma source(%arg18 : memref<32x384xf32, #tpu.memory_space<vmem>>) target(%dma_start3A_68 : memref<32x384xf32, #tpu.memory_space<hbm>>) target_semaphore(%run_scoped3A : memref<!tpu.dma_semaphore, #tpu.memory_space<semaphore_mem>>)
      %dma_wait3A_69 = arith.constant 0 : i32
      %dma_wait3A_70 = tpu.memref_slice %arg8[%multiple_of3A_64, %dma_wait3A_69] : memref<100352x384xf32, #tpu.memory_space<hbm>> -> memref<32x384xf32, #tpu.memory_space<hbm>>
      %dma_wait3A_71 = arith.constant 0 : i32
      %dma_wait3A_72 = tpu.memref_slice %arg8[%multiple_of3A_64, %dma_wait3A_71] : memref<100352x384xf32, #tpu.memory_space<hbm>> -> memref<32x384xf32, #tpu.memory_space<hbm>>
      tpu.wait_dma2 semaphore(%run_scoped3A : memref<!tpu.dma_semaphore, #tpu.memory_space<semaphore_mem>>) src(%arg18 : memref<32x384xf32, #tpu.memory_space<vmem>>) dst(%dma_wait3A_72 : memref<32x384xf32, #tpu.memory_space<hbm>>)
      tpu.yield
    }) : () -> ()
    return
  }
}

#map = affine_map<(d0, d1) -> (0, 0)>
#map1 = affine_map<(d0, d1) -> (0)>
#map2 = affine_map<(d0, d1) -> (0, 0, 0)>
module attributes {stable_mosaic.version = 14 : i64} {
  func.func @edge_agg(%arg0: i32, %arg1: i32, %arg2: memref<10000x128xf32, #tpu.memory_space<hbm>>, %arg3: memref<320000xi32, #tpu.memory_space<hbm>>, %arg4: memref<320000xi32, #tpu.memory_space<hbm>>, %arg5: memref<2x10240x128xf32, #tpu.memory_space<hbm>>, %arg6: memref<80xi32, #tpu.memory_space<vmem>>, %arg7: memref<80xi32, #tpu.memory_space<vmem>>, %arg8: memref<80xi32, #tpu.memory_space<vmem>>, %arg9: memref<80xi32, #tpu.memory_space<vmem>>, %arg10: memref<80x128xf32, #tpu.memory_space<vmem>>, %arg11: memref<80x128xf32, #tpu.memory_space<vmem>>, %arg12: memref<10240x128xf32, #tpu.memory_space<vmem_shared>>, %arg13: memref<!tpu.dma_semaphore, #tpu.memory_space<semaphore_mem>>, %arg14: memref<!tpu.dma_semaphore, #tpu.memory_space<semaphore_mem>>) attributes {dimension_semantics = [#tpu.dimension_semantics<core_parallel>, #tpu.dimension_semantics<subcore_parallel>], iteration_bounds = array<i64: 2, 16>, scalar_prefetch = 0 : i64, scratch_operands = 9 : i64, tpu.core_type = #tpu.core_type<sc_vector_subcore>, window_params = [{transform_indices = #map}, {transform_indices = #map1}, {transform_indices = #map1}, {transform_indices = #map2}]} {
    %mul3A = arith.constant 2 : i32
    %mul3A_0 = arith.muli %arg1, %mul3A : i32
    %add3A = arith.addi %mul3A_0, %arg0 : i32
    %mul3A_1 = arith.constant 10000 : i32
    %mul3A_2 = arith.muli %add3A, %mul3A_1 : i32
    %mul3A_3 = arith.constant 640 : i32
    %mul3A_4 = arith.muli %arg1, %mul3A_3 : i32
    %multiple_of3A = tpu.assume_multiple %mul3A_4, 8 : i32
    %broadcast_in_dim3A = arith.constant 0.000000e+00 : f32
    %broadcast_in_dim3A_5 = vector.broadcast %broadcast_in_dim3A : f32 to vector<16xf32>
    %scan3A = arith.constant 0 : i32
    %scan3A_6 = arith.constant 0 : i32
    %scan3A_7 = arith.constant 80 : i32
    %scan3A_8 = arith.addi %scan3A_6, %scan3A_7 : i32
    %scan3A_9 = arith.constant 1 : i32
    scf.for %scan3A_57 = %scan3A_6 to %scan3A_8 step %scan3A_9  : i32 {
      %swap3A = arith.index_cast %scan3A_57 : i32 to index
      %swap3A_58 = arith.constant 0 : index
      %swap3A_59 = tpu.vector_load %arg10[%swap3A, %swap3A_58] {strides = array<i32>} : memref<80x128xf32, #tpu.memory_space<vmem>>, vector<16xf32>,
      tpu.vector_store %arg10[%swap3A, %swap3A_58], %broadcast_in_dim3A_5 {strides = array<i32>} : memref<80x128xf32, #tpu.memory_space<vmem>>, vector<16xf32>,
      %swap3A_60 = arith.index_cast %scan3A_57 : i32 to index
      %swap3A_61 = arith.constant 16 : index
      %swap3A_62 = tpu.vector_load %arg10[%swap3A_60, %swap3A_61] {strides = array<i32>} : memref<80x128xf32, #tpu.memory_space<vmem>>, vector<16xf32>,
      tpu.vector_store %arg10[%swap3A_60, %swap3A_61], %broadcast_in_dim3A_5 {strides = array<i32>} : memref<80x128xf32, #tpu.memory_space<vmem>>, vector<16xf32>,
      %swap3A_63 = arith.index_cast %scan3A_57 : i32 to index
      %swap3A_64 = arith.constant 32 : index
      %swap3A_65 = tpu.vector_load %arg10[%swap3A_63, %swap3A_64] {strides = array<i32>} : memref<80x128xf32, #tpu.memory_space<vmem>>, vector<16xf32>,
      tpu.vector_store %arg10[%swap3A_63, %swap3A_64], %broadcast_in_dim3A_5 {strides = array<i32>} : memref<80x128xf32, #tpu.memory_space<vmem>>, vector<16xf32>,
      %swap3A_66 = arith.index_cast %scan3A_57 : i32 to index
      %swap3A_67 = arith.constant 48 : index
      %swap3A_68 = tpu.vector_load %arg10[%swap3A_66, %swap3A_67] {strides = array<i32>} : memref<80x128xf32, #tpu.memory_space<vmem>>, vector<16xf32>,
      tpu.vector_store %arg10[%swap3A_66, %swap3A_67], %broadcast_in_dim3A_5 {strides = array<i32>} : memref<80x128xf32, #tpu.memory_space<vmem>>, vector<16xf32>,
      %swap3A_69 = arith.index_cast %scan3A_57 : i32 to index
      %swap3A_70 = arith.constant 64 : index
      %swap3A_71 = tpu.vector_load %arg10[%swap3A_69, %swap3A_70] {strides = array<i32>} : memref<80x128xf32, #tpu.memory_space<vmem>>, vector<16xf32>,
      tpu.vector_store %arg10[%swap3A_69, %swap3A_70], %broadcast_in_dim3A_5 {strides = array<i32>} : memref<80x128xf32, #tpu.memory_space<vmem>>, vector<16xf32>,
      %swap3A_72 = arith.index_cast %scan3A_57 : i32 to index
      %swap3A_73 = arith.constant 80 : index
      %swap3A_74 = tpu.vector_load %arg10[%swap3A_72, %swap3A_73] {strides = array<i32>} : memref<80x128xf32, #tpu.memory_space<vmem>>, vector<16xf32>,
      tpu.vector_store %arg10[%swap3A_72, %swap3A_73], %broadcast_in_dim3A_5 {strides = array<i32>} : memref<80x128xf32, #tpu.memory_space<vmem>>, vector<16xf32>,
      %swap3A_75 = arith.index_cast %scan3A_57 : i32 to index
      %swap3A_76 = arith.constant 96 : index
      %swap3A_77 = tpu.vector_load %arg10[%swap3A_75, %swap3A_76] {strides = array<i32>} : memref<80x128xf32, #tpu.memory_space<vmem>>, vector<16xf32>,
      tpu.vector_store %arg10[%swap3A_75, %swap3A_76], %broadcast_in_dim3A_5 {strides = array<i32>} : memref<80x128xf32, #tpu.memory_space<vmem>>, vector<16xf32>,
      %swap3A_78 = arith.index_cast %scan3A_57 : i32 to index
      %swap3A_79 = arith.constant 112 : index
      %swap3A_80 = tpu.vector_load %arg10[%swap3A_78, %swap3A_79] {strides = array<i32>} : memref<80x128xf32, #tpu.memory_space<vmem>>, vector<16xf32>,
      tpu.vector_store %arg10[%swap3A_78, %swap3A_79], %broadcast_in_dim3A_5 {strides = array<i32>} : memref<80x128xf32, #tpu.memory_space<vmem>>, vector<16xf32>,
    }
    %scan3A_10 = arith.constant 80 : i32
    %add3A_11 = arith.constant 0 : i32
    %add3A_12 = arith.addi %multiple_of3A, %add3A_11 : i32
    "tpu.region"() ({
      %run_scoped3A = tpu.sem_alloc : memref<!tpu.dma_semaphore, #tpu.memory_space<semaphore_mem>>
      %dma_start3A_57 = arith.constant 0 : i32
      %dma_start3A_58 = tpu.memref_slice %arg12[%add3A_12, %dma_start3A_57] : memref<10240x128xf32, #tpu.memory_space<vmem_shared>> -> memref<80x128xf32, #tpu.memory_space<vmem_shared>>
      %dma_start3A_59 = arith.constant 0 : i32
      %dma_start3A_60 = tpu.memref_slice %arg12[%add3A_12, %dma_start3A_59] : memref<10240x128xf32, #tpu.memory_space<vmem_shared>> -> memref<80x128xf32, #tpu.memory_space<vmem_shared>>
      tpu.enqueue_dma source(%arg10 : memref<80x128xf32, #tpu.memory_space<vmem>>) target(%dma_start3A_60 : memref<80x128xf32, #tpu.memory_space<vmem_shared>>) target_semaphore(%run_scoped3A : memref<!tpu.dma_semaphore, #tpu.memory_space<semaphore_mem>>)
      %dma_wait3A_61 = arith.constant 0 : i32
      %dma_wait3A_62 = tpu.memref_slice %arg12[%add3A_12, %dma_wait3A_61] : memref<10240x128xf32, #tpu.memory_space<vmem_shared>> -> memref<80x128xf32, #tpu.memory_space<vmem_shared>>
      %dma_wait3A_63 = arith.constant 0 : i32
      %dma_wait3A_64 = tpu.memref_slice %arg12[%add3A_12, %dma_wait3A_63] : memref<10240x128xf32, #tpu.memory_space<vmem_shared>> -> memref<80x128xf32, #tpu.memory_space<vmem_shared>>
      tpu.wait_dma2 semaphore(%run_scoped3A : memref<!tpu.dma_semaphore, #tpu.memory_space<semaphore_mem>>) src(%arg10 : memref<80x128xf32, #tpu.memory_space<vmem>>) dst(%dma_wait3A_64 : memref<80x128xf32, #tpu.memory_space<vmem_shared>>)
      tpu.yield
    }) : () -> ()
    %add3A_13 = arith.constant 80 : i32
    %add3A_14 = arith.addi %multiple_of3A, %add3A_13 : i32
    "tpu.region"() ({
      %run_scoped3A = tpu.sem_alloc : memref<!tpu.dma_semaphore, #tpu.memory_space<semaphore_mem>>
      %dma_start3A_57 = arith.constant 0 : i32
      %dma_start3A_58 = tpu.memref_slice %arg12[%add3A_14, %dma_start3A_57] : memref<10240x128xf32, #tpu.memory_space<vmem_shared>> -> memref<80x128xf32, #tpu.memory_space<vmem_shared>>
      %dma_start3A_59 = arith.constant 0 : i32
      %dma_start3A_60 = tpu.memref_slice %arg12[%add3A_14, %dma_start3A_59] : memref<10240x128xf32, #tpu.memory_space<vmem_shared>> -> memref<80x128xf32, #tpu.memory_space<vmem_shared>>
      tpu.enqueue_dma source(%arg10 : memref<80x128xf32, #tpu.memory_space<vmem>>) target(%dma_start3A_60 : memref<80x128xf32, #tpu.memory_space<vmem_shared>>) target_semaphore(%run_scoped3A : memref<!tpu.dma_semaphore, #tpu.memory_space<semaphore_mem>>)
      %dma_wait3A_61 = arith.constant 0 : i32
      %dma_wait3A_62 = tpu.memref_slice %arg12[%add3A_14, %dma_wait3A_61] : memref<10240x128xf32, #tpu.memory_space<vmem_shared>> -> memref<80x128xf32, #tpu.memory_space<vmem_shared>>
      %dma_wait3A_63 = arith.constant 0 : i32
      %dma_wait3A_64 = tpu.memref_slice %arg12[%add3A_14, %dma_wait3A_63] : memref<10240x128xf32, #tpu.memory_space<vmem_shared>> -> memref<80x128xf32, #tpu.memory_space<vmem_shared>>
      tpu.wait_dma2 semaphore(%run_scoped3A : memref<!tpu.dma_semaphore, #tpu.memory_space<semaphore_mem>>) src(%arg10 : memref<80x128xf32, #tpu.memory_space<vmem>>) dst(%dma_wait3A_64 : memref<80x128xf32, #tpu.memory_space<vmem_shared>>)
      tpu.yield
    }) : () -> ()
    %add3A_15 = arith.constant 160 : i32
    %add3A_16 = arith.addi %multiple_of3A, %add3A_15 : i32
    "tpu.region"() ({
      %run_scoped3A = tpu.sem_alloc : memref<!tpu.dma_semaphore, #tpu.memory_space<semaphore_mem>>
      %dma_start3A_57 = arith.constant 0 : i32
      %dma_start3A_58 = tpu.memref_slice %arg12[%add3A_16, %dma_start3A_57] : memref<10240x128xf32, #tpu.memory_space<vmem_shared>> -> memref<80x128xf32, #tpu.memory_space<vmem_shared>>
      %dma_start3A_59 = arith.constant 0 : i32
      %dma_start3A_60 = tpu.memref_slice %arg12[%add3A_16, %dma_start3A_59] : memref<10240x128xf32, #tpu.memory_space<vmem_shared>> -> memref<80x128xf32, #tpu.memory_space<vmem_shared>>
      tpu.enqueue_dma source(%arg10 : memref<80x128xf32, #tpu.memory_space<vmem>>) target(%dma_start3A_60 : memref<80x128xf32, #tpu.memory_space<vmem_shared>>) target_semaphore(%run_scoped3A : memref<!tpu.dma_semaphore, #tpu.memory_space<semaphore_mem>>)
      %dma_wait3A_61 = arith.constant 0 : i32
      %dma_wait3A_62 = tpu.memref_slice %arg12[%add3A_16, %dma_wait3A_61] : memref<10240x128xf32, #tpu.memory_space<vmem_shared>> -> memref<80x128xf32, #tpu.memory_space<vmem_shared>>
      %dma_wait3A_63 = arith.constant 0 : i32
      %dma_wait3A_64 = tpu.memref_slice %arg12[%add3A_16, %dma_wait3A_63] : memref<10240x128xf32, #tpu.memory_space<vmem_shared>> -> memref<80x128xf32, #tpu.memory_space<vmem_shared>>
      tpu.wait_dma2 semaphore(%run_scoped3A : memref<!tpu.dma_semaphore, #tpu.memory_space<semaphore_mem>>) src(%arg10 : memref<80x128xf32, #tpu.memory_space<vmem>>) dst(%dma_wait3A_64 : memref<80x128xf32, #tpu.memory_space<vmem_shared>>)
      tpu.yield
    }) : () -> ()
    %add3A_17 = arith.constant 240 : i32
    %add3A_18 = arith.addi %multiple_of3A, %add3A_17 : i32
    "tpu.region"() ({
      %run_scoped3A = tpu.sem_alloc : memref<!tpu.dma_semaphore, #tpu.memory_space<semaphore_mem>>
      %dma_start3A_57 = arith.constant 0 : i32
      %dma_start3A_58 = tpu.memref_slice %arg12[%add3A_18, %dma_start3A_57] : memref<10240x128xf32, #tpu.memory_space<vmem_shared>> -> memref<80x128xf32, #tpu.memory_space<vmem_shared>>
      %dma_start3A_59 = arith.constant 0 : i32
      %dma_start3A_60 = tpu.memref_slice %arg12[%add3A_18, %dma_start3A_59] : memref<10240x128xf32, #tpu.memory_space<vmem_shared>> -> memref<80x128xf32, #tpu.memory_space<vmem_shared>>
      tpu.enqueue_dma source(%arg10 : memref<80x128xf32, #tpu.memory_space<vmem>>) target(%dma_start3A_60 : memref<80x128xf32, #tpu.memory_space<vmem_shared>>) target_semaphore(%run_scoped3A : memref<!tpu.dma_semaphore, #tpu.memory_space<semaphore_mem>>)
      %dma_wait3A_61 = arith.constant 0 : i32
      %dma_wait3A_62 = tpu.memref_slice %arg12[%add3A_18, %dma_wait3A_61] : memref<10240x128xf32, #tpu.memory_space<vmem_shared>> -> memref<80x128xf32, #tpu.memory_space<vmem_shared>>
      %dma_wait3A_63 = arith.constant 0 : i32
      %dma_wait3A_64 = tpu.memref_slice %arg12[%add3A_18, %dma_wait3A_63] : memref<10240x128xf32, #tpu.memory_space<vmem_shared>> -> memref<80x128xf32, #tpu.memory_space<vmem_shared>>
      tpu.wait_dma2 semaphore(%run_scoped3A : memref<!tpu.dma_semaphore, #tpu.memory_space<semaphore_mem>>) src(%arg10 : memref<80x128xf32, #tpu.memory_space<vmem>>) dst(%dma_wait3A_64 : memref<80x128xf32, #tpu.memory_space<vmem_shared>>)
      tpu.yield
    }) : () -> ()
    %add3A_19 = arith.constant 320 : i32
    %add3A_20 = arith.addi %multiple_of3A, %add3A_19 : i32
    "tpu.region"() ({
      %run_scoped3A = tpu.sem_alloc : memref<!tpu.dma_semaphore, #tpu.memory_space<semaphore_mem>>
      %dma_start3A_57 = arith.constant 0 : i32
      %dma_start3A_58 = tpu.memref_slice %arg12[%add3A_20, %dma_start3A_57] : memref<10240x128xf32, #tpu.memory_space<vmem_shared>> -> memref<80x128xf32, #tpu.memory_space<vmem_shared>>
      %dma_start3A_59 = arith.constant 0 : i32
      %dma_start3A_60 = tpu.memref_slice %arg12[%add3A_20, %dma_start3A_59] : memref<10240x128xf32, #tpu.memory_space<vmem_shared>> -> memref<80x128xf32, #tpu.memory_space<vmem_shared>>
      tpu.enqueue_dma source(%arg10 : memref<80x128xf32, #tpu.memory_space<vmem>>) target(%dma_start3A_60 : memref<80x128xf32, #tpu.memory_space<vmem_shared>>) target_semaphore(%run_scoped3A : memref<!tpu.dma_semaphore, #tpu.memory_space<semaphore_mem>>)
      %dma_wait3A_61 = arith.constant 0 : i32
      %dma_wait3A_62 = tpu.memref_slice %arg12[%add3A_20, %dma_wait3A_61] : memref<10240x128xf32, #tpu.memory_space<vmem_shared>> -> memref<80x128xf32, #tpu.memory_space<vmem_shared>>
      %dma_wait3A_63 = arith.constant 0 : i32
      %dma_wait3A_64 = tpu.memref_slice %arg12[%add3A_20, %dma_wait3A_63] : memref<10240x128xf32, #tpu.memory_space<vmem_shared>> -> memref<80x128xf32, #tpu.memory_space<vmem_shared>>
      tpu.wait_dma2 semaphore(%run_scoped3A : memref<!tpu.dma_semaphore, #tpu.memory_space<semaphore_mem>>) src(%arg10 : memref<80x128xf32, #tpu.memory_space<vmem>>) dst(%dma_wait3A_64 : memref<80x128xf32, #tpu.memory_space<vmem_shared>>)
      tpu.yield
    }) : () -> ()
    %add3A_21 = arith.constant 400 : i32
    %add3A_22 = arith.addi %multiple_of3A, %add3A_21 : i32
    "tpu.region"() ({
      %run_scoped3A = tpu.sem_alloc : memref<!tpu.dma_semaphore, #tpu.memory_space<semaphore_mem>>
      %dma_start3A_57 = arith.constant 0 : i32
      %dma_start3A_58 = tpu.memref_slice %arg12[%add3A_22, %dma_start3A_57] : memref<10240x128xf32, #tpu.memory_space<vmem_shared>> -> memref<80x128xf32, #tpu.memory_space<vmem_shared>>
      %dma_start3A_59 = arith.constant 0 : i32
      %dma_start3A_60 = tpu.memref_slice %arg12[%add3A_22, %dma_start3A_59] : memref<10240x128xf32, #tpu.memory_space<vmem_shared>> -> memref<80x128xf32, #tpu.memory_space<vmem_shared>>
      tpu.enqueue_dma source(%arg10 : memref<80x128xf32, #tpu.memory_space<vmem>>) target(%dma_start3A_60 : memref<80x128xf32, #tpu.memory_space<vmem_shared>>) target_semaphore(%run_scoped3A : memref<!tpu.dma_semaphore, #tpu.memory_space<semaphore_mem>>)
      %dma_wait3A_61 = arith.constant 0 : i32
      %dma_wait3A_62 = tpu.memref_slice %arg12[%add3A_22, %dma_wait3A_61] : memref<10240x128xf32, #tpu.memory_space<vmem_shared>> -> memref<80x128xf32, #tpu.memory_space<vmem_shared>>
      %dma_wait3A_63 = arith.constant 0 : i32
      %dma_wait3A_64 = tpu.memref_slice %arg12[%add3A_22, %dma_wait3A_63] : memref<10240x128xf32, #tpu.memory_space<vmem_shared>> -> memref<80x128xf32, #tpu.memory_space<vmem_shared>>
      tpu.wait_dma2 semaphore(%run_scoped3A : memref<!tpu.dma_semaphore, #tpu.memory_space<semaphore_mem>>) src(%arg10 : memref<80x128xf32, #tpu.memory_space<vmem>>) dst(%dma_wait3A_64 : memref<80x128xf32, #tpu.memory_space<vmem_shared>>)
      tpu.yield
    }) : () -> ()
    %add3A_23 = arith.constant 480 : i32
    %add3A_24 = arith.addi %multiple_of3A, %add3A_23 : i32
    "tpu.region"() ({
      %run_scoped3A = tpu.sem_alloc : memref<!tpu.dma_semaphore, #tpu.memory_space<semaphore_mem>>
      %dma_start3A_57 = arith.constant 0 : i32
      %dma_start3A_58 = tpu.memref_slice %arg12[%add3A_24, %dma_start3A_57] : memref<10240x128xf32, #tpu.memory_space<vmem_shared>> -> memref<80x128xf32, #tpu.memory_space<vmem_shared>>
      %dma_start3A_59 = arith.constant 0 : i32
      %dma_start3A_60 = tpu.memref_slice %arg12[%add3A_24, %dma_start3A_59] : memref<10240x128xf32, #tpu.memory_space<vmem_shared>> -> memref<80x128xf32, #tpu.memory_space<vmem_shared>>
      tpu.enqueue_dma source(%arg10 : memref<80x128xf32, #tpu.memory_space<vmem>>) target(%dma_start3A_60 : memref<80x128xf32, #tpu.memory_space<vmem_shared>>) target_semaphore(%run_scoped3A : memref<!tpu.dma_semaphore, #tpu.memory_space<semaphore_mem>>)
      %dma_wait3A_61 = arith.constant 0 : i32
      %dma_wait3A_62 = tpu.memref_slice %arg12[%add3A_24, %dma_wait3A_61] : memref<10240x128xf32, #tpu.memory_space<vmem_shared>> -> memref<80x128xf32, #tpu.memory_space<vmem_shared>>
      %dma_wait3A_63 = arith.constant 0 : i32
      %dma_wait3A_64 = tpu.memref_slice %arg12[%add3A_24, %dma_wait3A_63] : memref<10240x128xf32, #tpu.memory_space<vmem_shared>> -> memref<80x128xf32, #tpu.memory_space<vmem_shared>>
      tpu.wait_dma2 semaphore(%run_scoped3A : memref<!tpu.dma_semaphore, #tpu.memory_space<semaphore_mem>>) src(%arg10 : memref<80x128xf32, #tpu.memory_space<vmem>>) dst(%dma_wait3A_64 : memref<80x128xf32, #tpu.memory_space<vmem_shared>>)
      tpu.yield
    }) : () -> ()
    %add3A_25 = arith.constant 560 : i32
    %add3A_26 = arith.addi %multiple_of3A, %add3A_25 : i32
    "tpu.region"() ({
      %run_scoped3A = tpu.sem_alloc : memref<!tpu.dma_semaphore, #tpu.memory_space<semaphore_mem>>
      %dma_start3A_57 = arith.constant 0 : i32
      %dma_start3A_58 = tpu.memref_slice %arg12[%add3A_26, %dma_start3A_57] : memref<10240x128xf32, #tpu.memory_space<vmem_shared>> -> memref<80x128xf32, #tpu.memory_space<vmem_shared>>
      %dma_start3A_59 = arith.constant 0 : i32
      %dma_start3A_60 = tpu.memref_slice %arg12[%add3A_26, %dma_start3A_59] : memref<10240x128xf32, #tpu.memory_space<vmem_shared>> -> memref<80x128xf32, #tpu.memory_space<vmem_shared>>
      tpu.enqueue_dma source(%arg10 : memref<80x128xf32, #tpu.memory_space<vmem>>) target(%dma_start3A_60 : memref<80x128xf32, #tpu.memory_space<vmem_shared>>) target_semaphore(%run_scoped3A : memref<!tpu.dma_semaphore, #tpu.memory_space<semaphore_mem>>)
      %dma_wait3A_61 = arith.constant 0 : i32
      %dma_wait3A_62 = tpu.memref_slice %arg12[%add3A_26, %dma_wait3A_61] : memref<10240x128xf32, #tpu.memory_space<vmem_shared>> -> memref<80x128xf32, #tpu.memory_space<vmem_shared>>
      %dma_wait3A_63 = arith.constant 0 : i32
      %dma_wait3A_64 = tpu.memref_slice %arg12[%add3A_26, %dma_wait3A_63] : memref<10240x128xf32, #tpu.memory_space<vmem_shared>> -> memref<80x128xf32, #tpu.memory_space<vmem_shared>>
      tpu.wait_dma2 semaphore(%run_scoped3A : memref<!tpu.dma_semaphore, #tpu.memory_space<semaphore_mem>>) src(%arg10 : memref<80x128xf32, #tpu.memory_space<vmem>>) dst(%dma_wait3A_64 : memref<80x128xf32, #tpu.memory_space<vmem_shared>>)
      tpu.yield
    }) : () -> ()
    %barrier3A = arith.constant 0 : index
    tpu.barrier barrier_id(%barrier3A)
    %add3A_27 = arith.constant 0 : i32
    %add3A_28 = arith.addi %mul3A_2, %add3A_27 : i32
    %multiple_of3A_29 = tpu.assume_multiple %add3A_28, 8 : i32
    "tpu.region"() ({
      %run_scoped3A = tpu.sem_alloc : memref<!tpu.dma_semaphore, #tpu.memory_space<semaphore_mem>>
      %dma_start3A_57 = tpu.memref_slice %arg3[%multiple_of3A_29] : memref<320000xi32, #tpu.memory_space<hbm>> -> memref<80xi32, #tpu.memory_space<hbm>>
      %dma_start3A_58 = tpu.memref_slice %arg3[%multiple_of3A_29] : memref<320000xi32, #tpu.memory_space<hbm>> -> memref<80xi32, #tpu.memory_space<hbm>>
      tpu.enqueue_dma source(%dma_start3A_58 : memref<80xi32, #tpu.memory_space<hbm>>) target(%arg6 : memref<80xi32, #tpu.memory_space<vmem>>) target_semaphore(%run_scoped3A : memref<!tpu.dma_semaphore, #tpu.memory_space<semaphore_mem>>)
      %dma_wait3A_59 = tpu.memref_slice %arg3[%multiple_of3A_29] : memref<320000xi32, #tpu.memory_space<hbm>> -> memref<80xi32, #tpu.memory_space<hbm>>
      %dma_wait3A_60 = tpu.memref_slice %arg3[%multiple_of3A_29] : memref<320000xi32, #tpu.memory_space<hbm>> -> memref<80xi32, #tpu.memory_space<hbm>>
      tpu.wait_dma2 semaphore(%run_scoped3A : memref<!tpu.dma_semaphore, #tpu.memory_space<semaphore_mem>>) src(%dma_wait3A_60 : memref<80xi32, #tpu.memory_space<hbm>>) dst(%arg6 : memref<80xi32, #tpu.memory_space<vmem>>)
      tpu.yield
    }) : () -> ()
    "tpu.region"() ({
      %run_scoped3A = tpu.sem_alloc : memref<!tpu.dma_semaphore, #tpu.memory_space<semaphore_mem>>
      %dma_start3A_57 = tpu.memref_slice %arg4[%multiple_of3A_29] : memref<320000xi32, #tpu.memory_space<hbm>> -> memref<80xi32, #tpu.memory_space<hbm>>
      %dma_start3A_58 = tpu.memref_slice %arg4[%multiple_of3A_29] : memref<320000xi32, #tpu.memory_space<hbm>> -> memref<80xi32, #tpu.memory_space<hbm>>
      tpu.enqueue_dma source(%dma_start3A_58 : memref<80xi32, #tpu.memory_space<hbm>>) target(%arg7 : memref<80xi32, #tpu.memory_space<vmem>>) target_semaphore(%run_scoped3A : memref<!tpu.dma_semaphore, #tpu.memory_space<semaphore_mem>>)
      %dma_wait3A_59 = tpu.memref_slice %arg4[%multiple_of3A_29] : memref<320000xi32, #tpu.memory_space<hbm>> -> memref<80xi32, #tpu.memory_space<hbm>>
      %dma_wait3A_60 = tpu.memref_slice %arg4[%multiple_of3A_29] : memref<320000xi32, #tpu.memory_space<hbm>> -> memref<80xi32, #tpu.memory_space<hbm>>
      tpu.wait_dma2 semaphore(%run_scoped3A : memref<!tpu.dma_semaphore, #tpu.memory_space<semaphore_mem>>) src(%dma_wait3A_60 : memref<80xi32, #tpu.memory_space<hbm>>) dst(%arg7 : memref<80xi32, #tpu.memory_space<vmem>>)
      tpu.yield
    }) : () -> ()
    %dma_start3A = arith.constant 0 : i32
    %dma_start3A_30 = arith.constant 0 : i32
    %dma_start3A_31 = tpu.memref_slice %arg2[%dma_start3A, %dma_start3A_30] : memref<10000x128xf32, #tpu.memory_space<hbm>> -> memref<10000x128xf32, #tpu.memory_space<hbm>>
    tpu.enqueue_indirect_dma source(%dma_start3A_31 : memref<10000x128xf32, #tpu.memory_space<hbm>>) target(%arg10 : memref<80x128xf32, #tpu.memory_space<vmem>>) offsets(%arg6 : memref<80xi32, #tpu.memory_space<vmem>>) semaphore(%arg13 : memref<!tpu.dma_semaphore, #tpu.memory_space<semaphore_mem>>)
    %scan3A_32 = arith.constant 0 : i32
    %scan3A_33 = arith.constant 0 : i32
    %scan3A_34 = arith.constant 62 : i32
    %scan3A_35 = arith.addi %scan3A_33, %scan3A_34 : i32
    %scan3A_36 = arith.constant 1 : i32
    scf.for %scan3A_57 = %scan3A_33 to %scan3A_35 step %scan3A_36  : i32 {
      %mul3A_58 = arith.constant 2 : i32
      %mul3A_59 = arith.muli %mul3A_58, %scan3A_57 : i32
      %add3A_60 = arith.constant 1 : i32
      %add3A_61 = arith.addi %mul3A_59, %add3A_60 : i32
      %mul3A_62 = arith.constant 80 : i32
      %mul3A_63 = arith.muli %add3A_61, %mul3A_62 : i32
      %add3A_64 = arith.addi %mul3A_2, %mul3A_63 : i32
      %multiple_of3A_65 = tpu.assume_multiple %add3A_64, 8 : i32
      "tpu.region"() ({
        %run_scoped3A = tpu.sem_alloc : memref<!tpu.dma_semaphore, #tpu.memory_space<semaphore_mem>>
        %dma_start3A_84 = tpu.memref_slice %arg3[%multiple_of3A_65] : memref<320000xi32, #tpu.memory_space<hbm>> -> memref<80xi32, #tpu.memory_space<hbm>>
        %dma_start3A_85 = tpu.memref_slice %arg3[%multiple_of3A_65] : memref<320000xi32, #tpu.memory_space<hbm>> -> memref<80xi32, #tpu.memory_space<hbm>>
        tpu.enqueue_dma source(%dma_start3A_85 : memref<80xi32, #tpu.memory_space<hbm>>) target(%arg8 : memref<80xi32, #tpu.memory_space<vmem>>) target_semaphore(%run_scoped3A : memref<!tpu.dma_semaphore, #tpu.memory_space<semaphore_mem>>)
        %dma_wait3A_86 = tpu.memref_slice %arg3[%multiple_of3A_65] : memref<320000xi32, #tpu.memory_space<hbm>> -> memref<80xi32, #tpu.memory_space<hbm>>
        %dma_wait3A_87 = tpu.memref_slice %arg3[%multiple_of3A_65] : memref<320000xi32, #tpu.memory_space<hbm>> -> memref<80xi32, #tpu.memory_space<hbm>>
        tpu.wait_dma2 semaphore(%run_scoped3A : memref<!tpu.dma_semaphore, #tpu.memory_space<semaphore_mem>>) src(%dma_wait3A_87 : memref<80xi32, #tpu.memory_space<hbm>>) dst(%arg8 : memref<80xi32, #tpu.memory_space<vmem>>)
        tpu.yield
      }) : () -> ()
      "tpu.region"() ({
        %run_scoped3A = tpu.sem_alloc : memref<!tpu.dma_semaphore, #tpu.memory_space<semaphore_mem>>
        %dma_start3A_84 = tpu.memref_slice %arg4[%multiple_of3A_65] : memref<320000xi32, #tpu.memory_space<hbm>> -> memref<80xi32, #tpu.memory_space<hbm>>
        %dma_start3A_85 = tpu.memref_slice %arg4[%multiple_of3A_65] : memref<320000xi32, #tpu.memory_space<hbm>> -> memref<80xi32, #tpu.memory_space<hbm>>
        tpu.enqueue_dma source(%dma_start3A_85 : memref<80xi32, #tpu.memory_space<hbm>>) target(%arg9 : memref<80xi32, #tpu.memory_space<vmem>>) target_semaphore(%run_scoped3A : memref<!tpu.dma_semaphore, #tpu.memory_space<semaphore_mem>>)
        %dma_wait3A_86 = tpu.memref_slice %arg4[%multiple_of3A_65] : memref<320000xi32, #tpu.memory_space<hbm>> -> memref<80xi32, #tpu.memory_space<hbm>>
        %dma_wait3A_87 = tpu.memref_slice %arg4[%multiple_of3A_65] : memref<320000xi32, #tpu.memory_space<hbm>> -> memref<80xi32, #tpu.memory_space<hbm>>
        tpu.wait_dma2 semaphore(%run_scoped3A : memref<!tpu.dma_semaphore, #tpu.memory_space<semaphore_mem>>) src(%dma_wait3A_87 : memref<80xi32, #tpu.memory_space<hbm>>) dst(%arg9 : memref<80xi32, #tpu.memory_space<vmem>>)
        tpu.yield
      }) : () -> ()
      %dma_start3A_66 = arith.constant 0 : i32
      %dma_start3A_67 = arith.constant 0 : i32
      %dma_start3A_68 = tpu.memref_slice %arg2[%dma_start3A_66, %dma_start3A_67] : memref<10000x128xf32, #tpu.memory_space<hbm>> -> memref<10000x128xf32, #tpu.memory_space<hbm>>
      tpu.enqueue_indirect_dma source(%dma_start3A_68 : memref<10000x128xf32, #tpu.memory_space<hbm>>) target(%arg11 : memref<80x128xf32, #tpu.memory_space<vmem>>) offsets(%arg8 : memref<80xi32, #tpu.memory_space<vmem>>) semaphore(%arg14 : memref<!tpu.dma_semaphore, #tpu.memory_space<semaphore_mem>>)
      %dma_wait3A_69 = arith.constant 0 : i32
      %dma_wait3A_70 = arith.constant 0 : i32
      %dma_wait3A_71 = tpu.memref_slice %arg2[%dma_wait3A_69, %dma_wait3A_70] : memref<10000x128xf32, #tpu.memory_space<hbm>> -> memref<10000x128xf32, #tpu.memory_space<hbm>>
      tpu.wait_indirect_dma semaphore(%arg13 : memref<!tpu.dma_semaphore, #tpu.memory_space<semaphore_mem>>) src(%dma_wait3A_71 : memref<10000x128xf32, #tpu.memory_space<hbm>>) dst(%arg10 : memref<80x128xf32, #tpu.memory_space<vmem>>)
      "tpu.region"() ({
        %run_scoped3A = tpu.sem_alloc : memref<!tpu.dma_semaphore, #tpu.memory_space<semaphore_mem>>
        %dma_start3A_84 = arith.constant 0 : i32
        %dma_start3A_85 = arith.constant 0 : i32
        %dma_start3A_86 = tpu.memref_slice %arg12[%dma_start3A_84, %dma_start3A_85] : memref<10240x128xf32, #tpu.memory_space<vmem_shared>> -> memref<10240x128xf32, #tpu.memory_space<vmem_shared>>
        tpu.enqueue_indirect_dma source(%arg10 : memref<80x128xf32, #tpu.memory_space<vmem>>) target(%dma_start3A_86 : memref<10240x128xf32, #tpu.memory_space<vmem_shared>>) offsets(%arg7 : memref<80xi32, #tpu.memory_space<vmem>>) semaphore(%run_scoped3A : memref<!tpu.dma_semaphore, #tpu.memory_space<semaphore_mem>>) {add = true}
        %dma_wait3A_87 = arith.constant 0 : i32
        %dma_wait3A_88 = arith.constant 0 : i32
        %dma_wait3A_89 = tpu.memref_slice %arg12[%dma_wait3A_87, %dma_wait3A_88] : memref<10240x128xf32, #tpu.memory_space<vmem_shared>> -> memref<10240x128xf32, #tpu.memory_space<vmem_shared>>
        tpu.wait_indirect_dma semaphore(%run_scoped3A : memref<!tpu.dma_semaphore, #tpu.memory_space<semaphore_mem>>) src(%arg10 : memref<80x128xf32, #tpu.memory_space<vmem>>) dst(%dma_wait3A_89 : memref<10240x128xf32, #tpu.memory_space<vmem_shared>>)
        tpu.yield
      }) : () -> ()
      %add3A_72 = arith.constant 2 : i32
      %add3A_73 = arith.addi %mul3A_59, %add3A_72 : i32
      %mul3A_74 = arith.constant 80 : i32
      %mul3A_75 = arith.muli %add3A_73, %mul3A_74 : i32
      %add3A_76 = arith.addi %mul3A_2, %mul3A_75 : i32
      %multiple_of3A_77 = tpu.assume_multiple %add3A_76, 8 : i32
      "tpu.region"() ({
        %run_scoped3A = tpu.sem_alloc : memref<!tpu.dma_semaphore, #tpu.memory_space<semaphore_mem>>
        %dma_start3A_84 = tpu.memref_slice %arg3[%multiple_of3A_77] : memref<320000xi32, #tpu.memory_space<hbm>> -> memref<80xi32, #tpu.memory_space<hbm>>
        %dma_start3A_85 = tpu.memref_slice %arg3[%multiple_of3A_77] : memref<320000xi32, #tpu.memory_space<hbm>> -> memref<80xi32, #tpu.memory_space<hbm>>
        tpu.enqueue_dma source(%dma_start3A_85 : memref<80xi32, #tpu.memory_space<hbm>>) target(%arg6 : memref<80xi32, #tpu.memory_space<vmem>>) target_semaphore(%run_scoped3A : memref<!tpu.dma_semaphore, #tpu.memory_space<semaphore_mem>>)
        %dma_wait3A_86 = tpu.memref_slice %arg3[%multiple_of3A_77] : memref<320000xi32, #tpu.memory_space<hbm>> -> memref<80xi32, #tpu.memory_space<hbm>>
        %dma_wait3A_87 = tpu.memref_slice %arg3[%multiple_of3A_77] : memref<320000xi32, #tpu.memory_space<hbm>> -> memref<80xi32, #tpu.memory_space<hbm>>
        tpu.wait_dma2 semaphore(%run_scoped3A : memref<!tpu.dma_semaphore, #tpu.memory_space<semaphore_mem>>) src(%dma_wait3A_87 : memref<80xi32, #tpu.memory_space<hbm>>) dst(%arg6 : memref<80xi32, #tpu.memory_space<vmem>>)
        tpu.yield
      }) : () -> ()
      "tpu.region"() ({
        %run_scoped3A = tpu.sem_alloc : memref<!tpu.dma_semaphore, #tpu.memory_space<semaphore_mem>>
        %dma_start3A_84 = tpu.memref_slice %arg4[%multiple_of3A_77] : memref<320000xi32, #tpu.memory_space<hbm>> -> memref<80xi32, #tpu.memory_space<hbm>>
        %dma_start3A_85 = tpu.memref_slice %arg4[%multiple_of3A_77] : memref<320000xi32, #tpu.memory_space<hbm>> -> memref<80xi32, #tpu.memory_space<hbm>>
        tpu.enqueue_dma source(%dma_start3A_85 : memref<80xi32, #tpu.memory_space<hbm>>) target(%arg7 : memref<80xi32, #tpu.memory_space<vmem>>) target_semaphore(%run_scoped3A : memref<!tpu.dma_semaphore, #tpu.memory_space<semaphore_mem>>)
        %dma_wait3A_86 = tpu.memref_slice %arg4[%multiple_of3A_77] : memref<320000xi32, #tpu.memory_space<hbm>> -> memref<80xi32, #tpu.memory_space<hbm>>
        %dma_wait3A_87 = tpu.memref_slice %arg4[%multiple_of3A_77] : memref<320000xi32, #tpu.memory_space<hbm>> -> memref<80xi32, #tpu.memory_space<hbm>>
        tpu.wait_dma2 semaphore(%run_scoped3A : memref<!tpu.dma_semaphore, #tpu.memory_space<semaphore_mem>>) src(%dma_wait3A_87 : memref<80xi32, #tpu.memory_space<hbm>>) dst(%arg7 : memref<80xi32, #tpu.memory_space<vmem>>)
        tpu.yield
      }) : () -> ()
      %dma_start3A_78 = arith.constant 0 : i32
      %dma_start3A_79 = arith.constant 0 : i32
      %dma_start3A_80 = tpu.memref_slice %arg2[%dma_start3A_78, %dma_start3A_79] : memref<10000x128xf32, #tpu.memory_space<hbm>> -> memref<10000x128xf32, #tpu.memory_space<hbm>>
      tpu.enqueue_indirect_dma source(%dma_start3A_80 : memref<10000x128xf32, #tpu.memory_space<hbm>>) target(%arg10 : memref<80x128xf32, #tpu.memory_space<vmem>>) offsets(%arg6 : memref<80xi32, #tpu.memory_space<vmem>>) semaphore(%arg13 : memref<!tpu.dma_semaphore, #tpu.memory_space<semaphore_mem>>)
      %dma_wait3A_81 = arith.constant 0 : i32
      %dma_wait3A_82 = arith.constant 0 : i32
      %dma_wait3A_83 = tpu.memref_slice %arg2[%dma_wait3A_81, %dma_wait3A_82] : memref<10000x128xf32, #tpu.memory_space<hbm>> -> memref<10000x128xf32, #tpu.memory_space<hbm>>
      tpu.wait_indirect_dma semaphore(%arg14 : memref<!tpu.dma_semaphore, #tpu.memory_space<semaphore_mem>>) src(%dma_wait3A_83 : memref<10000x128xf32, #tpu.memory_space<hbm>>) dst(%arg11 : memref<80x128xf32, #tpu.memory_space<vmem>>)
      "tpu.region"() ({
        %run_scoped3A = tpu.sem_alloc : memref<!tpu.dma_semaphore, #tpu.memory_space<semaphore_mem>>
        %dma_start3A_84 = arith.constant 0 : i32
        %dma_start3A_85 = arith.constant 0 : i32
        %dma_start3A_86 = tpu.memref_slice %arg12[%dma_start3A_84, %dma_start3A_85] : memref<10240x128xf32, #tpu.memory_space<vmem_shared>> -> memref<10240x128xf32, #tpu.memory_space<vmem_shared>>
        tpu.enqueue_indirect_dma source(%arg11 : memref<80x128xf32, #tpu.memory_space<vmem>>) target(%dma_start3A_86 : memref<10240x128xf32, #tpu.memory_space<vmem_shared>>) offsets(%arg9 : memref<80xi32, #tpu.memory_space<vmem>>) semaphore(%run_scoped3A : memref<!tpu.dma_semaphore, #tpu.memory_space<semaphore_mem>>) {add = true}
        %dma_wait3A_87 = arith.constant 0 : i32
        %dma_wait3A_88 = arith.constant 0 : i32
        %dma_wait3A_89 = tpu.memref_slice %arg12[%dma_wait3A_87, %dma_wait3A_88] : memref<10240x128xf32, #tpu.memory_space<vmem_shared>> -> memref<10240x128xf32, #tpu.memory_space<vmem_shared>>
        tpu.wait_indirect_dma semaphore(%run_scoped3A : memref<!tpu.dma_semaphore, #tpu.memory_space<semaphore_mem>>) src(%arg11 : memref<80x128xf32, #tpu.memory_space<vmem>>) dst(%dma_wait3A_89 : memref<10240x128xf32, #tpu.memory_space<vmem_shared>>)
        tpu.yield
      }) : () -> ()
    }
    %scan3A_37 = arith.constant 62 : i32
    %dma_wait3A = arith.constant 0 : i32
    %dma_wait3A_38 = arith.constant 0 : i32
    %dma_wait3A_39 = tpu.memref_slice %arg2[%dma_wait3A, %dma_wait3A_38] : memref<10000x128xf32, #tpu.memory_space<hbm>> -> memref<10000x128xf32, #tpu.memory_space<hbm>>
    tpu.wait_indirect_dma semaphore(%arg13 : memref<!tpu.dma_semaphore, #tpu.memory_space<semaphore_mem>>) src(%dma_wait3A_39 : memref<10000x128xf32, #tpu.memory_space<hbm>>) dst(%arg10 : memref<80x128xf32, #tpu.memory_space<vmem>>)
    "tpu.region"() ({
      %run_scoped3A = tpu.sem_alloc : memref<!tpu.dma_semaphore, #tpu.memory_space<semaphore_mem>>
      %dma_start3A_57 = arith.constant 0 : i32
      %dma_start3A_58 = arith.constant 0 : i32
      %dma_start3A_59 = tpu.memref_slice %arg12[%dma_start3A_57, %dma_start3A_58] : memref<10240x128xf32, #tpu.memory_space<vmem_shared>> -> memref<10240x128xf32, #tpu.memory_space<vmem_shared>>
      tpu.enqueue_indirect_dma source(%arg10 : memref<80x128xf32, #tpu.memory_space<vmem>>) target(%dma_start3A_59 : memref<10240x128xf32, #tpu.memory_space<vmem_shared>>) offsets(%arg7 : memref<80xi32, #tpu.memory_space<vmem>>) semaphore(%run_scoped3A : memref<!tpu.dma_semaphore, #tpu.memory_space<semaphore_mem>>) {add = true}
      %dma_wait3A_60 = arith.constant 0 : i32
      %dma_wait3A_61 = arith.constant 0 : i32
      %dma_wait3A_62 = tpu.memref_slice %arg12[%dma_wait3A_60, %dma_wait3A_61] : memref<10240x128xf32, #tpu.memory_space<vmem_shared>> -> memref<10240x128xf32, #tpu.memory_space<vmem_shared>>
      tpu.wait_indirect_dma semaphore(%run_scoped3A : memref<!tpu.dma_semaphore, #tpu.memory_space<semaphore_mem>>) src(%arg10 : memref<80x128xf32, #tpu.memory_space<vmem>>) dst(%dma_wait3A_62 : memref<10240x128xf32, #tpu.memory_space<vmem_shared>>)
      tpu.yield
    }) : () -> ()
    %barrier3A_40 = arith.constant 0 : index
    tpu.barrier barrier_id(%barrier3A_40)
    %add3A_41 = arith.constant 0 : i32
    %add3A_42 = arith.addi %multiple_of3A, %add3A_41 : i32
    "tpu.region"() ({
      %run_scoped3A = tpu.sem_alloc : memref<!tpu.dma_semaphore, #tpu.memory_space<semaphore_mem>>
      %dma_start3A_57 = arith.constant 0 : i32
      %dma_start3A_58 = tpu.memref_slice %arg12[%add3A_42, %dma_start3A_57] : memref<10240x128xf32, #tpu.memory_space<vmem_shared>> -> memref<80x128xf32, #tpu.memory_space<vmem_shared>>
      %dma_start3A_59 = arith.constant 0 : i32
      %dma_start3A_60 = tpu.memref_slice %arg12[%add3A_42, %dma_start3A_59] : memref<10240x128xf32, #tpu.memory_space<vmem_shared>> -> memref<80x128xf32, #tpu.memory_space<vmem_shared>>
      tpu.enqueue_dma source(%dma_start3A_60 : memref<80x128xf32, #tpu.memory_space<vmem_shared>>) target(%arg10 : memref<80x128xf32, #tpu.memory_space<vmem>>) target_semaphore(%run_scoped3A : memref<!tpu.dma_semaphore, #tpu.memory_space<semaphore_mem>>)
      %dma_wait3A_61 = arith.constant 0 : i32
      %dma_wait3A_62 = tpu.memref_slice %arg12[%add3A_42, %dma_wait3A_61] : memref<10240x128xf32, #tpu.memory_space<vmem_shared>> -> memref<80x128xf32, #tpu.memory_space<vmem_shared>>
      %dma_wait3A_63 = arith.constant 0 : i32
      %dma_wait3A_64 = tpu.memref_slice %arg12[%add3A_42, %dma_wait3A_63] : memref<10240x128xf32, #tpu.memory_space<vmem_shared>> -> memref<80x128xf32, #tpu.memory_space<vmem_shared>>
      tpu.wait_dma2 semaphore(%run_scoped3A : memref<!tpu.dma_semaphore, #tpu.memory_space<semaphore_mem>>) src(%dma_wait3A_64 : memref<80x128xf32, #tpu.memory_space<vmem_shared>>) dst(%arg10 : memref<80x128xf32, #tpu.memory_space<vmem>>)
      tpu.yield
    }) : () -> ()
    "tpu.region"() ({
      %run_scoped3A = tpu.sem_alloc : memref<!tpu.dma_semaphore, #tpu.memory_space<semaphore_mem>>
      %dma_start3A_57 = arith.constant 0 : i32
      %dma_start3A_58 = tpu.memref_slice %arg5[%arg0, %add3A_42, %dma_start3A_57] : memref<2x10240x128xf32, #tpu.memory_space<hbm>> -> memref<1x80x128xf32, #tpu.memory_space<hbm>>
      %dma_start3A_59 = tpu.memref_squeeze %dma_start3A_58 : memref<1x80x128xf32, #tpu.memory_space<hbm>> -> memref<80x128xf32, #tpu.memory_space<hbm>>
      %dma_start3A_60 = arith.constant 0 : i32
      %dma_start3A_61 = tpu.memref_slice %arg5[%arg0, %add3A_42, %dma_start3A_60] : memref<2x10240x128xf32, #tpu.memory_space<hbm>> -> memref<1x80x128xf32, #tpu.memory_space<hbm>>
      %dma_start3A_62 = tpu.memref_squeeze %dma_start3A_61 : memref<1x80x128xf32, #tpu.memory_space<hbm>> -> memref<80x128xf32, #tpu.memory_space<hbm>>
      tpu.enqueue_dma source(%arg10 : memref<80x128xf32, #tpu.memory_space<vmem>>) target(%dma_start3A_62 : memref<80x128xf32, #tpu.memory_space<hbm>>) target_semaphore(%run_scoped3A : memref<!tpu.dma_semaphore, #tpu.memory_space<semaphore_mem>>)
      %dma_wait3A_63 = arith.constant 0 : i32
      %dma_wait3A_64 = tpu.memref_slice %arg5[%arg0, %add3A_42, %dma_wait3A_63] : memref<2x10240x128xf32, #tpu.memory_space<hbm>> -> memref<1x80x128xf32, #tpu.memory_space<hbm>>
      %dma_wait3A_65 = tpu.memref_squeeze %dma_wait3A_64 : memref<1x80x128xf32, #tpu.memory_space<hbm>> -> memref<80x128xf32, #tpu.memory_space<hbm>>
      %dma_wait3A_66 = arith.constant 0 : i32
      %dma_wait3A_67 = tpu.memref_slice %arg5[%arg0, %add3A_42, %dma_wait3A_66] : memref<2x10240x128xf32, #tpu.memory_space<hbm>> -> memref<1x80x128xf32, #tpu.memory_space<hbm>>
      %dma_wait3A_68 = tpu.memref_squeeze %dma_wait3A_67 : memref<1x80x128xf32, #tpu.memory_space<hbm>> -> memref<80x128xf32, #tpu.memory_space<hbm>>
      tpu.wait_dma2 semaphore(%run_scoped3A : memref<!tpu.dma_semaphore, #tpu.memory_space<semaphore_mem>>) src(%arg10 : memref<80x128xf32, #tpu.memory_space<vmem>>) dst(%dma_wait3A_68 : memref<80x128xf32, #tpu.memory_space<hbm>>)
      tpu.yield
    }) : () -> ()
    %add3A_43 = arith.constant 80 : i32
    %add3A_44 = arith.addi %multiple_of3A, %add3A_43 : i32
    "tpu.region"() ({
      %run_scoped3A = tpu.sem_alloc : memref<!tpu.dma_semaphore, #tpu.memory_space<semaphore_mem>>
      %dma_start3A_57 = arith.constant 0 : i32
      %dma_start3A_58 = tpu.memref_slice %arg12[%add3A_44, %dma_start3A_57] : memref<10240x128xf32, #tpu.memory_space<vmem_shared>> -> memref<80x128xf32, #tpu.memory_space<vmem_shared>>
      %dma_start3A_59 = arith.constant 0 : i32
      %dma_start3A_60 = tpu.memref_slice %arg12[%add3A_44, %dma_start3A_59] : memref<10240x128xf32, #tpu.memory_space<vmem_shared>> -> memref<80x128xf32, #tpu.memory_space<vmem_shared>>
      tpu.enqueue_dma source(%dma_start3A_60 : memref<80x128xf32, #tpu.memory_space<vmem_shared>>) target(%arg10 : memref<80x128xf32, #tpu.memory_space<vmem>>) target_semaphore(%run_scoped3A : memref<!tpu.dma_semaphore, #tpu.memory_space<semaphore_mem>>)
      %dma_wait3A_61 = arith.constant 0 : i32
      %dma_wait3A_62 = tpu.memref_slice %arg12[%add3A_44, %dma_wait3A_61] : memref<10240x128xf32, #tpu.memory_space<vmem_shared>> -> memref<80x128xf32, #tpu.memory_space<vmem_shared>>
      %dma_wait3A_63 = arith.constant 0 : i32
      %dma_wait3A_64 = tpu.memref_slice %arg12[%add3A_44, %dma_wait3A_63] : memref<10240x128xf32, #tpu.memory_space<vmem_shared>> -> memref<80x128xf32, #tpu.memory_space<vmem_shared>>
      tpu.wait_dma2 semaphore(%run_scoped3A : memref<!tpu.dma_semaphore, #tpu.memory_space<semaphore_mem>>) src(%dma_wait3A_64 : memref<80x128xf32, #tpu.memory_space<vmem_shared>>) dst(%arg10 : memref<80x128xf32, #tpu.memory_space<vmem>>)
      tpu.yield
    }) : () -> ()
    "tpu.region"() ({
      %run_scoped3A = tpu.sem_alloc : memref<!tpu.dma_semaphore, #tpu.memory_space<semaphore_mem>>
      %dma_start3A_57 = arith.constant 0 : i32
      %dma_start3A_58 = tpu.memref_slice %arg5[%arg0, %add3A_44, %dma_start3A_57] : memref<2x10240x128xf32, #tpu.memory_space<hbm>> -> memref<1x80x128xf32, #tpu.memory_space<hbm>>
      %dma_start3A_59 = tpu.memref_squeeze %dma_start3A_58 : memref<1x80x128xf32, #tpu.memory_space<hbm>> -> memref<80x128xf32, #tpu.memory_space<hbm>>
      %dma_start3A_60 = arith.constant 0 : i32
      %dma_start3A_61 = tpu.memref_slice %arg5[%arg0, %add3A_44, %dma_start3A_60] : memref<2x10240x128xf32, #tpu.memory_space<hbm>> -> memref<1x80x128xf32, #tpu.memory_space<hbm>>
      %dma_start3A_62 = tpu.memref_squeeze %dma_start3A_61 : memref<1x80x128xf32, #tpu.memory_space<hbm>> -> memref<80x128xf32, #tpu.memory_space<hbm>>
      tpu.enqueue_dma source(%arg10 : memref<80x128xf32, #tpu.memory_space<vmem>>) target(%dma_start3A_62 : memref<80x128xf32, #tpu.memory_space<hbm>>) target_semaphore(%run_scoped3A : memref<!tpu.dma_semaphore, #tpu.memory_space<semaphore_mem>>)
      %dma_wait3A_63 = arith.constant 0 : i32
      %dma_wait3A_64 = tpu.memref_slice %arg5[%arg0, %add3A_44, %dma_wait3A_63] : memref<2x10240x128xf32, #tpu.memory_space<hbm>> -> memref<1x80x128xf32, #tpu.memory_space<hbm>>
      %dma_wait3A_65 = tpu.memref_squeeze %dma_wait3A_64 : memref<1x80x128xf32, #tpu.memory_space<hbm>> -> memref<80x128xf32, #tpu.memory_space<hbm>>
      %dma_wait3A_66 = arith.constant 0 : i32
      %dma_wait3A_67 = tpu.memref_slice %arg5[%arg0, %add3A_44, %dma_wait3A_66] : memref<2x10240x128xf32, #tpu.memory_space<hbm>> -> memref<1x80x128xf32, #tpu.memory_space<hbm>>
      %dma_wait3A_68 = tpu.memref_squeeze %dma_wait3A_67 : memref<1x80x128xf32, #tpu.memory_space<hbm>> -> memref<80x128xf32, #tpu.memory_space<hbm>>
      tpu.wait_dma2 semaphore(%run_scoped3A : memref<!tpu.dma_semaphore, #tpu.memory_space<semaphore_mem>>) src(%arg10 : memref<80x128xf32, #tpu.memory_space<vmem>>) dst(%dma_wait3A_68 : memref<80x128xf32, #tpu.memory_space<hbm>>)
      tpu.yield
    }) : () -> ()
    %add3A_45 = arith.constant 160 : i32
    %add3A_46 = arith.addi %multiple_of3A, %add3A_45 : i32
    "tpu.region"() ({
      %run_scoped3A = tpu.sem_alloc : memref<!tpu.dma_semaphore, #tpu.memory_space<semaphore_mem>>
      %dma_start3A_57 = arith.constant 0 : i32
      %dma_start3A_58 = tpu.memref_slice %arg12[%add3A_46, %dma_start3A_57] : memref<10240x128xf32, #tpu.memory_space<vmem_shared>> -> memref<80x128xf32, #tpu.memory_space<vmem_shared>>
      %dma_start3A_59 = arith.constant 0 : i32
      %dma_start3A_60 = tpu.memref_slice %arg12[%add3A_46, %dma_start3A_59] : memref<10240x128xf32, #tpu.memory_space<vmem_shared>> -> memref<80x128xf32, #tpu.memory_space<vmem_shared>>
      tpu.enqueue_dma source(%dma_start3A_60 : memref<80x128xf32, #tpu.memory_space<vmem_shared>>) target(%arg10 : memref<80x128xf32, #tpu.memory_space<vmem>>) target_semaphore(%run_scoped3A : memref<!tpu.dma_semaphore, #tpu.memory_space<semaphore_mem>>)
      %dma_wait3A_61 = arith.constant 0 : i32
      %dma_wait3A_62 = tpu.memref_slice %arg12[%add3A_46, %dma_wait3A_61] : memref<10240x128xf32, #tpu.memory_space<vmem_shared>> -> memref<80x128xf32, #tpu.memory_space<vmem_shared>>
      %dma_wait3A_63 = arith.constant 0 : i32
      %dma_wait3A_64 = tpu.memref_slice %arg12[%add3A_46, %dma_wait3A_63] : memref<10240x128xf32, #tpu.memory_space<vmem_shared>> -> memref<80x128xf32, #tpu.memory_space<vmem_shared>>
      tpu.wait_dma2 semaphore(%run_scoped3A : memref<!tpu.dma_semaphore, #tpu.memory_space<semaphore_mem>>) src(%dma_wait3A_64 : memref<80x128xf32, #tpu.memory_space<vmem_shared>>) dst(%arg10 : memref<80x128xf32, #tpu.memory_space<vmem>>)
      tpu.yield
    }) : () -> ()
    "tpu.region"() ({
      %run_scoped3A = tpu.sem_alloc : memref<!tpu.dma_semaphore, #tpu.memory_space<semaphore_mem>>
      %dma_start3A_57 = arith.constant 0 : i32
      %dma_start3A_58 = tpu.memref_slice %arg5[%arg0, %add3A_46, %dma_start3A_57] : memref<2x10240x128xf32, #tpu.memory_space<hbm>> -> memref<1x80x128xf32, #tpu.memory_space<hbm>>
      %dma_start3A_59 = tpu.memref_squeeze %dma_start3A_58 : memref<1x80x128xf32, #tpu.memory_space<hbm>> -> memref<80x128xf32, #tpu.memory_space<hbm>>
      %dma_start3A_60 = arith.constant 0 : i32
      %dma_start3A_61 = tpu.memref_slice %arg5[%arg0, %add3A_46, %dma_start3A_60] : memref<2x10240x128xf32, #tpu.memory_space<hbm>> -> memref<1x80x128xf32, #tpu.memory_space<hbm>>
      %dma_start3A_62 = tpu.memref_squeeze %dma_start3A_61 : memref<1x80x128xf32, #tpu.memory_space<hbm>> -> memref<80x128xf32, #tpu.memory_space<hbm>>
      tpu.enqueue_dma source(%arg10 : memref<80x128xf32, #tpu.memory_space<vmem>>) target(%dma_start3A_62 : memref<80x128xf32, #tpu.memory_space<hbm>>) target_semaphore(%run_scoped3A : memref<!tpu.dma_semaphore, #tpu.memory_space<semaphore_mem>>)
      %dma_wait3A_63 = arith.constant 0 : i32
      %dma_wait3A_64 = tpu.memref_slice %arg5[%arg0, %add3A_46, %dma_wait3A_63] : memref<2x10240x128xf32, #tpu.memory_space<hbm>> -> memref<1x80x128xf32, #tpu.memory_space<hbm>>
      %dma_wait3A_65 = tpu.memref_squeeze %dma_wait3A_64 : memref<1x80x128xf32, #tpu.memory_space<hbm>> -> memref<80x128xf32, #tpu.memory_space<hbm>>
      %dma_wait3A_66 = arith.constant 0 : i32
      %dma_wait3A_67 = tpu.memref_slice %arg5[%arg0, %add3A_46, %dma_wait3A_66] : memref<2x10240x128xf32, #tpu.memory_space<hbm>> -> memref<1x80x128xf32, #tpu.memory_space<hbm>>
      %dma_wait3A_68 = tpu.memref_squeeze %dma_wait3A_67 : memref<1x80x128xf32, #tpu.memory_space<hbm>> -> memref<80x128xf32, #tpu.memory_space<hbm>>
      tpu.wait_dma2 semaphore(%run_scoped3A : memref<!tpu.dma_semaphore, #tpu.memory_space<semaphore_mem>>) src(%arg10 : memref<80x128xf32, #tpu.memory_space<vmem>>) dst(%dma_wait3A_68 : memref<80x128xf32, #tpu.memory_space<hbm>>)
      tpu.yield
    }) : () -> ()
    %add3A_47 = arith.constant 240 : i32
    %add3A_48 = arith.addi %multiple_of3A, %add3A_47 : i32
    "tpu.region"() ({
      %run_scoped3A = tpu.sem_alloc : memref<!tpu.dma_semaphore, #tpu.memory_space<semaphore_mem>>
      %dma_start3A_57 = arith.constant 0 : i32
      %dma_start3A_58 = tpu.memref_slice %arg12[%add3A_48, %dma_start3A_57] : memref<10240x128xf32, #tpu.memory_space<vmem_shared>> -> memref<80x128xf32, #tpu.memory_space<vmem_shared>>
      %dma_start3A_59 = arith.constant 0 : i32
      %dma_start3A_60 = tpu.memref_slice %arg12[%add3A_48, %dma_start3A_59] : memref<10240x128xf32, #tpu.memory_space<vmem_shared>> -> memref<80x128xf32, #tpu.memory_space<vmem_shared>>
      tpu.enqueue_dma source(%dma_start3A_60 : memref<80x128xf32, #tpu.memory_space<vmem_shared>>) target(%arg10 : memref<80x128xf32, #tpu.memory_space<vmem>>) target_semaphore(%run_scoped3A : memref<!tpu.dma_semaphore, #tpu.memory_space<semaphore_mem>>)
      %dma_wait3A_61 = arith.constant 0 : i32
      %dma_wait3A_62 = tpu.memref_slice %arg12[%add3A_48, %dma_wait3A_61] : memref<10240x128xf32, #tpu.memory_space<vmem_shared>> -> memref<80x128xf32, #tpu.memory_space<vmem_shared>>
      %dma_wait3A_63 = arith.constant 0 : i32
      %dma_wait3A_64 = tpu.memref_slice %arg12[%add3A_48, %dma_wait3A_63] : memref<10240x128xf32, #tpu.memory_space<vmem_shared>> -> memref<80x128xf32, #tpu.memory_space<vmem_shared>>
      tpu.wait_dma2 semaphore(%run_scoped3A : memref<!tpu.dma_semaphore, #tpu.memory_space<semaphore_mem>>) src(%dma_wait3A_64 : memref<80x128xf32, #tpu.memory_space<vmem_shared>>) dst(%arg10 : memref<80x128xf32, #tpu.memory_space<vmem>>)
      tpu.yield
    }) : () -> ()
    "tpu.region"() ({
      %run_scoped3A = tpu.sem_alloc : memref<!tpu.dma_semaphore, #tpu.memory_space<semaphore_mem>>
      %dma_start3A_57 = arith.constant 0 : i32
      %dma_start3A_58 = tpu.memref_slice %arg5[%arg0, %add3A_48, %dma_start3A_57] : memref<2x10240x128xf32, #tpu.memory_space<hbm>> -> memref<1x80x128xf32, #tpu.memory_space<hbm>>
      %dma_start3A_59 = tpu.memref_squeeze %dma_start3A_58 : memref<1x80x128xf32, #tpu.memory_space<hbm>> -> memref<80x128xf32, #tpu.memory_space<hbm>>
      %dma_start3A_60 = arith.constant 0 : i32
      %dma_start3A_61 = tpu.memref_slice %arg5[%arg0, %add3A_48, %dma_start3A_60] : memref<2x10240x128xf32, #tpu.memory_space<hbm>> -> memref<1x80x128xf32, #tpu.memory_space<hbm>>
      %dma_start3A_62 = tpu.memref_squeeze %dma_start3A_61 : memref<1x80x128xf32, #tpu.memory_space<hbm>> -> memref<80x128xf32, #tpu.memory_space<hbm>>
      tpu.enqueue_dma source(%arg10 : memref<80x128xf32, #tpu.memory_space<vmem>>) target(%dma_start3A_62 : memref<80x128xf32, #tpu.memory_space<hbm>>) target_semaphore(%run_scoped3A : memref<!tpu.dma_semaphore, #tpu.memory_space<semaphore_mem>>)
      %dma_wait3A_63 = arith.constant 0 : i32
      %dma_wait3A_64 = tpu.memref_slice %arg5[%arg0, %add3A_48, %dma_wait3A_63] : memref<2x10240x128xf32, #tpu.memory_space<hbm>> -> memref<1x80x128xf32, #tpu.memory_space<hbm>>
      %dma_wait3A_65 = tpu.memref_squeeze %dma_wait3A_64 : memref<1x80x128xf32, #tpu.memory_space<hbm>> -> memref<80x128xf32, #tpu.memory_space<hbm>>
      %dma_wait3A_66 = arith.constant 0 : i32
      %dma_wait3A_67 = tpu.memref_slice %arg5[%arg0, %add3A_48, %dma_wait3A_66] : memref<2x10240x128xf32, #tpu.memory_space<hbm>> -> memref<1x80x128xf32, #tpu.memory_space<hbm>>
      %dma_wait3A_68 = tpu.memref_squeeze %dma_wait3A_67 : memref<1x80x128xf32, #tpu.memory_space<hbm>> -> memref<80x128xf32, #tpu.memory_space<hbm>>
      tpu.wait_dma2 semaphore(%run_scoped3A : memref<!tpu.dma_semaphore, #tpu.memory_space<semaphore_mem>>) src(%arg10 : memref<80x128xf32, #tpu.memory_space<vmem>>) dst(%dma_wait3A_68 : memref<80x128xf32, #tpu.memory_space<hbm>>)
      tpu.yield
    }) : () -> ()
    %add3A_49 = arith.constant 320 : i32
    %add3A_50 = arith.addi %multiple_of3A, %add3A_49 : i32
    "tpu.region"() ({
      %run_scoped3A = tpu.sem_alloc : memref<!tpu.dma_semaphore, #tpu.memory_space<semaphore_mem>>
      %dma_start3A_57 = arith.constant 0 : i32
      %dma_start3A_58 = tpu.memref_slice %arg12[%add3A_50, %dma_start3A_57] : memref<10240x128xf32, #tpu.memory_space<vmem_shared>> -> memref<80x128xf32, #tpu.memory_space<vmem_shared>>
      %dma_start3A_59 = arith.constant 0 : i32
      %dma_start3A_60 = tpu.memref_slice %arg12[%add3A_50, %dma_start3A_59] : memref<10240x128xf32, #tpu.memory_space<vmem_shared>> -> memref<80x128xf32, #tpu.memory_space<vmem_shared>>
      tpu.enqueue_dma source(%dma_start3A_60 : memref<80x128xf32, #tpu.memory_space<vmem_shared>>) target(%arg10 : memref<80x128xf32, #tpu.memory_space<vmem>>) target_semaphore(%run_scoped3A : memref<!tpu.dma_semaphore, #tpu.memory_space<semaphore_mem>>)
      %dma_wait3A_61 = arith.constant 0 : i32
      %dma_wait3A_62 = tpu.memref_slice %arg12[%add3A_50, %dma_wait3A_61] : memref<10240x128xf32, #tpu.memory_space<vmem_shared>> -> memref<80x128xf32, #tpu.memory_space<vmem_shared>>
      %dma_wait3A_63 = arith.constant 0 : i32
      %dma_wait3A_64 = tpu.memref_slice %arg12[%add3A_50, %dma_wait3A_63] : memref<10240x128xf32, #tpu.memory_space<vmem_shared>> -> memref<80x128xf32, #tpu.memory_space<vmem_shared>>
      tpu.wait_dma2 semaphore(%run_scoped3A : memref<!tpu.dma_semaphore, #tpu.memory_space<semaphore_mem>>) src(%dma_wait3A_64 : memref<80x128xf32, #tpu.memory_space<vmem_shared>>) dst(%arg10 : memref<80x128xf32, #tpu.memory_space<vmem>>)
      tpu.yield
    }) : () -> ()
    "tpu.region"() ({
      %run_scoped3A = tpu.sem_alloc : memref<!tpu.dma_semaphore, #tpu.memory_space<semaphore_mem>>
      %dma_start3A_57 = arith.constant 0 : i32
      %dma_start3A_58 = tpu.memref_slice %arg5[%arg0, %add3A_50, %dma_start3A_57] : memref<2x10240x128xf32, #tpu.memory_space<hbm>> -> memref<1x80x128xf32, #tpu.memory_space<hbm>>
      %dma_start3A_59 = tpu.memref_squeeze %dma_start3A_58 : memref<1x80x128xf32, #tpu.memory_space<hbm>> -> memref<80x128xf32, #tpu.memory_space<hbm>>
      %dma_start3A_60 = arith.constant 0 : i32
      %dma_start3A_61 = tpu.memref_slice %arg5[%arg0, %add3A_50, %dma_start3A_60] : memref<2x10240x128xf32, #tpu.memory_space<hbm>> -> memref<1x80x128xf32, #tpu.memory_space<hbm>>
      %dma_start3A_62 = tpu.memref_squeeze %dma_start3A_61 : memref<1x80x128xf32, #tpu.memory_space<hbm>> -> memref<80x128xf32, #tpu.memory_space<hbm>>
      tpu.enqueue_dma source(%arg10 : memref<80x128xf32, #tpu.memory_space<vmem>>) target(%dma_start3A_62 : memref<80x128xf32, #tpu.memory_space<hbm>>) target_semaphore(%run_scoped3A : memref<!tpu.dma_semaphore, #tpu.memory_space<semaphore_mem>>)
      %dma_wait3A_63 = arith.constant 0 : i32
      %dma_wait3A_64 = tpu.memref_slice %arg5[%arg0, %add3A_50, %dma_wait3A_63] : memref<2x10240x128xf32, #tpu.memory_space<hbm>> -> memref<1x80x128xf32, #tpu.memory_space<hbm>>
      %dma_wait3A_65 = tpu.memref_squeeze %dma_wait3A_64 : memref<1x80x128xf32, #tpu.memory_space<hbm>> -> memref<80x128xf32, #tpu.memory_space<hbm>>
      %dma_wait3A_66 = arith.constant 0 : i32
      %dma_wait3A_67 = tpu.memref_slice %arg5[%arg0, %add3A_50, %dma_wait3A_66] : memref<2x10240x128xf32, #tpu.memory_space<hbm>> -> memref<1x80x128xf32, #tpu.memory_space<hbm>>
      %dma_wait3A_68 = tpu.memref_squeeze %dma_wait3A_67 : memref<1x80x128xf32, #tpu.memory_space<hbm>> -> memref<80x128xf32, #tpu.memory_space<hbm>>
      tpu.wait_dma2 semaphore(%run_scoped3A : memref<!tpu.dma_semaphore, #tpu.memory_space<semaphore_mem>>) src(%arg10 : memref<80x128xf32, #tpu.memory_space<vmem>>) dst(%dma_wait3A_68 : memref<80x128xf32, #tpu.memory_space<hbm>>)
      tpu.yield
    }) : () -> ()
    %add3A_51 = arith.constant 400 : i32
    %add3A_52 = arith.addi %multiple_of3A, %add3A_51 : i32
    "tpu.region"() ({
      %run_scoped3A = tpu.sem_alloc : memref<!tpu.dma_semaphore, #tpu.memory_space<semaphore_mem>>
      %dma_start3A_57 = arith.constant 0 : i32
      %dma_start3A_58 = tpu.memref_slice %arg12[%add3A_52, %dma_start3A_57] : memref<10240x128xf32, #tpu.memory_space<vmem_shared>> -> memref<80x128xf32, #tpu.memory_space<vmem_shared>>
      %dma_start3A_59 = arith.constant 0 : i32
      %dma_start3A_60 = tpu.memref_slice %arg12[%add3A_52, %dma_start3A_59] : memref<10240x128xf32, #tpu.memory_space<vmem_shared>> -> memref<80x128xf32, #tpu.memory_space<vmem_shared>>
      tpu.enqueue_dma source(%dma_start3A_60 : memref<80x128xf32, #tpu.memory_space<vmem_shared>>) target(%arg10 : memref<80x128xf32, #tpu.memory_space<vmem>>) target_semaphore(%run_scoped3A : memref<!tpu.dma_semaphore, #tpu.memory_space<semaphore_mem>>)
      %dma_wait3A_61 = arith.constant 0 : i32
      %dma_wait3A_62 = tpu.memref_slice %arg12[%add3A_52, %dma_wait3A_61] : memref<10240x128xf32, #tpu.memory_space<vmem_shared>> -> memref<80x128xf32, #tpu.memory_space<vmem_shared>>
      %dma_wait3A_63 = arith.constant 0 : i32
      %dma_wait3A_64 = tpu.memref_slice %arg12[%add3A_52, %dma_wait3A_63] : memref<10240x128xf32, #tpu.memory_space<vmem_shared>> -> memref<80x128xf32, #tpu.memory_space<vmem_shared>>
      tpu.wait_dma2 semaphore(%run_scoped3A : memref<!tpu.dma_semaphore, #tpu.memory_space<semaphore_mem>>) src(%dma_wait3A_64 : memref<80x128xf32, #tpu.memory_space<vmem_shared>>) dst(%arg10 : memref<80x128xf32, #tpu.memory_space<vmem>>)
      tpu.yield
    }) : () -> ()
    "tpu.region"() ({
      %run_scoped3A = tpu.sem_alloc : memref<!tpu.dma_semaphore, #tpu.memory_space<semaphore_mem>>
      %dma_start3A_57 = arith.constant 0 : i32
      %dma_start3A_58 = tpu.memref_slice %arg5[%arg0, %add3A_52, %dma_start3A_57] : memref<2x10240x128xf32, #tpu.memory_space<hbm>> -> memref<1x80x128xf32, #tpu.memory_space<hbm>>
      %dma_start3A_59 = tpu.memref_squeeze %dma_start3A_58 : memref<1x80x128xf32, #tpu.memory_space<hbm>> -> memref<80x128xf32, #tpu.memory_space<hbm>>
      %dma_start3A_60 = arith.constant 0 : i32
      %dma_start3A_61 = tpu.memref_slice %arg5[%arg0, %add3A_52, %dma_start3A_60] : memref<2x10240x128xf32, #tpu.memory_space<hbm>> -> memref<1x80x128xf32, #tpu.memory_space<hbm>>
      %dma_start3A_62 = tpu.memref_squeeze %dma_start3A_61 : memref<1x80x128xf32, #tpu.memory_space<hbm>> -> memref<80x128xf32, #tpu.memory_space<hbm>>
      tpu.enqueue_dma source(%arg10 : memref<80x128xf32, #tpu.memory_space<vmem>>) target(%dma_start3A_62 : memref<80x128xf32, #tpu.memory_space<hbm>>) target_semaphore(%run_scoped3A : memref<!tpu.dma_semaphore, #tpu.memory_space<semaphore_mem>>)
      %dma_wait3A_63 = arith.constant 0 : i32
      %dma_wait3A_64 = tpu.memref_slice %arg5[%arg0, %add3A_52, %dma_wait3A_63] : memref<2x10240x128xf32, #tpu.memory_space<hbm>> -> memref<1x80x128xf32, #tpu.memory_space<hbm>>
      %dma_wait3A_65 = tpu.memref_squeeze %dma_wait3A_64 : memref<1x80x128xf32, #tpu.memory_space<hbm>> -> memref<80x128xf32, #tpu.memory_space<hbm>>
      %dma_wait3A_66 = arith.constant 0 : i32
      %dma_wait3A_67 = tpu.memref_slice %arg5[%arg0, %add3A_52, %dma_wait3A_66] : memref<2x10240x128xf32, #tpu.memory_space<hbm>> -> memref<1x80x128xf32, #tpu.memory_space<hbm>>
      %dma_wait3A_68 = tpu.memref_squeeze %dma_wait3A_67 : memref<1x80x128xf32, #tpu.memory_space<hbm>> -> memref<80x128xf32, #tpu.memory_space<hbm>>
      tpu.wait_dma2 semaphore(%run_scoped3A : memref<!tpu.dma_semaphore, #tpu.memory_space<semaphore_mem>>) src(%arg10 : memref<80x128xf32, #tpu.memory_space<vmem>>) dst(%dma_wait3A_68 : memref<80x128xf32, #tpu.memory_space<hbm>>)
      tpu.yield
    }) : () -> ()
    %add3A_53 = arith.constant 480 : i32
    %add3A_54 = arith.addi %multiple_of3A, %add3A_53 : i32
    "tpu.region"() ({
      %run_scoped3A = tpu.sem_alloc : memref<!tpu.dma_semaphore, #tpu.memory_space<semaphore_mem>>
      %dma_start3A_57 = arith.constant 0 : i32
      %dma_start3A_58 = tpu.memref_slice %arg12[%add3A_54, %dma_start3A_57] : memref<10240x128xf32, #tpu.memory_space<vmem_shared>> -> memref<80x128xf32, #tpu.memory_space<vmem_shared>>
      %dma_start3A_59 = arith.constant 0 : i32
      %dma_start3A_60 = tpu.memref_slice %arg12[%add3A_54, %dma_start3A_59] : memref<10240x128xf32, #tpu.memory_space<vmem_shared>> -> memref<80x128xf32, #tpu.memory_space<vmem_shared>>
      tpu.enqueue_dma source(%dma_start3A_60 : memref<80x128xf32, #tpu.memory_space<vmem_shared>>) target(%arg10 : memref<80x128xf32, #tpu.memory_space<vmem>>) target_semaphore(%run_scoped3A : memref<!tpu.dma_semaphore, #tpu.memory_space<semaphore_mem>>)
      %dma_wait3A_61 = arith.constant 0 : i32
      %dma_wait3A_62 = tpu.memref_slice %arg12[%add3A_54, %dma_wait3A_61] : memref<10240x128xf32, #tpu.memory_space<vmem_shared>> -> memref<80x128xf32, #tpu.memory_space<vmem_shared>>
      %dma_wait3A_63 = arith.constant 0 : i32
      %dma_wait3A_64 = tpu.memref_slice %arg12[%add3A_54, %dma_wait3A_63] : memref<10240x128xf32, #tpu.memory_space<vmem_shared>> -> memref<80x128xf32, #tpu.memory_space<vmem_shared>>
      tpu.wait_dma2 semaphore(%run_scoped3A : memref<!tpu.dma_semaphore, #tpu.memory_space<semaphore_mem>>) src(%dma_wait3A_64 : memref<80x128xf32, #tpu.memory_space<vmem_shared>>) dst(%arg10 : memref<80x128xf32, #tpu.memory_space<vmem>>)
      tpu.yield
    }) : () -> ()
    "tpu.region"() ({
      %run_scoped3A = tpu.sem_alloc : memref<!tpu.dma_semaphore, #tpu.memory_space<semaphore_mem>>
      %dma_start3A_57 = arith.constant 0 : i32
      %dma_start3A_58 = tpu.memref_slice %arg5[%arg0, %add3A_54, %dma_start3A_57] : memref<2x10240x128xf32, #tpu.memory_space<hbm>> -> memref<1x80x128xf32, #tpu.memory_space<hbm>>
      %dma_start3A_59 = tpu.memref_squeeze %dma_start3A_58 : memref<1x80x128xf32, #tpu.memory_space<hbm>> -> memref<80x128xf32, #tpu.memory_space<hbm>>
      %dma_start3A_60 = arith.constant 0 : i32
      %dma_start3A_61 = tpu.memref_slice %arg5[%arg0, %add3A_54, %dma_start3A_60] : memref<2x10240x128xf32, #tpu.memory_space<hbm>> -> memref<1x80x128xf32, #tpu.memory_space<hbm>>
      %dma_start3A_62 = tpu.memref_squeeze %dma_start3A_61 : memref<1x80x128xf32, #tpu.memory_space<hbm>> -> memref<80x128xf32, #tpu.memory_space<hbm>>
      tpu.enqueue_dma source(%arg10 : memref<80x128xf32, #tpu.memory_space<vmem>>) target(%dma_start3A_62 : memref<80x128xf32, #tpu.memory_space<hbm>>) target_semaphore(%run_scoped3A : memref<!tpu.dma_semaphore, #tpu.memory_space<semaphore_mem>>)
      %dma_wait3A_63 = arith.constant 0 : i32
      %dma_wait3A_64 = tpu.memref_slice %arg5[%arg0, %add3A_54, %dma_wait3A_63] : memref<2x10240x128xf32, #tpu.memory_space<hbm>> -> memref<1x80x128xf32, #tpu.memory_space<hbm>>
      %dma_wait3A_65 = tpu.memref_squeeze %dma_wait3A_64 : memref<1x80x128xf32, #tpu.memory_space<hbm>> -> memref<80x128xf32, #tpu.memory_space<hbm>>
      %dma_wait3A_66 = arith.constant 0 : i32
      %dma_wait3A_67 = tpu.memref_slice %arg5[%arg0, %add3A_54, %dma_wait3A_66] : memref<2x10240x128xf32, #tpu.memory_space<hbm>> -> memref<1x80x128xf32, #tpu.memory_space<hbm>>
      %dma_wait3A_68 = tpu.memref_squeeze %dma_wait3A_67 : memref<1x80x128xf32, #tpu.memory_space<hbm>> -> memref<80x128xf32, #tpu.memory_space<hbm>>
      tpu.wait_dma2 semaphore(%run_scoped3A : memref<!tpu.dma_semaphore, #tpu.memory_space<semaphore_mem>>) src(%arg10 : memref<80x128xf32, #tpu.memory_space<vmem>>) dst(%dma_wait3A_68 : memref<80x128xf32, #tpu.memory_space<hbm>>)
      tpu.yield
    }) : () -> ()
    %add3A_55 = arith.constant 560 : i32
    %add3A_56 = arith.addi %multiple_of3A, %add3A_55 : i32
    "tpu.region"() ({
      %run_scoped3A = tpu.sem_alloc : memref<!tpu.dma_semaphore, #tpu.memory_space<semaphore_mem>>
      %dma_start3A_57 = arith.constant 0 : i32
      %dma_start3A_58 = tpu.memref_slice %arg12[%add3A_56, %dma_start3A_57] : memref<10240x128xf32, #tpu.memory_space<vmem_shared>> -> memref<80x128xf32, #tpu.memory_space<vmem_shared>>
      %dma_start3A_59 = arith.constant 0 : i32
      %dma_start3A_60 = tpu.memref_slice %arg12[%add3A_56, %dma_start3A_59] : memref<10240x128xf32, #tpu.memory_space<vmem_shared>> -> memref<80x128xf32, #tpu.memory_space<vmem_shared>>
      tpu.enqueue_dma source(%dma_start3A_60 : memref<80x128xf32, #tpu.memory_space<vmem_shared>>) target(%arg10 : memref<80x128xf32, #tpu.memory_space<vmem>>) target_semaphore(%run_scoped3A : memref<!tpu.dma_semaphore, #tpu.memory_space<semaphore_mem>>)
      %dma_wait3A_61 = arith.constant 0 : i32
      %dma_wait3A_62 = tpu.memref_slice %arg12[%add3A_56, %dma_wait3A_61] : memref<10240x128xf32, #tpu.memory_space<vmem_shared>> -> memref<80x128xf32, #tpu.memory_space<vmem_shared>>
      %dma_wait3A_63 = arith.constant 0 : i32
      %dma_wait3A_64 = tpu.memref_slice %arg12[%add3A_56, %dma_wait3A_63] : memref<10240x128xf32, #tpu.memory_space<vmem_shared>> -> memref<80x128xf32, #tpu.memory_space<vmem_shared>>
      tpu.wait_dma2 semaphore(%run_scoped3A : memref<!tpu.dma_semaphore, #tpu.memory_space<semaphore_mem>>) src(%dma_wait3A_64 : memref<80x128xf32, #tpu.memory_space<vmem_shared>>) dst(%arg10 : memref<80x128xf32, #tpu.memory_space<vmem>>)
      tpu.yield
    }) : () -> ()
    "tpu.region"() ({
      %run_scoped3A = tpu.sem_alloc : memref<!tpu.dma_semaphore, #tpu.memory_space<semaphore_mem>>
      %dma_start3A_57 = arith.constant 0 : i32
      %dma_start3A_58 = tpu.memref_slice %arg5[%arg0, %add3A_56, %dma_start3A_57] : memref<2x10240x128xf32, #tpu.memory_space<hbm>> -> memref<1x80x128xf32, #tpu.memory_space<hbm>>
      %dma_start3A_59 = tpu.memref_squeeze %dma_start3A_58 : memref<1x80x128xf32, #tpu.memory_space<hbm>> -> memref<80x128xf32, #tpu.memory_space<hbm>>
      %dma_start3A_60 = arith.constant 0 : i32
      %dma_start3A_61 = tpu.memref_slice %arg5[%arg0, %add3A_56, %dma_start3A_60] : memref<2x10240x128xf32, #tpu.memory_space<hbm>> -> memref<1x80x128xf32, #tpu.memory_space<hbm>>
      %dma_start3A_62 = tpu.memref_squeeze %dma_start3A_61 : memref<1x80x128xf32, #tpu.memory_space<hbm>> -> memref<80x128xf32, #tpu.memory_space<hbm>>
      tpu.enqueue_dma source(%arg10 : memref<80x128xf32, #tpu.memory_space<vmem>>) target(%dma_start3A_62 : memref<80x128xf32, #tpu.memory_space<hbm>>) target_semaphore(%run_scoped3A : memref<!tpu.dma_semaphore, #tpu.memory_space<semaphore_mem>>)
      %dma_wait3A_63 = arith.constant 0 : i32
      %dma_wait3A_64 = tpu.memref_slice %arg5[%arg0, %add3A_56, %dma_wait3A_63] : memref<2x10240x128xf32, #tpu.memory_space<hbm>> -> memref<1x80x128xf32, #tpu.memory_space<hbm>>
      %dma_wait3A_65 = tpu.memref_squeeze %dma_wait3A_64 : memref<1x80x128xf32, #tpu.memory_space<hbm>> -> memref<80x128xf32, #tpu.memory_space<hbm>>
      %dma_wait3A_66 = arith.constant 0 : i32
      %dma_wait3A_67 = tpu.memref_slice %arg5[%arg0, %add3A_56, %dma_wait3A_66] : memref<2x10240x128xf32, #tpu.memory_space<hbm>> -> memref<1x80x128xf32, #tpu.memory_space<hbm>>
      %dma_wait3A_68 = tpu.memref_squeeze %dma_wait3A_67 : memref<1x80x128xf32, #tpu.memory_space<hbm>> -> memref<80x128xf32, #tpu.memory_space<hbm>>
      tpu.wait_dma2 semaphore(%run_scoped3A : memref<!tpu.dma_semaphore, #tpu.memory_space<semaphore_mem>>) src(%arg10 : memref<80x128xf32, #tpu.memory_space<vmem>>) dst(%dma_wait3A_68 : memref<80x128xf32, #tpu.memory_space<hbm>>)
      tpu.yield
    }) : () -> ()
    return
  }
}

module attributes {stable_mosaic.version = 14 : i64} {
  func.func @_deg_body(%arg0: i32, %arg1: memref<1x25x512xi32, #tpu.memory_space<vmem>>, %arg2: memref<80x128xf32, #tpu.memory_space<vmem>>) attributes {dimension_semantics = [#tpu.dimension_semantics<arbitrary>], iteration_bounds = array<i64: 25>, scalar_prefetch = 0 : i64, scratch_operands = 0 : i64, tpu.core_type = #tpu.core_type<tc>, window_params = [{transform_indices = @transform_0, window_bounds = array<i64: 1, 25, 512>}, {pipeline_mode = #tpu.pipeline_mode<synchronous>, transform_indices = @transform_1, window_bounds = array<i64: 80, 128>}]} {
    %get3A = arith.constant 0 : index
    %get3A_0 = arith.constant 0 : index
    %get3A_1 = arith.constant 0 : index
    %get3A_2 = vector.load %arg1[%get3A, %get3A_0, %get3A_1] : memref<1x25x512xi32, #tpu.memory_space<vmem>>, vector<1x25x512xi32>
    %reshape3A = vector.shape_cast %get3A_2 : vector<1x25x512xi32> to vector<12800xi32>
    %jit3A = arith.constant 128 : i32
    %div3A = vector.broadcast %jit3A : i32 to vector<12800xi32>
    %div3A_3 = arith.divsi %reshape3A, %div3A : vector<12800xi32>
    %sign3A = arith.constant 0 : i32
    %sign3A_4 = vector.broadcast %sign3A : i32 to vector<12800xi32>
    %sign3A_5 = arith.cmpi sgt, %reshape3A, %sign3A_4 : vector<12800xi32>
    %sign3A_6 = arith.extui %sign3A_5 : vector<12800xi1> to vector<12800xi32>
    %sign3A_7 = arith.constant 0 : i32
    %sign3A_8 = vector.broadcast %sign3A_7 : i32 to vector<12800xi32>
    %sign3A_9 = arith.cmpi slt, %reshape3A, %sign3A_8 : vector<12800xi32>
    %sign3A_10 = arith.extui %sign3A_9 : vector<12800xi1> to vector<12800xi32>
    %sign3A_11 = arith.subi %sign3A_6, %sign3A_10 : vector<12800xi32>
    %sign3A_12 = arith.constant 0 : i32
    %sign3A_13 = arith.cmpi sgt, %jit3A, %sign3A_12 : i32
    %sign3A_14 = arith.extui %sign3A_13 : i1 to i32
    %sign3A_15 = arith.constant 0 : i32
    %sign3A_16 = arith.cmpi slt, %jit3A, %sign3A_15 : i32
    %sign3A_17 = arith.extui %sign3A_16 : i1 to i32
    %sign3A_18 = arith.subi %sign3A_14, %sign3A_17 : i32
    %ne3A = vector.broadcast %sign3A_18 : i32 to vector<12800xi32>
    %ne3A_19 = arith.cmpi ne, %sign3A_11, %ne3A : vector<12800xi32>
    %rem3A = vector.broadcast %jit3A : i32 to vector<12800xi32>
    %rem3A_20 = arith.remsi %reshape3A, %rem3A : vector<12800xi32>
    %ne3A_21 = arith.constant 0 : i32
    %ne3A_22 = vector.broadcast %ne3A_21 : i32 to vector<12800xi32>
    %ne3A_23 = arith.cmpi ne, %rem3A_20, %ne3A_22 : vector<12800xi32>
    %and3A = arith.andi %ne3A_19, %ne3A_23 : vector<12800xi1>
    %sub3A = arith.constant 1 : i32
    %sub3A_24 = vector.broadcast %sub3A : i32 to vector<12800xi32>
    %sub3A_25 = arith.subi %div3A_3, %sub3A_24 : vector<12800xi32>
    %select_n3A = arith.select %and3A, %sub3A_25, %div3A_3 : vector<12800xi1>, vector<12800xi32>
    %mul3A = arith.constant 128 : i32
    %mul3A_26 = vector.broadcast %mul3A : i32 to vector<12800xi32>
    %mul3A_27 = arith.muli %select_n3A, %mul3A_26 : vector<12800xi32>
    %sub3A_28 = arith.subi %reshape3A, %mul3A_27 : vector<12800xi32>
    %broadcast_in_dim3A = vector.shape_cast %select_n3A : vector<12800xi32> to vector<12800x1xi32>
    %iota3A = tpu.iota {dimensions = array<i32: 1>} : vector<1x80xi32>
    %eq3A = vector.broadcast %broadcast_in_dim3A : vector<12800x1xi32> to vector<12800x80xi32>
    %eq3A_29 = vector.broadcast %iota3A : vector<1x80xi32> to vector<12800x80xi32>
    %eq3A_30 = arith.cmpi eq, %eq3A, %eq3A_29 : vector<12800x80xi32>
    %convert_element_type3A = arith.extui %eq3A_30 : vector<12800x80xi1> to vector<12800x80xi32>
    %convert_element_type3A_31 = arith.sitofp %convert_element_type3A : vector<12800x80xi32> to vector<12800x80xf32>
    %broadcast_in_dim3A_32 = vector.shape_cast %sub3A_28 : vector<12800xi32> to vector<12800x1xi32>
    %iota3A_33 = tpu.iota {dimensions = array<i32: 1>} : vector<1x128xi32>
    %eq3A_34 = vector.broadcast %broadcast_in_dim3A_32 : vector<12800x1xi32> to vector<12800x128xi32>
    %eq3A_35 = vector.broadcast %iota3A_33 : vector<1x128xi32> to vector<12800x128xi32>
    %eq3A_36 = arith.cmpi eq, %eq3A_34, %eq3A_35 : vector<12800x128xi32>
    %convert_element_type3A_37 = arith.extui %eq3A_36 : vector<12800x128xi1> to vector<12800x128xi32>
    %convert_element_type3A_38 = arith.sitofp %convert_element_type3A_37 : vector<12800x128xi32> to vector<12800x128xf32>
    %dot_general3A = arith.constant dense<0.000000e+00> : vector<80x128xf32>
    %dot_general3A_39 = tpu.matmul %convert_element_type3A_31, %convert_element_type3A_38, %dot_general3A {dimension_numbers = #tpu.dot_dimension_numbers<[0], [0], [1], [1], [0, 1, 1, 1], [], []>, transpose_lhs_hint = false} : vector<12800x80xf32>, vector<12800x128xf32>, vector<80x128xf32> -> vector<80x128xf32>
    %eq3A_40 = arith.constant 0 : i32
    %eq3A_41 = arith.cmpi eq, %arg0, %eq3A_40 : i32
    %convert_element_type3A_42 = arith.extui %eq3A_41 : i1 to i32
    %cond3A = arith.constant 0 : i32
    %cond3A_43 = arith.cmpi ne, %convert_element_type3A_42, %cond3A : i32
    scf.if %cond3A_43 {
      %broadcast_in_dim3A_49 = arith.constant 0.000000e+00 : f32
      %broadcast_in_dim3A_50 = vector.broadcast %broadcast_in_dim3A_49 : f32 to vector<80x128xf32>
      %swap3A_51 = arith.constant 0 : index
      %swap3A_52 = arith.constant 0 : index
      %swap3A_53 = vector.load %arg2[%swap3A_51, %swap3A_52] : memref<80x128xf32, #tpu.memory_space<vmem>>, vector<80x128xf32>
      tpu.vector_store %arg2[%swap3A_51, %swap3A_52], %broadcast_in_dim3A_50 {strides = array<i32>} : memref<80x128xf32, #tpu.memory_space<vmem>>, vector<80x128xf32>,
    } else {
    }
    %get3A_44 = arith.constant 0 : index
    %get3A_45 = arith.constant 0 : index
    %get3A_46 = vector.load %arg2[%get3A_44, %get3A_45] : memref<80x128xf32, #tpu.memory_space<vmem>>, vector<80x128xf32>
    %add3A = arith.addf %get3A_46, %dot_general3A_39 : vector<80x128xf32>
    %swap3A = arith.constant 0 : index
    %swap3A_47 = arith.constant 0 : index
    %swap3A_48 = vector.load %arg2[%swap3A, %swap3A_47] : memref<80x128xf32, #tpu.memory_space<vmem>>, vector<80x128xf32>
    tpu.vector_store %arg2[%swap3A, %swap3A_47], %add3A {strides = array<i32>} : memref<80x128xf32, #tpu.memory_space<vmem>>, vector<80x128xf32>,
    return
  }
  func.func @transform_0(%arg0: i32) -> (i32, i32, i32) {
    %c0_i32 = arith.constant 0 : i32
    %c0_i32_0 = arith.constant 0 : i32
    %c0_i32_1 = arith.constant 0 : i32
    return %arg0, %c0_i32, %c0_i32_0 : i32, i32, i32
  }
  func.func @transform_1(%arg0: i32) -> (i32, i32) {
    %c0_i32 = arith.constant 0 : i32
    %c0_i32_0 = arith.constant 0 : i32
    %c0_i32_1 = arith.constant 0 : i32
    return %c0_i32, %c0_i32_0 : i32, i32
  }
}

module attributes {stable_mosaic.version = 14 : i64} {
  func.func @_layer1_body(%arg0: i32, %arg1: memref<1000x128xf32, #tpu.memory_space<vmem>>, %arg2: memref<2x1000x128xf32, #tpu.memory_space<vmem>>, %arg3: memref<1000x1xf32, #tpu.memory_space<vmem>>, %arg4: memref<128x128xf32, #tpu.memory_space<vmem>>, %arg5: memref<1x128xf32, #tpu.memory_space<vmem>>, %arg6: memref<1000x128xf32, #tpu.memory_space<vmem>>, %arg7: memref<1000x8xf32, #tpu.memory_space<vmem>>) attributes {dimension_semantics = [#tpu.dimension_semantics<arbitrary>], iteration_bounds = array<i64: 10>, scalar_prefetch = 0 : i64, scratch_operands = 0 : i64, tpu.core_type = #tpu.core_type<tc>, window_params = [{transform_indices = @transform_0, window_bounds = array<i64: 1000, 128>}, {transform_indices = @transform_1, window_bounds = array<i64: 2, 1000, 128>}, {transform_indices = @transform_2, window_bounds = array<i64: 1000, 1>}, {pipeline_mode = #tpu.pipeline_mode<synchronous>, transform_indices = @transform_3, window_bounds = array<i64: 128, 128>}, {pipeline_mode = #tpu.pipeline_mode<synchronous>, transform_indices = @transform_4, window_bounds = array<i64: 1, 128>}, {transform_indices = @transform_5, window_bounds = array<i64: 1000, 128>}, {transform_indices = @transform_6, window_bounds = array<i64: 1000, 8>}]} {
    %get3A = arith.constant 0 : index
    %get3A_0 = arith.constant 0 : index
    %get3A_1 = arith.constant 0 : index
    %get3A_2 = vector.load %arg2[%get3A, %get3A_0, %get3A_1] : memref<2x1000x128xf32, #tpu.memory_space<vmem>>, vector<1x1000x128xf32>
    %get3A_3 = vector.shape_cast %get3A_2 : vector<1x1000x128xf32> to vector<1000x128xf32>
    %get3A_4 = arith.constant 1 : index
    %get3A_5 = arith.constant 0 : index
    %get3A_6 = arith.constant 0 : index
    %get3A_7 = vector.load %arg2[%get3A_4, %get3A_5, %get3A_6] : memref<2x1000x128xf32, #tpu.memory_space<vmem>>, vector<1x1000x128xf32>
    %get3A_8 = vector.shape_cast %get3A_7 : vector<1x1000x128xf32> to vector<1000x128xf32>
    %add3A = arith.addf %get3A_3, %get3A_8 : vector<1000x128xf32>
    %get3A_9 = arith.constant 0 : index
    %get3A_10 = arith.constant 0 : index
    %get3A_11 = vector.load %arg3[%get3A_9, %get3A_10] : memref<1000x1xf32, #tpu.memory_space<vmem>>, vector<1000x1xf32>
    %max3A = arith.constant 1.000000e+00 : f32
    %max3A_12 = vector.broadcast %max3A : f32 to vector<1000x1xf32>
    %max3A_13 = arith.maximumf %get3A_11, %max3A_12 : vector<1000x1xf32>
    %div3A = arith.constant 1.000000e+00 : f32
    %div3A_14 = vector.broadcast %div3A : f32 to vector<1000x1xf32>
    %div3A_15 = arith.divf %div3A_14, %max3A_13 : vector<1000x1xf32>
    %mul3A = vector.broadcast %div3A_15 : vector<1000x1xf32> to vector<1000x128xf32>
    %mul3A_16 = arith.mulf %add3A, %mul3A : vector<1000x128xf32>
    %get3A_17 = arith.constant 0 : index
    %get3A_18 = arith.constant 0 : index
    %get3A_19 = vector.load %arg1[%get3A_17, %get3A_18] : memref<1000x128xf32, #tpu.memory_space<vmem>>, vector<1000x128xf32>
    %add3A_20 = arith.addf %get3A_19, %mul3A_16 : vector<1000x128xf32>
    %get3A_21 = arith.constant 0 : index
    %get3A_22 = arith.constant 0 : index
    %get3A_23 = vector.load %arg4[%get3A_21, %get3A_22] : memref<128x128xf32, #tpu.memory_space<vmem>>, vector<128x128xf32>
    %dot_general3A = arith.constant dense<0.000000e+00> : vector<1000x128xf32>
    %dot_general3A_24 = tpu.matmul %add3A_20, %get3A_23, %dot_general3A {dimension_numbers = #tpu.dot_dimension_numbers<[1], [0], [0], [1], [0, 0, 1, 1], [], []>, transpose_lhs_hint = false} : vector<1000x128xf32>, vector<128x128xf32>, vector<1000x128xf32> -> vector<1000x128xf32>
    %get3A_25 = arith.constant 0 : index
    %get3A_26 = arith.constant 0 : index
    %get3A_27 = vector.load %arg5[%get3A_25, %get3A_26] : memref<1x128xf32, #tpu.memory_space<vmem>>, vector<1x128xf32>
    %add3A_28 = vector.broadcast %get3A_27 : vector<1x128xf32> to vector<1000x128xf32>
    %add3A_29 = arith.addf %dot_general3A_24, %add3A_28 : vector<1000x128xf32>
    %max3A_30 = arith.constant 0.000000e+00 : f32
    %max3A_31 = vector.broadcast %max3A_30 : f32 to vector<1000x128xf32>
    %max3A_32 = arith.maximumf %add3A_29, %max3A_31 : vector<1000x128xf32>
    %swap3A = arith.constant 0 : index
    %swap3A_33 = arith.constant 0 : index
    %swap3A_34 = vector.load %arg6[%swap3A, %swap3A_33] : memref<1000x128xf32, #tpu.memory_space<vmem>>, vector<1000x128xf32>
    tpu.vector_store %arg6[%swap3A, %swap3A_33], %max3A_32 {strides = array<i32>} : memref<1000x128xf32, #tpu.memory_space<vmem>>, vector<1000x128xf32>,
    %broadcast_in_dim3A = vector.shape_cast %div3A_15 : vector<1000x1xf32> to vector<1000x1xf32>
    %broadcast_in_dim3A_35 = vector.broadcast %broadcast_in_dim3A : vector<1000x1xf32> to vector<1000x8xf32>
    %swap3A_36 = arith.constant 0 : index
    %swap3A_37 = arith.constant 0 : index
    %swap3A_38 = vector.load %arg7[%swap3A_36, %swap3A_37] : memref<1000x8xf32, #tpu.memory_space<vmem>>, vector<1000x8xf32>
    tpu.vector_store %arg7[%swap3A_36, %swap3A_37], %broadcast_in_dim3A_35 {strides = array<i32>} : memref<1000x8xf32, #tpu.memory_space<vmem>>, vector<1000x8xf32>,
    return
  }
  func.func @transform_0(%arg0: i32) -> (i32, i32) {
    %c0_i32 = arith.constant 0 : i32
    %c0_i32_0 = arith.constant 0 : i32
    return %arg0, %c0_i32 : i32, i32
  }
  func.func @transform_1(%arg0: i32) -> (i32, i32, i32) {
    %c0_i32 = arith.constant 0 : i32
    %c0_i32_0 = arith.constant 0 : i32
    %c0_i32_1 = arith.constant 0 : i32
    return %c0_i32, %arg0, %c0_i32_0 : i32, i32, i32
  }
  func.func @transform_2(%arg0: i32) -> (i32, i32) {
    %c0_i32 = arith.constant 0 : i32
    %c0_i32_0 = arith.constant 0 : i32
    return %arg0, %c0_i32 : i32, i32
  }
  func.func @transform_3(%arg0: i32) -> (i32, i32) {
    %c0_i32 = arith.constant 0 : i32
    %c0_i32_0 = arith.constant 0 : i32
    %c0_i32_1 = arith.constant 0 : i32
    return %c0_i32, %c0_i32_0 : i32, i32
  }
  func.func @transform_4(%arg0: i32) -> (i32, i32) {
    %c0_i32 = arith.constant 0 : i32
    %c0_i32_0 = arith.constant 0 : i32
    %c0_i32_1 = arith.constant 0 : i32
    return %c0_i32, %c0_i32_0 : i32, i32
  }
  func.func @transform_5(%arg0: i32) -> (i32, i32) {
    %c0_i32 = arith.constant 0 : i32
    %c0_i32_0 = arith.constant 0 : i32
    return %arg0, %c0_i32 : i32, i32
  }
  func.func @transform_6(%arg0: i32) -> (i32, i32) {
    %c0_i32 = arith.constant 0 : i32
    %c0_i32_0 = arith.constant 0 : i32
    return %arg0, %c0_i32 : i32, i32
  }
}

module attributes {stable_mosaic.version = 14 : i64} {
  func.func @_layer2_body(%arg0: i32, %arg1: memref<1000x128xf32, #tpu.memory_space<vmem>>, %arg2: memref<2x1000x128xf32, #tpu.memory_space<vmem>>, %arg3: memref<1000x8xf32, #tpu.memory_space<vmem>>, %arg4: memref<128x128xf32, #tpu.memory_space<vmem>>, %arg5: memref<1x128xf32, #tpu.memory_space<vmem>>, %arg6: memref<128x384xf32, #tpu.memory_space<vmem>>, %arg7: memref<128x384xf32, #tpu.memory_space<vmem>>, %arg8: memref<128x384xf32, #tpu.memory_space<vmem>>, %arg9: memref<1x384xf32, #tpu.memory_space<vmem>>, %arg10: memref<1000x384xf32, #tpu.memory_space<vmem>>, %arg11: memref<1000x384xf32, #tpu.memory_space<vmem>>, %arg12: memref<1000x384xf32, #tpu.memory_space<vmem>>) attributes {dimension_semantics = [#tpu.dimension_semantics<arbitrary>], iteration_bounds = array<i64: 10>, scalar_prefetch = 0 : i64, scratch_operands = 0 : i64, tpu.core_type = #tpu.core_type<tc>, window_params = [{transform_indices = @transform_0, window_bounds = array<i64: 1000, 128>}, {transform_indices = @transform_1, window_bounds = array<i64: 2, 1000, 128>}, {transform_indices = @transform_2, window_bounds = array<i64: 1000, 8>}, {pipeline_mode = #tpu.pipeline_mode<synchronous>, transform_indices = @transform_3, window_bounds = array<i64: 128, 128>}, {pipeline_mode = #tpu.pipeline_mode<synchronous>, transform_indices = @transform_4, window_bounds = array<i64: 1, 128>}, {pipeline_mode = #tpu.pipeline_mode<synchronous>, transform_indices = @transform_5, window_bounds = array<i64: 128, 384>}, {pipeline_mode = #tpu.pipeline_mode<synchronous>, transform_indices = @transform_6, window_bounds = array<i64: 128, 384>}, {pipeline_mode = #tpu.pipeline_mode<synchronous>, transform_indices = @transform_7, window_bounds = array<i64: 128, 384>}, {pipeline_mode = #tpu.pipeline_mode<synchronous>, transform_indices = @transform_8, window_bounds = array<i64: 1, 384>}, {transform_indices = @transform_9, window_bounds = array<i64: 1000, 384>}, {transform_indices = @transform_10, window_bounds = array<i64: 1000, 384>}, {transform_indices = @transform_11, window_bounds = array<i64: 1000, 384>}]} {
    %get3A = arith.constant 0 : index
    %get3A_0 = arith.constant 0 : index
    %get3A_1 = arith.constant 0 : index
    %get3A_2 = vector.load %arg2[%get3A, %get3A_0, %get3A_1] : memref<2x1000x128xf32, #tpu.memory_space<vmem>>, vector<1x1000x128xf32>
    %get3A_3 = vector.shape_cast %get3A_2 : vector<1x1000x128xf32> to vector<1000x128xf32>
    %get3A_4 = arith.constant 1 : index
    %get3A_5 = arith.constant 0 : index
    %get3A_6 = arith.constant 0 : index
    %get3A_7 = vector.load %arg2[%get3A_4, %get3A_5, %get3A_6] : memref<2x1000x128xf32, #tpu.memory_space<vmem>>, vector<1x1000x128xf32>
    %get3A_8 = vector.shape_cast %get3A_7 : vector<1x1000x128xf32> to vector<1000x128xf32>
    %add3A = arith.addf %get3A_3, %get3A_8 : vector<1000x128xf32>
    %get3A_9 = arith.constant 0 : index
    %get3A_10 = arith.constant 0 : index
    %get3A_11 = vector.load %arg3[%get3A_9, %get3A_10] : memref<1000x8xf32, #tpu.memory_space<vmem>>, vector<1000x1xf32>
    %mul3A = vector.broadcast %get3A_11 : vector<1000x1xf32> to vector<1000x128xf32>
    %mul3A_12 = arith.mulf %add3A, %mul3A : vector<1000x128xf32>
    %get3A_13 = arith.constant 0 : index
    %get3A_14 = arith.constant 0 : index
    %get3A_15 = vector.load %arg1[%get3A_13, %get3A_14] : memref<1000x128xf32, #tpu.memory_space<vmem>>, vector<1000x128xf32>
    %add3A_16 = arith.addf %get3A_15, %mul3A_12 : vector<1000x128xf32>
    %get3A_17 = arith.constant 0 : index
    %get3A_18 = arith.constant 0 : index
    %get3A_19 = vector.load %arg4[%get3A_17, %get3A_18] : memref<128x128xf32, #tpu.memory_space<vmem>>, vector<128x128xf32>
    %dot_general3A = arith.constant dense<0.000000e+00> : vector<1000x128xf32>
    %dot_general3A_20 = tpu.matmul %add3A_16, %get3A_19, %dot_general3A {dimension_numbers = #tpu.dot_dimension_numbers<[1], [0], [0], [1], [0, 0, 1, 1], [], []>, transpose_lhs_hint = false} : vector<1000x128xf32>, vector<128x128xf32>, vector<1000x128xf32> -> vector<1000x128xf32>
    %get3A_21 = arith.constant 0 : index
    %get3A_22 = arith.constant 0 : index
    %get3A_23 = vector.load %arg5[%get3A_21, %get3A_22] : memref<1x128xf32, #tpu.memory_space<vmem>>, vector<1x128xf32>
    %add3A_24 = vector.broadcast %get3A_23 : vector<1x128xf32> to vector<1000x128xf32>
    %add3A_25 = arith.addf %dot_general3A_20, %add3A_24 : vector<1000x128xf32>
    %max3A = arith.constant 0.000000e+00 : f32
    %max3A_26 = vector.broadcast %max3A : f32 to vector<1000x128xf32>
    %max3A_27 = arith.maximumf %add3A_25, %max3A_26 : vector<1000x128xf32>
    %get3A_28 = arith.constant 0 : index
    %get3A_29 = arith.constant 0 : index
    %get3A_30 = vector.load %arg6[%get3A_28, %get3A_29] : memref<128x384xf32, #tpu.memory_space<vmem>>, vector<128x384xf32>
    %dot_general3A_31 = arith.constant dense<0.000000e+00> : vector<1000x384xf32>
    %dot_general3A_32 = tpu.matmul %max3A_27, %get3A_30, %dot_general3A_31 {dimension_numbers = #tpu.dot_dimension_numbers<[1], [0], [0], [1], [0, 0, 1, 1], [], []>, transpose_lhs_hint = false} : vector<1000x128xf32>, vector<128x384xf32>, vector<1000x384xf32> -> vector<1000x384xf32>
    %get3A_33 = arith.constant 0 : index
    %get3A_34 = arith.constant 0 : index
    %get3A_35 = vector.load %arg9[%get3A_33, %get3A_34] : memref<1x384xf32, #tpu.memory_space<vmem>>, vector<1x384xf32>
    %add3A_36 = vector.broadcast %get3A_35 : vector<1x384xf32> to vector<1000x384xf32>
    %add3A_37 = arith.addf %dot_general3A_32, %add3A_36 : vector<1000x384xf32>
    %swap3A = arith.constant 0 : index
    %swap3A_38 = arith.constant 0 : index
    %swap3A_39 = vector.load %arg10[%swap3A, %swap3A_38] : memref<1000x384xf32, #tpu.memory_space<vmem>>, vector<1000x384xf32>
    tpu.vector_store %arg10[%swap3A, %swap3A_38], %add3A_37 {strides = array<i32>} : memref<1000x384xf32, #tpu.memory_space<vmem>>, vector<1000x384xf32>,
    %get3A_40 = arith.constant 0 : index
    %get3A_41 = arith.constant 0 : index
    %get3A_42 = vector.load %arg7[%get3A_40, %get3A_41] : memref<128x384xf32, #tpu.memory_space<vmem>>, vector<128x384xf32>
    %dot_general3A_43 = arith.constant dense<0.000000e+00> : vector<1000x384xf32>
    %dot_general3A_44 = tpu.matmul %max3A_27, %get3A_42, %dot_general3A_43 {dimension_numbers = #tpu.dot_dimension_numbers<[1], [0], [0], [1], [0, 0, 1, 1], [], []>, transpose_lhs_hint = false} : vector<1000x128xf32>, vector<128x384xf32>, vector<1000x384xf32> -> vector<1000x384xf32>
    %swap3A_45 = arith.constant 0 : index
    %swap3A_46 = arith.constant 0 : index
    %swap3A_47 = vector.load %arg11[%swap3A_45, %swap3A_46] : memref<1000x384xf32, #tpu.memory_space<vmem>>, vector<1000x384xf32>
    tpu.vector_store %arg11[%swap3A_45, %swap3A_46], %dot_general3A_44 {strides = array<i32>} : memref<1000x384xf32, #tpu.memory_space<vmem>>, vector<1000x384xf32>,
    %get3A_48 = arith.constant 0 : index
    %get3A_49 = arith.constant 0 : index
    %get3A_50 = vector.load %arg8[%get3A_48, %get3A_49] : memref<128x384xf32, #tpu.memory_space<vmem>>, vector<128x384xf32>
    %dot_general3A_51 = arith.constant dense<0.000000e+00> : vector<1000x384xf32>
    %dot_general3A_52 = tpu.matmul %max3A_27, %get3A_50, %dot_general3A_51 {dimension_numbers = #tpu.dot_dimension_numbers<[1], [0], [0], [1], [0, 0, 1, 1], [], []>, transpose_lhs_hint = false} : vector<1000x128xf32>, vector<128x384xf32>, vector<1000x384xf32> -> vector<1000x384xf32>
    %swap3A_53 = arith.constant 0 : index
    %swap3A_54 = arith.constant 0 : index
    %swap3A_55 = vector.load %arg12[%swap3A_53, %swap3A_54] : memref<1000x384xf32, #tpu.memory_space<vmem>>, vector<1000x384xf32>
    tpu.vector_store %arg12[%swap3A_53, %swap3A_54], %dot_general3A_52 {strides = array<i32>} : memref<1000x384xf32, #tpu.memory_space<vmem>>, vector<1000x384xf32>,
    return
  }
  func.func @transform_0(%arg0: i32) -> (i32, i32) {
    %c0_i32 = arith.constant 0 : i32
    %c0_i32_0 = arith.constant 0 : i32
    return %arg0, %c0_i32 : i32, i32
  }
  func.func @transform_1(%arg0: i32) -> (i32, i32, i32) {
    %c0_i32 = arith.constant 0 : i32
    %c0_i32_0 = arith.constant 0 : i32
    %c0_i32_1 = arith.constant 0 : i32
    return %c0_i32, %arg0, %c0_i32_0 : i32, i32, i32
  }
  func.func @transform_2(%arg0: i32) -> (i32, i32) {
    %c0_i32 = arith.constant 0 : i32
    %c0_i32_0 = arith.constant 0 : i32
    return %arg0, %c0_i32 : i32, i32
  }
  func.func @transform_3(%arg0: i32) -> (i32, i32) {
    %c0_i32 = arith.constant 0 : i32
    %c0_i32_0 = arith.constant 0 : i32
    %c0_i32_1 = arith.constant 0 : i32
    return %c0_i32, %c0_i32_0 : i32, i32
  }
  func.func @transform_4(%arg0: i32) -> (i32, i32) {
    %c0_i32 = arith.constant 0 : i32
    %c0_i32_0 = arith.constant 0 : i32
    %c0_i32_1 = arith.constant 0 : i32
    return %c0_i32, %c0_i32_0 : i32, i32
  }
  func.func @transform_5(%arg0: i32) -> (i32, i32) {
    %c0_i32 = arith.constant 0 : i32
    %c0_i32_0 = arith.constant 0 : i32
    %c0_i32_1 = arith.constant 0 : i32
    return %c0_i32, %c0_i32_0 : i32, i32
  }
  func.func @transform_6(%arg0: i32) -> (i32, i32) {
    %c0_i32 = arith.constant 0 : i32
    %c0_i32_0 = arith.constant 0 : i32
    %c0_i32_1 = arith.constant 0 : i32
    return %c0_i32, %c0_i32_0 : i32, i32
  }
  func.func @transform_7(%arg0: i32) -> (i32, i32) {
    %c0_i32 = arith.constant 0 : i32
    %c0_i32_0 = arith.constant 0 : i32
    %c0_i32_1 = arith.constant 0 : i32
    return %c0_i32, %c0_i32_0 : i32, i32
  }
  func.func @transform_8(%arg0: i32) -> (i32, i32) {
    %c0_i32 = arith.constant 0 : i32
    %c0_i32_0 = arith.constant 0 : i32
    %c0_i32_1 = arith.constant 0 : i32
    return %c0_i32, %c0_i32_0 : i32, i32
  }
  func.func @transform_9(%arg0: i32) -> (i32, i32) {
    %c0_i32 = arith.constant 0 : i32
    %c0_i32_0 = arith.constant 0 : i32
    return %arg0, %c0_i32 : i32, i32
  }
  func.func @transform_10(%arg0: i32) -> (i32, i32) {
    %c0_i32 = arith.constant 0 : i32
    %c0_i32_0 = arith.constant 0 : i32
    return %arg0, %c0_i32 : i32, i32
  }
  func.func @transform_11(%arg0: i32) -> (i32, i32) {
    %c0_i32 = arith.constant 0 : i32
    %c0_i32_0 = arith.constant 0 : i32
    return %arg0, %c0_i32 : i32, i32
  }
}

module attributes {stable_mosaic.version = 14 : i64} {
  func.func @_decode_body(%arg0: i32, %arg1: memref<3136x384xf32, #tpu.memory_space<vmem>>, %arg2: memref<1x1x3136xi32, #tpu.memory_space<vmem>>, %arg3: memref<384x2xf32, #tpu.memory_space<vmem>>, %arg4: memref<1x2xf32, #tpu.memory_space<vmem>>, %arg5: memref<80x128xf32, #tpu.memory_space<vmem>>, %arg6: memref<80x128xf32, #tpu.memory_space<vmem>>) attributes {dimension_semantics = [#tpu.dimension_semantics<arbitrary>], iteration_bounds = array<i64: 32>, scalar_prefetch = 0 : i64, scratch_operands = 0 : i64, tpu.core_type = #tpu.core_type<tc>, window_params = [{transform_indices = @transform_0, window_bounds = array<i64: 3136, 384>}, {transform_indices = @transform_1, window_bounds = array<i64: 1, 1, 3136>}, {pipeline_mode = #tpu.pipeline_mode<synchronous>, transform_indices = @transform_2, window_bounds = array<i64: 384, 2>}, {pipeline_mode = #tpu.pipeline_mode<synchronous>, transform_indices = @transform_3, window_bounds = array<i64: 1, 2>}, {pipeline_mode = #tpu.pipeline_mode<synchronous>, transform_indices = @transform_4, window_bounds = array<i64: 80, 128>}, {pipeline_mode = #tpu.pipeline_mode<synchronous>, transform_indices = @transform_5, window_bounds = array<i64: 80, 128>}]} {
    %get3A = arith.constant 0 : index
    %get3A_0 = arith.constant 0 : index
    %get3A_1 = vector.load %arg1[%get3A, %get3A_0] : memref<3136x384xf32, #tpu.memory_space<vmem>>, vector<3136x384xf32>
    %max3A = arith.constant 0.000000e+00 : f32
    %max3A_2 = vector.broadcast %max3A : f32 to vector<3136x384xf32>
    %max3A_3 = arith.maximumf %get3A_1, %max3A_2 : vector<3136x384xf32>
    %get3A_4 = arith.constant 0 : index
    %get3A_5 = arith.constant 0 : index
    %get3A_6 = vector.load %arg3[%get3A_4, %get3A_5] : memref<384x2xf32, #tpu.memory_space<vmem>>, vector<384x2xf32>
    %dot_general3A = arith.constant dense<0.000000e+00> : vector<3136x2xf32>
    %dot_general3A_7 = tpu.matmul %max3A_3, %get3A_6, %dot_general3A {dimension_numbers = #tpu.dot_dimension_numbers<[1], [0], [0], [1], [0, 0, 1, 1], [], []>, transpose_lhs_hint = false} : vector<3136x384xf32>, vector<384x2xf32>, vector<3136x2xf32> -> vector<3136x2xf32>
    %get3A_8 = arith.constant 0 : index
    %get3A_9 = arith.constant 0 : index
    %get3A_10 = vector.load %arg4[%get3A_8, %get3A_9] : memref<1x2xf32, #tpu.memory_space<vmem>>, vector<1x2xf32>
    %add3A = vector.broadcast %get3A_10 : vector<1x2xf32> to vector<3136x2xf32>
    %add3A_11 = arith.addf %dot_general3A_7, %add3A : vector<3136x2xf32>
    %reduce_max3A = arith.constant dense<0xFF800000> : vector<3136xf32>
    %reduce_max3A_12 = vector.multi_reduction <maximumf>, %add3A_11, %reduce_max3A [1] : vector<3136x2xf32> to vector<3136xf32>
    %broadcast_in_dim3A = vector.shape_cast %reduce_max3A_12 : vector<3136xf32> to vector<3136x1xf32>
    %sub3A = vector.broadcast %broadcast_in_dim3A : vector<3136x1xf32> to vector<3136x2xf32>
    %sub3A_13 = arith.subf %add3A_11, %sub3A : vector<3136x2xf32>
    %exp3A = math.exp %sub3A_13 : vector<3136x2xf32>
    %reduce_sum3A = arith.constant dense<0.000000e+00> : vector<3136xf32>
    %reduce_sum3A_14 = vector.multi_reduction <add>, %exp3A, %reduce_sum3A [1] : vector<3136x2xf32> to vector<3136xf32>
    %broadcast_in_dim3A_15 = vector.shape_cast %reduce_sum3A_14 : vector<3136xf32> to vector<3136x1xf32>
    %log3A = math.log %broadcast_in_dim3A_15 : vector<3136x1xf32>
    %add3A_16 = arith.addf %broadcast_in_dim3A, %log3A : vector<3136x1xf32>
    %sub3A_17 = vector.broadcast %add3A_16 : vector<3136x1xf32> to vector<3136x2xf32>
    %sub3A_18 = arith.subf %add3A_11, %sub3A_17 : vector<3136x2xf32>
    %mul3A = arith.constant 3136 : i32
    %mul3A_19 = arith.muli %arg0, %mul3A : i32
    %iota3A = tpu.iota {dimensions = array<i32: 0>} : vector<3136x1xi32>
    %add3A_20 = vector.broadcast %mul3A_19 : i32 to vector<3136x1xi32>
    %add3A_21 = arith.addi %add3A_20, %iota3A : vector<3136x1xi32>
    %lt3A = arith.constant 100000 : i32
    %lt3A_22 = vector.broadcast %lt3A : i32 to vector<3136x1xi32>
    %lt3A_23 = arith.cmpi slt, %add3A_21, %lt3A_22 : vector<3136x1xi32>
    %jit3A = arith.constant 0.000000e+00 : f32
    %broadcast_in_dim3A_24 = vector.shape_cast %lt3A_23 : vector<3136x1xi1> to vector<3136x1xi1>
    %broadcast_in_dim3A_25 = vector.broadcast %broadcast_in_dim3A_24 : vector<3136x1xi1> to vector<3136x2xi1>
    %broadcast_in_dim3A_26 = vector.broadcast %jit3A : f32 to vector<3136x2xf32>
    %select_n3A = arith.select %broadcast_in_dim3A_25, %sub3A_18, %broadcast_in_dim3A_26 : vector<3136x2xi1>, vector<3136x2xf32>
    %get3A_27 = arith.constant 0 : index
    %get3A_28 = arith.constant 0 : index
    %get3A_29 = arith.constant 0 : index
    %get3A_30 = vector.load %arg2[%get3A_27, %get3A_28, %get3A_29] : memref<1x1x3136xi32, #tpu.memory_space<vmem>>, vector<1x1x3136xi32>
    %reshape3A = vector.shape_cast %get3A_30 : vector<1x1x3136xi32> to vector<3136xi32>
    %jit3A_31 = arith.constant 128 : i32
    %div3A = vector.broadcast %jit3A_31 : i32 to vector<3136xi32>
    %div3A_32 = arith.divsi %reshape3A, %div3A : vector<3136xi32>
    %sign3A = arith.constant 0 : i32
    %sign3A_33 = vector.broadcast %sign3A : i32 to vector<3136xi32>
    %sign3A_34 = arith.cmpi sgt, %reshape3A, %sign3A_33 : vector<3136xi32>
    %sign3A_35 = arith.extui %sign3A_34 : vector<3136xi1> to vector<3136xi32>
    %sign3A_36 = arith.constant 0 : i32
    %sign3A_37 = vector.broadcast %sign3A_36 : i32 to vector<3136xi32>
    %sign3A_38 = arith.cmpi slt, %reshape3A, %sign3A_37 : vector<3136xi32>
    %sign3A_39 = arith.extui %sign3A_38 : vector<3136xi1> to vector<3136xi32>
    %sign3A_40 = arith.subi %sign3A_35, %sign3A_39 : vector<3136xi32>
    %sign3A_41 = arith.constant 0 : i32
    %sign3A_42 = arith.cmpi sgt, %jit3A_31, %sign3A_41 : i32
    %sign3A_43 = arith.extui %sign3A_42 : i1 to i32
    %sign3A_44 = arith.constant 0 : i32
    %sign3A_45 = arith.cmpi slt, %jit3A_31, %sign3A_44 : i32
    %sign3A_46 = arith.extui %sign3A_45 : i1 to i32
    %sign3A_47 = arith.subi %sign3A_43, %sign3A_46 : i32
    %ne3A = vector.broadcast %sign3A_47 : i32 to vector<3136xi32>
    %ne3A_48 = arith.cmpi ne, %sign3A_40, %ne3A : vector<3136xi32>
    %rem3A = vector.broadcast %jit3A_31 : i32 to vector<3136xi32>
    %rem3A_49 = arith.remsi %reshape3A, %rem3A : vector<3136xi32>
    %ne3A_50 = arith.constant 0 : i32
    %ne3A_51 = vector.broadcast %ne3A_50 : i32 to vector<3136xi32>
    %ne3A_52 = arith.cmpi ne, %rem3A_49, %ne3A_51 : vector<3136xi32>
    %and3A = arith.andi %ne3A_48, %ne3A_52 : vector<3136xi1>
    %sub3A_53 = arith.constant 1 : i32
    %sub3A_54 = vector.broadcast %sub3A_53 : i32 to vector<3136xi32>
    %sub3A_55 = arith.subi %div3A_32, %sub3A_54 : vector<3136xi32>
    %select_n3A_56 = arith.select %and3A, %sub3A_55, %div3A_32 : vector<3136xi1>, vector<3136xi32>
    %mul3A_57 = arith.constant 128 : i32
    %mul3A_58 = vector.broadcast %mul3A_57 : i32 to vector<3136xi32>
    %mul3A_59 = arith.muli %select_n3A_56, %mul3A_58 : vector<3136xi32>
    %sub3A_60 = arith.subi %reshape3A, %mul3A_59 : vector<3136xi32>
    %broadcast_in_dim3A_61 = vector.shape_cast %select_n3A_56 : vector<3136xi32> to vector<3136x1xi32>
    %iota3A_62 = tpu.iota {dimensions = array<i32: 1>} : vector<1x80xi32>
    %eq3A = vector.broadcast %broadcast_in_dim3A_61 : vector<3136x1xi32> to vector<3136x80xi32>
    %eq3A_63 = vector.broadcast %iota3A_62 : vector<1x80xi32> to vector<3136x80xi32>
    %eq3A_64 = arith.cmpi eq, %eq3A, %eq3A_63 : vector<3136x80xi32>
    %convert_element_type3A = arith.extui %eq3A_64 : vector<3136x80xi1> to vector<3136x80xi32>
    %convert_element_type3A_65 = arith.sitofp %convert_element_type3A : vector<3136x80xi32> to vector<3136x80xf32>
    %broadcast_in_dim3A_66 = vector.shape_cast %sub3A_60 : vector<3136xi32> to vector<3136x1xi32>
    %iota3A_67 = tpu.iota {dimensions = array<i32: 1>} : vector<1x128xi32>
    %eq3A_68 = vector.broadcast %broadcast_in_dim3A_66 : vector<3136x1xi32> to vector<3136x128xi32>
    %eq3A_69 = vector.broadcast %iota3A_67 : vector<1x128xi32> to vector<3136x128xi32>
    %eq3A_70 = arith.cmpi eq, %eq3A_68, %eq3A_69 : vector<3136x128xi32>
    %convert_element_type3A_71 = arith.extui %eq3A_70 : vector<3136x128xi1> to vector<3136x128xi32>
    %convert_element_type3A_72 = arith.sitofp %convert_element_type3A_71 : vector<3136x128xi32> to vector<3136x128xf32>
    %slice3A = vector.extract_strided_slice %select_n3A {offsets = [0, 0], sizes = [3136, 1], strides = [1, 1]} : vector<3136x2xf32> to vector<3136x1xf32>
    %mul3A_73 = vector.broadcast %slice3A : vector<3136x1xf32> to vector<3136x128xf32>
    %mul3A_74 = arith.mulf %convert_element_type3A_72, %mul3A_73 : vector<3136x128xf32>
    %dot_general3A_75 = arith.constant dense<0.000000e+00> : vector<80x128xf32>
    %dot_general3A_76 = tpu.matmul %convert_element_type3A_65, %mul3A_74, %dot_general3A_75 {dimension_numbers = #tpu.dot_dimension_numbers<[0], [0], [1], [1], [0, 1, 1, 1], [], []>, transpose_lhs_hint = false} : vector<3136x80xf32>, vector<3136x128xf32>, vector<80x128xf32> -> vector<80x128xf32>
    %slice3A_77 = vector.extract_strided_slice %select_n3A {offsets = [0, 1], sizes = [3136, 1], strides = [1, 1]} : vector<3136x2xf32> to vector<3136x1xf32>
    %mul3A_78 = vector.broadcast %slice3A_77 : vector<3136x1xf32> to vector<3136x128xf32>
    %mul3A_79 = arith.mulf %convert_element_type3A_72, %mul3A_78 : vector<3136x128xf32>
    %dot_general3A_80 = arith.constant dense<0.000000e+00> : vector<80x128xf32>
    %dot_general3A_81 = tpu.matmul %convert_element_type3A_65, %mul3A_79, %dot_general3A_80 {dimension_numbers = #tpu.dot_dimension_numbers<[0], [0], [1], [1], [0, 1, 1, 1], [], []>, transpose_lhs_hint = false} : vector<3136x80xf32>, vector<3136x128xf32>, vector<80x128xf32> -> vector<80x128xf32>
    %eq3A_82 = arith.constant 0 : i32
    %eq3A_83 = arith.cmpi eq, %arg0, %eq3A_82 : i32
    %convert_element_type3A_84 = arith.extui %eq3A_83 : i1 to i32
    %cond3A = arith.constant 0 : i32
    %cond3A_85 = arith.cmpi ne, %convert_element_type3A_84, %cond3A : i32
    scf.if %cond3A_85 {
      %broadcast_in_dim3A_99 = arith.constant 0.000000e+00 : f32
      %broadcast_in_dim3A_100 = vector.broadcast %broadcast_in_dim3A_99 : f32 to vector<80x128xf32>
      %swap3A_101 = arith.constant 0 : index
      %swap3A_102 = arith.constant 0 : index
      %swap3A_103 = vector.load %arg5[%swap3A_101, %swap3A_102] : memref<80x128xf32, #tpu.memory_space<vmem>>, vector<80x128xf32>
      tpu.vector_store %arg5[%swap3A_101, %swap3A_102], %broadcast_in_dim3A_100 {strides = array<i32>} : memref<80x128xf32, #tpu.memory_space<vmem>>, vector<80x128xf32>,
      %broadcast_in_dim3A_104 = arith.constant 0.000000e+00 : f32
      %broadcast_in_dim3A_105 = vector.broadcast %broadcast_in_dim3A_104 : f32 to vector<80x128xf32>
      %swap3A_106 = arith.constant 0 : index
      %swap3A_107 = arith.constant 0 : index
      %swap3A_108 = vector.load %arg6[%swap3A_106, %swap3A_107] : memref<80x128xf32, #tpu.memory_space<vmem>>, vector<80x128xf32>
      tpu.vector_store %arg6[%swap3A_106, %swap3A_107], %broadcast_in_dim3A_105 {strides = array<i32>} : memref<80x128xf32, #tpu.memory_space<vmem>>, vector<80x128xf32>,
    } else {
    }
    %get3A_86 = arith.constant 0 : index
    %get3A_87 = arith.constant 0 : index
    %get3A_88 = vector.load %arg5[%get3A_86, %get3A_87] : memref<80x128xf32, #tpu.memory_space<vmem>>, vector<80x128xf32>
    %add3A_89 = arith.addf %get3A_88, %dot_general3A_76 : vector<80x128xf32>
    %swap3A = arith.constant 0 : index
    %swap3A_90 = arith.constant 0 : index
    %swap3A_91 = vector.load %arg5[%swap3A, %swap3A_90] : memref<80x128xf32, #tpu.memory_space<vmem>>, vector<80x128xf32>
    tpu.vector_store %arg5[%swap3A, %swap3A_90], %add3A_89 {strides = array<i32>} : memref<80x128xf32, #tpu.memory_space<vmem>>, vector<80x128xf32>,
    %get3A_92 = arith.constant 0 : index
    %get3A_93 = arith.constant 0 : index
    %get3A_94 = vector.load %arg6[%get3A_92, %get3A_93] : memref<80x128xf32, #tpu.memory_space<vmem>>, vector<80x128xf32>
    %add3A_95 = arith.addf %get3A_94, %dot_general3A_81 : vector<80x128xf32>
    %swap3A_96 = arith.constant 0 : index
    %swap3A_97 = arith.constant 0 : index
    %swap3A_98 = vector.load %arg6[%swap3A_96, %swap3A_97] : memref<80x128xf32, #tpu.memory_space<vmem>>, vector<80x128xf32>
    tpu.vector_store %arg6[%swap3A_96, %swap3A_97], %add3A_95 {strides = array<i32>} : memref<80x128xf32, #tpu.memory_space<vmem>>, vector<80x128xf32>,
    return
  }
  func.func @transform_0(%arg0: i32) -> (i32, i32) {
    %c0_i32 = arith.constant 0 : i32
    %c0_i32_0 = arith.constant 0 : i32
    return %arg0, %c0_i32 : i32, i32
  }
  func.func @transform_1(%arg0: i32) -> (i32, i32, i32) {
    %c0_i32 = arith.constant 0 : i32
    %c0_i32_0 = arith.constant 0 : i32
    %c0_i32_1 = arith.constant 0 : i32
    return %arg0, %c0_i32, %c0_i32_0 : i32, i32, i32
  }
  func.func @transform_2(%arg0: i32) -> (i32, i32) {
    %c0_i32 = arith.constant 0 : i32
    %c0_i32_0 = arith.constant 0 : i32
    %c0_i32_1 = arith.constant 0 : i32
    return %c0_i32, %c0_i32_0 : i32, i32
  }
  func.func @transform_3(%arg0: i32) -> (i32, i32) {
    %c0_i32 = arith.constant 0 : i32
    %c0_i32_0 = arith.constant 0 : i32
    %c0_i32_1 = arith.constant 0 : i32
    return %c0_i32, %c0_i32_0 : i32, i32
  }
  func.func @transform_4(%arg0: i32) -> (i32, i32) {
    %c0_i32 = arith.constant 0 : i32
    %c0_i32_0 = arith.constant 0 : i32
    %c0_i32_1 = arith.constant 0 : i32
    return %c0_i32, %c0_i32_0 : i32, i32
  }
  func.func @transform_5(%arg0: i32) -> (i32, i32) {
    %c0_i32 = arith.constant 0 : i32
    %c0_i32_0 = arith.constant 0 : i32
    %c0_i32_1 = arith.constant 0 : i32
    return %c0_i32, %c0_i32_0 : i32, i32
  }
}

</mosaic_0001>

<sc_bundles>
// kernel: kernel.12.cloned.1.call-start
scs
__scs_entry_jumppad:
0x0: {  	(pc) =	sbr.rel $0x88, $3  }
0x1: {  	(tag) =	ssettag $0x0;
	lr =	simm.s32 $0x1  }
0x2: {  	[smem:$0x3F96] =	sst lr;
	_ =	strace $0xD0000000  }
0x3: {  	_ = 	snop  }
0x4: {  	_ = 	snop  }
0x5: {  	_ = 	snop  }
0x6: {  	_ = 	snop  }
0x7: {  	_ = 	snop  }
__scs_overlays_trampoline_lowered:
0x8: {  	[smem:$0x3FA5] =	sst s0  }
0x9: {  	[smem:$0x3FA6] =	sst s1  }
0xa: {  	[smem:$0x3FA7] =	sst s2  }
0xb: {  	[smem:$0x3FA8] =	sst s3  }
0xc: {  	[smem:$0x3FA9] =	sst s4  }
0xd: {  	[smem:$0x3FAA] =	sst s5  }
0xe: {  	[smem:$0x3FAB] =	sst s6  }
0xf: {  	[smem:$0x3FAC] =	sst s7  }
0x10: {  	[smem:$0x3FAD] =	sst s8  }
0x11: {  	[smem:$0x3FAE] =	sst s9;
	s0 =	simm.s32 @!p0 $0x0  }
0x12: {  	s1 =	sld [smem:$0x3F94];
	s0 =	simm.s32 @p0 $0x1  }
0x13: {  	[smem:$0x3FAF] =	sst s0;
	s0 =	simm.s32 @!p1 $0x0  }
0x14: {  	s2 =	sld [smem:$0x3F93];
	s0 =	simm.s32 @p1 $0x1  }
0x15: {  	[smem:$0x3FB0] =	sst s0;
	s0 =	simm.s32 @!p2 $0x0  }
0x16: {  	s3 =	sld [smem:$0x3FDB];
	s0 =	simm.s32 @p2 $0x1  }
0x17: {  	s4 =	simm.s32 $0x1BF5;
	[smem:$0x3FB2] =	sst s0  }
0x18: {  	s0 =	sld [smem:$0x3F95];
	_ =	swait.ge [sflag:s4], $0x0  }
0x19: {  	s7 =	sld [smem:$0x3F96]  }
0x1a: {  	s8 =	sadd.s32 $0xFFFFE003, lr  }
0x1b: {  	s9 =	sadd.s32 $0xFFFFFEF7, lr;
	s5 =	simm.s32 $0xFFFFFFFF;
	p2 =	slt.u32 s8, $0xFFFFF086  }
0x1c: {  	p1 =	slt.u32 s9, $0xF7A;
	s5 =	simm.s32 @!p2 $0x0  }
0x1d: {  	s5 =	simm.s32 @p1 $0x1;
	p0 =	seq.s32 s7, s2  }
0x1e: {  	s7 =	smul.u32 @!p0 $0xF7A, s2;
	p2 =	seq.s32 @!p0 s5, $0x0  }
0x1f: {  	s9 =	smul.u32 $0xF7A, s1;
	s8 =	simm.s32 @!p0 $0x1BF5;
	p2 =	por !p2, p0  }
0x20: {  	[sflag:s8] =	ssyncset.s32 @!p0 $0xFFFFF086;
	s6 =	sadd.s32 @!p0 s3, s7;
	s7 =	simm.s32 @!p0 $0x108  }
0x21: {  	s3 =	sadd.s32 s3, s9;
	s6 =	sadd.s32 @!p0 $0x88, s6;
	s7 =	simm.s32 @p2 $0x1082  }
0x22: {  	[simem:s7], [sflag:s8] =	dma.local @!p0 [hbm:s6], $0xF7A  }
0x23: {  	s9 =	sor.u32 $0xD0000000, s2;
	s6 =	simm.s32 $0x108;
	_ =	swait.ge @!p0 [sflag:s8], $0x0  }
0x24: {  	s3 =	sadd.s32 $0x88, s3;
	s6 =	simm.s32 @!p1 $0x1082;
	[sflag:s4] =	ssyncset.s32 $0xFFFFF086  }
0x25: {  	[simem:s6], [sflag:s4] =	dma.local [hbm:s3], $0xF7A  }
0x26: {  	[smem:$0x3F96] =	sst s1;
	(tag) =	ssettag s2;
	_ =	strace s9  }
0x27: {  	s1 =	sld [smem:$0x3FA6]  }
0x28: {  	s2 =	sld [smem:$0x3FA7]  }
0x29: {  	s4 =	sld [smem:$0x3FA9]  }
0x2a: {  	p0 =	seq.s32 s5, $0x0;
	s5 =	sld [smem:$0x3FAA]  }
0x2b: {  	s6 =	sld [smem:$0x3FAB]  }
0x2c: {  	s7 =	sld [smem:$0x3FAC]  }
0x2d: {  	s3 =	simm.s32 $0x108;
	s8 =	sld [smem:$0x3FAD]  }
0x2e: {  	s3 =	simm.s32 @!p0 $0x1082;
	s9 =	sld [smem:$0x3FAE]  }
0x2f: {  	lr =	sadd.s32 s0, s3;
	s0 =	sld [smem:$0x3FA5]  }
0x30: {  	s3 =	sld [smem:$0x3FA8]  }
0x31: {  	[smem:$0x3FB1] =	sst s10  }
0x32: {  	s10 =	sld [smem:$0x3FAF];
	_ =	sdelay $0x3  }
0x33: {  	p0 =	seq.s32 s10, $0x1;
	s10 =	sld [smem:$0x3FB1];
	_ =	sdelay $0x3  }
0x34: {  	[smem:$0x3FB1] =	sst s10  }
0x35: {  	s10 =	sld [smem:$0x3FB0];
	_ =	sdelay $0x3  }
0x36: {  	p1 =	seq.s32 s10, $0x1;
	s10 =	sld [smem:$0x3FB1];
	_ =	sdelay $0x3  }
0x37: {  	[smem:$0x3FB1] =	sst s10  }
0x38: {  	s10 =	sld [smem:$0x3FB2]  }
0x39: {  	_ = 	snop;
	(pc) =	sbr.ind lr, $3  }
0x3a: {  	_ = 	snop  }
0x3b: {  	_ = 	snop  }
0x3c: {  	p2 =	seq.s32 s10, $0x1;
	s10 =	sld [smem:$0x3FB1]  }
0x3d: {  	_ =	shalt  }
0x3e: {  	_ =	shalt  }
0x3f: {  	_ =	shalt  }
0x40: {  	_ =	shalt  }
0x41: {  	_ =	shalt  }
0x42: {  	_ =	shalt  }
0x43: {  	_ =	shalt  }
0x44: {  	_ =	shalt  }
0x45: {  	_ =	shalt  }
0x46: {  	_ =	shalt  }
0x47: {  	_ =	shalt  }
0x48: {  	_ =	shalt  }
0x49: {  	_ =	shalt  }
0x4a: {  	_ =	shalt  }
0x4b: {  	_ =	shalt  }
0x4c: {  	_ =	shalt  }
0x4d: {  	_ =	shalt  }
0x4e: {  	_ =	shalt  }
0x4f: {  	_ =	shalt  }
0x50: {  	_ =	shalt  }
0x51: {  	_ =	shalt  }
0x52: {  	_ =	shalt  }
0x53: {  	_ =	shalt  }
0x54: {  	_ =	shalt  }
0x55: {  	_ =	shalt  }
0x56: {  	_ =	shalt  }
0x57: {  	_ =	shalt  }
0x58: {  	_ =	shalt  }
0x59: {  	_ =	shalt  }
0x5a: {  	_ =	shalt  }
0x5b: {  	_ =	shalt  }
0x5c: {  	_ =	shalt  }
0x5d: {  	_ =	shalt  }
0x5e: {  	_ =	shalt  }
0x5f: {  	_ =	shalt  }
0x60: {  	_ =	shalt  }
0x61: {  	_ =	shalt  }
0x62: {  	_ =	shalt  }
0x63: {  	_ =	shalt  }
0x64: {  	_ =	shalt  }
0x65: {  	_ =	shalt  }
0x66: {  	_ =	shalt  }
0x67: {  	_ =	shalt  }
0x68: {  	_ =	shalt  }
0x69: {  	_ =	shalt  }
0x6a: {  	_ =	shalt  }
0x6b: {  	_ =	shalt  }
0x6c: {  	_ =	shalt  }
0x6d: {  	_ =	shalt  }
0x6e: {  	_ =	shalt  }
0x6f: {  	_ =	shalt  }
0x70: {  	_ =	shalt  }
0x71: {  	_ =	shalt  }
0x72: {  	_ =	shalt  }
0x73: {  	_ =	shalt  }
0x74: {  	_ =	shalt  }
0x75: {  	_ =	shalt  }
0x76: {  	_ =	shalt  }
0x77: {  	_ =	shalt  }
0x78: {  	_ =	shalt  }
0x79: {  	_ =	shalt  }
0x7a: {  	_ =	shalt  }
0x7b: {  	_ =	shalt  }
0x7c: {  	_ =	shalt  }
0x7d: {  	_ =	shalt  }
0x7e: {  	_ =	shalt  }
0x7f: {  	_ =	shalt  }
0x80: {  	_ =	shalt  }
0x81: {  	_ =	shalt  }
0x82: {  	_ =	shalt  }
0x83: {  	_ =	shalt  }
0x84: {  	_ =	shalt  }
0x85: {  	_ =	shalt  }
0x86: {  	_ =	shalt  }
0x87: {  	_ =	shalt  }
.Lfunc_end0:
.L_simem_size_0:
called_computation.1_lowered:
.L_overlay_start_0:
0x88: {  	s2 =	sld [smem:$0x3FD9]  }
0x89: {  	s3 =	sld [smem:$0x3FFE];
	_ =	sdelay $0x1  }
0x8a: {  	s1 =	srdreg.scid  }
0x8b: {  	s0 =	sand.u32 $0x1, s1  }
0x8c: {  	s16 =	sshll.u32 s0, $0xA;
	s2 =	sadd.s32 s3, s2  }
0x8d: {  	s2 =	sadd.s32 s2, s16  }
0x8e: {  	[smem:$0x3FBD] =	sst s2  }
0x8f: {  	_ = 	snop  }
0x90: {  	(tm) =	ssettm $0x1  }
0x91: {  	s17 =	sld [smem:$0x3FFB];
	_ =	sdelay $0x3  }
0x92: {  	_ =	strace s17  }
0x93: {  	s2 =	sld [smem:$0x3FFC];
	_ =	sdelay $0x3  }
0x94: {  	_ =	strace s2  }
0x95: {  	s2 =	sld [smem:$0x3FFD];
	_ =	sdelay $0x3  }
0x96: {  	_ =	strace s2  }
0x97: {  	_ =	strace $0x8FFFFFFF  }
0x98: {  	s18 =	sld [smem:$0x3FDB];
	_ =	sdelay $0x1  }
0x99: {  	s19 =	simm.s32 $_scs_section_size  }
0x9a: {  	s4 =	simm.s32 $_size__tile_overlayer_lowered;
	s5 =	simm.s32 $_tile_overlayer_lowered  }
0x9b: {  	s22 =	simm.s32 $0x1BFF;
	s21 =	sshll.u32 s5, $0x1;
	s2 =	sadd.s32 s19, s18  }
0x9c: {  	s6 =	simm.s32 $0x0;
	s20 =	sshll.u32 s4, $0x1;
	s4 =	sadd.s32 s21, s2  }
0x9d: {  	[timem:s6], [sflag:s22] =	dma.local [hbm:s4], s20  }
0x9e: {  	_ =	swait.ge [sflag:s22], s20  }
0x9f: {  	s3 =	ssub.s32 $0x0, s20;
	[sflag:s22] =	ssyncset.done $0x0  }
0xa0: {  	[sflag:s22] =	ssyncadd.s32 s3;
	_ =	sdelay $0x1  }
0xa1: {  	s23 =	simm.s32 $0x1B8B  }
0xa2: {  	_ =	swait.ge [sflag:s23], $0x1  }
0xa3: {  	[sflag:s23] =	ssyncset.done $0x0  }
0xa4: {  	s25 =	simm.s32 $0x1B8E;
	s24 =	sld [smem:$0x3FFE];
	[sflag:s23] =	ssyncadd.s32 $0xFFFFFFFF  }
0xa5: {  	s26 =	simm.s32 $execute0_lowered;
	[smem:$0x3FD2] =	sst s25  }
0xa6: {  	s4 =	sshll.u32 s26, $0x1;
	_ =	strace $0x80000049;
	[dreg:$0x1] =	wrdreg $0xFFFFFFFF  }
0xa7: {  	s28 =	simm.s32 $_size_execute0_lowered;
	s2 =	sadd.s32 s2, s4;
	[dreg:$0x0] =	wrdreg $0x0  }
0xa8: {  	s4 =	sshll.u32 s28, $0x1;
	[dreg:$0x2] =	wrdreg s2  }
0xa9: {  	[dreg:$0x3] =	wrdreg s4  }
0xaa: {  	[dreg:$0x4] =	wrdreg $0xC0  }
0xab: {  	_ =	task [dreg:s6], $0x5FFFF  }
0xac: {  	[dreg:$0x1] =	wrdreg $0xFFFFFFFF  }
0xad: {  	[dreg:$0x0] =	wrdreg $0x60  }
0xae: {  	[dreg:$0x2] =	wrdreg s24  }
0xaf: {  	[dreg:$0x3] =	wrdreg $0x52000  }
0xb0: {  	[dreg:$0x4] =	wrdreg $0x9  }
0xb1: {  	_ =	task.clear_ibuf [dreg:s6], $0x5FFFF;
	_ =	strace $0x90000049  }
0xb2: {  	s29 =	simm.s32 $0x9;
	_ =	strace $0x8000004B  }
0xb3: {  	_ =	swait.ge [sflag:s29], $0x1  }
0xb4: {  	[sflag:s29] =	ssyncadd.s32 $0xFFFFFFFF  }
0xb5: {  	_ =	strace $0x9000004B  }
0xb6: {  	_ =	sfence  }
0xb7: {  	s30 =	sld [smem:$0x0];
	_ =	sdelay $0x2  }
0xb8: {  	s31 =	sshll.u32 s1, $0xD;
	s1 =	sshrl.u32 s1, $0x2  }
0xb9: {  	s3 =	sand.u32 $0x4000, s31;
	s1 =	sadd.s32 s1, s30  }
0xba: {  	s0 =	sor.u32 s3, s0;
	s1 =	sshll.u32 s1, $0x11  }
0xbb: {  	s0 =	sor.u32 s1, s0  }
0xbc: {  	s0 =	sadd.s32 $0x8F2B, s0  }
0xbd: {  	[sflag:s0] =	ssyncadd.remote.s32 $0x1  }
0xbe: {  	_ =	sfence.sel $0xFFFF  }
0xbf: {  	[dreg:$0x0] =	wrdreg $0xFFFFFFFF;
	(pc) =	sbr.abs _section_cstart, $3  }
0xc0: {  	[dreg:$0x1] =	wrdreg $0xFFFFFFFF  }
0xc1: {  	_ =	task.clear_ibuf [dreg:s6], $0x2FFFF;
	_ =	strace $0x9FFFFFFF  }
0xc2: {  	(tm) =	ssettm $0x7FFFFFFF  }
0xc3: {  	_ =	shalt  }
tec
execute0_lowered:
.L_overlay_start_1:
0x0: {  	(tag) =	ssettag $0x1  }
0x1: {  	s0 =	rddreg [dreg:$0x0]  }
0x2: {  	s1 =	rddreg [dreg:$0x1]  }
0x3: {  	s2 =	srdreg.scid;
	s3 =	simm.s32 $0x0;
	s15 =	stileid.u32  }
0x4: {  	s30 =	simm.s32 $0x200;
	s31 =	simm.s32 $0x3;
	s2 =	sand.u32 $0x1, s2  }
0x5: {  	[smem:$0x7FF] =	sst s3;
	s6 =	smul.u32 $0x14000, s15;
	s7 =	sadd.s32 $0x3D400, s0  }
0x6: {  	s24 =	sshll.u32 s15, $0x1;
	s8 =	smul.u32 $0x50000, s15;
	s4 =	ssub.s32 $0x2, s2  }
0x7: {  	_ =	strace $0x8000004A;
	s12 =	smul.u32 $0x140000, s2;
	s5 =	sshrl.u32 s4, $0x1  }
0x8: {  	s9 =	sor.u32 $0x2800, s6;
	s10 =	sadd.s32 $0x5000, s6;
	s11 =	sadd.s32 $0x7800, s6  }
0x9: {  	s19 =	sadd.s32 $0xA000, s6;
	s20 =	sadd.s32 $0xC800, s6;
	s21 =	sadd.s32 $0xF000, s6  }
0xa: {  	s22 =	sadd.s32 $0x11800, s6;
	s4 =	ssub.s32 s4, s5;
	s5 =	sor.u32 s2, s24  }
0xb: {  	s6 =	sadd.s32 s6, s12;
	s13 =	sadd.s32 s12, s9;
	s14 =	sadd.s32 s12, s10  }
0xc: {  	s16 =	sadd.s32 s12, s20;
	s23 =	sadd.s32 s12, s21;
	s24 =	smul.u32 $0x4E20, s15  }
0xd: {  	s2 =	smul.u32 $0x2710, s2;
	s20 =	sadd.s32 s20, s1;
	s21 =	sadd.s32 s21, s1  }
0xe: {  	s6 =	sshrl.u32 s6, $0x3;
	s13 =	sshrl.u32 s13, $0x3;
	s26 =	sshrl.u32 s14, $0x3  }
0xf: {  	s14 =	sadd.s32 s12, s19;
	s18 =	sshrl.u32 s16, $0x3;
	s16 =	sshrl.u32 s8, $0x2  }
0x10: {  	s4 =	smax.u32 s4, $0x1;
	s8 =	simm.s32 $0x2;
	s6 =	sadd.s32 s7, s6  }
0x11: {  	s25 =	sadd.s32 s7, s13;
	s13 =	sadd.s32 s12, s11;
	s12 =	sadd.s32 s12, s22  }
0x12: {  	s2 =	sadd.s32 s2, s24;
	s15 =	sadd.s32 s16, s1;
	[dreg:$0xe] =	wrdreg s4  }
0x13: {  	s24 =	sadd.s32 s10, s1;
	s22 =	sadd.s32 s22, s1;
	[dreg:$0x3] =	wrdreg s6  }
0x14: {  	s4 =	simm.s32 $0x100;
	[dreg:$0x4] =	wrdreg s25;
	s6 =	sadd.s32 s7, s26  }
0x15: {  	s12 =	sshrl.u32 s12, $0x3;
	[dreg:$0x5] =	wrdreg s6;
	s6 =	sshrl.u32 s13, $0x3  }
0x16: {  	s13 =	sshrl.u32 s14, $0x3;
	s26 =	sadd.s32 s7, s12;
	s12 =	sadd.s32 $0x16200, s0  }
0x17: {  	s14 =	sadd.s32 $0x2600, s0;
	s6 =	sadd.s32 s7, s6;
	s17 =	sadd.s32 s7, s13  }
0x18: {  	s13 =	sshrl.u32 s23, $0x3;
	[dreg:$0xa] =	wrdreg s26;
	s23 =	sadd.s32 s9, s1  }
0x19: {  	s26 =	sadd.s32 $0xA0, s2;
	s9 =	simm.s32 $0x0;
	[dreg:$0x6] =	wrdreg s6  }
0x1a: {  	[dreg:$0x7] =	wrdreg s17;
	s6 =	sadd.s32 s7, s18;
	s25 =	sadd.s32 s7, s13  }
0x1b: {  	s13 =	sadd.s32 $0xC400, s0;
	s7 =	smul.u32 $0x2710, s5;
	s17 =	sadd.s32 s19, s1  }
0x1c: {  	s19 =	sadd.s32 $0x50, s2;
	s2 =	simm.s32 $0x50;
	[dreg:$0x8] =	wrdreg s6  }
0x1d: {  	s5 =	simm.s32 $0x180;
	[dreg:$0x9] =	wrdreg s25;
	s0 =	sshrl.u32 s7, $0x3  }
0x1e: {  	s25 =	sadd.s32 s11, s1;
	[dreg:$0xb] =	wrdreg s17;
	s18 =	sadd.s32 s13, s0  }
0x1f: {  	s6 =	simm.s32 $0x2A00;
	s0 =	sadd.s32 s14, s0;
	[dreg:$0xc] =	wrdreg s18  }
0x20: {  	s7 =	simm.s32 $0x1;
	[dreg:$0xd] =	wrdreg s0;
	s0 =	sshrl.u32 s19, $0x3  }
0x21: {  	v0 =	vimm.f32 $0.0e+00;
	s28 =	sadd.s32 s0, s14;
	s29 =	sadd.s32 s0, s13;
	s0 =	simm.s32 $0x80  }
.LBB2_1:
0x22: {  	s10 =	simm.s32 $0x0;
	s11 =	simm.s32 $0x200  }
.LBB2_2:
0x23: {  	p0 =	sne.s32 s11, $0x9E00;
	[tilespmem:s10+$0x270] =	vst v0  }
0x24: {  	[tilespmem:s10+$0x200] =	vst v0  }
0x25: {  	[tilespmem:s10+$0x210] =	vst v0  }
.Ltmp0:
0x26: {  	[tilespmem:s10+$0x220] =	vst v0;
	(pc) =	sbr.rel @p0 .LBB2_2-.Ltmp0, $4  }
0x27: {  	[tilespmem:s10+$0x230] =	vst v0  }
0x28: {  	[tilespmem:s10+$0x240] =	vst v0  }
0x29: {  	[tilespmem:s10+$0x250] =	vst v0  }
0x2a: {  	[tilespmem:s10+$0x260] =	vst v0;
	s10 =	sshra.s32 s11, $0x2;
	s11 =	sadd.s32 $0x200, s11  }
0x2b: {  	[tilespmem:s10+$0x270] =	vst v0  }
0x2c: {  	[tilespmem:s10+$0x200] =	vst v0  }
0x2d: {  	[tilespmem:s10+$0x210] =	vst v0  }
0x2e: {  	[tilespmem:s10+$0x220] =	vst v0  }
0x2f: {  	[tilespmem:s10+$0x230] =	vst v0  }
0x30: {  	[tilespmem:s10+$0x240] =	vst v0  }
0x31: {  	[tilespmem:s10+$0x250] =	vst v0  }
0x32: {  	[tilespmem:s10+$0x260] =	vst v0  }
0x33: {  	[spmem:s15] =	stream.linear.scatter [tilespmem:s30], [sflag:$0x3], $0x2800, $0x38;
	[tilespmem:$0x19200] =	vst v63  }
0x34: {  	_ =	swait.ge [sflag:s31], $0x2800  }
0x35: {  	[sflag:s31] =	ssyncset.done $0x0  }
0x36: {  	[sflag:s31] =	ssyncadd.s32 $0xFFFFD800  }
0x37: {  	[spmem:s23] =	stream.linear.scatter [tilespmem:s30], [sflag:$0x3], $0x2800, $0x38;
	[tilespmem:$0x19200] =	vst v63  }
0x38: {  	_ =	swait.ge [sflag:s31], $0x2800  }
0x39: {  	[sflag:s31] =	ssyncset.done $0x0  }
0x3a: {  	[sflag:s31] =	ssyncadd.s32 $0xFFFFD800  }
0x3b: {  	[spmem:s24] =	stream.linear.scatter [tilespmem:s30], [sflag:$0x3], $0x2800, $0x38;
	[tilespmem:$0x19200] =	vst v63  }
0x3c: {  	_ =	swait.ge [sflag:s31], $0x2800  }
0x3d: {  	[sflag:s31] =	ssyncset.done $0x0  }
0x3e: {  	[sflag:s31] =	ssyncadd.s32 $0xFFFFD800  }
0x3f: {  	[spmem:s25] =	stream.linear.scatter [tilespmem:s30], [sflag:$0x3], $0x2800, $0x38;
	[tilespmem:$0x19200] =	vst v63  }
0x40: {  	_ =	swait.ge [sflag:s31], $0x2800  }
0x41: {  	[sflag:s31] =	ssyncset.done $0x0  }
0x42: {  	s17 =	smov.u32 s23;
	s23 =	rddreg [dreg:$0xb];
	[sflag:s31] =	ssyncadd.s32 $0xFFFFD800  }
0x43: {  	[spmem:s23] =	stream.linear.scatter [tilespmem:s30], [sflag:$0x3], $0x2800, $0x38;
	[tilespmem:$0x19200] =	vst v63  }
0x44: {  	_ =	swait.ge [sflag:s31], $0x2800  }
0x45: {  	[sflag:s31] =	ssyncset.done $0x0  }
0x46: {  	[sflag:s31] =	ssyncadd.s32 $0xFFFFD800  }
0x47: {  	[spmem:s20] =	stream.linear.scatter [tilespmem:s30], [sflag:$0x3], $0x2800, $0x38;
	[tilespmem:$0x19200] =	vst v63  }
0x48: {  	_ =	swait.ge [sflag:s31], $0x2800  }
0x49: {  	[sflag:s31] =	ssyncset.done $0x0  }
0x4a: {  	[sflag:s31] =	ssyncadd.s32 $0xFFFFD800  }
0x4b: {  	[spmem:s21] =	stream.linear.scatter [tilespmem:s30], [sflag:$0x3], $0x2800, $0x38;
	[tilespmem:$0x19200] =	vst v63  }
0x4c: {  	_ =	swait.ge [sflag:s31], $0x2800  }
0x4d: {  	[sflag:s31] =	ssyncset.done $0x0  }
0x4e: {  	[sflag:s31] =	ssyncadd.s32 $0xFFFFD800  }
0x4f: {  	[spmem:s22] =	stream.linear.scatter [tilespmem:s30], [sflag:$0x3], $0x2800, $0x38;
	[tilespmem:$0x19200] =	vst v63  }
0x50: {  	_ =	swait.ge [sflag:s31], $0x2800  }
0x51: {  	[sflag:s31] =	ssyncset.done $0x0  }
0x52: {  	[sflag:s31] =	ssyncadd.s32 $0xFFFFD800  }
0x53: {  	[bflag:$0x0] =	sbarrier.arrive $0xFFFF  }
0x54: {  	s18 =	smov.u32 s24;
	s24 =	simm.s32 $0x0;
	s11 =	rddreg [dreg:$0xc]  }
0x55: {  	[tilespmem:s24], [sflag:$0x3] =	stream.linear.gather [hbm4b:s11+s24], $0x50, $0x38;
	[tilespmem:$0x19200] =	vst v63  }
0x56: {  	_ =	swait.ge [sflag:s31], $0x50  }
0x57: {  	[sflag:s31] =	ssyncset.done $0x0  }
0x58: {  	s19 =	smov.u32 s25;
	s25 =	rddreg [dreg:$0xd];
	[sflag:s31] =	ssyncadd.s32 $0xFFFFFFB0  }
0x59: {  	[tilespmem:s0], [sflag:$0x3] =	stream.linear.gather [hbm4b:s25+s24], $0x50, $0x38;
	[tilespmem:$0x19200] =	vst v63  }
0x5a: {  	_ =	swait.ge [sflag:s31], $0x50  }
0x5b: {  	[sflag:s31] =	ssyncset.done $0x0  }
0x5c: {  	[sflag:s31] =	ssyncadd.s32 $0xFFFFFFB0  }
0x5d: {  	[tilespmem:s30], [sflag:$0x1] =	stream.indirect.gather [hbm4b:s12+s2], $0x80, s24, s2, $0xb8;
	[tilespmem:$0x19200] =	vst v63  }
0x5e: {  	s16 =	smov.u32 s15;
	s15 =	sadd.s32 $0x0, s29  }
0x5f: {  	[tilespmem:s4], [sflag:$0x3] =	stream.linear.gather [hbm4b:s15+s3], $0x50, $0x38;
	[tilespmem:$0x19200] =	vst v63  }
0x60: {  	_ =	swait.ge [sflag:s31], $0x50  }
0x61: {  	[sflag:s31] =	ssyncset.done $0x0  }
0x62: {  	s23 =	sadd.s32 $0x0, s28;
	[sflag:s31] =	ssyncadd.s32 $0xFFFFFFB0  }
0x63: {  	[tilespmem:s5], [sflag:$0x3] =	stream.linear.gather [hbm4b:s23+s3], $0x50, $0x38;
	[tilespmem:$0x19200] =	vst v63  }
0x64: {  	_ =	swait.ge [sflag:s31], $0x50  }
0x65: {  	[sflag:s31] =	ssyncset.done $0x0  }
0x66: {  	[sflag:s31] =	ssyncadd.s32 $0xFFFFFFB0  }
0x67: {  	[tilespmem:s6], [sflag:$0x2] =	stream.indirect.gather [hbm4b:s12+s2], $0x80, s4, s2, $0xb8;
	[tilespmem:$0x19200] =	vst v63  }
0x68: {  	_ =	swait.ge [sflag:s7], $0x2800  }
0x69: {  	[sflag:s7] =	ssyncset.done $0x0  }
0x6a: {  	[sflag:s7] =	ssyncadd.s32 $0xFFFFD800  }
0x6b: {  	[spmem:s1] =	stream.indirect.scatter.add.f32 [tilespmem:s30], [sflag:$0x3], $0x80, s0, s2, $0xb8;
	[tilespmem:$0x19200] =	vst v63  }
0x6c: {  	_ =	swait.ge [sflag:s31], $0x2800  }
0x6d: {  	s24 =	sshrl.u32 s26, $0x3;
	[sflag:s31] =	ssyncset.done $0x0  }
0x6e: {  	s25 =	sadd.s32 s13, s24;
	[sflag:s31] =	ssyncadd.s32 $0xFFFFD800  }
0x6f: {  	[tilespmem:s3], [sflag:$0x3] =	stream.linear.gather [hbm4b:s25+s3], $0x50, $0x38;
	[tilespmem:$0x19200] =	vst v63  }
0x70: {  	_ =	swait.ge [sflag:s31], $0x50  }
0x71: {  	[sflag:s31] =	ssyncset.done $0x0  }
0x72: {  	s10 =	sadd.s32 s14, s24;
	[sflag:s31] =	ssyncadd.s32 $0xFFFFFFB0  }
0x73: {  	[tilespmem:s0], [sflag:$0x3] =	stream.linear.gather [hbm4b:s10+s3], $0x50, $0x38;
	[tilespmem:$0x19200] =	vst v63  }
0x74: {  	_ =	swait.ge [sflag:s31], $0x50  }
0x75: {  	[sflag:s31] =	ssyncset.done $0x0  }
0x76: {  	[sflag:s31] =	ssyncadd.s32 $0xFFFFFFB0  }
0x77: {  	[tilespmem:s30], [sflag:$0x1] =	stream.indirect.gather [hbm4b:s12+s2], $0x80, s3, s2, $0xb8;
	[tilespmem:$0x19200] =	vst v63  }
0x78: {  	_ =	swait.ge [sflag:s8], $0x2800  }
0x79: {  	[sflag:s8] =	ssyncset.done $0x0  }
0x7a: {  	[sflag:s8] =	ssyncadd.s32 $0xFFFFD800  }
0x7b: {  	[spmem:s1] =	stream.indirect.scatter.add.f32 [tilespmem:s6], [sflag:$0x3], $0x80, s5, s2, $0xb8;
	[tilespmem:$0x19200] =	vst v63  }
0x7c: {  	s11 =	simm.s32 $0x14;
	_ =	swait.ge [sflag:s31], $0x2800  }
0x7d: {  	s23 =	simm.s32 $0x28;
	s10 =	sadd.s32 $0xA0, s26;
	[sflag:s31] =	ssyncset.done $0x0  }
.LBB2_4:
0x7e: {  	s25 =	sadd.s32 s11, s29  }
0x7f: {  	[sflag:s31] =	ssyncadd.s32 $0xFFFFD800;
	s15 =	smov.u32 s23;
	s24 =	sadd.s32 $0x14, s23  }
0x80: {  	[tilespmem:s4], [sflag:$0x3] =	stream.linear.gather [hbm4b:s25+s3], $0x50, $0x38;
	[tilespmem:$0x19200] =	vst v63  }
0x81: {  	p0 =	sne.s32 s23, $0x4C4;
	_ =	swait.ge [sflag:s31], $0x50  }
0x82: {  	[sflag:s31] =	ssyncset.done $0x0  }
0x83: {  	s23 =	sadd.s32 s11, s28;
	s11 =	smov.u32 s15;
	[sflag:s31] =	ssyncadd.s32 $0xFFFFFFB0  }
0x84: {  	[tilespmem:s5], [sflag:$0x3] =	stream.linear.gather [hbm4b:s23+s3], $0x50, $0x38;
	[tilespmem:$0x19200] =	vst v63  }
0x85: {  	_ =	swait.ge [sflag:s31], $0x50  }
0x86: {  	[sflag:s31] =	ssyncset.done $0x0  }
0x87: {  	[sflag:s31] =	ssyncadd.s32 $0xFFFFFFB0  }
0x88: {  	[tilespmem:s6], [sflag:$0x2] =	stream.indirect.gather [hbm4b:s12+s2], $0x80, s4, s2, $0xb8;
	[tilespmem:$0x19200] =	vst v63  }
0x89: {  	_ =	swait.ge [sflag:s7], $0x2800  }
0x8a: {  	[sflag:s7] =	ssyncset.done $0x0  }
0x8b: {  	[sflag:s7] =	ssyncadd.s32 $0xFFFFD800  }
0x8c: {  	[spmem:s1] =	stream.indirect.scatter.add.f32 [tilespmem:s30], [sflag:$0x3], $0x80, s0, s2, $0xb8;
	[tilespmem:$0x19200] =	vst v63  }
0x8d: {  	_ =	swait.ge [sflag:s31], $0x2800  }
0x8e: {  	s15 =	sshrl.u32 s10, $0x3;
	[sflag:s31] =	ssyncset.done $0x0  }
0x8f: {  	s23 =	sadd.s32 s13, s15;
	[sflag:s31] =	ssyncadd.s32 $0xFFFFD800  }
0x90: {  	[tilespmem:s3], [sflag:$0x3] =	stream.linear.gather [hbm4b:s23+s3], $0x50, $0x38;
	[tilespmem:$0x19200] =	vst v63  }
0x91: {  	_ =	swait.ge [sflag:s31], $0x50  }
0x92: {  	[sflag:s31] =	ssyncset.done $0x0  }
0x93: {  	s15 =	sadd.s32 s14, s15;
	[sflag:s31] =	ssyncadd.s32 $0xFFFFFFB0  }
0x94: {  	[tilespmem:s0], [sflag:$0x3] =	stream.linear.gather [hbm4b:s15+s3], $0x50, $0x38;
	[tilespmem:$0x19200] =	vst v63  }
0x95: {  	_ =	swait.ge [sflag:s31], $0x50  }
0x96: {  	[sflag:s31] =	ssyncset.done $0x0  }
0x97: {  	[sflag:s31] =	ssyncadd.s32 $0xFFFFFFB0  }
0x98: {  	[tilespmem:s30], [sflag:$0x1] =	stream.indirect.gather [hbm4b:s12+s2], $0x80, s3, s2, $0xb8;
	[tilespmem:$0x19200] =	vst v63  }
0x99: {  	_ =	swait.ge [sflag:s8], $0x2800  }
.Ltmp1:
0x9a: {  	[sflag:s8] =	ssyncset.done $0x0;
	(pc) =	sbr.rel @p0 .LBB2_4-.Ltmp1, $4  }
0x9b: {  	[sflag:s8] =	ssyncadd.s32 $0xFFFFD800  }
0x9c: {  	[spmem:s1] =	stream.indirect.scatter.add.f32 [tilespmem:s6], [sflag:$0x3], $0x80, s5, s2, $0xb8;
	[tilespmem:$0x19200] =	vst v63  }
0x9d: {  	_ =	swait.ge [sflag:s31], $0x2800  }
0x9e: {  	s10 =	sadd.s32 $0xA0, s10;
	s23 =	smov.u32 s24;
	[sflag:s31] =	ssyncset.done $0x0  }
0x9f: {  	s15 =	sadd.s32 s11, s29;
	[sflag:s31] =	ssyncadd.s32 $0xFFFFD800  }
0xa0: {  	[tilespmem:s4], [sflag:$0x3] =	stream.linear.gather [hbm4b:s15+s3], $0x50, $0x38;
	[tilespmem:$0x19200] =	vst v63  }
0xa1: {  	_ =	swait.ge [sflag:s31], $0x50  }
0xa2: {  	[sflag:s31] =	ssyncset.done $0x0  }
0xa3: {  	s24 =	sadd.s32 s11, s28;
	[sflag:s31] =	ssyncadd.s32 $0xFFFFFFB0  }
0xa4: {  	[tilespmem:s5], [sflag:$0x3] =	stream.linear.gather [hbm4b:s24+s3], $0x50, $0x38;
	[tilespmem:$0x19200] =	vst v63  }
0xa5: {  	_ =	swait.ge [sflag:s31], $0x50  }
0xa6: {  	[sflag:s31] =	ssyncset.done $0x0  }
0xa7: {  	[sflag:s31] =	ssyncadd.s32 $0xFFFFFFB0  }
0xa8: {  	[tilespmem:s6], [sflag:$0x2] =	stream.indirect.gather [hbm4b:s12+s2], $0x80, s4, s2, $0xb8;
	[tilespmem:$0x19200] =	vst v63  }
0xa9: {  	_ =	swait.ge [sflag:s7], $0x2800  }
0xaa: {  	[sflag:s7] =	ssyncset.done $0x0  }
0xab: {  	[sflag:s7] =	ssyncadd.s32 $0xFFFFD800  }
0xac: {  	[spmem:s1] =	stream.indirect.scatter.add.f32 [tilespmem:s30], [sflag:$0x3], $0x80, s0, s2, $0xb8;
	[tilespmem:$0x19200] =	vst v63  }
0xad: {  	_ =	swait.ge [sflag:s31], $0x2800  }
0xae: {  	s10 =	sshrl.u32 s10, $0x3;
	[sflag:s31] =	ssyncset.done $0x0  }
0xaf: {  	s25 =	sadd.s32 s13, s10;
	[sflag:s31] =	ssyncadd.s32 $0xFFFFD800  }
0xb0: {  	[tilespmem:s3], [sflag:$0x3] =	stream.linear.gather [hbm4b:s25+s3], $0x50, $0x38;
	[tilespmem:$0x19200] =	vst v63  }
0xb1: {  	_ =	swait.ge [sflag:s31], $0x50  }
0xb2: {  	[sflag:s31] =	ssyncset.done $0x0  }
0xb3: {  	s10 =	sadd.s32 s14, s10;
	[sflag:s31] =	ssyncadd.s32 $0xFFFFFFB0  }
0xb4: {  	[tilespmem:s0], [sflag:$0x3] =	stream.linear.gather [hbm4b:s10+s3], $0x50, $0x38;
	[tilespmem:$0x19200] =	vst v63  }
0xb5: {  	_ =	swait.ge [sflag:s31], $0x50  }
0xb6: {  	[sflag:s31] =	ssyncset.done $0x0  }
0xb7: {  	[sflag:s31] =	ssyncadd.s32 $0xFFFFFFB0  }
0xb8: {  	[tilespmem:s30], [sflag:$0x1] =	stream.indirect.gather [hbm4b:s12+s2], $0x80, s3, s2, $0xb8;
	[tilespmem:$0x19200] =	vst v63  }
0xb9: {  	_ =	swait.ge [sflag:s8], $0x2800  }
0xba: {  	[sflag:s8] =	ssyncset.done $0x0  }
0xbb: {  	[sflag:s8] =	ssyncadd.s32 $0xFFFFD800  }
0xbc: {  	[spmem:s1] =	stream.indirect.scatter.add.f32 [tilespmem:s6], [sflag:$0x3], $0x80, s5, s2, $0xb8;
	[tilespmem:$0x19200] =	vst v63  }
0xbd: {  	_ =	swait.ge [sflag:s31], $0x2800  }
0xbe: {  	[sflag:s31] =	ssyncset.done $0x0  }
0xbf: {  	[sflag:s31] =	ssyncadd.s32 $0xFFFFD800  }
0xc0: {  	_ =	swait.ge [sflag:s7], $0x2800  }
0xc1: {  	[sflag:s7] =	ssyncset.done $0x0  }
0xc2: {  	[sflag:s7] =	ssyncadd.s32 $0xFFFFD800  }
0xc3: {  	[spmem:s1] =	stream.indirect.scatter.add.f32 [tilespmem:s30], [sflag:$0x3], $0x80, s0, s2, $0xb8;
	[tilespmem:$0x19200] =	vst v63  }
0xc4: {  	_ =	swait.ge [sflag:s31], $0x2800  }
0xc5: {  	[sflag:s31] =	ssyncset.done $0x0  }
0xc6: {  	[sflag:s31] =	ssyncadd.s32 $0xFFFFD800  }
0xc7: {  	[bflag:$0x0] =	sbarrier.arrive $0xFFFF  }
0xc8: {  	[tilespmem:s30], [sflag:$0x3] =	stream.linear.gather [spmem:s16], $0x2800, $0x38;
	[tilespmem:$0x19200] =	vst v63  }
0xc9: {  	_ =	swait.ge [sflag:s31], $0x2800  }
0xca: {  	[sflag:s31] =	ssyncset.done $0x0  }
0xcb: {  	s11 =	rddreg [dreg:$0x3];
	[sflag:s31] =	ssyncadd.s32 $0xFFFFD800  }
0xcc: {  	[hbm4b:s11+s3] =	stream.linear.scatter [tilespmem:s30], [sflag:$0x3], $0x2800, $0x38;
	[tilespmem:$0x19200] =	vst v63  }
0xcd: {  	_ =	swait.ge [sflag:s31], $0x2800  }
0xce: {  	[sflag:s31] =	ssyncset.done $0x0  }
0xcf: {  	[sflag:s31] =	ssyncadd.s32 $0xFFFFD800  }
0xd0: {  	[tilespmem:s30], [sflag:$0x3] =	stream.linear.gather [spmem:s17], $0x2800, $0x38;
	[tilespmem:$0x19200] =	vst v63  }
0xd1: {  	_ =	swait.ge [sflag:s31], $0x2800  }
0xd2: {  	[sflag:s31] =	ssyncset.done $0x0  }
0xd3: {  	s15 =	smov.u32 s16;
	s16 =	rddreg [dreg:$0x4];
	[sflag:s31] =	ssyncadd.s32 $0xFFFFD800  }
0xd4: {  	[hbm4b:s16+s3] =	stream.linear.scatter [tilespmem:s30], [sflag:$0x3], $0x2800, $0x38;
	[tilespmem:$0x19200] =	vst v63  }
0xd5: {  	_ =	swait.ge [sflag:s31], $0x2800  }
0xd6: {  	[sflag:s31] =	ssyncset.done $0x0  }
0xd7: {  	[sflag:s31] =	ssyncadd.s32 $0xFFFFD800  }
0xd8: {  	[tilespmem:s30], [sflag:$0x3] =	stream.linear.gather [spmem:s18], $0x2800, $0x38;
	[tilespmem:$0x19200] =	vst v63  }
0xd9: {  	_ =	swait.ge [sflag:s31], $0x2800  }
0xda: {  	[sflag:s31] =	ssyncset.done $0x0  }
0xdb: {  	s23 =	smov.u32 s17;
	s17 =	rddreg [dreg:$0x5];
	[sflag:s31] =	ssyncadd.s32 $0xFFFFD800  }
0xdc: {  	[hbm4b:s17+s3] =	stream.linear.scatter [tilespmem:s30], [sflag:$0x3], $0x2800, $0x38;
	[tilespmem:$0x19200] =	vst v63  }
0xdd: {  	_ =	swait.ge [sflag:s31], $0x2800  }
0xde: {  	[sflag:s31] =	ssyncset.done $0x0  }
0xdf: {  	[sflag:s31] =	ssyncadd.s32 $0xFFFFD800  }
0xe0: {  	[tilespmem:s30], [sflag:$0x3] =	stream.linear.gather [spmem:s19], $0x2800, $0x38;
	[tilespmem:$0x19200] =	vst v63  }
0xe1: {  	_ =	swait.ge [sflag:s31], $0x2800  }
0xe2: {  	[sflag:s31] =	ssyncset.done $0x0  }
0xe3: {  	s24 =	smov.u32 s18;
	s18 =	rddreg [dreg:$0x6];
	[sflag:s31] =	ssyncadd.s32 $0xFFFFD800  }
0xe4: {  	[hbm4b:s18+s3] =	stream.linear.scatter [tilespmem:s30], [sflag:$0x3], $0x2800, $0x38;
	[tilespmem:$0x19200] =	vst v63  }
0xe5: {  	_ =	swait.ge [sflag:s31], $0x2800  }
0xe6: {  	[sflag:s31] =	ssyncset.done $0x0  }
0xe7: {  	s25 =	smov.u32 s19;
	s19 =	rddreg [dreg:$0xb];
	[sflag:s31] =	ssyncadd.s32 $0xFFFFD800  }
0xe8: {  	[tilespmem:s30], [sflag:$0x3] =	stream.linear.gather [spmem:s19], $0x2800, $0x38;
	[tilespmem:$0x19200] =	vst v63  }
0xe9: {  	_ =	swait.ge [sflag:s31], $0x2800  }
0xea: {  	[sflag:s31] =	ssyncset.done $0x0  }
0xeb: {  	s11 =	rddreg [dreg:$0x7];
	[sflag:s31] =	ssyncadd.s32 $0xFFFFD800  }
0xec: {  	[hbm4b:s11+s3] =	stream.linear.scatter [tilespmem:s30], [sflag:$0x3], $0x2800, $0x38;
	[tilespmem:$0x19200] =	vst v63  }
0xed: {  	_ =	swait.ge [sflag:s31], $0x2800  }
0xee: {  	[sflag:s31] =	ssyncset.done $0x0  }
0xef: {  	[sflag:s31] =	ssyncadd.s32 $0xFFFFD800  }
0xf0: {  	[tilespmem:s30], [sflag:$0x3] =	stream.linear.gather [spmem:s20], $0x2800, $0x38;
	[tilespmem:$0x19200] =	vst v63  }
0xf1: {  	_ =	swait.ge [sflag:s31], $0x2800  }
0xf2: {  	[sflag:s31] =	ssyncset.done $0x0  }
0xf3: {  	s16 =	rddreg [dreg:$0x8];
	[sflag:s31] =	ssyncadd.s32 $0xFFFFD800  }
0xf4: {  	[hbm4b:s16+s3] =	stream.linear.scatter [tilespmem:s30], [sflag:$0x3], $0x2800, $0x38;
	[tilespmem:$0x19200] =	vst v63  }
0xf5: {  	_ =	swait.ge [sflag:s31], $0x2800  }
0xf6: {  	[sflag:s31] =	ssyncset.done $0x0  }
0xf7: {  	[sflag:s31] =	ssyncadd.s32 $0xFFFFD800  }
0xf8: {  	[tilespmem:s30], [sflag:$0x3] =	stream.linear.gather [spmem:s21], $0x2800, $0x38;
	[tilespmem:$0x19200] =	vst v63  }
0xf9: {  	_ =	swait.ge [sflag:s31], $0x2800  }
0xfa: {  	[sflag:s31] =	ssyncset.done $0x0  }
0xfb: {  	s17 =	rddreg [dreg:$0x9];
	[sflag:s31] =	ssyncadd.s32 $0xFFFFD800  }
0xfc: {  	[hbm4b:s17+s3] =	stream.linear.scatter [tilespmem:s30], [sflag:$0x3], $0x2800, $0x38;
	[tilespmem:$0x19200] =	vst v63  }
0xfd: {  	_ =	swait.ge [sflag:s31], $0x2800  }
0xfe: {  	[sflag:s31] =	ssyncset.done $0x0  }
0xff: {  	[sflag:s31] =	ssyncadd.s32 $0xFFFFD800  }
0x100: {  	[tilespmem:s30], [sflag:$0x3] =	stream.linear.gather [spmem:s22], $0x2800, $0x38;
	[tilespmem:$0x19200] =	vst v63  }
0x101: {  	_ =	swait.ge [sflag:s31], $0x2800  }
0x102: {  	[sflag:s31] =	ssyncset.done $0x0  }
0x103: {  	s18 =	rddreg [dreg:$0xa];
	[sflag:s31] =	ssyncadd.s32 $0xFFFFD800  }
0x104: {  	[hbm4b:s18+s3] =	stream.linear.scatter [tilespmem:s30], [sflag:$0x3], $0x2800, $0x38;
	[tilespmem:$0x19200] =	vst v63  }
0x105: {  	_ =	swait.ge [sflag:s31], $0x2800  }
0x106: {  	s9 =	sadd.s32 $0x1, s9;
	s19 =	rddreg [dreg:$0xe]  }
0x107: {  	p0 =	sne.s32 s9, s19  }
.Ltmp2:
0x108: {  	_ = 	snop;
	(pc) =	sbr.rel @p0 .LBB2_1-.Ltmp2, $3  }
0x109: {  	_ =	sdelay $0x1  }
0x10a: {  	[sflag:s31] =	ssyncset.done $0x0  }
0x10b: {  	[sflag:s31] =	ssyncadd.s32 $0xFFFFD800  }
0x10c: {  	_ =	sfence.sel $0x180000  }
0x10d: {  	[bflag:$0x0] =	sbarrier.arrive $0xFFFF  }
0x10e: {  	_ =	strace $0x9000004A  }
0x10f: {  	s0 =	stileid.u32;
	[bflag:$0x2] =	sbarrier.arrive $0xFFFF  }
0x110: {  	p0 =	sne.s32 s0, $0x0;
	s0 =	rddreg [dreg:$0x2]  }
0x111: {  	s0 =	sadd.s32 @!p0 $0x100000, s0  }
0x112: {  	[sflag:s0] =	ssyncadd.tile.s32 @!p0 $0x1;
	_ =	shalt  }
.Lfunc_end2:
_tile_overlayer_lowered:
.L_overlay_start_2:
0x113: {  	(tag) =	ssettag $0x2  }
0x114: {  	s0 =	rddreg [dreg:$0x0];
	s2 =	stileid.u32  }
0x115: {  	s1 =	rddreg [dreg:$0x1];
	p0 =	sne.s32 s2, $0x0  }
0x116: {  	s3 =	rddreg [dreg:$0x2];
	[bflag:$0x3] =	sbarrier.arrive $0xFFFF;
	s2 =	simm.s32 @!p0 $0x1C03  }
0x117: {  	[timem:s3], [sflag:s2] =	dma.local @!p0 [hbm:s0], s1  }
0x118: {  	s0 =	simm.s32 @!p0 $0x3  }
0x119: {  	_ =	swait.ge @!p0 [sflag:s0], s1  }
0x11a: {  	s1 =	ssub.s32 @!p0 $0x0, s1;
	[sflag:s0] =	ssyncset.done @!p0 $0x0  }
0x11b: {  	[sflag:s0] =	ssyncadd.s32 @!p0 s1  }
0x11c: {  	[bflag:$0x3] =	sbarrier.arrive $0xFFFF  }
0x11d: {  	_ =	shalt  }

// kernel: kernel.15.cloned.1.call-start
scs
__scs_entry_jumppad:
0x0: {  	(pc) =	sbr.rel $0x88, $3  }
0x1: {  	(tag) =	ssettag $0x0;
	lr =	simm.s32 $0x1  }
0x2: {  	[smem:$0x3F96] =	sst lr;
	_ =	strace $0xD0000000  }
0x3: {  	_ = 	snop  }
0x4: {  	_ = 	snop  }
0x5: {  	_ = 	snop  }
0x6: {  	_ = 	snop  }
0x7: {  	_ = 	snop  }
__scs_overlays_trampoline_lowered:
0x8: {  	[smem:$0x3FA5] =	sst s0  }
0x9: {  	[smem:$0x3FA6] =	sst s1  }
0xa: {  	[smem:$0x3FA7] =	sst s2  }
0xb: {  	[smem:$0x3FA8] =	sst s3  }
0xc: {  	[smem:$0x3FA9] =	sst s4  }
0xd: {  	[smem:$0x3FAA] =	sst s5  }
0xe: {  	[smem:$0x3FAB] =	sst s6  }
0xf: {  	[smem:$0x3FAC] =	sst s7  }
0x10: {  	[smem:$0x3FAD] =	sst s8  }
0x11: {  	[smem:$0x3FAE] =	sst s9;
	s0 =	simm.s32 @!p0 $0x0  }
0x12: {  	s1 =	sld [smem:$0x3F94];
	s0 =	simm.s32 @p0 $0x1  }
0x13: {  	[smem:$0x3FAF] =	sst s0;
	s0 =	simm.s32 @!p1 $0x0  }
0x14: {  	s2 =	sld [smem:$0x3F93];
	s0 =	simm.s32 @p1 $0x1  }
0x15: {  	[smem:$0x3FB0] =	sst s0;
	s0 =	simm.s32 @!p2 $0x0  }
0x16: {  	s3 =	sld [smem:$0x3FDB];
	s0 =	simm.s32 @p2 $0x1  }
0x17: {  	s4 =	simm.s32 $0x1BF5;
	[smem:$0x3FB2] =	sst s0  }
0x18: {  	s0 =	sld [smem:$0x3F95];
	_ =	swait.ge [sflag:s4], $0x0  }
0x19: {  	s7 =	sld [smem:$0x3F96]  }
0x1a: {  	s8 =	sadd.s32 $0xFFFFE003, lr  }
0x1b: {  	s9 =	sadd.s32 $0xFFFFFEF7, lr;
	s5 =	simm.s32 $0xFFFFFFFF;
	p2 =	slt.u32 s8, $0xFFFFF086  }
0x1c: {  	p1 =	slt.u32 s9, $0xF7A;
	s5 =	simm.s32 @!p2 $0x0  }
0x1d: {  	s5 =	simm.s32 @p1 $0x1;
	p0 =	seq.s32 s7, s2  }
0x1e: {  	s7 =	smul.u32 @!p0 $0xF7A, s2;
	p2 =	seq.s32 @!p0 s5, $0x0  }
0x1f: {  	s9 =	smul.u32 $0xF7A, s1;
	s8 =	simm.s32 @!p0 $0x1BF5;
	p2 =	por !p2, p0  }
0x20: {  	[sflag:s8] =	ssyncset.s32 @!p0 $0xFFFFF086;
	s6 =	sadd.s32 @!p0 s3, s7;
	s7 =	simm.s32 @!p0 $0x108  }
0x21: {  	s3 =	sadd.s32 s3, s9;
	s6 =	sadd.s32 @!p0 $0x88, s6;
	s7 =	simm.s32 @p2 $0x1082  }
0x22: {  	[simem:s7], [sflag:s8] =	dma.local @!p0 [hbm:s6], $0xF7A  }
0x23: {  	s9 =	sor.u32 $0xD0000000, s2;
	s6 =	simm.s32 $0x108;
	_ =	swait.ge @!p0 [sflag:s8], $0x0  }
0x24: {  	s3 =	sadd.s32 $0x88, s3;
	s6 =	simm.s32 @!p1 $0x1082;
	[sflag:s4] =	ssyncset.s32 $0xFFFFF086  }
0x25: {  	[simem:s6], [sflag:s4] =	dma.local [hbm:s3], $0xF7A  }
0x26: {  	[smem:$0x3F96] =	sst s1;
	(tag) =	ssettag s2;
	_ =	strace s9  }
0x27: {  	s1 =	sld [smem:$0x3FA6]  }
0x28: {  	s2 =	sld [smem:$0x3FA7]  }
0x29: {  	s4 =	sld [smem:$0x3FA9]  }
0x2a: {  	p0 =	seq.s32 s5, $0x0;
	s5 =	sld [smem:$0x3FAA]  }
0x2b: {  	s6 =	sld [smem:$0x3FAB]  }
0x2c: {  	s7 =	sld [smem:$0x3FAC]  }
0x2d: {  	s3 =	simm.s32 $0x108;
	s8 =	sld [smem:$0x3FAD]  }
0x2e: {  	s3 =	simm.s32 @!p0 $0x1082;
	s9 =	sld [smem:$0x3FAE]  }
0x2f: {  	lr =	sadd.s32 s0, s3;
	s0 =	sld [smem:$0x3FA5]  }
0x30: {  	s3 =	sld [smem:$0x3FA8]  }
0x31: {  	[smem:$0x3FB1] =	sst s10  }
0x32: {  	s10 =	sld [smem:$0x3FAF];
	_ =	sdelay $0x3  }
0x33: {  	p0 =	seq.s32 s10, $0x1;
	s10 =	sld [smem:$0x3FB1];
	_ =	sdelay $0x3  }
0x34: {  	[smem:$0x3FB1] =	sst s10  }
0x35: {  	s10 =	sld [smem:$0x3FB0];
	_ =	sdelay $0x3  }
0x36: {  	p1 =	seq.s32 s10, $0x1;
	s10 =	sld [smem:$0x3FB1];
	_ =	sdelay $0x3  }
0x37: {  	[smem:$0x3FB1] =	sst s10  }
0x38: {  	s10 =	sld [smem:$0x3FB2]  }
0x39: {  	_ = 	snop;
	(pc) =	sbr.ind lr, $3  }
0x3a: {  	_ = 	snop  }
0x3b: {  	_ = 	snop  }
0x3c: {  	p2 =	seq.s32 s10, $0x1;
	s10 =	sld [smem:$0x3FB1]  }
0x3d: {  	_ =	shalt  }
0x3e: {  	_ =	shalt  }
0x3f: {  	_ =	shalt  }
0x40: {  	_ =	shalt  }
0x41: {  	_ =	shalt  }
0x42: {  	_ =	shalt  }
0x43: {  	_ =	shalt  }
0x44: {  	_ =	shalt  }
0x45: {  	_ =	shalt  }
0x46: {  	_ =	shalt  }
0x47: {  	_ =	shalt  }
0x48: {  	_ =	shalt  }
0x49: {  	_ =	shalt  }
0x4a: {  	_ =	shalt  }
0x4b: {  	_ =	shalt  }
0x4c: {  	_ =	shalt  }
0x4d: {  	_ =	shalt  }
0x4e: {  	_ =	shalt  }
0x4f: {  	_ =	shalt  }
0x50: {  	_ =	shalt  }
0x51: {  	_ =	shalt  }
0x52: {  	_ =	shalt  }
0x53: {  	_ =	shalt  }
0x54: {  	_ =	shalt  }
0x55: {  	_ =	shalt  }
0x56: {  	_ =	shalt  }
0x57: {  	_ =	shalt  }
0x58: {  	_ =	shalt  }
0x59: {  	_ =	shalt  }
0x5a: {  	_ =	shalt  }
0x5b: {  	_ =	shalt  }
0x5c: {  	_ =	shalt  }
0x5d: {  	_ =	shalt  }
0x5e: {  	_ =	shalt  }
0x5f: {  	_ =	shalt  }
0x60: {  	_ =	shalt  }
0x61: {  	_ =	shalt  }
0x62: {  	_ =	shalt  }
0x63: {  	_ =	shalt  }
0x64: {  	_ =	shalt  }
0x65: {  	_ =	shalt  }
0x66: {  	_ =	shalt  }
0x67: {  	_ =	shalt  }
0x68: {  	_ =	shalt  }
0x69: {  	_ =	shalt  }
0x6a: {  	_ =	shalt  }
0x6b: {  	_ =	shalt  }
0x6c: {  	_ =	shalt  }
0x6d: {  	_ =	shalt  }
0x6e: {  	_ =	shalt  }
0x6f: {  	_ =	shalt  }
0x70: {  	_ =	shalt  }
0x71: {  	_ =	shalt  }
0x72: {  	_ =	shalt  }
0x73: {  	_ =	shalt  }
0x74: {  	_ =	shalt  }
0x75: {  	_ =	shalt  }
0x76: {  	_ =	shalt  }
0x77: {  	_ =	shalt  }
0x78: {  	_ =	shalt  }
0x79: {  	_ =	shalt  }
0x7a: {  	_ =	shalt  }
0x7b: {  	_ =	shalt  }
0x7c: {  	_ =	shalt  }
0x7d: {  	_ =	shalt  }
0x7e: {  	_ =	shalt  }
0x7f: {  	_ =	shalt  }
0x80: {  	_ =	shalt  }
0x81: {  	_ =	shalt  }
0x82: {  	_ =	shalt  }
0x83: {  	_ =	shalt  }
0x84: {  	_ =	shalt  }
0x85: {  	_ =	shalt  }
0x86: {  	_ =	shalt  }
0x87: {  	_ =	shalt  }
.Lfunc_end0:
.L_simem_size_0:
called_computation.2_lowered:
.L_overlay_start_0:
0x88: {  	s2 =	sld [smem:$0x3FD9]  }
0x89: {  	s3 =	sld [smem:$0x3FFE];
	_ =	sdelay $0x1  }
0x8a: {  	s1 =	srdreg.scid  }
0x8b: {  	s0 =	sand.u32 $0x1, s1  }
0x8c: {  	s16 =	sshll.u32 s0, $0xA;
	s2 =	sadd.s32 s3, s2  }
0x8d: {  	s2 =	sadd.s32 s2, s16  }
0x8e: {  	[smem:$0x3FBD] =	sst s2  }
0x8f: {  	_ = 	snop  }
0x90: {  	(tm) =	ssettm $0x1  }
0x91: {  	s17 =	sld [smem:$0x3FFB];
	_ =	sdelay $0x3  }
0x92: {  	_ =	strace s17  }
0x93: {  	s2 =	sld [smem:$0x3FFC];
	_ =	sdelay $0x3  }
0x94: {  	_ =	strace s2  }
0x95: {  	s2 =	sld [smem:$0x3FFD];
	_ =	sdelay $0x3  }
0x96: {  	_ =	strace s2  }
0x97: {  	_ =	strace $0x8FFFFFFF  }
0x98: {  	s18 =	sld [smem:$0x3FDB];
	_ =	sdelay $0x1  }
0x99: {  	s19 =	simm.s32 $_scs_section_size  }
0x9a: {  	s4 =	simm.s32 $_size__tile_overlayer_lowered;
	s5 =	simm.s32 $_tile_overlayer_lowered  }
0x9b: {  	s22 =	simm.s32 $0x1BFF;
	s21 =	sshll.u32 s5, $0x1;
	s2 =	sadd.s32 s19, s18  }
0x9c: {  	s6 =	simm.s32 $0x0;
	s20 =	sshll.u32 s4, $0x1;
	s4 =	sadd.s32 s21, s2  }
0x9d: {  	[timem:s6], [sflag:s22] =	dma.local [hbm:s4], s20  }
0x9e: {  	_ =	swait.ge [sflag:s22], s20  }
0x9f: {  	s3 =	ssub.s32 $0x0, s20;
	[sflag:s22] =	ssyncset.done $0x0  }
0xa0: {  	[sflag:s22] =	ssyncadd.s32 s3;
	_ =	sdelay $0x1  }
0xa1: {  	s23 =	simm.s32 $0x1B8B  }
0xa2: {  	_ =	swait.ge [sflag:s23], $0x1  }
0xa3: {  	[sflag:s23] =	ssyncset.done $0x0  }
0xa4: {  	s25 =	simm.s32 $0x1B8E;
	s24 =	sld [smem:$0x3FFE];
	[sflag:s23] =	ssyncadd.s32 $0xFFFFFFFF  }
0xa5: {  	s26 =	simm.s32 $execute0_lowered;
	[smem:$0x3FD2] =	sst s25  }
0xa6: {  	s4 =	sshll.u32 s26, $0x1;
	_ =	strace $0x8000004C;
	[dreg:$0x1] =	wrdreg $0xFFFFFFFF  }
0xa7: {  	s28 =	simm.s32 $_size_execute0_lowered;
	s2 =	sadd.s32 s2, s4;
	[dreg:$0x0] =	wrdreg $0x0  }
0xa8: {  	s4 =	sshll.u32 s28, $0x1;
	[dreg:$0x2] =	wrdreg s2  }
0xa9: {  	[dreg:$0x3] =	wrdreg s4  }
0xaa: {  	[dreg:$0x4] =	wrdreg $0xC0  }
0xab: {  	_ =	task [dreg:s6], $0x5FFFF  }
0xac: {  	[dreg:$0x1] =	wrdreg $0xFFFFFFFF  }
0xad: {  	[dreg:$0x0] =	wrdreg $0x60  }
0xae: {  	[dreg:$0x2] =	wrdreg s24  }
0xaf: {  	[dreg:$0x3] =	wrdreg $0x9  }
0xb0: {  	_ =	task.clear_ibuf [dreg:s6], $0x4FFFF;
	_ =	strace $0x9000004C  }
0xb1: {  	s29 =	simm.s32 $0x9;
	_ =	strace $0x8000004E  }
0xb2: {  	_ =	swait.ge [sflag:s29], $0x1  }
0xb3: {  	[sflag:s29] =	ssyncadd.s32 $0xFFFFFFFF  }
0xb4: {  	_ =	strace $0x9000004E  }
0xb5: {  	_ =	sfence  }
0xb6: {  	s30 =	sld [smem:$0x0];
	_ =	sdelay $0x2  }
0xb7: {  	s31 =	sshll.u32 s1, $0xD;
	s1 =	sshrl.u32 s1, $0x2  }
0xb8: {  	s3 =	sand.u32 $0x4000, s31;
	s1 =	sadd.s32 s1, s30  }
0xb9: {  	s0 =	sor.u32 s3, s0;
	s1 =	sshll.u32 s1, $0x11  }
0xba: {  	s0 =	sor.u32 s1, s0  }
0xbb: {  	s0 =	sadd.s32 $0x8F2B, s0  }
0xbc: {  	[sflag:s0] =	ssyncadd.remote.s32 $0x1  }
0xbd: {  	_ =	sfence.sel $0xFFFF  }
0xbe: {  	[dreg:$0x0] =	wrdreg $0xFFFFFFFF;
	(pc) =	sbr.abs _section_cstart, $3  }
0xbf: {  	[dreg:$0x1] =	wrdreg $0xFFFFFFFF  }
0xc0: {  	_ =	task.clear_ibuf [dreg:s6], $0x2FFFF;
	_ =	strace $0x9FFFFFFF  }
0xc1: {  	(tm) =	ssettm $0x7FFFFFFF  }
tec
execute0_lowered:
.L_overlay_start_1:
0x0: {  	(tag) =	ssettag $0x1  }
0x1: {  	s0 =	rddreg [dreg:$0x0];
	s2 =	simm.s32 $0x0;
	s1 =	srdreg.scid  }
0x2: {  	s4 =	stileid.u32;
	s29 =	simm.s32 $0x300;
	s13 =	simm.s32 $0x1  }
0x3: {  	s19 =	simm.s32 $0x2;
	[smem:$0x7FF] =	sst s2;
	s3 =	sadd.s32 $0x2600, s0  }
0x4: {  	s1 =	sand.u32 $0x1, s1;
	s6 =	sshll.u32 s4, $0x1;
	s4 =	sadd.s32 $0x96A00, s0  }
0x5: {  	s5 =	sadd.s32 $0x10BE00, s0;
	s8 =	sadd.s32 $0x90600, s0;
	s9 =	sadd.s32 $0x93800, s0  }
0x6: {  	s10 =	sadd.s32 $0x181200, s0;
	s14 =	sadd.s32 $0x2700, s0;
	s7 =	sor.u32 s1, s6  }
0x7: {  	s15 =	sadd.s32 $0x96B00, s0;
	s1 =	ssub.s32 $0x2, s1;
	s7 =	smul.u32 $0xC40, s7  }
0x8: {  	s16 =	sadd.s32 $0x10BF00, s0;
	_ =	strace $0x8000004D;
	s11 =	sshrl.u32 s1, $0x1  }
0x9: {  	s6 =	sadd.s32 $0x8D400, s0;
	s1 =	ssub.s32 s1, s11;
	s20 =	sshrl.u32 s7, $0x3  }
0xa: {  	s17 =	sor.u32 $0x20, s7;
	s18 =	sadd.s32 $0x40, s7;
	s31 =	smax.u32 s1, $0x1  }
0xb: {  	s1 =	simm.s32 $0x0;
	s12 =	sadd.s32 s6, s20;
	[dreg:$0xa] =	wrdreg s31  }
0xc: {  	s21 =	sadd.s32 s8, s20;
	s22 =	sadd.s32 s9, s20;
	[dreg:$0x2] =	wrdreg s12  }
0xd: {  	s23 =	smul.u32 $0x180, s20;
	s24 =	sadd.s32 $0x184, s20;
	[dreg:$0x3] =	wrdreg s21  }
0xe: {  	s20 =	simm.s32 $0x3;
	[dreg:$0x4] =	wrdreg s22;
	s11 =	sadd.s32 s6, s24  }
0xf: {  	s26 =	sadd.s32 s8, s24;
	s0 =	sadd.s32 s9, s24;
	[dreg:$0x5] =	wrdreg s11  }
0x10: {  	s21 =	simm.s32 $0x4;
	s25 =	sadd.s32 s10, s23;
	[dreg:$0x6] =	wrdreg s26  }
0x11: {  	v2 =	vlaneseq.u32;
	s22 =	simm.s32 $0x5;
	[dreg:$0x7] =	wrdreg s0;
	s28 =	sadd.s32 $0x24000, s25  }
0x12: {  	vm0 =	vmmov $0xffff;
	vm1 =	vmmov $0xff;
	v1 =	vshrl.u32 v2, $0x3;
	s24 =	simm.s32 $0x6;
	s30 =	sadd.s32 $0x24600, s25;
	[dreg:$0x8] =	wrdreg s28  }
0x13: {  	v0 =	vand.u32 $0x7, v2;
	v2 =	vor.u32 $0x8, v2;
	v1 =	vmul.u32 $0x8, v1;
	s23 =	simm.s32 $0x9300;
	s25 =	simm.s32 $0x7;
	[dreg:$0x9] =	wrdreg s30  }
.LBB2_1:
0x14: {  	[dreg:$0xb] =	wrdreg s1  }
0x15: {  	s0 =	rddreg [dreg:$0x2]  }
0x16: {  	[tilespmem:s2], [sflag:$0x7] =	stream.linear.gather [hbm4b:s0+s2], $0x20, $0x38;
	[tilespmem:$0x12300] =	vst v63  }
0x17: {  	_ =	swait.ge [sflag:s25], $0x20  }
0x18: {  	[sflag:s25] =	ssyncset.done $0x0  }
0x19: {  	s12 =	simm.s32 $0x80;
	s11 =	rddreg [dreg:$0x3];
	[sflag:s25] =	ssyncadd.s32 $0xFFFFFFE0  }
0x1a: {  	[tilespmem:s12], [sflag:$0x7] =	stream.linear.gather [hbm4b:s11+s2], $0x20, $0x38;
	[tilespmem:$0x12300] =	vst v63  }
0x1b: {  	_ =	swait.ge [sflag:s25], $0x20  }
0x1c: {  	[sflag:s25] =	ssyncset.done $0x0  }
0x1d: {  	s28 =	simm.s32 $0x100;
	s26 =	rddreg [dreg:$0x4];
	[sflag:s25] =	ssyncadd.s32 $0xFFFFFFE0  }
0x1e: {  	[tilespmem:s28], [sflag:$0x7] =	stream.linear.gather [hbm4b:s26+s2], $0x20, $0x38;
	[tilespmem:$0x12300] =	vst v63  }
0x1f: {  	_ =	swait.ge [sflag:s25], $0x20  }
0x20: {  	[sflag:s25] =	ssyncset.done $0x0  }
0x21: {  	[sflag:s25] =	ssyncadd.s32 $0xFFFFFFE0  }
0x22: {  	v3 =	vld [tilespmem:$0x0];
	_ =	sdelay $0x4  }
0x23: {  	v4 =	vshrl.u32 v3, $0x3  }
0x24: {  	v4 =	vmul.u32 $0x18, v4  }
0x25: {  	v3 =	vand.u32 $0x7, v3  }
0x26: {  	v3 =	vor.u32 v3, v4  }
0x27: {  	v4 =	vperm.xlane v3, v0;
	_ =	sdelay $0x1  }
0x28: {  	v4 =	vadd.s32 v1, v4;
	_ =	sdelay $0x1  }
0x29: {  	v3 =	vperm.xlane v3, v2;
	_ =	sdelay $0x1  }
0x2a: {  	v3 =	vadd.s32 v1, v3  }
0x2b: {  	[tilespmem:s29], [sflag:$0x1] =	stream.indirect_vreg.gather [hbm4b:s3+s2], $0x80, v4, vm0, $0xb8;
	[tilespmem:$0x12300] =	vst v63  }
0x2c: {  	s30 =	simm.s32 $0xB00  }
0x2d: {  	[tilespmem:s30], [sflag:$0x1] =	stream.indirect_vreg.gather [hbm4b:s14+s2], $0x80, v4, vm1, $0xb8;
	[tilespmem:$0x12300] =	vst v63  }
0x2e: {  	s31 =	simm.s32 $0xF00  }
0x2f: {  	[tilespmem:s31], [sflag:$0x1] =	stream.indirect_vreg.gather [hbm4b:s3+s2], $0x80, v3, vm0, $0xb8;
	[tilespmem:$0x12300] =	vst v63  }
0x30: {  	s1 =	simm.s32 $0x1700  }
0x31: {  	[tilespmem:s1], [sflag:$0x1] =	stream.indirect_vreg.gather [hbm4b:s14+s2], $0x80, v3, vm1, $0xb8;
	[tilespmem:$0x12300] =	vst v63  }
0x32: {  	v3 =	vld [tilespmem:$0x10];
	_ =	sdelay $0x4  }
0x33: {  	v59 =	vshrl.u32 v3, $0x3  }
0x34: {  	v4 =	vmul.u32 $0x18, v59  }
0x35: {  	v3 =	vand.u32 $0x7, v3  }
0x36: {  	v3 =	vor.u32 v3, v4  }
0x37: {  	v4 =	vperm.xlane v3, v0;
	_ =	sdelay $0x1  }
0x38: {  	v4 =	vadd.s32 v1, v4;
	_ =	sdelay $0x1  }
0x39: {  	v3 =	vperm.xlane v3, v2;
	_ =	sdelay $0x1  }
0x3a: {  	s11 =	simm.s32 $0x1B00;
	v3 =	vadd.s32 v1, v3  }
0x3b: {  	[tilespmem:s11], [sflag:$0x1] =	stream.indirect_vreg.gather [hbm4b:s3+s2], $0x80, v4, vm0, $0xb8;
	[tilespmem:$0x12300] =	vst v63  }
0x3c: {  	s12 =	simm.s32 $0x2300  }
0x3d: {  	[tilespmem:s12], [sflag:$0x1] =	stream.indirect_vreg.gather [hbm4b:s14+s2], $0x80, v4, vm1, $0xb8;
	[tilespmem:$0x12300] =	vst v63  }
0x3e: {  	s26 =	simm.s32 $0x2700  }
0x3f: {  	[tilespmem:s26], [sflag:$0x1] =	stream.indirect_vreg.gather [hbm4b:s3+s2], $0x80, v3, vm0, $0xb8;
	[tilespmem:$0x12300] =	vst v63  }
0x40: {  	s28 =	simm.s32 $0x2F00  }
0x41: {  	[tilespmem:s28], [sflag:$0x1] =	stream.indirect_vreg.gather [hbm4b:s14+s2], $0x80, v3, vm1, $0xb8;
	[tilespmem:$0x12300] =	vst v63  }
0x42: {  	v3 =	vld [tilespmem:$0x80];
	_ =	sdelay $0x4  }
0x43: {  	v60 =	vshrl.u32 v3, $0x3  }
0x44: {  	v4 =	vmul.u32 $0x18, v60  }
0x45: {  	v3 =	vand.u32 $0x7, v3  }
0x46: {  	v3 =	vor.u32 v3, v4  }
0x47: {  	v4 =	vperm.xlane v3, v0;
	_ =	sdelay $0x1  }
0x48: {  	v4 =	vadd.s32 v1, v4;
	_ =	sdelay $0x1  }
0x49: {  	v3 =	vperm.xlane v3, v2;
	_ =	sdelay $0x1  }
0x4a: {  	s30 =	simm.s32 $0x3300;
	v3 =	vadd.s32 v1, v3  }
0x4b: {  	[tilespmem:s30], [sflag:$0x2] =	stream.indirect_vreg.gather [hbm4b:s4+s2], $0x80, v4, vm0, $0xb8;
	[tilespmem:$0x12300] =	vst v63  }
0x4c: {  	s31 =	simm.s32 $0x3B00  }
0x4d: {  	[tilespmem:s31], [sflag:$0x2] =	stream.indirect_vreg.gather [hbm4b:s15+s2], $0x80, v4, vm1, $0xb8;
	[tilespmem:$0x12300] =	vst v63  }
0x4e: {  	s1 =	simm.s32 $0x3F00  }
0x4f: {  	[tilespmem:s1], [sflag:$0x2] =	stream.indirect_vreg.gather [hbm4b:s4+s2], $0x80, v3, vm0, $0xb8;
	[tilespmem:$0x12300] =	vst v63  }
0x50: {  	s11 =	simm.s32 $0x4700  }
0x51: {  	[tilespmem:s11], [sflag:$0x2] =	stream.indirect_vreg.gather [hbm4b:s15+s2], $0x80, v3, vm1, $0xb8;
	[tilespmem:$0x12300] =	vst v63  }
0x52: {  	v3 =	vld [tilespmem:$0x90];
	_ =	sdelay $0x4  }
0x53: {  	v61 =	vshrl.u32 v3, $0x3  }
0x54: {  	v4 =	vmul.u32 $0x18, v61  }
0x55: {  	v3 =	vand.u32 $0x7, v3  }
0x56: {  	v3 =	vor.u32 v3, v4  }
0x57: {  	v4 =	vperm.xlane v3, v0;
	_ =	sdelay $0x1  }
0x58: {  	v4 =	vadd.s32 v1, v4;
	_ =	sdelay $0x1  }
0x59: {  	v3 =	vperm.xlane v3, v2;
	_ =	sdelay $0x1  }
0x5a: {  	s12 =	simm.s32 $0x4B00;
	v3 =	vadd.s32 v1, v3  }
0x5b: {  	[tilespmem:s12], [sflag:$0x2] =	stream.indirect_vreg.gather [hbm4b:s4+s2], $0x80, v4, vm0, $0xb8;
	[tilespmem:$0x12300] =	vst v63  }
0x5c: {  	s26 =	simm.s32 $0x5300  }
0x5d: {  	[tilespmem:s26], [sflag:$0x2] =	stream.indirect_vreg.gather [hbm4b:s15+s2], $0x80, v4, vm1, $0xb8;
	[tilespmem:$0x12300] =	vst v63  }
0x5e: {  	s28 =	simm.s32 $0x5700  }
0x5f: {  	[tilespmem:s28], [sflag:$0x2] =	stream.indirect_vreg.gather [hbm4b:s4+s2], $0x80, v3, vm0, $0xb8;
	[tilespmem:$0x12300] =	vst v63  }
0x60: {  	s30 =	simm.s32 $0x5F00  }
0x61: {  	[tilespmem:s30], [sflag:$0x2] =	stream.indirect_vreg.gather [hbm4b:s15+s2], $0x80, v3, vm1, $0xb8;
	[tilespmem:$0x12300] =	vst v63  }
0x62: {  	v3 =	vld [tilespmem:$0x100];
	_ =	sdelay $0x4  }
0x63: {  	v62 =	vshrl.u32 v3, $0x3  }
0x64: {  	v4 =	vmul.u32 $0x18, v62  }
0x65: {  	v3 =	vand.u32 $0x7, v3  }
0x66: {  	v3 =	vor.u32 v3, v4  }
0x67: {  	v4 =	vperm.xlane v3, v0;
	_ =	sdelay $0x1  }
0x68: {  	v4 =	vadd.s32 v1, v4;
	_ =	sdelay $0x1  }
0x69: {  	v3 =	vperm.xlane v3, v2;
	_ =	sdelay $0x1  }
0x6a: {  	s31 =	simm.s32 $0x6300;
	v3 =	vadd.s32 v1, v3  }
0x6b: {  	[tilespmem:s31], [sflag:$0x3] =	stream.indirect_vreg.gather [hbm4b:s5+s2], $0x80, v4, vm0, $0xb8;
	[tilespmem:$0x12300] =	vst v63  }
0x6c: {  	s1 =	simm.s32 $0x6B00  }
0x6d: {  	[tilespmem:s1], [sflag:$0x3] =	stream.indirect_vreg.gather [hbm4b:s16+s2], $0x80, v4, vm1, $0xb8;
	[tilespmem:$0x12300] =	vst v63  }
0x6e: {  	s11 =	simm.s32 $0x6F00  }
0x6f: {  	[tilespmem:s11], [sflag:$0x3] =	stream.indirect_vreg.gather [hbm4b:s5+s2], $0x80, v3, vm0, $0xb8;
	[tilespmem:$0x12300] =	vst v63  }
0x70: {  	s12 =	simm.s32 $0x7700  }
0x71: {  	[tilespmem:s12], [sflag:$0x3] =	stream.indirect_vreg.gather [hbm4b:s16+s2], $0x80, v3, vm1, $0xb8;
	[tilespmem:$0x12300] =	vst v63  }
0x72: {  	v3 =	vld [tilespmem:$0x110];
	_ =	sdelay $0x4  }
0x73: {  	v63 =	vshrl.u32 v3, $0x3  }
0x74: {  	v4 =	vmul.u32 $0x18, v63  }
0x75: {  	v3 =	vand.u32 $0x7, v3  }
0x76: {  	v3 =	vor.u32 v3, v4  }
0x77: {  	v4 =	vperm.xlane v3, v0;
	_ =	sdelay $0x1  }
0x78: {  	v4 =	vadd.s32 v1, v4;
	_ =	sdelay $0x1  }
0x79: {  	v3 =	vperm.xlane v3, v2;
	_ =	sdelay $0x1  }
0x7a: {  	s26 =	simm.s32 $0x7B00;
	v3 =	vadd.s32 v1, v3  }
0x7b: {  	[tilespmem:s26], [sflag:$0x3] =	stream.indirect_vreg.gather [hbm4b:s5+s2], $0x80, v4, vm0, $0xb8;
	[tilespmem:$0x12300] =	vst v63  }
0x7c: {  	s28 =	simm.s32 $0x8300  }
0x7d: {  	[tilespmem:s28], [sflag:$0x3] =	stream.indirect_vreg.gather [hbm4b:s16+s2], $0x80, v4, vm1, $0xb8;
	[tilespmem:$0x12300] =	vst v63  }
0x7e: {  	s30 =	simm.s32 $0x8700  }
0x7f: {  	[tilespmem:s30], [sflag:$0x3] =	stream.indirect_vreg.gather [hbm4b:s5+s2], $0x80, v3, vm0, $0xb8;
	[tilespmem:$0x12300] =	vst v63  }
0x80: {  	s31 =	simm.s32 $0x8F00;
	s26 =	simm.s32 $0x0  }
0x81: {  	[tilespmem:s31], [sflag:$0x3] =	stream.indirect_vreg.gather [hbm4b:s16+s2], $0x80, v3, vm1, $0xb8;
	[tilespmem:$0x12300] =	vst v63  }
.LBB2_2:
0x82: {  	s30 =	sshll.u32 s26, $0x6  }
0x83: {  	s0 =	sadd.s32 s30, s17  }
0x84: {  	s28 =	sshrl.u32 s0, $0x3  }
0x85: {  	s31 =	simm.s32 $0x0;
	s1 =	simm.s32 $0x180;
	s0 =	sadd.s32 s6, s28  }
0x86: {  	[tilespmem:s1], [sflag:$0x7] =	stream.linear.gather [hbm4b:s0+s31], $0x20, $0x38;
	[tilespmem:$0x12300] =	vst v63  }
0x87: {  	_ =	swait.ge [sflag:s25], $0x20  }
0x88: {  	[sflag:s25] =	ssyncset.done $0x0  }
0x89: {  	s12 =	simm.s32 $0x200;
	s11 =	sadd.s32 s8, s28;
	[sflag:s25] =	ssyncadd.s32 $0xFFFFFFE0  }
0x8a: {  	[tilespmem:s12], [sflag:$0x7] =	stream.linear.gather [hbm4b:s11+s31], $0x20, $0x38;
	[tilespmem:$0x12300] =	vst v63  }
0x8b: {  	_ =	swait.ge [sflag:s25], $0x20  }
0x8c: {  	[sflag:s25] =	ssyncset.done $0x0  }
0x8d: {  	s1 =	sadd.s32 s9, s28;
	s11 =	simm.s32 $0x280;
	[sflag:s25] =	ssyncadd.s32 $0xFFFFFFE0  }
0x8e: {  	[tilespmem:s11], [sflag:$0x7] =	stream.linear.gather [hbm4b:s1+s31], $0x20, $0x38;
	[tilespmem:$0x12300] =	vst v63  }
0x8f: {  	_ =	swait.ge [sflag:s25], $0x20  }
0x90: {  	[sflag:s25] =	ssyncset.done $0x0  }
0x91: {  	[sflag:s25] =	ssyncadd.s32 $0xFFFFFFE0  }
0x92: {  	v3 =	vld [tilespmem:$0x180];
	_ =	sdelay $0x4  }
0x93: {  	v4 =	vshrl.u32 v3, $0x3  }
0x94: {  	v4 =	vmul.u32 $0x18, v4  }
0x95: {  	v3 =	vand.u32 $0x7, v3  }
0x96: {  	v3 =	vor.u32 v3, v4  }
0x97: {  	v4 =	vperm.xlane v3, v0;
	_ =	sdelay $0x1  }
0x98: {  	v4 =	vadd.s32 v1, v4;
	_ =	sdelay $0x1  }
0x99: {  	v3 =	vperm.xlane v3, v2;
	_ =	sdelay $0x1  }
0x9a: {  	v3 =	vadd.s32 v1, v3  }
0x9b: {  	[tilespmem:s23], [sflag:$0x4] =	stream.indirect_vreg.gather [hbm4b:s3+s31], $0x80, v4, vm0, $0xb8;
	[tilespmem:$0x12300] =	vst v63  }
0x9c: {  	s12 =	simm.s32 $0x9B00  }
0x9d: {  	[tilespmem:s12], [sflag:$0x4] =	stream.indirect_vreg.gather [hbm4b:s14+s31], $0x80, v4, vm1, $0xb8;
	[tilespmem:$0x12300] =	vst v63  }
0x9e: {  	s1 =	simm.s32 $0x9F00  }
0x9f: {  	[tilespmem:s1], [sflag:$0x4] =	stream.indirect_vreg.gather [hbm4b:s3+s31], $0x80, v3, vm0, $0xb8;
	[tilespmem:$0x12300] =	vst v63  }
0xa0: {  	s11 =	simm.s32 $0xA700  }
0xa1: {  	[tilespmem:s11], [sflag:$0x4] =	stream.indirect_vreg.gather [hbm4b:s14+s31], $0x80, v3, vm1, $0xb8;
	[tilespmem:$0x12300] =	vst v63  }
0xa2: {  	v3 =	vld [tilespmem:$0x190];
	_ =	sdelay $0x4  }
0xa3: {  	v4 =	vshrl.u32 v3, $0x3  }
0xa4: {  	v4 =	vmul.u32 $0x18, v4  }
0xa5: {  	v3 =	vand.u32 $0x7, v3  }
0xa6: {  	v3 =	vor.u32 v3, v4  }
0xa7: {  	v4 =	vperm.xlane v3, v0;
	_ =	sdelay $0x1  }
0xa8: {  	v4 =	vadd.s32 v1, v4;
	_ =	sdelay $0x1  }
0xa9: {  	v3 =	vperm.xlane v3, v2;
	_ =	sdelay $0x1  }
0xaa: {  	s12 =	simm.s32 $0xAB00;
	v3 =	vadd.s32 v1, v3  }
0xab: {  	[tilespmem:s12], [sflag:$0x4] =	stream.indirect_vreg.gather [hbm4b:s3+s31], $0x80, v4, vm0, $0xb8;
	[tilespmem:$0x12300] =	vst v63  }
0xac: {  	s1 =	simm.s32 $0xB300  }
0xad: {  	[tilespmem:s1], [sflag:$0x4] =	stream.indirect_vreg.gather [hbm4b:s14+s31], $0x80, v4, vm1, $0xb8;
	[tilespmem:$0x12300] =	vst v63  }
0xae: {  	s11 =	simm.s32 $0xB700  }
0xaf: {  	[tilespmem:s11], [sflag:$0x4] =	stream.indirect_vreg.gather [hbm4b:s3+s31], $0x80, v3, vm0, $0xb8;
	[tilespmem:$0x12300] =	vst v63  }
0xb0: {  	s12 =	simm.s32 $0xBF00  }
0xb1: {  	[tilespmem:s12], [sflag:$0x4] =	stream.indirect_vreg.gather [hbm4b:s14+s31], $0x80, v3, vm1, $0xb8;
	[tilespmem:$0x12300] =	vst v63  }
0xb2: {  	v3 =	vld [tilespmem:$0x200];
	_ =	sdelay $0x4  }
0xb3: {  	v4 =	vshrl.u32 v3, $0x3  }
0xb4: {  	v4 =	vmul.u32 $0x18, v4  }
0xb5: {  	v3 =	vand.u32 $0x7, v3  }
0xb6: {  	v3 =	vor.u32 v3, v4  }
0xb7: {  	v4 =	vperm.xlane v3, v0;
	_ =	sdelay $0x1  }
0xb8: {  	v4 =	vadd.s32 v1, v4;
	_ =	sdelay $0x1  }
0xb9: {  	v3 =	vperm.xlane v3, v2;
	_ =	sdelay $0x1  }
0xba: {  	s1 =	simm.s32 $0xC300;
	v3 =	vadd.s32 v1, v3  }
0xbb: {  	[tilespmem:s1], [sflag:$0x5] =	stream.indirect_vreg.gather [hbm4b:s4+s31], $0x80, v4, vm0, $0xb8;
	[tilespmem:$0x12300] =	vst v63  }
0xbc: {  	s11 =	simm.s32 $0xCB00  }
0xbd: {  	[tilespmem:s11], [sflag:$0x5] =	stream.indirect_vreg.gather [hbm4b:s15+s31], $0x80, v4, vm1, $0xb8;
	[tilespmem:$0x12300] =	vst v63  }
0xbe: {  	s12 =	simm.s32 $0xCF00  }
0xbf: {  	[tilespmem:s12], [sflag:$0x5] =	stream.indirect_vreg.gather [hbm4b:s4+s31], $0x80, v3, vm0, $0xb8;
	[tilespmem:$0x12300] =	vst v63  }
0xc0: {  	s1 =	simm.s32 $0xD700  }
0xc1: {  	[tilespmem:s1], [sflag:$0x5] =	stream.indirect_vreg.gather [hbm4b:s15+s31], $0x80, v3, vm1, $0xb8;
	[tilespmem:$0x12300] =	vst v63  }
0xc2: {  	v3 =	vld [tilespmem:$0x210];
	_ =	sdelay $0x4  }
0xc3: {  	v4 =	vshrl.u32 v3, $0x3  }
0xc4: {  	v4 =	vmul.u32 $0x18, v4  }
0xc5: {  	v3 =	vand.u32 $0x7, v3  }
0xc6: {  	v3 =	vor.u32 v3, v4  }
0xc7: {  	v4 =	vperm.xlane v3, v0;
	_ =	sdelay $0x1  }
0xc8: {  	v4 =	vadd.s32 v1, v4;
	_ =	sdelay $0x1  }
0xc9: {  	v3 =	vperm.xlane v3, v2;
	_ =	sdelay $0x1  }
0xca: {  	s11 =	simm.s32 $0xDB00;
	v3 =	vadd.s32 v1, v3  }
0xcb: {  	[tilespmem:s11], [sflag:$0x5] =	stream.indirect_vreg.gather [hbm4b:s4+s31], $0x80, v4, vm0, $0xb8;
	[tilespmem:$0x12300] =	vst v63  }
0xcc: {  	s12 =	simm.s32 $0xE300  }
0xcd: {  	[tilespmem:s12], [sflag:$0x5] =	stream.indirect_vreg.gather [hbm4b:s15+s31], $0x80, v4, vm1, $0xb8;
	[tilespmem:$0x12300] =	vst v63  }
0xce: {  	s1 =	simm.s32 $0xE700  }
0xcf: {  	[tilespmem:s1], [sflag:$0x5] =	stream.indirect_vreg.gather [hbm4b:s4+s31], $0x80, v3, vm0, $0xb8;
	[tilespmem:$0x12300] =	vst v63  }
0xd0: {  	s11 =	simm.s32 $0xEF00  }
0xd1: {  	[tilespmem:s11], [sflag:$0x5] =	stream.indirect_vreg.gather [hbm4b:s15+s31], $0x80, v3, vm1, $0xb8;
	[tilespmem:$0x12300] =	vst v63  }
0xd2: {  	v3 =	vld [tilespmem:$0x280];
	_ =	sdelay $0x4  }
0xd3: {  	v4 =	vshrl.u32 v3, $0x3  }
0xd4: {  	v4 =	vmul.u32 $0x18, v4  }
0xd5: {  	v3 =	vand.u32 $0x7, v3  }
0xd6: {  	v3 =	vor.u32 v3, v4  }
0xd7: {  	v4 =	vperm.xlane v3, v0;
	_ =	sdelay $0x1  }
0xd8: {  	v4 =	vadd.s32 v1, v4;
	_ =	sdelay $0x1  }
0xd9: {  	v3 =	vperm.xlane v3, v2;
	_ =	sdelay $0x1  }
0xda: {  	s12 =	simm.s32 $0xF300;
	v3 =	vadd.s32 v1, v3  }
0xdb: {  	[tilespmem:s12], [sflag:$0x6] =	stream.indirect_vreg.gather [hbm4b:s5+s31], $0x80, v4, vm0, $0xb8;
	[tilespmem:$0x12300] =	vst v63  }
0xdc: {  	s1 =	simm.s32 $0xFB00  }
0xdd: {  	[tilespmem:s1], [sflag:$0x6] =	stream.indirect_vreg.gather [hbm4b:s16+s31], $0x80, v4, vm1, $0xb8;
	[tilespmem:$0x12300] =	vst v63  }
0xde: {  	s11 =	simm.s32 $0xFF00  }
0xdf: {  	[tilespmem:s11], [sflag:$0x6] =	stream.indirect_vreg.gather [hbm4b:s5+s31], $0x80, v3, vm0, $0xb8;
	[tilespmem:$0x12300] =	vst v63  }
0xe0: {  	s12 =	simm.s32 $0x10700  }
0xe1: {  	[tilespmem:s12], [sflag:$0x6] =	stream.indirect_vreg.gather [hbm4b:s16+s31], $0x80, v3, vm1, $0xb8;
	[tilespmem:$0x12300] =	vst v63  }
0xe2: {  	v3 =	vld [tilespmem:$0x290];
	_ =	sdelay $0x4  }
0xe3: {  	v4 =	vshrl.u32 v3, $0x3  }
0xe4: {  	v4 =	vmul.u32 $0x18, v4  }
0xe5: {  	v3 =	vand.u32 $0x7, v3  }
0xe6: {  	v3 =	vor.u32 v3, v4  }
0xe7: {  	v4 =	vperm.xlane v3, v0;
	_ =	sdelay $0x1  }
0xe8: {  	v4 =	vadd.s32 v1, v4;
	_ =	sdelay $0x1  }
0xe9: {  	v3 =	vperm.xlane v3, v2;
	_ =	sdelay $0x1  }
0xea: {  	s1 =	simm.s32 $0x10B00;
	v3 =	vadd.s32 v1, v3  }
0xeb: {  	[tilespmem:s1], [sflag:$0x6] =	stream.indirect_vreg.gather [hbm4b:s5+s31], $0x80, v4, vm0, $0xb8;
	[tilespmem:$0x12300] =	vst v63  }
0xec: {  	s11 =	simm.s32 $0x11300  }
0xed: {  	[tilespmem:s11], [sflag:$0x6] =	stream.indirect_vreg.gather [hbm4b:s16+s31], $0x80, v4, vm1, $0xb8;
	[tilespmem:$0x12300] =	vst v63  }
0xee: {  	s12 =	simm.s32 $0x11700  }
0xef: {  	[tilespmem:s12], [sflag:$0x6] =	stream.indirect_vreg.gather [hbm4b:s5+s31], $0x80, v3, vm0, $0xb8;
	[tilespmem:$0x12300] =	vst v63  }
0xf0: {  	s1 =	simm.s32 $0x11F00  }
0xf1: {  	[tilespmem:s1], [sflag:$0x6] =	stream.indirect_vreg.gather [hbm4b:s16+s31], $0x80, v3, vm1, $0xb8;
	[tilespmem:$0x12300] =	vst v63  }
0xf2: {  	_ =	swait.ge [sflag:s13], $0x3000  }
0xf3: {  	[sflag:s13] =	ssyncset.done $0x0  }
0xf4: {  	[sflag:s13] =	ssyncadd.s32 $0xFFFFD000  }
0xf5: {  	_ =	swait.ge [sflag:s19], $0x3000  }
0xf6: {  	[sflag:s19] =	ssyncset.done $0x0  }
0xf7: {  	s11 =	simm.s32 $0x0;
	[sflag:s19] =	ssyncadd.s32 $0xFFFFD000  }
0xf8: {  	s0 =	smul.u32 $0xC00, s11;
	_ =	swait.ge [sflag:s20], $0x3000  }
0xf9: {  	s12 =	sand.u32 $0x380, s31;
	[sflag:s20] =	ssyncset.done $0x0  }
0xfa: {  	s0 =	sor.u32 s12, s0;
	[sflag:s20] =	ssyncadd.s32 $0xFFFFD000  }
0xfb: {  	v21 =	vld [tilespmem:s0+$0x6300]  }
0xfc: {  	v22 =	vld [tilespmem:s0+$0x6310]  }
0xfd: {  	v23 =	vld [tilespmem:s0+$0x6320]  }
0xfe: {  	v24 =	vld [tilespmem:s0+$0x6330]  }
0xff: {  	v25 =	vld [tilespmem:s0+$0x6340]  }
0x100: {  	v26 =	vld [tilespmem:s0+$0x6350]  }
0x101: {  	v27 =	vld [tilespmem:s0+$0x6360]  }
0x102: {  	v28 =	vld [tilespmem:s0+$0x6370]  }
0x103: {  	v29 =	vld [tilespmem:s0+$0x6700]  }
0x104: {  	v30 =	vld [tilespmem:s0+$0x6710]  }
0x105: {  	v31 =	vld [tilespmem:s0+$0x6720]  }
0x106: {  	v32 =	vld [tilespmem:s0+$0x6730]  }
0x107: {  	v33 =	vld [tilespmem:s0+$0x6740]  }
0x108: {  	v11 =	vld [tilespmem:s0+$0x6750]  }
0x109: {  	v10 =	vld [tilespmem:s0+$0x6760]  }
0x10a: {  	v9 =	vld [tilespmem:s0+$0x6770]  }
0x10b: {  	v8 =	vld [tilespmem:s0+$0x6B00]  }
0x10c: {  	v7 =	vld [tilespmem:s0+$0x6B10]  }
0x10d: {  	v6 =	vld [tilespmem:s0+$0x6B20]  }
0x10e: {  	v5 =	vld [tilespmem:s0+$0x6B30]  }
0x10f: {  	v4 =	vld [tilespmem:s0+$0x6B40]  }
0x110: {  	v3 =	vld [tilespmem:s0+$0x6B50]  }
0x111: {  	v34 =	vld [tilespmem:s0+$0x3300]  }
0x112: {  	v35 =	vld [tilespmem:s0+$0x3310]  }
0x113: {  	v36 =	vld [tilespmem:s0+$0x3320]  }
0x114: {  	v37 =	vld [tilespmem:s0+$0x3330]  }
0x115: {  	v38 =	vld [tilespmem:s0+$0x3340]  }
0x116: {  	v39 =	vld [tilespmem:s0+$0x3350]  }
0x117: {  	v40 =	vld [tilespmem:s0+$0x3360]  }
0x118: {  	v41 =	vld [tilespmem:s0+$0x3370]  }
0x119: {  	v42 =	vld [tilespmem:s0+$0x3700]  }
0x11a: {  	v43 =	vld [tilespmem:s0+$0x3710]  }
0x11b: {  	v44 =	vld [tilespmem:s0+$0x3720]  }
0x11c: {  	v45 =	vld [tilespmem:s0+$0x3730]  }
0x11d: {  	v46 =	vld [tilespmem:s0+$0x3740]  }
0x11e: {  	v47 =	vld [tilespmem:s0+$0x3750]  }
0x11f: {  	v48 =	vld [tilespmem:s0+$0x3760]  }
0x120: {  	v20 =	vld [tilespmem:s0+$0x3770]  }
0x121: {  	v19 =	vld [tilespmem:s0+$0x3B00]  }
0x122: {  	v18 =	vld [tilespmem:s0+$0x3B10]  }
0x123: {  	v17 =	vld [tilespmem:s0+$0x3B20]  }
0x124: {  	v16 =	vld [tilespmem:s0+$0x3B30]  }
0x125: {  	v15 =	vld [tilespmem:s0+$0x3B40]  }
0x126: {  	v49 =	vld [tilespmem:s0+$0x300]  }
0x127: {  	v14 =	vld [tilespmem:s0+$0x3B50]  }
0x128: {  	v51 =	vld [tilespmem:s0+$0x320]  }
0x129: {  	v50 =	vld [tilespmem:s0+$0x310]  }
0x12a: {  	v56 =	vld [tilespmem:s0+$0x330]  }
0x12b: {  	v52 =	vld [tilespmem:s0+$0x340]  }
0x12c: {  	v58 =	vld [tilespmem:s0+$0x350];
	v34 =	vadd.f32 v34, v49  }
0x12d: {  	v13 =	vld [tilespmem:s0+$0x3B60];
	v36 =	vadd.f32 v36, v51  }
0x12e: {  	v59 =	vld [tilespmem:s0+$0x360];
	v35 =	vadd.f32 v35, v50;
	v21 =	vadd.f32 v21, v34  }
0x12f: {  	v60 =	vld [tilespmem:s0+$0x370];
	v37 =	vadd.f32 v37, v56;
	v23 =	vadd.f32 v23, v36  }
0x130: {  	v57 =	vld [tilespmem:s0+$0x700];
	v38 =	vadd.f32 v38, v52;
	v22 =	vadd.f32 v22, v35;
	[tilespmem:s0+$0x300] =	vst v21  }
0x131: {  	v24 =	vadd.f32 v24, v37;
	v21 =	vld [tilespmem:s0+$0x710];
	[tilespmem:s0+$0x320] =	vst v23;
	v23 =	vadd.f32 v39, v58  }
0x132: {  	v12 =	vld [tilespmem:s0+$0x3B70];
	v25 =	vadd.f32 v25, v38;
	[tilespmem:s0+$0x310] =	vst v22  }
0x133: {  	v22 =	vld [tilespmem:s0+$0x720];
	[tilespmem:s0+$0x330] =	vst v24;
	v24 =	vadd.f32 v40, v59;
	v23 =	vadd.f32 v26, v23  }
0x134: {  	v61 =	vld [tilespmem:s0+$0x730];
	[tilespmem:s0+$0x340] =	vst v25;
	v25 =	vadd.f32 v41, v60  }
0x135: {  	v62 =	vld [tilespmem:s0+$0x740];
	v24 =	vadd.f32 v27, v24;
	[tilespmem:s0+$0x350] =	vst v23;
	v23 =	vadd.f32 v42, v57  }
0x136: {  	v26 =	vld [tilespmem:s0+$0x750];
	v27 =	vadd.f32 v28, v25;
	v21 =	vadd.f32 v43, v21  }
0x137: {  	v63 =	vld [tilespmem:s0+$0x760];
	[tilespmem:s0+$0x360] =	vst v24;
	v23 =	vadd.f32 v29, v23  }
0x138: {  	v25 =	vld [tilespmem:s0+$0x770];
	[tilespmem:s0+$0x370] =	vst v27;
	v22 =	vadd.f32 v44, v22;
	v21 =	vadd.f32 v30, v21  }
0x139: {  	v24 =	vld [tilespmem:s0+$0xB00];
	v27 =	vadd.f32 v45, v61;
	[tilespmem:s0+$0x700] =	vst v23  }
0x13a: {  	v29 =	vadd.f32 v31, v22;
	v23 =	vld [tilespmem:s0+$0xB10];
	[tilespmem:s0+$0x710] =	vst v21;
	v21 =	vadd.f32 v46, v62  }
0x13b: {  	v28 =	vadd.f32 v32, v27;
	v22 =	vld [tilespmem:s0+$0xB20];
	v27 =	vadd.f32 v47, v26  }
0x13c: {  	s1 =	simm.s32 $0x1;
	v26 =	vadd.f32 v48, v63;
	[tilespmem:s0+$0x720] =	vst v29;
	v29 =	vadd.f32 v33, v21;
	v21 =	vld [tilespmem:s0+$0xB30]  }
.LBB2_3:
0x13d: {  	p0 =	sne.s32 s1, $0x1F;
	[tilespmem:s0+$0x730] =	vst v28;
	v11 =	vadd.f32 v11, v27;
	v20 =	vadd.f32 v20, v25;
	v25 =	vld [tilespmem:s0+$0xB40]  }
0x13e: {  	[tilespmem:s0+$0x740] =	vst v29;
	v10 =	vadd.f32 v10, v26;
	v19 =	vadd.f32 v19, v24;
	v24 =	vld [tilespmem:s0+$0xB50]  }
0x13f: {  	s11 =	sshrl.u32 s1, $0x3;
	[tilespmem:s0+$0x750] =	vst v11;
	v9 =	vadd.f32 v9, v20;
	v11 =	vadd.f32 v18, v23;
	v18 =	vld [tilespmem:s0+$0xB60]  }
0x140: {  	s31 =	sadd.s32 $0x80, s31;
	s11 =	smul.u32 $0xC00, s11;
	[tilespmem:s0+$0x760] =	vst v10;
	v8 =	vadd.f32 v8, v19;
	v10 =	vadd.f32 v17, v22;
	v17 =	vld [tilespmem:s0+$0xB70]  }
0x141: {  	s12 =	sand.u32 $0x380, s31;
	[tilespmem:s0+$0x770] =	vst v9;
	v7 =	vadd.f32 v7, v11;
	v9 =	vadd.f32 v16, v21;
	v11 =	vld [tilespmem:s0+$0x6B60]  }
0x142: {  	s11 =	sor.u32 s12, s11;
	[tilespmem:s0+$0xB00] =	vst v8;
	v6 =	vadd.f32 v6, v10;
	v8 =	vadd.f32 v15, v25;
	v10 =	vld [tilespmem:s0+$0x6B70]  }
0x143: {  	v26 =	vld [tilespmem:s11+$0x6300];
	[tilespmem:s0+$0xB10] =	vst v7;
	v5 =	vadd.f32 v5, v9;
	v7 =	vadd.f32 v14, v24  }
0x144: {  	v27 =	vld [tilespmem:s11+$0x6310];
	[tilespmem:s0+$0xB20] =	vst v6;
	v4 =	vadd.f32 v4, v8;
	v6 =	vadd.f32 v13, v18  }
0x145: {  	v28 =	vld [tilespmem:s11+$0x6320];
	[tilespmem:s0+$0xB30] =	vst v5;
	v3 =	vadd.f32 v3, v7;
	v5 =	vadd.f32 v12, v17  }
0x146: {  	v29 =	vld [tilespmem:s11+$0x6330];
	[tilespmem:s0+$0xB40] =	vst v4;
	v4 =	vadd.f32 v11, v6  }
0x147: {  	v30 =	vld [tilespmem:s11+$0x6340];
	[tilespmem:s0+$0xB50] =	vst v3;
	v3 =	vadd.f32 v10, v5  }
0x148: {  	v31 =	vld [tilespmem:s11+$0x6350];
	[tilespmem:s0+$0xB60] =	vst v4  }
0x149: {  	v32 =	vld [tilespmem:s11+$0x6360];
	[tilespmem:s0+$0xB70] =	vst v3;
	s0 =	smov.u32 s11  }
0x14a: {  	v33 =	vld [tilespmem:s0+$0x6370]  }
0x14b: {  	v25 =	vld [tilespmem:s0+$0x6700]  }
0x14c: {  	v24 =	vld [tilespmem:s0+$0x6710]  }
0x14d: {  	v23 =	vld [tilespmem:s0+$0x6720]  }
0x14e: {  	v22 =	vld [tilespmem:s0+$0x6730]  }
0x14f: {  	v21 =	vld [tilespmem:s0+$0x6740]  }
0x150: {  	v11 =	vld [tilespmem:s0+$0x6750]  }
0x151: {  	v10 =	vld [tilespmem:s0+$0x6760]  }
0x152: {  	v9 =	vld [tilespmem:s0+$0x6770]  }
0x153: {  	v8 =	vld [tilespmem:s0+$0x6B00]  }
0x154: {  	v7 =	vld [tilespmem:s0+$0x6B10]  }
0x155: {  	v6 =	vld [tilespmem:s0+$0x6B20]  }
0x156: {  	v5 =	vld [tilespmem:s0+$0x6B30]  }
0x157: {  	v4 =	vld [tilespmem:s0+$0x6B40]  }
0x158: {  	v3 =	vld [tilespmem:s0+$0x6B50]  }
0x159: {  	v34 =	vld [tilespmem:s0+$0x3300]  }
0x15a: {  	v35 =	vld [tilespmem:s0+$0x3310]  }
0x15b: {  	v36 =	vld [tilespmem:s0+$0x3320]  }
0x15c: {  	v37 =	vld [tilespmem:s0+$0x3330]  }
0x15d: {  	v38 =	vld [tilespmem:s0+$0x3340]  }
0x15e: {  	v39 =	vld [tilespmem:s0+$0x3350]  }
0x15f: {  	v40 =	vld [tilespmem:s0+$0x3360]  }
0x160: {  	v41 =	vld [tilespmem:s0+$0x3370]  }
0x161: {  	v42 =	vld [tilespmem:s0+$0x3700]  }
0x162: {  	v43 =	vld [tilespmem:s0+$0x3710]  }
0x163: {  	v44 =	vld [tilespmem:s0+$0x3720]  }
0x164: {  	v45 =	vld [tilespmem:s0+$0x3730]  }
0x165: {  	v46 =	vld [tilespmem:s0+$0x3740]  }
0x166: {  	v47 =	vld [tilespmem:s0+$0x3750]  }
0x167: {  	v48 =	vld [tilespmem:s0+$0x3760]  }
0x168: {  	v20 =	vld [tilespmem:s0+$0x3770]  }
0x169: {  	v19 =	vld [tilespmem:s0+$0x3B00]  }
0x16a: {  	v18 =	vld [tilespmem:s0+$0x3B10]  }
0x16b: {  	v17 =	vld [tilespmem:s0+$0x3B20]  }
0x16c: {  	v16 =	vld [tilespmem:s0+$0x3B30]  }
0x16d: {  	v15 =	vld [tilespmem:s0+$0x3B40]  }
0x16e: {  	v14 =	vld [tilespmem:s0+$0x3B50]  }
0x16f: {  	v13 =	vld [tilespmem:s0+$0x3B60]  }
0x170: {  	v12 =	vld [tilespmem:s0+$0x3B70]  }
0x171: {  	v49 =	vld [tilespmem:s0+$0x300]  }
0x172: {  	v50 =	vld [tilespmem:s0+$0x310]  }
0x173: {  	v51 =	vld [tilespmem:s0+$0x320]  }
0x174: {  	v52 =	vld [tilespmem:s0+$0x330]  }
0x175: {  	v53 =	vld [tilespmem:s0+$0x340]  }
0x176: {  	v34 =	vadd.f32 v34, v49;
	v49 =	vld [tilespmem:s0+$0x350]  }
0x177: {  	v35 =	vadd.f32 v35, v50;
	v50 =	vld [tilespmem:s0+$0x360]  }
0x178: {  	v26 =	vadd.f32 v26, v34;
	v34 =	vadd.f32 v36, v51;
	v36 =	vld [tilespmem:s0+$0x370]  }
0x179: {  	v27 =	vadd.f32 v27, v35;
	v35 =	vadd.f32 v37, v52;
	v37 =	vld [tilespmem:s0+$0x700]  }
0x17a: {  	[tilespmem:s0+$0x300] =	vst v26;
	v26 =	vadd.f32 v28, v34;
	v28 =	vadd.f32 v38, v53;
	v34 =	vld [tilespmem:s0+$0x710]  }
0x17b: {  	[tilespmem:s0+$0x310] =	vst v27;
	v27 =	vadd.f32 v29, v35;
	v29 =	vadd.f32 v39, v49;
	v35 =	vld [tilespmem:s0+$0x720]  }
0x17c: {  	[tilespmem:s0+$0x320] =	vst v26;
	v26 =	vadd.f32 v30, v28;
	v28 =	vadd.f32 v40, v50;
	v30 =	vld [tilespmem:s0+$0x730]  }
0x17d: {  	[tilespmem:s0+$0x330] =	vst v27;
	v27 =	vadd.f32 v31, v29;
	v29 =	vadd.f32 v41, v36;
	v31 =	vld [tilespmem:s0+$0x740]  }
0x17e: {  	[tilespmem:s0+$0x340] =	vst v26;
	v26 =	vadd.f32 v32, v28;
	v28 =	vadd.f32 v42, v37;
	v32 =	vld [tilespmem:s0+$0x750]  }
0x17f: {  	[tilespmem:s0+$0x350] =	vst v27;
	v27 =	vadd.f32 v33, v29;
	v29 =	vadd.f32 v43, v34;
	v33 =	vld [tilespmem:s0+$0x760]  }
.Ltmp0:
0x180: {  	[tilespmem:s0+$0x360] =	vst v26;
	v26 =	vadd.f32 v25, v28;
	v28 =	vadd.f32 v44, v35;
	v25 =	vld [tilespmem:s0+$0x770];
	(pc) =	sbr.rel @p0 .LBB2_3-.Ltmp0, $4  }
0x181: {  	[tilespmem:s0+$0x370] =	vst v27;
	v27 =	vadd.f32 v24, v29;
	v29 =	vadd.f32 v45, v30;
	v24 =	vld [tilespmem:s0+$0xB00]  }
0x182: {  	[tilespmem:s0+$0x700] =	vst v26;
	v26 =	vadd.f32 v23, v28;
	v30 =	vadd.f32 v46, v31;
	v23 =	vld [tilespmem:s0+$0xB10]  }
0x183: {  	[tilespmem:s0+$0x710] =	vst v27;
	v28 =	vadd.f32 v22, v29;
	v27 =	vadd.f32 v47, v32;
	v22 =	vld [tilespmem:s0+$0xB20]  }
0x184: {  	s1 =	sadd.s32 $0x1, s1;
	[tilespmem:s0+$0x720] =	vst v26;
	v29 =	vadd.f32 v21, v30;
	v26 =	vadd.f32 v48, v33;
	v21 =	vld [tilespmem:s0+$0xB30]  }
0x185: {  	v11 =	vadd.f32 v11, v27;
	v20 =	vadd.f32 v20, v25  }
0x186: {  	[tilespmem:s0+$0x730] =	vst v28;
	v28 =	vld [tilespmem:s0+$0xB40];
	v10 =	vadd.f32 v10, v26  }
0x187: {  	v27 =	vld [tilespmem:s0+$0xB50];
	v19 =	vadd.f32 v19, v24;
	[tilespmem:s0+$0x750] =	vst v11;
	v9 =	vadd.f32 v9, v20  }
0x188: {  	v11 =	vld [tilespmem:s0+$0xB60];
	v18 =	vadd.f32 v18, v23;
	[tilespmem:s0+$0x760] =	vst v10  }
0x189: {  	v10 =	vld [tilespmem:s0+$0xB70];
	v8 =	vadd.f32 v8, v19;
	[tilespmem:s0+$0x770] =	vst v9;
	v9 =	vadd.f32 v17, v22  }
0x18a: {  	[tilespmem:s0+$0x740] =	vst v29;
	v17 =	vld [tilespmem:s0+$0x6B60];
	v7 =	vadd.f32 v7, v18;
	v16 =	vadd.f32 v16, v21  }
0x18b: {  	[tilespmem:s0+$0xB00] =	vst v8;
	v8 =	vadd.f32 v15, v28;
	v6 =	vadd.f32 v6, v9;
	v9 =	vld [tilespmem:s0+$0x6B70]  }
0x18c: {  	[tilespmem:s0+$0xB10] =	vst v7;
	v5 =	vadd.f32 v5, v16;
	v7 =	vadd.f32 v14, v27  }
0x18d: {  	v4 =	vadd.f32 v4, v8;
	[tilespmem:s0+$0xB20] =	vst v6;
	v6 =	vadd.f32 v13, v11  }
0x18e: {  	s1 =	sadd.s32 s7, s30;
	[tilespmem:s0+$0xB30] =	vst v5;
	v3 =	vadd.f32 v3, v7;
	v5 =	vadd.f32 v12, v10  }
0x18f: {  	s1 =	sshrl.u32 s1, $0x3;
	[tilespmem:s0+$0xB40] =	vst v4;
	v4 =	vadd.f32 v17, v6  }
0x190: {  	s1 =	smul.u32 $0x180, s1;
	[tilespmem:s0+$0xB50] =	vst v3;
	v3 =	vadd.f32 v9, v5  }
0x191: {  	[tilespmem:s0+$0xB60] =	vst v4  }
0x192: {  	s31 =	simm.s32 $0x0;
	s1 =	sadd.s32 s10, s1;
	[tilespmem:s0+$0xB70] =	vst v3  }
0x193: {  	[hbm4b:s1+s31] =	stream.linear.scatter [tilespmem:s29], [sflag:$0x7], $0x3000, $0x38;
	[tilespmem:$0x12300] =	vst v63  }
0x194: {  	s11 =	sadd.s32 s30, s18;
	_ =	swait.ge [sflag:s25], $0x3000  }
0x195: {  	s0 =	sshrl.u32 s11, $0x3;
	[sflag:s25] =	ssyncset.done $0x0  }
0x196: {  	s12 =	sadd.s32 s6, s0;
	[sflag:s25] =	ssyncadd.s32 $0xFFFFD000  }
0x197: {  	[tilespmem:s31], [sflag:$0x7] =	stream.linear.gather [hbm4b:s12+s31], $0x20, $0x38;
	[tilespmem:$0x12300] =	vst v63  }
0x198: {  	_ =	swait.ge [sflag:s25], $0x20  }
0x199: {  	[sflag:s25] =	ssyncset.done $0x0  }
0x19a: {  	s11 =	simm.s32 $0x80;
	s30 =	sadd.s32 s8, s0;
	[sflag:s25] =	ssyncadd.s32 $0xFFFFFFE0  }
0x19b: {  	[tilespmem:s11], [sflag:$0x7] =	stream.linear.gather [hbm4b:s30+s31], $0x20, $0x38;
	[tilespmem:$0x12300] =	vst v63  }
0x19c: {  	_ =	swait.ge [sflag:s25], $0x20  }
0x19d: {  	[sflag:s25] =	ssyncset.done $0x0  }
0x19e: {  	s0 =	sadd.s32 s9, s0;
	s12 =	simm.s32 $0x100;
	[sflag:s25] =	ssyncadd.s32 $0xFFFFFFE0  }
0x19f: {  	[tilespmem:s12], [sflag:$0x7] =	stream.linear.gather [hbm4b:s0+s31], $0x20, $0x38;
	[tilespmem:$0x12300] =	vst v63  }
0x1a0: {  	_ =	swait.ge [sflag:s25], $0x20  }
0x1a1: {  	[sflag:s25] =	ssyncset.done $0x0  }
0x1a2: {  	[sflag:s25] =	ssyncadd.s32 $0xFFFFFFE0  }
0x1a3: {  	v3 =	vld [tilespmem:$0x0];
	_ =	sdelay $0x4  }
0x1a4: {  	v4 =	vshrl.u32 v3, $0x3  }
0x1a5: {  	v4 =	vmul.u32 $0x18, v4  }
0x1a6: {  	v3 =	vand.u32 $0x7, v3  }
0x1a7: {  	v3 =	vor.u32 v3, v4  }
0x1a8: {  	v4 =	vperm.xlane v3, v0;
	_ =	sdelay $0x1  }
0x1a9: {  	v4 =	vadd.s32 v1, v4;
	_ =	sdelay $0x1  }
0x1aa: {  	v3 =	vperm.xlane v3, v2;
	_ =	sdelay $0x1  }
0x1ab: {  	v3 =	vadd.s32 v1, v3  }
0x1ac: {  	[tilespmem:s29], [sflag:$0x1] =	stream.indirect_vreg.gather [hbm4b:s3+s31], $0x80, v4, vm0, $0xb8;
	[tilespmem:$0x12300] =	vst v63  }
0x1ad: {  	s30 =	simm.s32 $0xB00  }
0x1ae: {  	[tilespmem:s30], [sflag:$0x1] =	stream.indirect_vreg.gather [hbm4b:s14+s31], $0x80, v4, vm1, $0xb8;
	[tilespmem:$0x12300] =	vst v63  }
0x1af: {  	s1 =	simm.s32 $0xF00  }
0x1b0: {  	[tilespmem:s1], [sflag:$0x1] =	stream.indirect_vreg.gather [hbm4b:s3+s31], $0x80, v3, vm0, $0xb8;
	[tilespmem:$0x12300] =	vst v63  }
0x1b1: {  	s11 =	simm.s32 $0x1700  }
0x1b2: {  	[tilespmem:s11], [sflag:$0x1] =	stream.indirect_vreg.gather [hbm4b:s14+s31], $0x80, v3, vm1, $0xb8;
	[tilespmem:$0x12300] =	vst v63  }
0x1b3: {  	v3 =	vld [tilespmem:$0x10];
	_ =	sdelay $0x4  }
0x1b4: {  	v4 =	vshrl.u32 v3, $0x3  }
0x1b5: {  	v4 =	vmul.u32 $0x18, v4  }
0x1b6: {  	v3 =	vand.u32 $0x7, v3  }
0x1b7: {  	v3 =	vor.u32 v3, v4  }
0x1b8: {  	v4 =	vperm.xlane v3, v0;
	_ =	sdelay $0x1  }
0x1b9: {  	v4 =	vadd.s32 v1, v4;
	_ =	sdelay $0x1  }
0x1ba: {  	v3 =	vperm.xlane v3, v2;
	_ =	sdelay $0x1  }
0x1bb: {  	s12 =	simm.s32 $0x1B00;
	v3 =	vadd.s32 v1, v3  }
0x1bc: {  	[tilespmem:s12], [sflag:$0x1] =	stream.indirect_vreg.gather [hbm4b:s3+s31], $0x80, v4, vm0, $0xb8;
	[tilespmem:$0x12300] =	vst v63  }
0x1bd: {  	s30 =	simm.s32 $0x2300  }
0x1be: {  	[tilespmem:s30], [sflag:$0x1] =	stream.indirect_vreg.gather [hbm4b:s14+s31], $0x80, v4, vm1, $0xb8;
	[tilespmem:$0x12300] =	vst v63  }
0x1bf: {  	s1 =	simm.s32 $0x2700  }
0x1c0: {  	[tilespmem:s1], [sflag:$0x1] =	stream.indirect_vreg.gather [hbm4b:s3+s31], $0x80, v3, vm0, $0xb8;
	[tilespmem:$0x12300] =	vst v63  }
0x1c1: {  	s11 =	simm.s32 $0x2F00  }
0x1c2: {  	[tilespmem:s11], [sflag:$0x1] =	stream.indirect_vreg.gather [hbm4b:s14+s31], $0x80, v3, vm1, $0xb8;
	[tilespmem:$0x12300] =	vst v63  }
0x1c3: {  	v3 =	vld [tilespmem:$0x80];
	_ =	sdelay $0x4  }
0x1c4: {  	v4 =	vshrl.u32 v3, $0x3  }
0x1c5: {  	v4 =	vmul.u32 $0x18, v4  }
0x1c6: {  	v3 =	vand.u32 $0x7, v3  }
0x1c7: {  	v3 =	vor.u32 v3, v4  }
0x1c8: {  	v4 =	vperm.xlane v3, v0;
	_ =	sdelay $0x1  }
0x1c9: {  	v4 =	vadd.s32 v1, v4;
	_ =	sdelay $0x1  }
0x1ca: {  	v3 =	vperm.xlane v3, v2;
	_ =	sdelay $0x1  }
0x1cb: {  	s12 =	simm.s32 $0x3300;
	v3 =	vadd.s32 v1, v3  }
0x1cc: {  	[tilespmem:s12], [sflag:$0x2] =	stream.indirect_vreg.gather [hbm4b:s4+s31], $0x80, v4, vm0, $0xb8;
	[tilespmem:$0x12300] =	vst v63  }
0x1cd: {  	s30 =	simm.s32 $0x3B00  }
0x1ce: {  	[tilespmem:s30], [sflag:$0x2] =	stream.indirect_vreg.gather [hbm4b:s15+s31], $0x80, v4, vm1, $0xb8;
	[tilespmem:$0x12300] =	vst v63  }
0x1cf: {  	s1 =	simm.s32 $0x3F00  }
0x1d0: {  	[tilespmem:s1], [sflag:$0x2] =	stream.indirect_vreg.gather [hbm4b:s4+s31], $0x80, v3, vm0, $0xb8;
	[tilespmem:$0x12300] =	vst v63  }
0x1d1: {  	s11 =	simm.s32 $0x4700  }
0x1d2: {  	[tilespmem:s11], [sflag:$0x2] =	stream.indirect_vreg.gather [hbm4b:s15+s31], $0x80, v3, vm1, $0xb8;
	[tilespmem:$0x12300] =	vst v63  }
0x1d3: {  	v3 =	vld [tilespmem:$0x90];
	_ =	sdelay $0x4  }
0x1d4: {  	v4 =	vshrl.u32 v3, $0x3  }
0x1d5: {  	v4 =	vmul.u32 $0x18, v4  }
0x1d6: {  	v3 =	vand.u32 $0x7, v3  }
0x1d7: {  	v3 =	vor.u32 v3, v4  }
0x1d8: {  	v4 =	vperm.xlane v3, v0;
	_ =	sdelay $0x1  }
0x1d9: {  	v4 =	vadd.s32 v1, v4;
	_ =	sdelay $0x1  }
0x1da: {  	v3 =	vperm.xlane v3, v2;
	_ =	sdelay $0x1  }
0x1db: {  	s12 =	simm.s32 $0x4B00;
	v3 =	vadd.s32 v1, v3  }
0x1dc: {  	[tilespmem:s12], [sflag:$0x2] =	stream.indirect_vreg.gather [hbm4b:s4+s31], $0x80, v4, vm0, $0xb8;
	[tilespmem:$0x12300] =	vst v63  }
0x1dd: {  	s30 =	simm.s32 $0x5300  }
0x1de: {  	[tilespmem:s30], [sflag:$0x2] =	stream.indirect_vreg.gather [hbm4b:s15+s31], $0x80, v4, vm1, $0xb8;
	[tilespmem:$0x12300] =	vst v63  }
0x1df: {  	s1 =	simm.s32 $0x5700  }
0x1e0: {  	[tilespmem:s1], [sflag:$0x2] =	stream.indirect_vreg.gather [hbm4b:s4+s31], $0x80, v3, vm0, $0xb8;
	[tilespmem:$0x12300] =	vst v63  }
0x1e1: {  	s11 =	simm.s32 $0x5F00  }
0x1e2: {  	[tilespmem:s11], [sflag:$0x2] =	stream.indirect_vreg.gather [hbm4b:s15+s31], $0x80, v3, vm1, $0xb8;
	[tilespmem:$0x12300] =	vst v63  }
0x1e3: {  	v3 =	vld [tilespmem:$0x100];
	_ =	sdelay $0x4  }
0x1e4: {  	v4 =	vshrl.u32 v3, $0x3  }
0x1e5: {  	v4 =	vmul.u32 $0x18, v4  }
0x1e6: {  	v3 =	vand.u32 $0x7, v3  }
0x1e7: {  	v3 =	vor.u32 v3, v4  }
0x1e8: {  	v4 =	vperm.xlane v3, v0;
	_ =	sdelay $0x1  }
0x1e9: {  	v4 =	vadd.s32 v1, v4;
	_ =	sdelay $0x1  }
0x1ea: {  	v3 =	vperm.xlane v3, v2;
	_ =	sdelay $0x1  }
0x1eb: {  	s12 =	simm.s32 $0x6300;
	v3 =	vadd.s32 v1, v3  }
0x1ec: {  	[tilespmem:s12], [sflag:$0x3] =	stream.indirect_vreg.gather [hbm4b:s5+s31], $0x80, v4, vm0, $0xb8;
	[tilespmem:$0x12300] =	vst v63  }
0x1ed: {  	s30 =	simm.s32 $0x6B00  }
0x1ee: {  	[tilespmem:s30], [sflag:$0x3] =	stream.indirect_vreg.gather [hbm4b:s16+s31], $0x80, v4, vm1, $0xb8;
	[tilespmem:$0x12300] =	vst v63  }
0x1ef: {  	s1 =	simm.s32 $0x6F00  }
0x1f0: {  	[tilespmem:s1], [sflag:$0x3] =	stream.indirect_vreg.gather [hbm4b:s5+s31], $0x80, v3, vm0, $0xb8;
	[tilespmem:$0x12300] =	vst v63  }
0x1f1: {  	s11 =	simm.s32 $0x7700  }
0x1f2: {  	[tilespmem:s11], [sflag:$0x3] =	stream.indirect_vreg.gather [hbm4b:s16+s31], $0x80, v3, vm1, $0xb8;
	[tilespmem:$0x12300] =	vst v63  }
0x1f3: {  	v3 =	vld [tilespmem:$0x110];
	_ =	sdelay $0x4  }
0x1f4: {  	v4 =	vshrl.u32 v3, $0x3  }
0x1f5: {  	v4 =	vmul.u32 $0x18, v4  }
0x1f6: {  	v3 =	vand.u32 $0x7, v3  }
0x1f7: {  	v3 =	vor.u32 v3, v4  }
0x1f8: {  	v4 =	vperm.xlane v3, v0;
	_ =	sdelay $0x1  }
0x1f9: {  	v4 =	vadd.s32 v1, v4;
	_ =	sdelay $0x1  }
0x1fa: {  	v3 =	vperm.xlane v3, v2;
	_ =	sdelay $0x1  }
0x1fb: {  	s12 =	simm.s32 $0x7B00;
	v3 =	vadd.s32 v1, v3  }
0x1fc: {  	[tilespmem:s12], [sflag:$0x3] =	stream.indirect_vreg.gather [hbm4b:s5+s31], $0x80, v4, vm0, $0xb8;
	[tilespmem:$0x12300] =	vst v63  }
0x1fd: {  	s30 =	simm.s32 $0x8300  }
0x1fe: {  	[tilespmem:s30], [sflag:$0x3] =	stream.indirect_vreg.gather [hbm4b:s16+s31], $0x80, v4, vm1, $0xb8;
	[tilespmem:$0x12300] =	vst v63  }
0x1ff: {  	s1 =	simm.s32 $0x8700  }
0x200: {  	[tilespmem:s1], [sflag:$0x3] =	stream.indirect_vreg.gather [hbm4b:s5+s31], $0x80, v3, vm0, $0xb8;
	[tilespmem:$0x12300] =	vst v63  }
0x201: {  	s11 =	simm.s32 $0x8F00  }
0x202: {  	[tilespmem:s11], [sflag:$0x3] =	stream.indirect_vreg.gather [hbm4b:s16+s31], $0x80, v3, vm1, $0xb8;
	[tilespmem:$0x12300] =	vst v63  }
0x203: {  	_ =	swait.ge [sflag:s21], $0x3000  }
0x204: {  	[sflag:s21] =	ssyncset.done $0x0  }
0x205: {  	[sflag:s21] =	ssyncadd.s32 $0xFFFFD000  }
0x206: {  	_ =	swait.ge [sflag:s22], $0x3000  }
0x207: {  	[sflag:s22] =	ssyncset.done $0x0  }
0x208: {  	s12 =	simm.s32 $0x0;
	[sflag:s22] =	ssyncadd.s32 $0xFFFFD000  }
0x209: {  	s0 =	smul.u32 $0xC00, s12;
	_ =	swait.ge [sflag:s24], $0x3000  }
0x20a: {  	s30 =	sand.u32 $0x380, s31;
	[sflag:s24] =	ssyncset.done $0x0  }
0x20b: {  	s0 =	sor.u32 s30, s0;
	[sflag:s24] =	ssyncadd.s32 $0xFFFFD000  }
0x20c: {  	v21 =	vld [tilespmem:s0+$0xF300]  }
0x20d: {  	v22 =	vld [tilespmem:s0+$0xF310]  }
0x20e: {  	v23 =	vld [tilespmem:s0+$0xF320]  }
0x20f: {  	v24 =	vld [tilespmem:s0+$0xF330]  }
0x210: {  	v25 =	vld [tilespmem:s0+$0xF340]  }
0x211: {  	v26 =	vld [tilespmem:s0+$0xF350]  }
0x212: {  	v27 =	vld [tilespmem:s0+$0xF360]  }
0x213: {  	v28 =	vld [tilespmem:s0+$0xF370]  }
0x214: {  	v29 =	vld [tilespmem:s0+$0xF700]  }
0x215: {  	v30 =	vld [tilespmem:s0+$0xF710]  }
0x216: {  	v31 =	vld [tilespmem:s0+$0xF720]  }
0x217: {  	v32 =	vld [tilespmem:s0+$0xF730]  }
0x218: {  	v33 =	vld [tilespmem:s0+$0xF740]  }
0x219: {  	v11 =	vld [tilespmem:s0+$0xF750]  }
0x21a: {  	v10 =	vld [tilespmem:s0+$0xF760]  }
0x21b: {  	v9 =	vld [tilespmem:s0+$0xF770]  }
0x21c: {  	v8 =	vld [tilespmem:s0+$0xFB00]  }
0x21d: {  	v7 =	vld [tilespmem:s0+$0xFB10]  }
0x21e: {  	v6 =	vld [tilespmem:s0+$0xFB20]  }
0x21f: {  	v5 =	vld [tilespmem:s0+$0xFB30]  }
0x220: {  	v4 =	vld [tilespmem:s0+$0xFB40]  }
0x221: {  	v3 =	vld [tilespmem:s0+$0xFB50]  }
0x222: {  	v34 =	vld [tilespmem:s0+$0xC300]  }
0x223: {  	v35 =	vld [tilespmem:s0+$0xC310]  }
0x224: {  	v36 =	vld [tilespmem:s0+$0xC320]  }
0x225: {  	v37 =	vld [tilespmem:s0+$0xC330]  }
0x226: {  	v38 =	vld [tilespmem:s0+$0xC340]  }
0x227: {  	v39 =	vld [tilespmem:s0+$0xC350]  }
0x228: {  	v40 =	vld [tilespmem:s0+$0xC360]  }
0x229: {  	v41 =	vld [tilespmem:s0+$0xC370]  }
0x22a: {  	v42 =	vld [tilespmem:s0+$0xC700]  }
0x22b: {  	v43 =	vld [tilespmem:s0+$0xC710]  }
0x22c: {  	v44 =	vld [tilespmem:s0+$0xC720]  }
0x22d: {  	v45 =	vld [tilespmem:s0+$0xC730]  }
0x22e: {  	v46 =	vld [tilespmem:s0+$0xC740]  }
0x22f: {  	v47 =	vld [tilespmem:s0+$0xC750]  }
0x230: {  	v48 =	vld [tilespmem:s0+$0xC760]  }
0x231: {  	v20 =	vld [tilespmem:s0+$0xC770]  }
0x232: {  	v19 =	vld [tilespmem:s0+$0xCB00]  }
0x233: {  	v18 =	vld [tilespmem:s0+$0xCB10]  }
0x234: {  	v17 =	vld [tilespmem:s0+$0xCB20]  }
0x235: {  	v16 =	vld [tilespmem:s0+$0xCB30]  }
0x236: {  	v15 =	vld [tilespmem:s0+$0xCB40]  }
0x237: {  	v49 =	vld [tilespmem:s0+$0x9300]  }
0x238: {  	v14 =	vld [tilespmem:s0+$0xCB50]  }
0x239: {  	v51 =	vld [tilespmem:s0+$0x9320]  }
0x23a: {  	v50 =	vld [tilespmem:s0+$0x9310]  }
0x23b: {  	v56 =	vld [tilespmem:s0+$0x9330]  }
0x23c: {  	v52 =	vld [tilespmem:s0+$0x9340]  }
0x23d: {  	v58 =	vld [tilespmem:s0+$0x9350];
	v34 =	vadd.f32 v34, v49  }
0x23e: {  	v13 =	vld [tilespmem:s0+$0xCB60];
	v36 =	vadd.f32 v36, v51  }
0x23f: {  	v59 =	vld [tilespmem:s0+$0x9360];
	v35 =	vadd.f32 v35, v50;
	v21 =	vadd.f32 v21, v34  }
0x240: {  	v60 =	vld [tilespmem:s0+$0x9370];
	v37 =	vadd.f32 v37, v56;
	v23 =	vadd.f32 v23, v36  }
0x241: {  	v57 =	vld [tilespmem:s0+$0x9700];
	v38 =	vadd.f32 v38, v52;
	v22 =	vadd.f32 v22, v35;
	[tilespmem:s0+$0x9300] =	vst v21  }
0x242: {  	v24 =	vadd.f32 v24, v37;
	v21 =	vld [tilespmem:s0+$0x9710];
	[tilespmem:s0+$0x9320] =	vst v23;
	v23 =	vadd.f32 v39, v58  }
0x243: {  	v12 =	vld [tilespmem:s0+$0xCB70];
	v25 =	vadd.f32 v25, v38;
	[tilespmem:s0+$0x9310] =	vst v22  }
0x244: {  	v22 =	vld [tilespmem:s0+$0x9720];
	[tilespmem:s0+$0x9330] =	vst v24;
	v24 =	vadd.f32 v40, v59;
	v23 =	vadd.f32 v26, v23  }
0x245: {  	v61 =	vld [tilespmem:s0+$0x9730];
	[tilespmem:s0+$0x9340] =	vst v25;
	v25 =	vadd.f32 v41, v60  }
0x246: {  	v62 =	vld [tilespmem:s0+$0x9740];
	v24 =	vadd.f32 v27, v24;
	[tilespmem:s0+$0x9350] =	vst v23;
	v23 =	vadd.f32 v42, v57  }
0x247: {  	v26 =	vld [tilespmem:s0+$0x9750];
	v27 =	vadd.f32 v28, v25;
	v21 =	vadd.f32 v43, v21  }
0x248: {  	v63 =	vld [tilespmem:s0+$0x9760];
	[tilespmem:s0+$0x9360] =	vst v24;
	v23 =	vadd.f32 v29, v23  }
0x249: {  	v25 =	vld [tilespmem:s0+$0x9770];
	[tilespmem:s0+$0x9370] =	vst v27;
	v22 =	vadd.f32 v44, v22;
	v21 =	vadd.f32 v30, v21  }
0x24a: {  	v24 =	vld [tilespmem:s0+$0x9B00];
	v27 =	vadd.f32 v45, v61;
	[tilespmem:s0+$0x9700] =	vst v23  }
0x24b: {  	v29 =	vadd.f32 v31, v22;
	v23 =	vld [tilespmem:s0+$0x9B10];
	[tilespmem:s0+$0x9710] =	vst v21;
	v21 =	vadd.f32 v46, v62  }
0x24c: {  	v28 =	vadd.f32 v32, v27;
	v22 =	vld [tilespmem:s0+$0x9B20];
	v27 =	vadd.f32 v47, v26  }
0x24d: {  	s1 =	simm.s32 $0x1;
	v26 =	vadd.f32 v48, v63;
	[tilespmem:s0+$0x9720] =	vst v29;
	v29 =	vadd.f32 v33, v21;
	v21 =	vld [tilespmem:s0+$0x9B30]  }
.LBB2_5:
0x24e: {  	p0 =	sne.s32 s1, $0x1F;
	[tilespmem:s0+$0x9730] =	vst v28;
	v11 =	vadd.f32 v11, v27;
	v20 =	vadd.f32 v20, v25;
	v25 =	vld [tilespmem:s0+$0x9B40]  }
0x24f: {  	[tilespmem:s0+$0x9740] =	vst v29;
	v10 =	vadd.f32 v10, v26;
	v19 =	vadd.f32 v19, v24;
	v24 =	vld [tilespmem:s0+$0x9B50]  }
0x250: {  	s11 =	sshrl.u32 s1, $0x3;
	[tilespmem:s0+$0x9750] =	vst v11;
	v9 =	vadd.f32 v9, v20;
	v11 =	vadd.f32 v18, v23;
	v18 =	vld [tilespmem:s0+$0x9B60]  }
0x251: {  	s31 =	sadd.s32 $0x80, s31;
	s11 =	smul.u32 $0xC00, s11;
	[tilespmem:s0+$0x9760] =	vst v10;
	v8 =	vadd.f32 v8, v19;
	v10 =	vadd.f32 v17, v22;
	v17 =	vld [tilespmem:s0+$0x9B70]  }
0x252: {  	s12 =	sand.u32 $0x380, s31;
	[tilespmem:s0+$0x9770] =	vst v9;
	v7 =	vadd.f32 v7, v11;
	v9 =	vadd.f32 v16, v21;
	v11 =	vld [tilespmem:s0+$0xFB60]  }
0x253: {  	s11 =	sor.u32 s12, s11;
	[tilespmem:s0+$0x9B00] =	vst v8;
	v6 =	vadd.f32 v6, v10;
	v8 =	vadd.f32 v15, v25;
	v10 =	vld [tilespmem:s0+$0xFB70]  }
0x254: {  	v26 =	vld [tilespmem:s11+$0xF300];
	[tilespmem:s0+$0x9B10] =	vst v7;
	v5 =	vadd.f32 v5, v9;
	v7 =	vadd.f32 v14, v24  }
0x255: {  	v27 =	vld [tilespmem:s11+$0xF310];
	[tilespmem:s0+$0x9B20] =	vst v6;
	v4 =	vadd.f32 v4, v8;
	v6 =	vadd.f32 v13, v18  }
0x256: {  	v28 =	vld [tilespmem:s11+$0xF320];
	[tilespmem:s0+$0x9B30] =	vst v5;
	v3 =	vadd.f32 v3, v7;
	v5 =	vadd.f32 v12, v17  }
0x257: {  	v29 =	vld [tilespmem:s11+$0xF330];
	[tilespmem:s0+$0x9B40] =	vst v4;
	v4 =	vadd.f32 v11, v6  }
0x258: {  	v30 =	vld [tilespmem:s11+$0xF340];
	[tilespmem:s0+$0x9B50] =	vst v3;
	v3 =	vadd.f32 v10, v5  }
0x259: {  	v31 =	vld [tilespmem:s11+$0xF350];
	[tilespmem:s0+$0x9B60] =	vst v4  }
0x25a: {  	v32 =	vld [tilespmem:s11+$0xF360];
	[tilespmem:s0+$0x9B70] =	vst v3;
	s0 =	smov.u32 s11  }
0x25b: {  	v33 =	vld [tilespmem:s0+$0xF370]  }
0x25c: {  	v25 =	vld [tilespmem:s0+$0xF700]  }
0x25d: {  	v24 =	vld [tilespmem:s0+$0xF710]  }
0x25e: {  	v23 =	vld [tilespmem:s0+$0xF720]  }
0x25f: {  	v22 =	vld [tilespmem:s0+$0xF730]  }
0x260: {  	v21 =	vld [tilespmem:s0+$0xF740]  }
0x261: {  	v11 =	vld [tilespmem:s0+$0xF750]  }
0x262: {  	v10 =	vld [tilespmem:s0+$0xF760]  }
0x263: {  	v9 =	vld [tilespmem:s0+$0xF770]  }
0x264: {  	v8 =	vld [tilespmem:s0+$0xFB00]  }
0x265: {  	v7 =	vld [tilespmem:s0+$0xFB10]  }
0x266: {  	v6 =	vld [tilespmem:s0+$0xFB20]  }
0x267: {  	v5 =	vld [tilespmem:s0+$0xFB30]  }
0x268: {  	v4 =	vld [tilespmem:s0+$0xFB40]  }
0x269: {  	v3 =	vld [tilespmem:s0+$0xFB50]  }
0x26a: {  	v34 =	vld [tilespmem:s0+$0xC300]  }
0x26b: {  	v35 =	vld [tilespmem:s0+$0xC310]  }
0x26c: {  	v36 =	vld [tilespmem:s0+$0xC320]  }
0x26d: {  	v37 =	vld [tilespmem:s0+$0xC330]  }
0x26e: {  	v38 =	vld [tilespmem:s0+$0xC340]  }
0x26f: {  	v39 =	vld [tilespmem:s0+$0xC350]  }
0x270: {  	v40 =	vld [tilespmem:s0+$0xC360]  }
0x271: {  	v41 =	vld [tilespmem:s0+$0xC370]  }
0x272: {  	v42 =	vld [tilespmem:s0+$0xC700]  }
0x273: {  	v43 =	vld [tilespmem:s0+$0xC710]  }
0x274: {  	v44 =	vld [tilespmem:s0+$0xC720]  }
0x275: {  	v45 =	vld [tilespmem:s0+$0xC730]  }
0x276: {  	v46 =	vld [tilespmem:s0+$0xC740]  }
0x277: {  	v47 =	vld [tilespmem:s0+$0xC750]  }
0x278: {  	v48 =	vld [tilespmem:s0+$0xC760]  }
0x279: {  	v20 =	vld [tilespmem:s0+$0xC770]  }
0x27a: {  	v19 =	vld [tilespmem:s0+$0xCB00]  }
0x27b: {  	v18 =	vld [tilespmem:s0+$0xCB10]  }
0x27c: {  	v17 =	vld [tilespmem:s0+$0xCB20]  }
0x27d: {  	v16 =	vld [tilespmem:s0+$0xCB30]  }
0x27e: {  	v15 =	vld [tilespmem:s0+$0xCB40]  }
0x27f: {  	v14 =	vld [tilespmem:s0+$0xCB50]  }
0x280: {  	v13 =	vld [tilespmem:s0+$0xCB60]  }
0x281: {  	v12 =	vld [tilespmem:s0+$0xCB70]  }
0x282: {  	v49 =	vld [tilespmem:s0+$0x9300]  }
0x283: {  	v50 =	vld [tilespmem:s0+$0x9310]  }
0x284: {  	v51 =	vld [tilespmem:s0+$0x9320]  }
0x285: {  	v52 =	vld [tilespmem:s0+$0x9330]  }
0x286: {  	v53 =	vld [tilespmem:s0+$0x9340]  }
0x287: {  	v34 =	vadd.f32 v34, v49;
	v49 =	vld [tilespmem:s0+$0x9350]  }
0x288: {  	v35 =	vadd.f32 v35, v50;
	v50 =	vld [tilespmem:s0+$0x9360]  }
0x289: {  	v26 =	vadd.f32 v26, v34;
	v34 =	vadd.f32 v36, v51;
	v36 =	vld [tilespmem:s0+$0x9370]  }
0x28a: {  	v27 =	vadd.f32 v27, v35;
	v35 =	vadd.f32 v37, v52;
	v37 =	vld [tilespmem:s0+$0x9700]  }
0x28b: {  	[tilespmem:s0+$0x9300] =	vst v26;
	v26 =	vadd.f32 v28, v34;
	v28 =	vadd.f32 v38, v53;
	v34 =	vld [tilespmem:s0+$0x9710]  }
0x28c: {  	[tilespmem:s0+$0x9310] =	vst v27;
	v27 =	vadd.f32 v29, v35;
	v29 =	vadd.f32 v39, v49;
	v35 =	vld [tilespmem:s0+$0x9720]  }
0x28d: {  	[tilespmem:s0+$0x9320] =	vst v26;
	v26 =	vadd.f32 v30, v28;
	v28 =	vadd.f32 v40, v50;
	v30 =	vld [tilespmem:s0+$0x9730]  }
0x28e: {  	[tilespmem:s0+$0x9330] =	vst v27;
	v27 =	vadd.f32 v31, v29;
	v29 =	vadd.f32 v41, v36;
	v31 =	vld [tilespmem:s0+$0x9740]  }
0x28f: {  	[tilespmem:s0+$0x9340] =	vst v26;
	v26 =	vadd.f32 v32, v28;
	v28 =	vadd.f32 v42, v37;
	v32 =	vld [tilespmem:s0+$0x9750]  }
0x290: {  	[tilespmem:s0+$0x9350] =	vst v27;
	v27 =	vadd.f32 v33, v29;
	v29 =	vadd.f32 v43, v34;
	v33 =	vld [tilespmem:s0+$0x9760]  }
.Ltmp1:
0x291: {  	[tilespmem:s0+$0x9360] =	vst v26;
	v26 =	vadd.f32 v25, v28;
	v28 =	vadd.f32 v44, v35;
	v25 =	vld [tilespmem:s0+$0x9770];
	(pc) =	sbr.rel @p0 .LBB2_5-.Ltmp1, $4  }
0x292: {  	[tilespmem:s0+$0x9370] =	vst v27;
	v27 =	vadd.f32 v24, v29;
	v29 =	vadd.f32 v45, v30;
	v24 =	vld [tilespmem:s0+$0x9B00]  }
0x293: {  	[tilespmem:s0+$0x9700] =	vst v26;
	v26 =	vadd.f32 v23, v28;
	v30 =	vadd.f32 v46, v31;
	v23 =	vld [tilespmem:s0+$0x9B10]  }
0x294: {  	[tilespmem:s0+$0x9710] =	vst v27;
	v28 =	vadd.f32 v22, v29;
	v27 =	vadd.f32 v47, v32;
	v22 =	vld [tilespmem:s0+$0x9B20]  }
0x295: {  	s1 =	sadd.s32 $0x1, s1;
	[tilespmem:s0+$0x9720] =	vst v26;
	v29 =	vadd.f32 v21, v30;
	v26 =	vadd.f32 v48, v33;
	v21 =	vld [tilespmem:s0+$0x9B30]  }
0x296: {  	[tilespmem:s0+$0x9730] =	vst v28;
	v52 =	vld [tilespmem:s0+$0x9B40];
	v11 =	vadd.f32 v11, v27;
	v20 =	vadd.f32 v20, v25  }
0x297: {  	v53 =	vld [tilespmem:s0+$0x9B50];
	[tilespmem:s0+$0x9740] =	vst v29;
	v10 =	vadd.f32 v10, v26;
	v19 =	vadd.f32 v19, v24  }
0x298: {  	v54 =	vld [tilespmem:s0+$0x9B60];
	[tilespmem:s0+$0x9750] =	vst v11;
	v9 =	vadd.f32 v9, v20;
	v18 =	vadd.f32 v18, v23  }
0x299: {  	v55 =	vld [tilespmem:s0+$0x9B70];
	[tilespmem:s0+$0x9760] =	vst v10;
	v8 =	vadd.f32 v8, v19;
	v56 =	vadd.f32 v17, v22  }
0x29a: {  	v57 =	vld [tilespmem:s0+$0xFB60];
	[tilespmem:s0+$0x9770] =	vst v9;
	v7 =	vadd.f32 v7, v18;
	v16 =	vadd.f32 v16, v21  }
0x29b: {  	v59 =	vld [tilespmem:s0+$0xFB70];
	[tilespmem:s0+$0x9B00] =	vst v8;
	v6 =	vadd.f32 v6, v56;
	v58 =	vadd.f32 v15, v52  }
0x29c: {  	v60 =	vadd.f32 v14, v53;
	[tilespmem:s0+$0x9B10] =	vst v7;
	v5 =	vadd.f32 v5, v16  }
0x29d: {  	v61 =	vadd.f32 v13, v54;
	[tilespmem:s0+$0x9B20] =	vst v6;
	v4 =	vadd.f32 v4, v58  }
0x29e: {  	v62 =	vadd.f32 v12, v55;
	v3 =	vadd.f32 v3, v60;
	[tilespmem:s0+$0x9B30] =	vst v5  }
0x29f: {  	v63 =	vadd.f32 v57, v61;
	[tilespmem:s0+$0x9B40] =	vst v4  }
0x2a0: {  	s1 =	smul.u32 $0x180, s28;
	s26 =	sadd.s32 $0x1, s26;
	[tilespmem:s0+$0x9B50] =	vst v3;
	v3 =	vadd.f32 v59, v62  }
0x2a1: {  	p0 =	sne.s32 s26, $0x30;
	[tilespmem:s0+$0x9B60] =	vst v63  }
.Ltmp2:
0x2a2: {  	s31 =	sadd.s32 s10, s1;
	[tilespmem:s0+$0x9B70] =	vst v3;
	(pc) =	sbr.rel @p0 .LBB2_2-.Ltmp2, $4  }
0x2a3: {  	[hbm4b:s31+s2] =	stream.linear.scatter [tilespmem:s23], [sflag:$0x7], $0x3000, $0x38;
	[tilespmem:$0x12300] =	vst v63  }
0x2a4: {  	_ =	swait.ge [sflag:s25], $0x3000  }
0x2a5: {  	[sflag:s25] =	ssyncset.done $0x0  }
0x2a6: {  	[sflag:s25] =	ssyncadd.s32 $0xFFFFD000  }
0x2a7: {  	s26 =	simm.s32 $0x0;
	s0 =	rddreg [dreg:$0x5];
	s1 =	simm.s32 $0x180  }
0x2a8: {  	[tilespmem:s1], [sflag:$0x7] =	stream.linear.gather [hbm4b:s0+s26], $0x20, $0x38;
	[tilespmem:$0x12300] =	vst v63  }
0x2a9: {  	_ =	swait.ge [sflag:s25], $0x20  }
0x2aa: {  	[sflag:s25] =	ssyncset.done $0x0  }
0x2ab: {  	s12 =	simm.s32 $0x200;
	s11 =	rddreg [dreg:$0x6];
	[sflag:s25] =	ssyncadd.s32 $0xFFFFFFE0  }
0x2ac: {  	[tilespmem:s12], [sflag:$0x7] =	stream.linear.gather [hbm4b:s11+s26], $0x20, $0x38;
	[tilespmem:$0x12300] =	vst v63  }
0x2ad: {  	_ =	swait.ge [sflag:s25], $0x20  }
0x2ae: {  	[sflag:s25] =	ssyncset.done $0x0  }
0x2af: {  	s30 =	simm.s32 $0x280;
	s28 =	rddreg [dreg:$0x7];
	[sflag:s25] =	ssyncadd.s32 $0xFFFFFFE0  }
0x2b0: {  	[tilespmem:s30], [sflag:$0x7] =	stream.linear.gather [hbm4b:s28+s26], $0x20, $0x38;
	[tilespmem:$0x12300] =	vst v63  }
0x2b1: {  	_ =	swait.ge [sflag:s25], $0x20  }
0x2b2: {  	[sflag:s25] =	ssyncset.done $0x0  }
0x2b3: {  	[sflag:s25] =	ssyncadd.s32 $0xFFFFFFE0  }
0x2b4: {  	v3 =	vld [tilespmem:$0x180];
	_ =	sdelay $0x4  }
0x2b5: {  	v4 =	vshrl.u32 v3, $0x3  }
0x2b6: {  	v4 =	vmul.u32 $0x18, v4  }
0x2b7: {  	v3 =	vand.u32 $0x7, v3  }
0x2b8: {  	v3 =	vor.u32 v3, v4  }
0x2b9: {  	v4 =	vperm.xlane v3, v0;
	_ =	sdelay $0x1  }
0x2ba: {  	v4 =	vadd.s32 v1, v4;
	_ =	sdelay $0x1  }
0x2bb: {  	v3 =	vperm.xlane v3, v2;
	_ =	sdelay $0x1  }
0x2bc: {  	v3 =	vadd.s32 v1, v3  }
0x2bd: {  	[tilespmem:s23], [sflag:$0x4] =	stream.indirect_vreg.gather [hbm4b:s3+s26], $0x80, v4, vm0, $0xb8;
	[tilespmem:$0x12300] =	vst v63  }
0x2be: {  	s31 =	simm.s32 $0x9B00  }
0x2bf: {  	[tilespmem:s31], [sflag:$0x4] =	stream.indirect_vreg.gather [hbm4b:s14+s26], $0x80, v4, vm1, $0xb8;
	[tilespmem:$0x12300] =	vst v63  }
0x2c0: {  	s1 =	simm.s32 $0x9F00  }
0x2c1: {  	[tilespmem:s1], [sflag:$0x4] =	stream.indirect_vreg.gather [hbm4b:s3+s26], $0x80, v3, vm0, $0xb8;
	[tilespmem:$0x12300] =	vst v63  }
0x2c2: {  	s11 =	simm.s32 $0xA700  }
0x2c3: {  	[tilespmem:s11], [sflag:$0x4] =	stream.indirect_vreg.gather [hbm4b:s14+s26], $0x80, v3, vm1, $0xb8;
	[tilespmem:$0x12300] =	vst v63  }
0x2c4: {  	v3 =	vld [tilespmem:$0x190];
	_ =	sdelay $0x4  }
0x2c5: {  	v4 =	vshrl.u32 v3, $0x3  }
0x2c6: {  	v4 =	vmul.u32 $0x18, v4  }
0x2c7: {  	v3 =	vand.u32 $0x7, v3  }
0x2c8: {  	v3 =	vor.u32 v3, v4  }
0x2c9: {  	v4 =	vperm.xlane v3, v0;
	_ =	sdelay $0x1  }
0x2ca: {  	v4 =	vadd.s32 v1, v4;
	_ =	sdelay $0x1  }
0x2cb: {  	v3 =	vperm.xlane v3, v2;
	_ =	sdelay $0x1  }
0x2cc: {  	s12 =	simm.s32 $0xAB00;
	v3 =	vadd.s32 v1, v3  }
0x2cd: {  	[tilespmem:s12], [sflag:$0x4] =	stream.indirect_vreg.gather [hbm4b:s3+s26], $0x80, v4, vm0, $0xb8;
	[tilespmem:$0x12300] =	vst v63  }
0x2ce: {  	s28 =	simm.s32 $0xB300  }
0x2cf: {  	[tilespmem:s28], [sflag:$0x4] =	stream.indirect_vreg.gather [hbm4b:s14+s26], $0x80, v4, vm1, $0xb8;
	[tilespmem:$0x12300] =	vst v63  }
0x2d0: {  	s30 =	simm.s32 $0xB700  }
0x2d1: {  	[tilespmem:s30], [sflag:$0x4] =	stream.indirect_vreg.gather [hbm4b:s3+s26], $0x80, v3, vm0, $0xb8;
	[tilespmem:$0x12300] =	vst v63  }
0x2d2: {  	s31 =	simm.s32 $0xBF00  }
0x2d3: {  	[tilespmem:s31], [sflag:$0x4] =	stream.indirect_vreg.gather [hbm4b:s14+s26], $0x80, v3, vm1, $0xb8;
	[tilespmem:$0x12300] =	vst v63  }
0x2d4: {  	v3 =	vld [tilespmem:$0x200];
	_ =	sdelay $0x4  }
0x2d5: {  	v4 =	vshrl.u32 v3, $0x3  }
0x2d6: {  	v4 =	vmul.u32 $0x18, v4  }
0x2d7: {  	v3 =	vand.u32 $0x7, v3  }
0x2d8: {  	v3 =	vor.u32 v3, v4  }
0x2d9: {  	v4 =	vperm.xlane v3, v0;
	_ =	sdelay $0x1  }
0x2da: {  	v4 =	vadd.s32 v1, v4;
	_ =	sdelay $0x1  }
0x2db: {  	v3 =	vperm.xlane v3, v2;
	_ =	sdelay $0x1  }
0x2dc: {  	s1 =	simm.s32 $0xC300;
	v3 =	vadd.s32 v1, v3  }
0x2dd: {  	[tilespmem:s1], [sflag:$0x5] =	stream.indirect_vreg.gather [hbm4b:s4+s26], $0x80, v4, vm0, $0xb8;
	[tilespmem:$0x12300] =	vst v63  }
0x2de: {  	s11 =	simm.s32 $0xCB00  }
0x2df: {  	[tilespmem:s11], [sflag:$0x5] =	stream.indirect_vreg.gather [hbm4b:s15+s26], $0x80, v4, vm1, $0xb8;
	[tilespmem:$0x12300] =	vst v63  }
0x2e0: {  	s12 =	simm.s32 $0xCF00  }
0x2e1: {  	[tilespmem:s12], [sflag:$0x5] =	stream.indirect_vreg.gather [hbm4b:s4+s26], $0x80, v3, vm0, $0xb8;
	[tilespmem:$0x12300] =	vst v63  }
0x2e2: {  	s28 =	simm.s32 $0xD700  }
0x2e3: {  	[tilespmem:s28], [sflag:$0x5] =	stream.indirect_vreg.gather [hbm4b:s15+s26], $0x80, v3, vm1, $0xb8;
	[tilespmem:$0x12300] =	vst v63  }
0x2e4: {  	v3 =	vld [tilespmem:$0x210];
	_ =	sdelay $0x4  }
0x2e5: {  	v4 =	vshrl.u32 v3, $0x3  }
0x2e6: {  	v4 =	vmul.u32 $0x18, v4  }
0x2e7: {  	v3 =	vand.u32 $0x7, v3  }
0x2e8: {  	v3 =	vor.u32 v3, v4  }
0x2e9: {  	v4 =	vperm.xlane v3, v0;
	_ =	sdelay $0x1  }
0x2ea: {  	v4 =	vadd.s32 v1, v4;
	_ =	sdelay $0x1  }
0x2eb: {  	v3 =	vperm.xlane v3, v2;
	_ =	sdelay $0x1  }
0x2ec: {  	s30 =	simm.s32 $0xDB00;
	v3 =	vadd.s32 v1, v3  }
0x2ed: {  	[tilespmem:s30], [sflag:$0x5] =	stream.indirect_vreg.gather [hbm4b:s4+s26], $0x80, v4, vm0, $0xb8;
	[tilespmem:$0x12300] =	vst v63  }
0x2ee: {  	s31 =	simm.s32 $0xE300  }
0x2ef: {  	[tilespmem:s31], [sflag:$0x5] =	stream.indirect_vreg.gather [hbm4b:s15+s26], $0x80, v4, vm1, $0xb8;
	[tilespmem:$0x12300] =	vst v63  }
0x2f0: {  	s1 =	simm.s32 $0xE700  }
0x2f1: {  	[tilespmem:s1], [sflag:$0x5] =	stream.indirect_vreg.gather [hbm4b:s4+s26], $0x80, v3, vm0, $0xb8;
	[tilespmem:$0x12300] =	vst v63  }
0x2f2: {  	s11 =	simm.s32 $0xEF00  }
0x2f3: {  	[tilespmem:s11], [sflag:$0x5] =	stream.indirect_vreg.gather [hbm4b:s15+s26], $0x80, v3, vm1, $0xb8;
	[tilespmem:$0x12300] =	vst v63  }
0x2f4: {  	v3 =	vld [tilespmem:$0x280];
	_ =	sdelay $0x4  }
0x2f5: {  	v4 =	vshrl.u32 v3, $0x3  }
0x2f6: {  	v4 =	vmul.u32 $0x18, v4  }
0x2f7: {  	v3 =	vand.u32 $0x7, v3  }
0x2f8: {  	v3 =	vor.u32 v3, v4  }
0x2f9: {  	v4 =	vperm.xlane v3, v0;
	_ =	sdelay $0x1  }
0x2fa: {  	v4 =	vadd.s32 v1, v4;
	_ =	sdelay $0x1  }
0x2fb: {  	v3 =	vperm.xlane v3, v2;
	_ =	sdelay $0x1  }
0x2fc: {  	s12 =	simm.s32 $0xF300;
	v3 =	vadd.s32 v1, v3  }
0x2fd: {  	[tilespmem:s12], [sflag:$0x6] =	stream.indirect_vreg.gather [hbm4b:s5+s26], $0x80, v4, vm0, $0xb8;
	[tilespmem:$0x12300] =	vst v63  }
0x2fe: {  	s28 =	simm.s32 $0xFB00  }
0x2ff: {  	[tilespmem:s28], [sflag:$0x6] =	stream.indirect_vreg.gather [hbm4b:s16+s26], $0x80, v4, vm1, $0xb8;
	[tilespmem:$0x12300] =	vst v63  }
0x300: {  	s30 =	simm.s32 $0xFF00  }
0x301: {  	[tilespmem:s30], [sflag:$0x6] =	stream.indirect_vreg.gather [hbm4b:s5+s26], $0x80, v3, vm0, $0xb8;
	[tilespmem:$0x12300] =	vst v63  }
0x302: {  	s31 =	simm.s32 $0x10700  }
0x303: {  	[tilespmem:s31], [sflag:$0x6] =	stream.indirect_vreg.gather [hbm4b:s16+s26], $0x80, v3, vm1, $0xb8;
	[tilespmem:$0x12300] =	vst v63  }
0x304: {  	v3 =	vld [tilespmem:$0x290];
	_ =	sdelay $0x4  }
0x305: {  	v4 =	vshrl.u32 v3, $0x3  }
0x306: {  	v4 =	vmul.u32 $0x18, v4  }
0x307: {  	v3 =	vand.u32 $0x7, v3  }
0x308: {  	v3 =	vor.u32 v3, v4  }
0x309: {  	v4 =	vperm.xlane v3, v0;
	_ =	sdelay $0x1  }
0x30a: {  	v4 =	vadd.s32 v1, v4;
	_ =	sdelay $0x1  }
0x30b: {  	v3 =	vperm.xlane v3, v2;
	_ =	sdelay $0x1  }
0x30c: {  	s1 =	simm.s32 $0x10B00;
	v3 =	vadd.s32 v1, v3  }
0x30d: {  	[tilespmem:s1], [sflag:$0x6] =	stream.indirect_vreg.gather [hbm4b:s5+s26], $0x80, v4, vm0, $0xb8;
	[tilespmem:$0x12300] =	vst v63  }
0x30e: {  	s11 =	simm.s32 $0x11300  }
0x30f: {  	[tilespmem:s11], [sflag:$0x6] =	stream.indirect_vreg.gather [hbm4b:s16+s26], $0x80, v4, vm1, $0xb8;
	[tilespmem:$0x12300] =	vst v63  }
0x310: {  	s12 =	simm.s32 $0x11700  }
0x311: {  	[tilespmem:s12], [sflag:$0x6] =	stream.indirect_vreg.gather [hbm4b:s5+s26], $0x80, v3, vm0, $0xb8;
	[tilespmem:$0x12300] =	vst v63  }
0x312: {  	s28 =	simm.s32 $0x11F00  }
0x313: {  	[tilespmem:s28], [sflag:$0x6] =	stream.indirect_vreg.gather [hbm4b:s16+s26], $0x80, v3, vm1, $0xb8;
	[tilespmem:$0x12300] =	vst v63  }
0x314: {  	_ =	swait.ge [sflag:s13], $0x3000  }
0x315: {  	[sflag:s13] =	ssyncset.done $0x0  }
0x316: {  	[sflag:s13] =	ssyncadd.s32 $0xFFFFD000  }
0x317: {  	_ =	swait.ge [sflag:s19], $0x3000  }
0x318: {  	[sflag:s19] =	ssyncset.done $0x0  }
0x319: {  	s30 =	simm.s32 $0x0;
	[sflag:s19] =	ssyncadd.s32 $0xFFFFD000  }
0x31a: {  	s0 =	smul.u32 $0xC00, s30;
	_ =	swait.ge [sflag:s20], $0x3000  }
0x31b: {  	s31 =	sand.u32 $0x380, s26;
	[sflag:s20] =	ssyncset.done $0x0  }
0x31c: {  	s0 =	sor.u32 s31, s0;
	[sflag:s20] =	ssyncadd.s32 $0xFFFFD000  }
0x31d: {  	v21 =	vld [tilespmem:s0+$0x6300]  }
0x31e: {  	v22 =	vld [tilespmem:s0+$0x6310]  }
0x31f: {  	v23 =	vld [tilespmem:s0+$0x6320]  }
0x320: {  	v24 =	vld [tilespmem:s0+$0x6330]  }
0x321: {  	v25 =	vld [tilespmem:s0+$0x6340]  }
0x322: {  	v26 =	vld [tilespmem:s0+$0x6350]  }
0x323: {  	v27 =	vld [tilespmem:s0+$0x6360]  }
0x324: {  	v28 =	vld [tilespmem:s0+$0x6370]  }
0x325: {  	v29 =	vld [tilespmem:s0+$0x6700]  }
0x326: {  	v30 =	vld [tilespmem:s0+$0x6710]  }
0x327: {  	v31 =	vld [tilespmem:s0+$0x6720]  }
0x328: {  	v32 =	vld [tilespmem:s0+$0x6730]  }
0x329: {  	v33 =	vld [tilespmem:s0+$0x6740]  }
0x32a: {  	v11 =	vld [tilespmem:s0+$0x6750]  }
0x32b: {  	v10 =	vld [tilespmem:s0+$0x6760]  }
0x32c: {  	v9 =	vld [tilespmem:s0+$0x6770]  }
0x32d: {  	v8 =	vld [tilespmem:s0+$0x6B00]  }
0x32e: {  	v7 =	vld [tilespmem:s0+$0x6B10]  }
0x32f: {  	v6 =	vld [tilespmem:s0+$0x6B20]  }
0x330: {  	v5 =	vld [tilespmem:s0+$0x6B30]  }
0x331: {  	v4 =	vld [tilespmem:s0+$0x6B40]  }
0x332: {  	v3 =	vld [tilespmem:s0+$0x6B50]  }
0x333: {  	v34 =	vld [tilespmem:s0+$0x3300]  }
0x334: {  	v35 =	vld [tilespmem:s0+$0x3310]  }
0x335: {  	v36 =	vld [tilespmem:s0+$0x3320]  }
0x336: {  	v37 =	vld [tilespmem:s0+$0x3330]  }
0x337: {  	v38 =	vld [tilespmem:s0+$0x3340]  }
0x338: {  	v39 =	vld [tilespmem:s0+$0x3350]  }
0x339: {  	v40 =	vld [tilespmem:s0+$0x3360]  }
0x33a: {  	v41 =	vld [tilespmem:s0+$0x3370]  }
0x33b: {  	v42 =	vld [tilespmem:s0+$0x3700]  }
0x33c: {  	v43 =	vld [tilespmem:s0+$0x3710]  }
0x33d: {  	v44 =	vld [tilespmem:s0+$0x3720]  }
0x33e: {  	v45 =	vld [tilespmem:s0+$0x3730]  }
0x33f: {  	v46 =	vld [tilespmem:s0+$0x3740]  }
0x340: {  	v47 =	vld [tilespmem:s0+$0x3750]  }
0x341: {  	v48 =	vld [tilespmem:s0+$0x3760]  }
0x342: {  	v20 =	vld [tilespmem:s0+$0x3770]  }
0x343: {  	v19 =	vld [tilespmem:s0+$0x3B00]  }
0x344: {  	v18 =	vld [tilespmem:s0+$0x3B10]  }
0x345: {  	v17 =	vld [tilespmem:s0+$0x3B20]  }
0x346: {  	v16 =	vld [tilespmem:s0+$0x3B30]  }
0x347: {  	v15 =	vld [tilespmem:s0+$0x3B40]  }
0x348: {  	v49 =	vld [tilespmem:s0+$0x300]  }
0x349: {  	v14 =	vld [tilespmem:s0+$0x3B50]  }
0x34a: {  	v51 =	vld [tilespmem:s0+$0x320]  }
0x34b: {  	v50 =	vld [tilespmem:s0+$0x310]  }
0x34c: {  	v56 =	vld [tilespmem:s0+$0x330]  }
0x34d: {  	v52 =	vld [tilespmem:s0+$0x340]  }
0x34e: {  	v58 =	vld [tilespmem:s0+$0x350];
	v34 =	vadd.f32 v34, v49  }
0x34f: {  	v13 =	vld [tilespmem:s0+$0x3B60];
	v36 =	vadd.f32 v36, v51  }
0x350: {  	v59 =	vld [tilespmem:s0+$0x360];
	v35 =	vadd.f32 v35, v50;
	v21 =	vadd.f32 v21, v34  }
0x351: {  	v60 =	vld [tilespmem:s0+$0x370];
	v37 =	vadd.f32 v37, v56;
	v23 =	vadd.f32 v23, v36  }
0x352: {  	v57 =	vld [tilespmem:s0+$0x700];
	v38 =	vadd.f32 v38, v52;
	v22 =	vadd.f32 v22, v35;
	[tilespmem:s0+$0x300] =	vst v21  }
0x353: {  	v24 =	vadd.f32 v24, v37;
	v21 =	vld [tilespmem:s0+$0x710];
	[tilespmem:s0+$0x320] =	vst v23;
	v23 =	vadd.f32 v39, v58  }
0x354: {  	v12 =	vld [tilespmem:s0+$0x3B70];
	v25 =	vadd.f32 v25, v38;
	[tilespmem:s0+$0x310] =	vst v22  }
0x355: {  	v22 =	vld [tilespmem:s0+$0x720];
	[tilespmem:s0+$0x330] =	vst v24;
	v24 =	vadd.f32 v40, v59;
	v23 =	vadd.f32 v26, v23  }
0x356: {  	v61 =	vld [tilespmem:s0+$0x730];
	[tilespmem:s0+$0x340] =	vst v25;
	v25 =	vadd.f32 v41, v60  }
0x357: {  	v62 =	vld [tilespmem:s0+$0x740];
	v24 =	vadd.f32 v27, v24;
	[tilespmem:s0+$0x350] =	vst v23;
	v23 =	vadd.f32 v42, v57  }
0x358: {  	v26 =	vld [tilespmem:s0+$0x750];
	v27 =	vadd.f32 v28, v25;
	v21 =	vadd.f32 v43, v21  }
0x359: {  	v63 =	vld [tilespmem:s0+$0x760];
	[tilespmem:s0+$0x360] =	vst v24;
	v23 =	vadd.f32 v29, v23  }
0x35a: {  	v25 =	vld [tilespmem:s0+$0x770];
	[tilespmem:s0+$0x370] =	vst v27;
	v22 =	vadd.f32 v44, v22;
	v21 =	vadd.f32 v30, v21  }
0x35b: {  	v24 =	vld [tilespmem:s0+$0xB00];
	v27 =	vadd.f32 v45, v61;
	[tilespmem:s0+$0x700] =	vst v23  }
0x35c: {  	v29 =	vadd.f32 v31, v22;
	v23 =	vld [tilespmem:s0+$0xB10];
	[tilespmem:s0+$0x710] =	vst v21;
	v21 =	vadd.f32 v46, v62  }
0x35d: {  	v28 =	vadd.f32 v32, v27;
	v22 =	vld [tilespmem:s0+$0xB20];
	v27 =	vadd.f32 v47, v26  }
0x35e: {  	s1 =	simm.s32 $0x1;
	v26 =	vadd.f32 v48, v63;
	[tilespmem:s0+$0x720] =	vst v29;
	v29 =	vadd.f32 v33, v21;
	v21 =	vld [tilespmem:s0+$0xB30]  }
.LBB2_8:
0x35f: {  	p0 =	sne.s32 s1, $0x1F;
	[tilespmem:s0+$0x730] =	vst v28;
	v11 =	vadd.f32 v11, v27;
	v20 =	vadd.f32 v20, v25;
	v25 =	vld [tilespmem:s0+$0xB40]  }
0x360: {  	[tilespmem:s0+$0x740] =	vst v29;
	v10 =	vadd.f32 v10, v26;
	v19 =	vadd.f32 v19, v24;
	v24 =	vld [tilespmem:s0+$0xB50]  }
0x361: {  	s11 =	sshrl.u32 s1, $0x3;
	[tilespmem:s0+$0x750] =	vst v11;
	v9 =	vadd.f32 v9, v20;
	v11 =	vadd.f32 v18, v23;
	v18 =	vld [tilespmem:s0+$0xB60]  }
0x362: {  	s26 =	sadd.s32 $0x80, s26;
	s11 =	smul.u32 $0xC00, s11;
	[tilespmem:s0+$0x760] =	vst v10;
	v8 =	vadd.f32 v8, v19;
	v10 =	vadd.f32 v17, v22;
	v17 =	vld [tilespmem:s0+$0xB70]  }
0x363: {  	s12 =	sand.u32 $0x380, s26;
	[tilespmem:s0+$0x770] =	vst v9;
	v7 =	vadd.f32 v7, v11;
	v9 =	vadd.f32 v16, v21;
	v11 =	vld [tilespmem:s0+$0x6B60]  }
0x364: {  	s11 =	sor.u32 s12, s11;
	[tilespmem:s0+$0xB00] =	vst v8;
	v6 =	vadd.f32 v6, v10;
	v8 =	vadd.f32 v15, v25;
	v10 =	vld [tilespmem:s0+$0x6B70]  }
0x365: {  	v26 =	vld [tilespmem:s11+$0x6300];
	[tilespmem:s0+$0xB10] =	vst v7;
	v5 =	vadd.f32 v5, v9;
	v7 =	vadd.f32 v14, v24  }
0x366: {  	v27 =	vld [tilespmem:s11+$0x6310];
	[tilespmem:s0+$0xB20] =	vst v6;
	v4 =	vadd.f32 v4, v8;
	v6 =	vadd.f32 v13, v18  }
0x367: {  	v28 =	vld [tilespmem:s11+$0x6320];
	[tilespmem:s0+$0xB30] =	vst v5;
	v3 =	vadd.f32 v3, v7;
	v5 =	vadd.f32 v12, v17  }
0x368: {  	v29 =	vld [tilespmem:s11+$0x6330];
	[tilespmem:s0+$0xB40] =	vst v4;
	v4 =	vadd.f32 v11, v6  }
0x369: {  	v30 =	vld [tilespmem:s11+$0x6340];
	[tilespmem:s0+$0xB50] =	vst v3;
	v3 =	vadd.f32 v10, v5  }
0x36a: {  	v31 =	vld [tilespmem:s11+$0x6350];
	[tilespmem:s0+$0xB60] =	vst v4  }
0x36b: {  	v32 =	vld [tilespmem:s11+$0x6360];
	[tilespmem:s0+$0xB70] =	vst v3;
	s0 =	smov.u32 s11  }
0x36c: {  	v33 =	vld [tilespmem:s0+$0x6370]  }
0x36d: {  	v25 =	vld [tilespmem:s0+$0x6700]  }
0x36e: {  	v24 =	vld [tilespmem:s0+$0x6710]  }
0x36f: {  	v23 =	vld [tilespmem:s0+$0x6720]  }
0x370: {  	v22 =	vld [tilespmem:s0+$0x6730]  }
0x371: {  	v21 =	vld [tilespmem:s0+$0x6740]  }
0x372: {  	v11 =	vld [tilespmem:s0+$0x6750]  }
0x373: {  	v10 =	vld [tilespmem:s0+$0x6760]  }
0x374: {  	v9 =	vld [tilespmem:s0+$0x6770]  }
0x375: {  	v8 =	vld [tilespmem:s0+$0x6B00]  }
0x376: {  	v7 =	vld [tilespmem:s0+$0x6B10]  }
0x377: {  	v6 =	vld [tilespmem:s0+$0x6B20]  }
0x378: {  	v5 =	vld [tilespmem:s0+$0x6B30]  }
0x379: {  	v4 =	vld [tilespmem:s0+$0x6B40]  }
0x37a: {  	v3 =	vld [tilespmem:s0+$0x6B50]  }
0x37b: {  	v34 =	vld [tilespmem:s0+$0x3300]  }
0x37c: {  	v35 =	vld [tilespmem:s0+$0x3310]  }
0x37d: {  	v36 =	vld [tilespmem:s0+$0x3320]  }
0x37e: {  	v37 =	vld [tilespmem:s0+$0x3330]  }
0x37f: {  	v38 =	vld [tilespmem:s0+$0x3340]  }
0x380: {  	v39 =	vld [tilespmem:s0+$0x3350]  }
0x381: {  	v40 =	vld [tilespmem:s0+$0x3360]  }
0x382: {  	v41 =	vld [tilespmem:s0+$0x3370]  }
0x383: {  	v42 =	vld [tilespmem:s0+$0x3700]  }
0x384: {  	v43 =	vld [tilespmem:s0+$0x3710]  }
0x385: {  	v44 =	vld [tilespmem:s0+$0x3720]  }
0x386: {  	v45 =	vld [tilespmem:s0+$0x3730]  }
0x387: {  	v46 =	vld [tilespmem:s0+$0x3740]  }
0x388: {  	v47 =	vld [tilespmem:s0+$0x3750]  }
0x389: {  	v48 =	vld [tilespmem:s0+$0x3760]  }
0x38a: {  	v20 =	vld [tilespmem:s0+$0x3770]  }
0x38b: {  	v19 =	vld [tilespmem:s0+$0x3B00]  }
0x38c: {  	v18 =	vld [tilespmem:s0+$0x3B10]  }
0x38d: {  	v17 =	vld [tilespmem:s0+$0x3B20]  }
0x38e: {  	v16 =	vld [tilespmem:s0+$0x3B30]  }
0x38f: {  	v15 =	vld [tilespmem:s0+$0x3B40]  }
0x390: {  	v14 =	vld [tilespmem:s0+$0x3B50]  }
0x391: {  	v13 =	vld [tilespmem:s0+$0x3B60]  }
0x392: {  	v12 =	vld [tilespmem:s0+$0x3B70]  }
0x393: {  	v49 =	vld [tilespmem:s0+$0x300]  }
0x394: {  	v50 =	vld [tilespmem:s0+$0x310]  }
0x395: {  	v51 =	vld [tilespmem:s0+$0x320]  }
0x396: {  	v52 =	vld [tilespmem:s0+$0x330]  }
0x397: {  	v53 =	vld [tilespmem:s0+$0x340]  }
0x398: {  	v34 =	vadd.f32 v34, v49;
	v49 =	vld [tilespmem:s0+$0x350]  }
0x399: {  	v35 =	vadd.f32 v35, v50;
	v50 =	vld [tilespmem:s0+$0x360]  }
0x39a: {  	v26 =	vadd.f32 v26, v34;
	v34 =	vadd.f32 v36, v51;
	v36 =	vld [tilespmem:s0+$0x370]  }
0x39b: {  	v27 =	vadd.f32 v27, v35;
	v35 =	vadd.f32 v37, v52;
	v37 =	vld [tilespmem:s0+$0x700]  }
0x39c: {  	[tilespmem:s0+$0x300] =	vst v26;
	v26 =	vadd.f32 v28, v34;
	v28 =	vadd.f32 v38, v53;
	v34 =	vld [tilespmem:s0+$0x710]  }
0x39d: {  	[tilespmem:s0+$0x310] =	vst v27;
	v27 =	vadd.f32 v29, v35;
	v29 =	vadd.f32 v39, v49;
	v35 =	vld [tilespmem:s0+$0x720]  }
0x39e: {  	[tilespmem:s0+$0x320] =	vst v26;
	v26 =	vadd.f32 v30, v28;
	v28 =	vadd.f32 v40, v50;
	v30 =	vld [tilespmem:s0+$0x730]  }
0x39f: {  	[tilespmem:s0+$0x330] =	vst v27;
	v27 =	vadd.f32 v31, v29;
	v29 =	vadd.f32 v41, v36;
	v31 =	vld [tilespmem:s0+$0x740]  }
0x3a0: {  	[tilespmem:s0+$0x340] =	vst v26;
	v26 =	vadd.f32 v32, v28;
	v28 =	vadd.f32 v42, v37;
	v32 =	vld [tilespmem:s0+$0x750]  }
0x3a1: {  	[tilespmem:s0+$0x350] =	vst v27;
	v27 =	vadd.f32 v33, v29;
	v29 =	vadd.f32 v43, v34;
	v33 =	vld [tilespmem:s0+$0x760]  }
.Ltmp3:
0x3a2: {  	[tilespmem:s0+$0x360] =	vst v26;
	v26 =	vadd.f32 v25, v28;
	v28 =	vadd.f32 v44, v35;
	v25 =	vld [tilespmem:s0+$0x770];
	(pc) =	sbr.rel @p0 .LBB2_8-.Ltmp3, $4  }
0x3a3: {  	[tilespmem:s0+$0x370] =	vst v27;
	v27 =	vadd.f32 v24, v29;
	v29 =	vadd.f32 v45, v30;
	v24 =	vld [tilespmem:s0+$0xB00]  }
0x3a4: {  	[tilespmem:s0+$0x700] =	vst v26;
	v26 =	vadd.f32 v23, v28;
	v30 =	vadd.f32 v46, v31;
	v23 =	vld [tilespmem:s0+$0xB10]  }
0x3a5: {  	[tilespmem:s0+$0x710] =	vst v27;
	v28 =	vadd.f32 v22, v29;
	v27 =	vadd.f32 v47, v32;
	v22 =	vld [tilespmem:s0+$0xB20]  }
0x3a6: {  	s1 =	sadd.s32 $0x1, s1;
	[tilespmem:s0+$0x720] =	vst v26;
	v29 =	vadd.f32 v21, v30;
	v26 =	vadd.f32 v48, v33;
	v21 =	vld [tilespmem:s0+$0xB30]  }
0x3a7: {  	v11 =	vadd.f32 v11, v27;
	v20 =	vadd.f32 v20, v25  }
0x3a8: {  	[tilespmem:s0+$0x730] =	vst v28;
	v28 =	vld [tilespmem:s0+$0xB40];
	v10 =	vadd.f32 v10, v26  }
0x3a9: {  	v27 =	vld [tilespmem:s0+$0xB50];
	v19 =	vadd.f32 v19, v24;
	[tilespmem:s0+$0x750] =	vst v11;
	v9 =	vadd.f32 v9, v20  }
0x3aa: {  	v11 =	vld [tilespmem:s0+$0xB60];
	v18 =	vadd.f32 v18, v23;
	[tilespmem:s0+$0x760] =	vst v10  }
0x3ab: {  	v10 =	vld [tilespmem:s0+$0xB70];
	v8 =	vadd.f32 v8, v19;
	[tilespmem:s0+$0x770] =	vst v9;
	v9 =	vadd.f32 v17, v22  }
0x3ac: {  	[tilespmem:s0+$0x740] =	vst v29;
	v17 =	vld [tilespmem:s0+$0x6B60];
	v7 =	vadd.f32 v7, v18;
	v16 =	vadd.f32 v16, v21  }
0x3ad: {  	[tilespmem:s0+$0xB00] =	vst v8;
	v8 =	vadd.f32 v15, v28;
	v6 =	vadd.f32 v6, v9;
	v9 =	vld [tilespmem:s0+$0x6B70]  }
0x3ae: {  	[tilespmem:s0+$0xB10] =	vst v7;
	v5 =	vadd.f32 v5, v16;
	v7 =	vadd.f32 v14, v27  }
0x3af: {  	v4 =	vadd.f32 v4, v8;
	[tilespmem:s0+$0xB20] =	vst v6;
	v6 =	vadd.f32 v13, v11  }
0x3b0: {  	[tilespmem:s0+$0xB30] =	vst v5;
	v3 =	vadd.f32 v3, v7;
	v5 =	vadd.f32 v12, v10  }
0x3b1: {  	[tilespmem:s0+$0xB40] =	vst v4;
	v4 =	vadd.f32 v17, v6  }
0x3b2: {  	[tilespmem:s0+$0xB50] =	vst v3;
	v3 =	vadd.f32 v9, v5  }
0x3b3: {  	[tilespmem:s0+$0xB60] =	vst v4  }
0x3b4: {  	s26 =	simm.s32 $0x0;
	s30 =	rddreg [dreg:$0x8];
	[tilespmem:s0+$0xB70] =	vst v3  }
0x3b5: {  	[hbm4b:s30+s26] =	stream.linear.scatter [tilespmem:s29], [sflag:$0x7], $0x3000, $0x38;
	[tilespmem:$0x12300] =	vst v63  }
0x3b6: {  	_ =	swait.ge [sflag:s25], $0x3000  }
0x3b7: {  	[sflag:s25] =	ssyncset.done $0x0  }
0x3b8: {  	[sflag:s25] =	ssyncadd.s32 $0xFFFFD000  }
0x3b9: {  	_ =	swait.ge [sflag:s21], $0x3000  }
0x3ba: {  	[sflag:s21] =	ssyncset.done $0x0  }
0x3bb: {  	[sflag:s21] =	ssyncadd.s32 $0xFFFFD000  }
0x3bc: {  	_ =	swait.ge [sflag:s22], $0x3000  }
0x3bd: {  	[sflag:s22] =	ssyncset.done $0x0  }
0x3be: {  	s31 =	simm.s32 $0x0;
	[sflag:s22] =	ssyncadd.s32 $0xFFFFD000  }
0x3bf: {  	s0 =	smul.u32 $0xC00, s31;
	_ =	swait.ge [sflag:s24], $0x3000  }
0x3c0: {  	s1 =	sand.u32 $0x380, s26;
	[sflag:s24] =	ssyncset.done $0x0  }
0x3c1: {  	s0 =	sor.u32 s1, s0;
	[sflag:s24] =	ssyncadd.s32 $0xFFFFD000  }
0x3c2: {  	v21 =	vld [tilespmem:s0+$0xF300]  }
0x3c3: {  	v22 =	vld [tilespmem:s0+$0xF310]  }
0x3c4: {  	v23 =	vld [tilespmem:s0+$0xF320]  }
0x3c5: {  	v24 =	vld [tilespmem:s0+$0xF330]  }
0x3c6: {  	v25 =	vld [tilespmem:s0+$0xF340]  }
0x3c7: {  	v26 =	vld [tilespmem:s0+$0xF350]  }
0x3c8: {  	v27 =	vld [tilespmem:s0+$0xF360]  }
0x3c9: {  	v28 =	vld [tilespmem:s0+$0xF370]  }
0x3ca: {  	v29 =	vld [tilespmem:s0+$0xF700]  }
0x3cb: {  	v30 =	vld [tilespmem:s0+$0xF710]  }
0x3cc: {  	v31 =	vld [tilespmem:s0+$0xF720]  }
0x3cd: {  	v32 =	vld [tilespmem:s0+$0xF730]  }
0x3ce: {  	v33 =	vld [tilespmem:s0+$0xF740]  }
0x3cf: {  	v11 =	vld [tilespmem:s0+$0xF750]  }
0x3d0: {  	v10 =	vld [tilespmem:s0+$0xF760]  }
0x3d1: {  	v9 =	vld [tilespmem:s0+$0xF770]  }
0x3d2: {  	v8 =	vld [tilespmem:s0+$0xFB00]  }
0x3d3: {  	v7 =	vld [tilespmem:s0+$0xFB10]  }
0x3d4: {  	v6 =	vld [tilespmem:s0+$0xFB20]  }
0x3d5: {  	v5 =	vld [tilespmem:s0+$0xFB30]  }
0x3d6: {  	v4 =	vld [tilespmem:s0+$0xFB40]  }
0x3d7: {  	v3 =	vld [tilespmem:s0+$0xFB50]  }
0x3d8: {  	v34 =	vld [tilespmem:s0+$0xC300]  }
0x3d9: {  	v35 =	vld [tilespmem:s0+$0xC310]  }
0x3da: {  	v36 =	vld [tilespmem:s0+$0xC320]  }
0x3db: {  	v37 =	vld [tilespmem:s0+$0xC330]  }
0x3dc: {  	v38 =	vld [tilespmem:s0+$0xC340]  }
0x3dd: {  	v39 =	vld [tilespmem:s0+$0xC350]  }
0x3de: {  	v40 =	vld [tilespmem:s0+$0xC360]  }
0x3df: {  	v41 =	vld [tilespmem:s0+$0xC370]  }
0x3e0: {  	v42 =	vld [tilespmem:s0+$0xC700]  }
0x3e1: {  	v43 =	vld [tilespmem:s0+$0xC710]  }
0x3e2: {  	v44 =	vld [tilespmem:s0+$0xC720]  }
0x3e3: {  	v45 =	vld [tilespmem:s0+$0xC730]  }
0x3e4: {  	v46 =	vld [tilespmem:s0+$0xC740]  }
0x3e5: {  	v47 =	vld [tilespmem:s0+$0xC750]  }
0x3e6: {  	v48 =	vld [tilespmem:s0+$0xC760]  }
0x3e7: {  	v20 =	vld [tilespmem:s0+$0xC770]  }
0x3e8: {  	v19 =	vld [tilespmem:s0+$0xCB00]  }
0x3e9: {  	v18 =	vld [tilespmem:s0+$0xCB10]  }
0x3ea: {  	v17 =	vld [tilespmem:s0+$0xCB20]  }
0x3eb: {  	v16 =	vld [tilespmem:s0+$0xCB30]  }
0x3ec: {  	v15 =	vld [tilespmem:s0+$0xCB40]  }
0x3ed: {  	v49 =	vld [tilespmem:s0+$0x9300]  }
0x3ee: {  	v14 =	vld [tilespmem:s0+$0xCB50]  }
0x3ef: {  	v51 =	vld [tilespmem:s0+$0x9320]  }
0x3f0: {  	v50 =	vld [tilespmem:s0+$0x9310]  }
0x3f1: {  	v56 =	vld [tilespmem:s0+$0x9330]  }
0x3f2: {  	v52 =	vld [tilespmem:s0+$0x9340]  }
0x3f3: {  	v58 =	vld [tilespmem:s0+$0x9350];
	v34 =	vadd.f32 v34, v49  }
0x3f4: {  	v13 =	vld [tilespmem:s0+$0xCB60];
	v36 =	vadd.f32 v36, v51  }
0x3f5: {  	v59 =	vld [tilespmem:s0+$0x9360];
	v35 =	vadd.f32 v35, v50;
	v21 =	vadd.f32 v21, v34  }
0x3f6: {  	v60 =	vld [tilespmem:s0+$0x9370];
	v37 =	vadd.f32 v37, v56;
	v23 =	vadd.f32 v23, v36  }
0x3f7: {  	v57 =	vld [tilespmem:s0+$0x9700];
	v38 =	vadd.f32 v38, v52;
	v22 =	vadd.f32 v22, v35;
	[tilespmem:s0+$0x9300] =	vst v21  }
0x3f8: {  	v24 =	vadd.f32 v24, v37;
	v21 =	vld [tilespmem:s0+$0x9710];
	[tilespmem:s0+$0x9320] =	vst v23;
	v23 =	vadd.f32 v39, v58  }
0x3f9: {  	v12 =	vld [tilespmem:s0+$0xCB70];
	v25 =	vadd.f32 v25, v38;
	[tilespmem:s0+$0x9310] =	vst v22  }
0x3fa: {  	v22 =	vld [tilespmem:s0+$0x9720];
	[tilespmem:s0+$0x9330] =	vst v24;
	v24 =	vadd.f32 v40, v59;
	v23 =	vadd.f32 v26, v23  }
0x3fb: {  	v61 =	vld [tilespmem:s0+$0x9730];
	[tilespmem:s0+$0x9340] =	vst v25;
	v25 =	vadd.f32 v41, v60  }
0x3fc: {  	v62 =	vld [tilespmem:s0+$0x9740];
	v24 =	vadd.f32 v27, v24;
	[tilespmem:s0+$0x9350] =	vst v23;
	v23 =	vadd.f32 v42, v57  }
0x3fd: {  	v26 =	vld [tilespmem:s0+$0x9750];
	v27 =	vadd.f32 v28, v25;
	v21 =	vadd.f32 v43, v21  }
0x3fe: {  	v63 =	vld [tilespmem:s0+$0x9760];
	[tilespmem:s0+$0x9360] =	vst v24;
	v23 =	vadd.f32 v29, v23  }
0x3ff: {  	v25 =	vld [tilespmem:s0+$0x9770];
	[tilespmem:s0+$0x9370] =	vst v27;
	v22 =	vadd.f32 v44, v22;
	v21 =	vadd.f32 v30, v21  }
0x400: {  	v24 =	vld [tilespmem:s0+$0x9B00];
	v27 =	vadd.f32 v45, v61;
	[tilespmem:s0+$0x9700] =	vst v23  }
0x401: {  	v29 =	vadd.f32 v31, v22;
	v23 =	vld [tilespmem:s0+$0x9B10];
	[tilespmem:s0+$0x9710] =	vst v21;
	v21 =	vadd.f32 v46, v62  }
0x402: {  	v28 =	vadd.f32 v32, v27;
	v22 =	vld [tilespmem:s0+$0x9B20];
	v27 =	vadd.f32 v47, v26  }
0x403: {  	s1 =	simm.s32 $0x1;
	v26 =	vadd.f32 v48, v63;
	[tilespmem:s0+$0x9720] =	vst v29;
	v29 =	vadd.f32 v33, v21;
	v21 =	vld [tilespmem:s0+$0x9B30]  }
.LBB2_10:
0x404: {  	p0 =	sne.s32 s1, $0x1F;
	[tilespmem:s0+$0x9730] =	vst v28;
	v11 =	vadd.f32 v11, v27;
	v20 =	vadd.f32 v20, v25;
	v25 =	vld [tilespmem:s0+$0x9B40]  }
0x405: {  	[tilespmem:s0+$0x9740] =	vst v29;
	v10 =	vadd.f32 v10, v26;
	v19 =	vadd.f32 v19, v24;
	v24 =	vld [tilespmem:s0+$0x9B50]  }
0x406: {  	s11 =	sshrl.u32 s1, $0x3;
	[tilespmem:s0+$0x9750] =	vst v11;
	v9 =	vadd.f32 v9, v20;
	v11 =	vadd.f32 v18, v23;
	v18 =	vld [tilespmem:s0+$0x9B60]  }
0x407: {  	s26 =	sadd.s32 $0x80, s26;
	s11 =	smul.u32 $0xC00, s11;
	[tilespmem:s0+$0x9760] =	vst v10;
	v8 =	vadd.f32 v8, v19;
	v10 =	vadd.f32 v17, v22;
	v17 =	vld [tilespmem:s0+$0x9B70]  }
0x408: {  	s12 =	sand.u32 $0x380, s26;
	[tilespmem:s0+$0x9770] =	vst v9;
	v7 =	vadd.f32 v7, v11;
	v9 =	vadd.f32 v16, v21;
	v11 =	vld [tilespmem:s0+$0xFB60]  }
0x409: {  	s11 =	sor.u32 s12, s11;
	[tilespmem:s0+$0x9B00] =	vst v8;
	v6 =	vadd.f32 v6, v10;
	v8 =	vadd.f32 v15, v25;
	v10 =	vld [tilespmem:s0+$0xFB70]  }
0x40a: {  	v26 =	vld [tilespmem:s11+$0xF300];
	[tilespmem:s0+$0x9B10] =	vst v7;
	v5 =	vadd.f32 v5, v9;
	v7 =	vadd.f32 v14, v24  }
0x40b: {  	v27 =	vld [tilespmem:s11+$0xF310];
	[tilespmem:s0+$0x9B20] =	vst v6;
	v4 =	vadd.f32 v4, v8;
	v6 =	vadd.f32 v13, v18  }
0x40c: {  	v28 =	vld [tilespmem:s11+$0xF320];
	[tilespmem:s0+$0x9B30] =	vst v5;
	v3 =	vadd.f32 v3, v7;
	v5 =	vadd.f32 v12, v17  }
0x40d: {  	v29 =	vld [tilespmem:s11+$0xF330];
	[tilespmem:s0+$0x9B40] =	vst v4;
	v4 =	vadd.f32 v11, v6  }
0x40e: {  	v30 =	vld [tilespmem:s11+$0xF340];
	[tilespmem:s0+$0x9B50] =	vst v3;
	v3 =	vadd.f32 v10, v5  }
0x40f: {  	v31 =	vld [tilespmem:s11+$0xF350];
	[tilespmem:s0+$0x9B60] =	vst v4  }
0x410: {  	v32 =	vld [tilespmem:s11+$0xF360];
	[tilespmem:s0+$0x9B70] =	vst v3;
	s0 =	smov.u32 s11  }
0x411: {  	v33 =	vld [tilespmem:s0+$0xF370]  }
0x412: {  	v25 =	vld [tilespmem:s0+$0xF700]  }
0x413: {  	v24 =	vld [tilespmem:s0+$0xF710]  }
0x414: {  	v23 =	vld [tilespmem:s0+$0xF720]  }
0x415: {  	v22 =	vld [tilespmem:s0+$0xF730]  }
0x416: {  	v21 =	vld [tilespmem:s0+$0xF740]  }
0x417: {  	v11 =	vld [tilespmem:s0+$0xF750]  }
0x418: {  	v10 =	vld [tilespmem:s0+$0xF760]  }
0x419: {  	v9 =	vld [tilespmem:s0+$0xF770]  }
0x41a: {  	v8 =	vld [tilespmem:s0+$0xFB00]  }
0x41b: {  	v7 =	vld [tilespmem:s0+$0xFB10]  }
0x41c: {  	v6 =	vld [tilespmem:s0+$0xFB20]  }
0x41d: {  	v5 =	vld [tilespmem:s0+$0xFB30]  }
0x41e: {  	v4 =	vld [tilespmem:s0+$0xFB40]  }
0x41f: {  	v3 =	vld [tilespmem:s0+$0xFB50]  }
0x420: {  	v34 =	vld [tilespmem:s0+$0xC300]  }
0x421: {  	v35 =	vld [tilespmem:s0+$0xC310]  }
0x422: {  	v36 =	vld [tilespmem:s0+$0xC320]  }
0x423: {  	v37 =	vld [tilespmem:s0+$0xC330]  }
0x424: {  	v38 =	vld [tilespmem:s0+$0xC340]  }
0x425: {  	v39 =	vld [tilespmem:s0+$0xC350]  }
0x426: {  	v40 =	vld [tilespmem:s0+$0xC360]  }
0x427: {  	v41 =	vld [tilespmem:s0+$0xC370]  }
0x428: {  	v42 =	vld [tilespmem:s0+$0xC700]  }
0x429: {  	v43 =	vld [tilespmem:s0+$0xC710]  }
0x42a: {  	v44 =	vld [tilespmem:s0+$0xC720]  }
0x42b: {  	v45 =	vld [tilespmem:s0+$0xC730]  }
0x42c: {  	v46 =	vld [tilespmem:s0+$0xC740]  }
0x42d: {  	v47 =	vld [tilespmem:s0+$0xC750]  }
0x42e: {  	v48 =	vld [tilespmem:s0+$0xC760]  }
0x42f: {  	v20 =	vld [tilespmem:s0+$0xC770]  }
0x430: {  	v19 =	vld [tilespmem:s0+$0xCB00]  }
0x431: {  	v18 =	vld [tilespmem:s0+$0xCB10]  }
0x432: {  	v17 =	vld [tilespmem:s0+$0xCB20]  }
0x433: {  	v16 =	vld [tilespmem:s0+$0xCB30]  }
0x434: {  	v15 =	vld [tilespmem:s0+$0xCB40]  }
0x435: {  	v14 =	vld [tilespmem:s0+$0xCB50]  }
0x436: {  	v13 =	vld [tilespmem:s0+$0xCB60]  }
0x437: {  	v12 =	vld [tilespmem:s0+$0xCB70]  }
0x438: {  	v49 =	vld [tilespmem:s0+$0x9300]  }
0x439: {  	v50 =	vld [tilespmem:s0+$0x9310]  }
0x43a: {  	v51 =	vld [tilespmem:s0+$0x9320]  }
0x43b: {  	v52 =	vld [tilespmem:s0+$0x9330]  }
0x43c: {  	v53 =	vld [tilespmem:s0+$0x9340]  }
0x43d: {  	v34 =	vadd.f32 v34, v49;
	v49 =	vld [tilespmem:s0+$0x9350]  }
0x43e: {  	v35 =	vadd.f32 v35, v50;
	v50 =	vld [tilespmem:s0+$0x9360]  }
0x43f: {  	v26 =	vadd.f32 v26, v34;
	v34 =	vadd.f32 v36, v51;
	v36 =	vld [tilespmem:s0+$0x9370]  }
0x440: {  	v27 =	vadd.f32 v27, v35;
	v35 =	vadd.f32 v37, v52;
	v37 =	vld [tilespmem:s0+$0x9700]  }
0x441: {  	[tilespmem:s0+$0x9300] =	vst v26;
	v26 =	vadd.f32 v28, v34;
	v28 =	vadd.f32 v38, v53;
	v34 =	vld [tilespmem:s0+$0x9710]  }
0x442: {  	[tilespmem:s0+$0x9310] =	vst v27;
	v27 =	vadd.f32 v29, v35;
	v29 =	vadd.f32 v39, v49;
	v35 =	vld [tilespmem:s0+$0x9720]  }
0x443: {  	[tilespmem:s0+$0x9320] =	vst v26;
	v26 =	vadd.f32 v30, v28;
	v28 =	vadd.f32 v40, v50;
	v30 =	vld [tilespmem:s0+$0x9730]  }
0x444: {  	[tilespmem:s0+$0x9330] =	vst v27;
	v27 =	vadd.f32 v31, v29;
	v29 =	vadd.f32 v41, v36;
	v31 =	vld [tilespmem:s0+$0x9740]  }
0x445: {  	[tilespmem:s0+$0x9340] =	vst v26;
	v26 =	vadd.f32 v32, v28;
	v28 =	vadd.f32 v42, v37;
	v32 =	vld [tilespmem:s0+$0x9750]  }
0x446: {  	[tilespmem:s0+$0x9350] =	vst v27;
	v27 =	vadd.f32 v33, v29;
	v29 =	vadd.f32 v43, v34;
	v33 =	vld [tilespmem:s0+$0x9760]  }
.Ltmp4:
0x447: {  	[tilespmem:s0+$0x9360] =	vst v26;
	v26 =	vadd.f32 v25, v28;
	v28 =	vadd.f32 v44, v35;
	v25 =	vld [tilespmem:s0+$0x9770];
	(pc) =	sbr.rel @p0 .LBB2_10-.Ltmp4, $4  }
0x448: {  	[tilespmem:s0+$0x9370] =	vst v27;
	v27 =	vadd.f32 v24, v29;
	v29 =	vadd.f32 v45, v30;
	v24 =	vld [tilespmem:s0+$0x9B00]  }
0x449: {  	[tilespmem:s0+$0x9700] =	vst v26;
	v26 =	vadd.f32 v23, v28;
	v30 =	vadd.f32 v46, v31;
	v23 =	vld [tilespmem:s0+$0x9B10]  }
0x44a: {  	[tilespmem:s0+$0x9710] =	vst v27;
	v28 =	vadd.f32 v22, v29;
	v27 =	vadd.f32 v47, v32;
	v22 =	vld [tilespmem:s0+$0x9B20]  }
0x44b: {  	s1 =	sadd.s32 $0x1, s1;
	[tilespmem:s0+$0x9720] =	vst v26;
	v29 =	vadd.f32 v21, v30;
	v26 =	vadd.f32 v48, v33;
	v21 =	vld [tilespmem:s0+$0x9B30]  }
0x44c: {  	[tilespmem:s0+$0x9730] =	vst v28;
	v52 =	vld [tilespmem:s0+$0x9B40];
	v11 =	vadd.f32 v11, v27;
	v20 =	vadd.f32 v20, v25  }
0x44d: {  	v53 =	vld [tilespmem:s0+$0x9B50];
	[tilespmem:s0+$0x9740] =	vst v29;
	v10 =	vadd.f32 v10, v26;
	v19 =	vadd.f32 v19, v24  }
0x44e: {  	v54 =	vld [tilespmem:s0+$0x9B60];
	[tilespmem:s0+$0x9750] =	vst v11;
	v9 =	vadd.f32 v9, v20;
	v18 =	vadd.f32 v18, v23  }
0x44f: {  	v55 =	vld [tilespmem:s0+$0x9B70];
	[tilespmem:s0+$0x9760] =	vst v10;
	v8 =	vadd.f32 v8, v19;
	v56 =	vadd.f32 v17, v22  }
0x450: {  	v57 =	vld [tilespmem:s0+$0xFB60];
	[tilespmem:s0+$0x9770] =	vst v9;
	v7 =	vadd.f32 v7, v18;
	v16 =	vadd.f32 v16, v21  }
0x451: {  	v59 =	vld [tilespmem:s0+$0xFB70];
	[tilespmem:s0+$0x9B00] =	vst v8;
	v6 =	vadd.f32 v6, v56;
	v58 =	vadd.f32 v15, v52  }
0x452: {  	v60 =	vadd.f32 v14, v53;
	[tilespmem:s0+$0x9B10] =	vst v7;
	v5 =	vadd.f32 v5, v16  }
0x453: {  	v61 =	vadd.f32 v13, v54;
	[tilespmem:s0+$0x9B20] =	vst v6;
	v4 =	vadd.f32 v4, v58  }
0x454: {  	v62 =	vadd.f32 v12, v55;
	v3 =	vadd.f32 v3, v60;
	[tilespmem:s0+$0x9B30] =	vst v5  }
0x455: {  	v63 =	vadd.f32 v57, v61;
	[tilespmem:s0+$0x9B40] =	vst v4  }
0x456: {  	[tilespmem:s0+$0x9B50] =	vst v3;
	v3 =	vadd.f32 v59, v62  }
0x457: {  	[tilespmem:s0+$0x9B60] =	vst v63  }
0x458: {  	s30 =	rddreg [dreg:$0x9];
	[tilespmem:s0+$0x9B70] =	vst v3  }
0x459: {  	[hbm4b:s30+s2] =	stream.linear.scatter [tilespmem:s23], [sflag:$0x7], $0x3000, $0x38;
	[tilespmem:$0x12300] =	vst v63  }
0x45a: {  	_ =	swait.ge [sflag:s25], $0x3000  }
0x45b: {  	s1 =	rddreg [dreg:$0xb]  }
0x45c: {  	s31 =	rddreg [dreg:$0xa];
	s1 =	sadd.s32 $0x1, s1  }
0x45d: {  	p0 =	sne.s32 s1, s31  }
.Ltmp5:
0x45e: {  	_ = 	snop;
	(pc) =	sbr.rel @p0 .LBB2_1-.Ltmp5, $3  }
0x45f: {  	_ =	sdelay $0x1  }
0x460: {  	[sflag:s25] =	ssyncset.done $0x0  }
0x461: {  	[sflag:s25] =	ssyncadd.s32 $0xFFFFD000  }
0x462: {  	_ =	sfence.sel $0x180000  }
0x463: {  	[bflag:$0x0] =	sbarrier.arrive $0xFFFF  }
0x464: {  	_ =	strace $0x9000004D  }
0x465: {  	s0 =	stileid.u32;
	[bflag:$0x2] =	sbarrier.arrive $0xFFFF  }
0x466: {  	p0 =	sne.s32 s0, $0x0;
	s0 =	rddreg [dreg:$0x1]  }
0x467: {  	s0 =	sadd.s32 @!p0 $0x100000, s0  }
0x468: {  	[sflag:s0] =	ssyncadd.tile.s32 @!p0 $0x1;
	_ =	shalt  }
.Lfunc_end2:
_tile_overlayer_lowered:
.L_overlay_start_2:
0x469: {  	(tag) =	ssettag $0x2  }
0x46a: {  	s0 =	rddreg [dreg:$0x0];
	s2 =	stileid.u32  }
0x46b: {  	s1 =	rddreg [dreg:$0x1];
	p0 =	sne.s32 s2, $0x0  }
0x46c: {  	s3 =	rddreg [dreg:$0x2];
	[bflag:$0x3] =	sbarrier.arrive $0xFFFF;
	s2 =	simm.s32 @!p0 $0x1C07  }
0x46d: {  	[timem:s3], [sflag:s2] =	dma.local @!p0 [hbm:s0], s1  }
0x46e: {  	s0 =	simm.s32 @!p0 $0x7  }
0x46f: {  	_ =	swait.ge @!p0 [sflag:s0], s1  }
0x470: {  	s1 =	ssub.s32 @!p0 $0x0, s1;
	[sflag:s0] =	ssyncset.done @!p0 $0x0  }
0x471: {  	[sflag:s0] =	ssyncadd.s32 @!p0 s1  }
0x472: {  	[bflag:$0x3] =	sbarrier.arrive $0xFFFF  }
0x473: {  	_ =	shalt  }

// kernel: kernel.9.cloned.1.call-start
scs
__scs_entry_jumppad:
0x0: {  	(pc) =	sbr.rel $0x88, $3  }
0x1: {  	(tag) =	ssettag $0x0;
	lr =	simm.s32 $0x1  }
0x2: {  	[smem:$0x3F96] =	sst lr;
	_ =	strace $0xD0000000  }
0x3: {  	_ = 	snop  }
0x4: {  	_ = 	snop  }
0x5: {  	_ = 	snop  }
0x6: {  	_ = 	snop  }
0x7: {  	_ = 	snop  }
__scs_overlays_trampoline_lowered:
0x8: {  	[smem:$0x3FA5] =	sst s0  }
0x9: {  	[smem:$0x3FA6] =	sst s1  }
0xa: {  	[smem:$0x3FA7] =	sst s2  }
0xb: {  	[smem:$0x3FA8] =	sst s3  }
0xc: {  	[smem:$0x3FA9] =	sst s4  }
0xd: {  	[smem:$0x3FAA] =	sst s5  }
0xe: {  	[smem:$0x3FAB] =	sst s6  }
0xf: {  	[smem:$0x3FAC] =	sst s7  }
0x10: {  	[smem:$0x3FAD] =	sst s8  }
0x11: {  	[smem:$0x3FAE] =	sst s9;
	s0 =	simm.s32 @!p0 $0x0  }
0x12: {  	s1 =	sld [smem:$0x3F94];
	s0 =	simm.s32 @p0 $0x1  }
0x13: {  	[smem:$0x3FAF] =	sst s0;
	s0 =	simm.s32 @!p1 $0x0  }
0x14: {  	s2 =	sld [smem:$0x3F93];
	s0 =	simm.s32 @p1 $0x1  }
0x15: {  	[smem:$0x3FB0] =	sst s0;
	s0 =	simm.s32 @!p2 $0x0  }
0x16: {  	s3 =	sld [smem:$0x3FDB];
	s0 =	simm.s32 @p2 $0x1  }
0x17: {  	s4 =	simm.s32 $0x1BF5;
	[smem:$0x3FB2] =	sst s0  }
0x18: {  	s0 =	sld [smem:$0x3F95];
	_ =	swait.ge [sflag:s4], $0x0  }
0x19: {  	s7 =	sld [smem:$0x3F96]  }
0x1a: {  	s8 =	sadd.s32 $0xFFFFE003, lr  }
0x1b: {  	s9 =	sadd.s32 $0xFFFFFEF7, lr;
	s5 =	simm.s32 $0xFFFFFFFF;
	p2 =	slt.u32 s8, $0xFFFFF086  }
0x1c: {  	p1 =	slt.u32 s9, $0xF7A;
	s5 =	simm.s32 @!p2 $0x0  }
0x1d: {  	s5 =	simm.s32 @p1 $0x1;
	p0 =	seq.s32 s7, s2  }
0x1e: {  	s7 =	smul.u32 @!p0 $0xF7A, s2;
	p2 =	seq.s32 @!p0 s5, $0x0  }
0x1f: {  	s9 =	smul.u32 $0xF7A, s1;
	s8 =	simm.s32 @!p0 $0x1BF5;
	p2 =	por !p2, p0  }
0x20: {  	[sflag:s8] =	ssyncset.s32 @!p0 $0xFFFFF086;
	s6 =	sadd.s32 @!p0 s3, s7;
	s7 =	simm.s32 @!p0 $0x108  }
0x21: {  	s3 =	sadd.s32 s3, s9;
	s6 =	sadd.s32 @!p0 $0x88, s6;
	s7 =	simm.s32 @p2 $0x1082  }
0x22: {  	[simem:s7], [sflag:s8] =	dma.local @!p0 [hbm:s6], $0xF7A  }
0x23: {  	s9 =	sor.u32 $0xD0000000, s2;
	s6 =	simm.s32 $0x108;
	_ =	swait.ge @!p0 [sflag:s8], $0x0  }
0x24: {  	s3 =	sadd.s32 $0x88, s3;
	s6 =	simm.s32 @!p1 $0x1082;
	[sflag:s4] =	ssyncset.s32 $0xFFFFF086  }
0x25: {  	[simem:s6], [sflag:s4] =	dma.local [hbm:s3], $0xF7A  }
0x26: {  	[smem:$0x3F96] =	sst s1;
	(tag) =	ssettag s2;
	_ =	strace s9  }
0x27: {  	s1 =	sld [smem:$0x3FA6]  }
0x28: {  	s2 =	sld [smem:$0x3FA7]  }
0x29: {  	s4 =	sld [smem:$0x3FA9]  }
0x2a: {  	p0 =	seq.s32 s5, $0x0;
	s5 =	sld [smem:$0x3FAA]  }
0x2b: {  	s6 =	sld [smem:$0x3FAB]  }
0x2c: {  	s7 =	sld [smem:$0x3FAC]  }
0x2d: {  	s3 =	simm.s32 $0x108;
	s8 =	sld [smem:$0x3FAD]  }
0x2e: {  	s3 =	simm.s32 @!p0 $0x1082;
	s9 =	sld [smem:$0x3FAE]  }
0x2f: {  	lr =	sadd.s32 s0, s3;
	s0 =	sld [smem:$0x3FA5]  }
0x30: {  	s3 =	sld [smem:$0x3FA8]  }
0x31: {  	[smem:$0x3FB1] =	sst s10  }
0x32: {  	s10 =	sld [smem:$0x3FAF];
	_ =	sdelay $0x3  }
0x33: {  	p0 =	seq.s32 s10, $0x1;
	s10 =	sld [smem:$0x3FB1];
	_ =	sdelay $0x3  }
0x34: {  	[smem:$0x3FB1] =	sst s10  }
0x35: {  	s10 =	sld [smem:$0x3FB0];
	_ =	sdelay $0x3  }
0x36: {  	p1 =	seq.s32 s10, $0x1;
	s10 =	sld [smem:$0x3FB1];
	_ =	sdelay $0x3  }
0x37: {  	[smem:$0x3FB1] =	sst s10  }
0x38: {  	s10 =	sld [smem:$0x3FB2]  }
0x39: {  	_ = 	snop;
	(pc) =	sbr.ind lr, $3  }
0x3a: {  	_ = 	snop  }
0x3b: {  	_ = 	snop  }
0x3c: {  	p2 =	seq.s32 s10, $0x1;
	s10 =	sld [smem:$0x3FB1]  }
0x3d: {  	_ =	shalt  }
0x3e: {  	_ =	shalt  }
0x3f: {  	_ =	shalt  }
0x40: {  	_ =	shalt  }
0x41: {  	_ =	shalt  }
0x42: {  	_ =	shalt  }
0x43: {  	_ =	shalt  }
0x44: {  	_ =	shalt  }
0x45: {  	_ =	shalt  }
0x46: {  	_ =	shalt  }
0x47: {  	_ =	shalt  }
0x48: {  	_ =	shalt  }
0x49: {  	_ =	shalt  }
0x4a: {  	_ =	shalt  }
0x4b: {  	_ =	shalt  }
0x4c: {  	_ =	shalt  }
0x4d: {  	_ =	shalt  }
0x4e: {  	_ =	shalt  }
0x4f: {  	_ =	shalt  }
0x50: {  	_ =	shalt  }
0x51: {  	_ =	shalt  }
0x52: {  	_ =	shalt  }
0x53: {  	_ =	shalt  }
0x54: {  	_ =	shalt  }
0x55: {  	_ =	shalt  }
0x56: {  	_ =	shalt  }
0x57: {  	_ =	shalt  }
0x58: {  	_ =	shalt  }
0x59: {  	_ =	shalt  }
0x5a: {  	_ =	shalt  }
0x5b: {  	_ =	shalt  }
0x5c: {  	_ =	shalt  }
0x5d: {  	_ =	shalt  }
0x5e: {  	_ =	shalt  }
0x5f: {  	_ =	shalt  }
0x60: {  	_ =	shalt  }
0x61: {  	_ =	shalt  }
0x62: {  	_ =	shalt  }
0x63: {  	_ =	shalt  }
0x64: {  	_ =	shalt  }
0x65: {  	_ =	shalt  }
0x66: {  	_ =	shalt  }
0x67: {  	_ =	shalt  }
0x68: {  	_ =	shalt  }
0x69: {  	_ =	shalt  }
0x6a: {  	_ =	shalt  }
0x6b: {  	_ =	shalt  }
0x6c: {  	_ =	shalt  }
0x6d: {  	_ =	shalt  }
0x6e: {  	_ =	shalt  }
0x6f: {  	_ =	shalt  }
0x70: {  	_ =	shalt  }
0x71: {  	_ =	shalt  }
0x72: {  	_ =	shalt  }
0x73: {  	_ =	shalt  }
0x74: {  	_ =	shalt  }
0x75: {  	_ =	shalt  }
0x76: {  	_ =	shalt  }
0x77: {  	_ =	shalt  }
0x78: {  	_ =	shalt  }
0x79: {  	_ =	shalt  }
0x7a: {  	_ =	shalt  }
0x7b: {  	_ =	shalt  }
0x7c: {  	_ =	shalt  }
0x7d: {  	_ =	shalt  }
0x7e: {  	_ =	shalt  }
0x7f: {  	_ =	shalt  }
0x80: {  	_ =	shalt  }
0x81: {  	_ =	shalt  }
0x82: {  	_ =	shalt  }
0x83: {  	_ =	shalt  }
0x84: {  	_ =	shalt  }
0x85: {  	_ =	shalt  }
0x86: {  	_ =	shalt  }
0x87: {  	_ =	shalt  }
.Lfunc_end0:
.L_simem_size_0:
called_computation_lowered:
.L_overlay_start_0:
0x88: {  	s2 =	sld [smem:$0x3FD9]  }
0x89: {  	s3 =	sld [smem:$0x3FFE];
	_ =	sdelay $0x1  }
0x8a: {  	s1 =	srdreg.scid  }
0x8b: {  	s0 =	sand.u32 $0x1, s1  }
0x8c: {  	s17 =	sshll.u32 s0, $0xA;
	s2 =	sadd.s32 s3, s2  }
0x8d: {  	s2 =	sadd.s32 s2, s17  }
0x8e: {  	[smem:$0x3FBD] =	sst s2  }
0x8f: {  	_ = 	snop  }
0x90: {  	s2 =	sld [smem:$0x3FC9];
	(tm) =	ssettm $0x1  }
0x91: {  	s18 =	sld [smem:$0x3FFB];
	_ =	sdelay $0x3  }
0x92: {  	_ =	strace s18  }
0x93: {  	s3 =	sld [smem:$0x3FFC];
	_ =	sdelay $0x3  }
0x94: {  	_ =	strace s3  }
0x95: {  	s3 =	sld [smem:$0x3FFD];
	_ =	sdelay $0x3  }
0x96: {  	_ =	strace s3  }
0x97: {  	_ =	strace $0x8FFFFFFF  }
0x98: {  	s19 =	sld [smem:$0x3FDB];
	_ =	sdelay $0x1  }
0x99: {  	s4 =	simm.s32 $_scs_section_size  }
0x9a: {  	s5 =	simm.s32 $_size__tile_overlayer_lowered;
	s6 =	simm.s32 $_tile_overlayer_lowered  }
0x9b: {  	s22 =	simm.s32 $0x1BFF;
	s21 =	sshll.u32 s6, $0x1;
	s3 =	sadd.s32 s4, s19  }
0x9c: {  	s7 =	simm.s32 $0x0;
	s20 =	sshll.u32 s5, $0x1;
	s5 =	sadd.s32 s21, s3  }
0x9d: {  	[timem:s7], [sflag:s22] =	dma.local [hbm:s5], s20  }
0x9e: {  	_ =	swait.ge [sflag:s22], s20  }
0x9f: {  	s4 =	ssub.s32 $0x0, s20;
	[sflag:s22] =	ssyncset.done $0x0  }
0xa0: {  	[sflag:s22] =	ssyncadd.s32 s4;
	_ =	sdelay $0x1  }
0xa1: {  	s23 =	simm.s32 $0x1B8B  }
0xa2: {  	_ =	swait.ge [sflag:s23], $0x1  }
0xa3: {  	[sflag:s23] =	ssyncset.done $0x0  }
0xa4: {  	s25 =	simm.s32 $0x1B8E;
	s24 =	sld [smem:$0x3FFE];
	[sflag:s23] =	ssyncadd.s32 $0xFFFFFFFF  }
0xa5: {  	s26 =	simm.s32 $execute0_lowered;
	[smem:$0x3FD2] =	sst s25  }
0xa6: {  	s5 =	sshll.u32 s26, $0x1;
	_ =	strace $0x80000046;
	[dreg:$0x1] =	wrdreg $0xFFFFFFFF  }
0xa7: {  	s28 =	simm.s32 $_size_execute0_lowered;
	s3 =	sadd.s32 s3, s5;
	[dreg:$0x0] =	wrdreg $0x0  }
0xa8: {  	s5 =	sshll.u32 s28, $0x1;
	[dreg:$0x2] =	wrdreg s3  }
0xa9: {  	[dreg:$0x3] =	wrdreg s5  }
0xaa: {  	[dreg:$0x4] =	wrdreg $0xC0  }
0xab: {  	_ =	task [dreg:s7], $0x5FFFF  }
0xac: {  	[dreg:$0x1] =	wrdreg $0xFFFFFFFF  }
0xad: {  	[dreg:$0x0] =	wrdreg $0x60  }
0xae: {  	[dreg:$0x2] =	wrdreg s2  }
0xaf: {  	[dreg:$0x3] =	wrdreg s24  }
0xb0: {  	[dreg:$0x4] =	wrdreg $0x52000  }
0xb1: {  	[dreg:$0x5] =	wrdreg $0x9  }
0xb2: {  	_ =	task.clear_ibuf [dreg:s7], $0x6FFFF;
	_ =	strace $0x90000046  }
0xb3: {  	s29 =	simm.s32 $0x9;
	_ =	strace $0x80000048  }
0xb4: {  	_ =	swait.ge [sflag:s29], $0x1  }
0xb5: {  	[sflag:s29] =	ssyncadd.s32 $0xFFFFFFFF  }
0xb6: {  	_ =	strace $0x90000048  }
0xb7: {  	_ =	sfence  }
0xb8: {  	s30 =	sld [smem:$0x0];
	_ =	sdelay $0x2  }
0xb9: {  	s31 =	sshll.u32 s1, $0xD;
	s1 =	sshrl.u32 s1, $0x2  }
0xba: {  	s3 =	sand.u32 $0x4000, s31;
	s1 =	sadd.s32 s1, s30  }
0xbb: {  	s0 =	sor.u32 s3, s0;
	s1 =	sshll.u32 s1, $0x11  }
0xbc: {  	s0 =	sor.u32 s1, s0  }
0xbd: {  	s0 =	sadd.s32 $0x8F2B, s0  }
0xbe: {  	[sflag:s0] =	ssyncadd.remote.s32 $0x1  }
0xbf: {  	_ =	sfence.sel $0xFFFF  }
0xc0: {  	[dreg:$0x0] =	wrdreg $0xFFFFFFFF;
	(pc) =	sbr.abs _section_cstart, $3  }
0xc1: {  	[dreg:$0x1] =	wrdreg $0xFFFFFFFF  }
0xc2: {  	_ =	task.clear_ibuf [dreg:s7], $0x2FFFF;
	_ =	strace $0x9FFFFFFF  }
0xc3: {  	(tm) =	ssettm $0x7FFFFFFF  }
tec
execute0_lowered:
.L_overlay_start_1:
0x0: {  	(tag) =	ssettag $0x1  }
0x1: {  	s1 =	rddreg [dreg:$0x0]  }
0x2: {  	s0 =	rddreg [dreg:$0x1]  }
0x3: {  	s2 =	rddreg [dreg:$0x2];
	s3 =	srdreg.scid;
	s4 =	simm.s32 $0x0  }
0x4: {  	s16 =	stileid.u32;
	s30 =	simm.s32 $0x200;
	s31 =	simm.s32 $0x3  }
0x5: {  	s3 =	sand.u32 $0x1, s3;
	[smem:$0x7FF] =	sst s4;
	s7 =	smul.u32 $0x14000, s16  }
0x6: {  	s8 =	sadd.s32 $0x16200, s0;
	s24 =	sshll.u32 s16, $0x1;
	s5 =	ssub.s32 $0x2, s3  }
0x7: {  	s13 =	smul.u32 $0x140000, s3;
	s6 =	sshrl.u32 s5, $0x1;
	s9 =	sor.u32 $0x2800, s7  }
0x8: {  	s10 =	sadd.s32 $0x5000, s7;
	s11 =	sadd.s32 $0x7800, s7;
	s12 =	sadd.s32 $0xA000, s7  }
0x9: {  	s20 =	sadd.s32 $0xC800, s7;
	s21 =	sadd.s32 $0xF000, s7;
	s22 =	sadd.s32 $0x11800, s7  }
0xa: {  	s5 =	ssub.s32 s5, s6;
	s6 =	sor.u32 s3, s24;
	s7 =	sadd.s32 s7, s13  }
0xb: {  	s14 =	sadd.s32 s13, s9;
	s15 =	sadd.s32 s13, s10;
	s24 =	smul.u32 $0x4E20, s16  }
0xc: {  	s17 =	sadd.s32 s13, s20;
	s23 =	sadd.s32 s13, s21;
	s3 =	smul.u32 $0x2710, s3  }
0xd: {  	s20 =	sadd.s32 s20, s2;
	s21 =	sadd.s32 s21, s2;
	s7 =	sshrl.u32 s7, $0x3  }
0xe: {  	s14 =	sshrl.u32 s14, $0x3;
	s15 =	sshrl.u32 s15, $0x3;
	s5 =	smax.u32 s5, $0x1  }
0xf: {  	s7 =	sadd.s32 s8, s7;
	s25 =	sadd.s32 s8, s14;
	s26 =	sadd.s32 s8, s15  }
0x10: {  	s14 =	sadd.s32 s13, s11;
	s15 =	sadd.s32 s13, s12;
	s13 =	sadd.s32 s13, s22  }
0x11: {  	s3 =	sadd.s32 s3, s24;
	s24 =	sadd.s32 s10, s2;
	[dreg:$0x4] =	wrdreg s7  }
0x12: {  	s22 =	sadd.s32 s22, s2;
	s10 =	simm.s32 $0x0;
	[dreg:$0x5] =	wrdreg s25  }
0x13: {  	[dreg:$0x6] =	wrdreg s26;
	s7 =	sshrl.u32 s14, $0x3;
	s14 =	sshrl.u32 s15, $0x3  }
0x14: {  	s15 =	sshrl.u32 s17, $0x3;
	s13 =	sshrl.u32 s13, $0x3;
	s7 =	sadd.s32 s8, s7  }
0x15: {  	s26 =	smul.u32 $0x50000, s16;
	s18 =	sadd.s32 s8, s14;
	[dreg:$0x7] =	wrdreg s7  }
0x16: {  	s17 =	sadd.s32 s12, s2;
	s19 =	sadd.s32 s8, s15;
	[dreg:$0x8] =	wrdreg s18  }
0x17: {  	s25 =	sadd.s32 s8, s13;
	s13 =	sadd.s32 $0xC400, s0;
	[dreg:$0x9] =	wrdreg s19  }
0x18: {  	s14 =	sadd.s32 $0x2600, s0;
	s7 =	sshrl.u32 s23, $0x3;
	[dreg:$0xb] =	wrdreg s25  }
0x19: {  	s16 =	sshrl.u32 s26, $0x2;
	s23 =	sadd.s32 s9, s2;
	s25 =	sadd.s32 s11, s2  }
0x1a: {  	s19 =	sadd.s32 $0x50, s3;
	s26 =	sadd.s32 $0xA0, s3;
	s3 =	simm.s32 $0x50  }
0x1b: {  	s9 =	simm.s32 $0x2;
	s7 =	sadd.s32 s8, s7;
	s8 =	smul.u32 $0x2710, s6  }
0x1c: {  	s15 =	sadd.s32 s16, s2;
	s6 =	simm.s32 $0x180;
	[dreg:$0xa] =	wrdreg s7  }
0x1d: {  	_ =	strace $0x80000047;
	[dreg:$0xc] =	wrdreg s17;
	s0 =	sshrl.u32 s8, $0x3  }
0x1e: {  	s7 =	simm.s32 $0x2A00;
	[dreg:$0xf] =	wrdreg s5;
	s18 =	sadd.s32 s13, s0  }
0x1f: {  	s5 =	simm.s32 $0x100;
	s0 =	sadd.s32 s14, s0;
	[dreg:$0xd] =	wrdreg s18  }
0x20: {  	s8 =	simm.s32 $0x1;
	[dreg:$0xe] =	wrdreg s0;
	s0 =	sshrl.u32 s19, $0x3  }
0x21: {  	v0 =	vimm.f32 $0.0e+00;
	s28 =	sadd.s32 s0, s14;
	s29 =	sadd.s32 s0, s13;
	s0 =	simm.s32 $0x80  }
.LBB2_1:
0x22: {  	s11 =	simm.s32 $0x0;
	s12 =	simm.s32 $0x200  }
.LBB2_2:
0x23: {  	p0 =	sne.s32 s12, $0x9E00;
	[tilespmem:s11+$0x270] =	vst v0  }
0x24: {  	[tilespmem:s11+$0x200] =	vst v0  }
0x25: {  	[tilespmem:s11+$0x210] =	vst v0  }
.Ltmp0:
0x26: {  	[tilespmem:s11+$0x220] =	vst v0;
	(pc) =	sbr.rel @p0 .LBB2_2-.Ltmp0, $4  }
0x27: {  	[tilespmem:s11+$0x230] =	vst v0  }
0x28: {  	[tilespmem:s11+$0x240] =	vst v0  }
0x29: {  	[tilespmem:s11+$0x250] =	vst v0  }
0x2a: {  	[tilespmem:s11+$0x260] =	vst v0;
	s11 =	sshra.s32 s12, $0x2;
	s12 =	sadd.s32 $0x200, s12  }
0x2b: {  	[tilespmem:s11+$0x270] =	vst v0  }
0x2c: {  	[tilespmem:s11+$0x200] =	vst v0  }
0x2d: {  	[tilespmem:s11+$0x210] =	vst v0  }
0x2e: {  	[tilespmem:s11+$0x220] =	vst v0  }
0x2f: {  	[tilespmem:s11+$0x230] =	vst v0  }
0x30: {  	[tilespmem:s11+$0x240] =	vst v0  }
0x31: {  	[tilespmem:s11+$0x250] =	vst v0  }
0x32: {  	[tilespmem:s11+$0x260] =	vst v0  }
0x33: {  	[spmem:s15] =	stream.linear.scatter [tilespmem:s30], [sflag:$0x3], $0x2800, $0x38;
	[tilespmem:$0x19200] =	vst v63  }
0x34: {  	_ =	swait.ge [sflag:s31], $0x2800  }
0x35: {  	[sflag:s31] =	ssyncset.done $0x0  }
0x36: {  	[sflag:s31] =	ssyncadd.s32 $0xFFFFD800  }
0x37: {  	[spmem:s23] =	stream.linear.scatter [tilespmem:s30], [sflag:$0x3], $0x2800, $0x38;
	[tilespmem:$0x19200] =	vst v63  }
0x38: {  	_ =	swait.ge [sflag:s31], $0x2800  }
0x39: {  	[sflag:s31] =	ssyncset.done $0x0  }
0x3a: {  	[sflag:s31] =	ssyncadd.s32 $0xFFFFD800  }
0x3b: {  	[spmem:s24] =	stream.linear.scatter [tilespmem:s30], [sflag:$0x3], $0x2800, $0x38;
	[tilespmem:$0x19200] =	vst v63  }
0x3c: {  	_ =	swait.ge [sflag:s31], $0x2800  }
0x3d: {  	[sflag:s31] =	ssyncset.done $0x0  }
0x3e: {  	[sflag:s31] =	ssyncadd.s32 $0xFFFFD800  }
0x3f: {  	[spmem:s25] =	stream.linear.scatter [tilespmem:s30], [sflag:$0x3], $0x2800, $0x38;
	[tilespmem:$0x19200] =	vst v63  }
0x40: {  	_ =	swait.ge [sflag:s31], $0x2800  }
0x41: {  	[sflag:s31] =	ssyncset.done $0x0  }
0x42: {  	s17 =	smov.u32 s23;
	s23 =	rddreg [dreg:$0xc];
	[sflag:s31] =	ssyncadd.s32 $0xFFFFD800  }
0x43: {  	[spmem:s23] =	stream.linear.scatter [tilespmem:s30], [sflag:$0x3], $0x2800, $0x38;
	[tilespmem:$0x19200] =	vst v63  }
0x44: {  	_ =	swait.ge [sflag:s31], $0x2800  }
0x45: {  	[sflag:s31] =	ssyncset.done $0x0  }
0x46: {  	[sflag:s31] =	ssyncadd.s32 $0xFFFFD800  }
0x47: {  	[spmem:s20] =	stream.linear.scatter [tilespmem:s30], [sflag:$0x3], $0x2800, $0x38;
	[tilespmem:$0x19200] =	vst v63  }
0x48: {  	_ =	swait.ge [sflag:s31], $0x2800  }
0x49: {  	[sflag:s31] =	ssyncset.done $0x0  }
0x4a: {  	[sflag:s31] =	ssyncadd.s32 $0xFFFFD800  }
0x4b: {  	[spmem:s21] =	stream.linear.scatter [tilespmem:s30], [sflag:$0x3], $0x2800, $0x38;
	[tilespmem:$0x19200] =	vst v63  }
0x4c: {  	_ =	swait.ge [sflag:s31], $0x2800  }
0x4d: {  	[sflag:s31] =	ssyncset.done $0x0  }
0x4e: {  	[sflag:s31] =	ssyncadd.s32 $0xFFFFD800  }
0x4f: {  	[spmem:s22] =	stream.linear.scatter [tilespmem:s30], [sflag:$0x3], $0x2800, $0x38;
	[tilespmem:$0x19200] =	vst v63  }
0x50: {  	_ =	swait.ge [sflag:s31], $0x2800  }
0x51: {  	[sflag:s31] =	ssyncset.done $0x0  }
0x52: {  	[sflag:s31] =	ssyncadd.s32 $0xFFFFD800  }
0x53: {  	[bflag:$0x0] =	sbarrier.arrive $0xFFFF  }
0x54: {  	s18 =	smov.u32 s24;
	s24 =	simm.s32 $0x0;
	s12 =	rddreg [dreg:$0xd]  }
0x55: {  	[tilespmem:s24], [sflag:$0x3] =	stream.linear.gather [hbm4b:s12+s24], $0x50, $0x38;
	[tilespmem:$0x19200] =	vst v63  }
0x56: {  	_ =	swait.ge [sflag:s31], $0x50  }
0x57: {  	[sflag:s31] =	ssyncset.done $0x0  }
0x58: {  	s19 =	smov.u32 s25;
	s25 =	rddreg [dreg:$0xe];
	[sflag:s31] =	ssyncadd.s32 $0xFFFFFFB0  }
0x59: {  	[tilespmem:s0], [sflag:$0x3] =	stream.linear.gather [hbm4b:s25+s24], $0x50, $0x38;
	[tilespmem:$0x19200] =	vst v63  }
0x5a: {  	_ =	swait.ge [sflag:s31], $0x50  }
0x5b: {  	[sflag:s31] =	ssyncset.done $0x0  }
0x5c: {  	[sflag:s31] =	ssyncadd.s32 $0xFFFFFFB0  }
0x5d: {  	[tilespmem:s30], [sflag:$0x1] =	stream.indirect.gather [hbm4b:s1+s3], $0x80, s24, s3, $0xb8;
	[tilespmem:$0x19200] =	vst v63  }
0x5e: {  	s16 =	smov.u32 s15;
	s15 =	sadd.s32 $0x0, s29  }
0x5f: {  	[tilespmem:s5], [sflag:$0x3] =	stream.linear.gather [hbm4b:s15+s4], $0x50, $0x38;
	[tilespmem:$0x19200] =	vst v63  }
0x60: {  	_ =	swait.ge [sflag:s31], $0x50  }
0x61: {  	[sflag:s31] =	ssyncset.done $0x0  }
0x62: {  	s23 =	sadd.s32 $0x0, s28;
	[sflag:s31] =	ssyncadd.s32 $0xFFFFFFB0  }
0x63: {  	[tilespmem:s6], [sflag:$0x3] =	stream.linear.gather [hbm4b:s23+s4], $0x50, $0x38;
	[tilespmem:$0x19200] =	vst v63  }
0x64: {  	_ =	swait.ge [sflag:s31], $0x50  }
0x65: {  	[sflag:s31] =	ssyncset.done $0x0  }
0x66: {  	[sflag:s31] =	ssyncadd.s32 $0xFFFFFFB0  }
0x67: {  	[tilespmem:s7], [sflag:$0x2] =	stream.indirect.gather [hbm4b:s1+s3], $0x80, s5, s3, $0xb8;
	[tilespmem:$0x19200] =	vst v63  }
0x68: {  	_ =	swait.ge [sflag:s8], $0x2800  }
0x69: {  	[sflag:s8] =	ssyncset.done $0x0  }
0x6a: {  	[sflag:s8] =	ssyncadd.s32 $0xFFFFD800  }
0x6b: {  	[spmem:s2] =	stream.indirect.scatter.add.f32 [tilespmem:s30], [sflag:$0x3], $0x80, s0, s3, $0xb8;
	[tilespmem:$0x19200] =	vst v63  }
0x6c: {  	_ =	swait.ge [sflag:s31], $0x2800  }
0x6d: {  	s24 =	sshrl.u32 s26, $0x3;
	[sflag:s31] =	ssyncset.done $0x0  }
0x6e: {  	s25 =	sadd.s32 s13, s24;
	[sflag:s31] =	ssyncadd.s32 $0xFFFFD800  }
0x6f: {  	[tilespmem:s4], [sflag:$0x3] =	stream.linear.gather [hbm4b:s25+s4], $0x50, $0x38;
	[tilespmem:$0x19200] =	vst v63  }
0x70: {  	_ =	swait.ge [sflag:s31], $0x50  }
0x71: {  	[sflag:s31] =	ssyncset.done $0x0  }
0x72: {  	s11 =	sadd.s32 s14, s24;
	[sflag:s31] =	ssyncadd.s32 $0xFFFFFFB0  }
0x73: {  	[tilespmem:s0], [sflag:$0x3] =	stream.linear.gather [hbm4b:s11+s4], $0x50, $0x38;
	[tilespmem:$0x19200] =	vst v63  }
0x74: {  	_ =	swait.ge [sflag:s31], $0x50  }
0x75: {  	[sflag:s31] =	ssyncset.done $0x0  }
0x76: {  	[sflag:s31] =	ssyncadd.s32 $0xFFFFFFB0  }
0x77: {  	[tilespmem:s30], [sflag:$0x1] =	stream.indirect.gather [hbm4b:s1+s3], $0x80, s4, s3, $0xb8;
	[tilespmem:$0x19200] =	vst v63  }
0x78: {  	_ =	swait.ge [sflag:s9], $0x2800  }
0x79: {  	[sflag:s9] =	ssyncset.done $0x0  }
0x7a: {  	[sflag:s9] =	ssyncadd.s32 $0xFFFFD800  }
0x7b: {  	[spmem:s2] =	stream.indirect.scatter.add.f32 [tilespmem:s7], [sflag:$0x3], $0x80, s6, s3, $0xb8;
	[tilespmem:$0x19200] =	vst v63  }
0x7c: {  	s12 =	simm.s32 $0x14;
	_ =	swait.ge [sflag:s31], $0x2800  }
0x7d: {  	s23 =	simm.s32 $0x28;
	s11 =	sadd.s32 $0xA0, s26;
	[sflag:s31] =	ssyncset.done $0x0  }
.LBB2_4:
0x7e: {  	s25 =	sadd.s32 s12, s29  }
0x7f: {  	[sflag:s31] =	ssyncadd.s32 $0xFFFFD800;
	s15 =	smov.u32 s23;
	s24 =	sadd.s32 $0x14, s23  }
0x80: {  	[tilespmem:s5], [sflag:$0x3] =	stream.linear.gather [hbm4b:s25+s4], $0x50, $0x38;
	[tilespmem:$0x19200] =	vst v63  }
0x81: {  	p0 =	sne.s32 s23, $0x4C4;
	_ =	swait.ge [sflag:s31], $0x50  }
0x82: {  	[sflag:s31] =	ssyncset.done $0x0  }
0x83: {  	s23 =	sadd.s32 s12, s28;
	s12 =	smov.u32 s15;
	[sflag:s31] =	ssyncadd.s32 $0xFFFFFFB0  }
0x84: {  	[tilespmem:s6], [sflag:$0x3] =	stream.linear.gather [hbm4b:s23+s4], $0x50, $0x38;
	[tilespmem:$0x19200] =	vst v63  }
0x85: {  	_ =	swait.ge [sflag:s31], $0x50  }
0x86: {  	[sflag:s31] =	ssyncset.done $0x0  }
0x87: {  	[sflag:s31] =	ssyncadd.s32 $0xFFFFFFB0  }
0x88: {  	[tilespmem:s7], [sflag:$0x2] =	stream.indirect.gather [hbm4b:s1+s3], $0x80, s5, s3, $0xb8;
	[tilespmem:$0x19200] =	vst v63  }
0x89: {  	_ =	swait.ge [sflag:s8], $0x2800  }
0x8a: {  	[sflag:s8] =	ssyncset.done $0x0  }
0x8b: {  	[sflag:s8] =	ssyncadd.s32 $0xFFFFD800  }
0x8c: {  	[spmem:s2] =	stream.indirect.scatter.add.f32 [tilespmem:s30], [sflag:$0x3], $0x80, s0, s3, $0xb8;
	[tilespmem:$0x19200] =	vst v63  }
0x8d: {  	_ =	swait.ge [sflag:s31], $0x2800  }
0x8e: {  	s15 =	sshrl.u32 s11, $0x3;
	[sflag:s31] =	ssyncset.done $0x0  }
0x8f: {  	s23 =	sadd.s32 s13, s15;
	[sflag:s31] =	ssyncadd.s32 $0xFFFFD800  }
0x90: {  	[tilespmem:s4], [sflag:$0x3] =	stream.linear.gather [hbm4b:s23+s4], $0x50, $0x38;
	[tilespmem:$0x19200] =	vst v63  }
0x91: {  	_ =	swait.ge [sflag:s31], $0x50  }
0x92: {  	[sflag:s31] =	ssyncset.done $0x0  }
0x93: {  	s15 =	sadd.s32 s14, s15;
	[sflag:s31] =	ssyncadd.s32 $0xFFFFFFB0  }
0x94: {  	[tilespmem:s0], [sflag:$0x3] =	stream.linear.gather [hbm4b:s15+s4], $0x50, $0x38;
	[tilespmem:$0x19200] =	vst v63  }
0x95: {  	_ =	swait.ge [sflag:s31], $0x50  }
0x96: {  	[sflag:s31] =	ssyncset.done $0x0  }
0x97: {  	[sflag:s31] =	ssyncadd.s32 $0xFFFFFFB0  }
0x98: {  	[tilespmem:s30], [sflag:$0x1] =	stream.indirect.gather [hbm4b:s1+s3], $0x80, s4, s3, $0xb8;
	[tilespmem:$0x19200] =	vst v63  }
0x99: {  	_ =	swait.ge [sflag:s9], $0x2800  }
.Ltmp1:
0x9a: {  	[sflag:s9] =	ssyncset.done $0x0;
	(pc) =	sbr.rel @p0 .LBB2_4-.Ltmp1, $4  }
0x9b: {  	[sflag:s9] =	ssyncadd.s32 $0xFFFFD800  }
0x9c: {  	[spmem:s2] =	stream.indirect.scatter.add.f32 [tilespmem:s7], [sflag:$0x3], $0x80, s6, s3, $0xb8;
	[tilespmem:$0x19200] =	vst v63  }
0x9d: {  	_ =	swait.ge [sflag:s31], $0x2800  }
0x9e: {  	s11 =	sadd.s32 $0xA0, s11;
	s23 =	smov.u32 s24;
	[sflag:s31] =	ssyncset.done $0x0  }
0x9f: {  	s15 =	sadd.s32 s12, s29;
	[sflag:s31] =	ssyncadd.s32 $0xFFFFD800  }
0xa0: {  	[tilespmem:s5], [sflag:$0x3] =	stream.linear.gather [hbm4b:s15+s4], $0x50, $0x38;
	[tilespmem:$0x19200] =	vst v63  }
0xa1: {  	_ =	swait.ge [sflag:s31], $0x50  }
0xa2: {  	[sflag:s31] =	ssyncset.done $0x0  }
0xa3: {  	s24 =	sadd.s32 s12, s28;
	[sflag:s31] =	ssyncadd.s32 $0xFFFFFFB0  }
0xa4: {  	[tilespmem:s6], [sflag:$0x3] =	stream.linear.gather [hbm4b:s24+s4], $0x50, $0x38;
	[tilespmem:$0x19200] =	vst v63  }
0xa5: {  	_ =	swait.ge [sflag:s31], $0x50  }
0xa6: {  	[sflag:s31] =	ssyncset.done $0x0  }
0xa7: {  	[sflag:s31] =	ssyncadd.s32 $0xFFFFFFB0  }
0xa8: {  	[tilespmem:s7], [sflag:$0x2] =	stream.indirect.gather [hbm4b:s1+s3], $0x80, s5, s3, $0xb8;
	[tilespmem:$0x19200] =	vst v63  }
0xa9: {  	_ =	swait.ge [sflag:s8], $0x2800  }
0xaa: {  	[sflag:s8] =	ssyncset.done $0x0  }
0xab: {  	[sflag:s8] =	ssyncadd.s32 $0xFFFFD800  }
0xac: {  	[spmem:s2] =	stream.indirect.scatter.add.f32 [tilespmem:s30], [sflag:$0x3], $0x80, s0, s3, $0xb8;
	[tilespmem:$0x19200] =	vst v63  }
0xad: {  	_ =	swait.ge [sflag:s31], $0x2800  }
0xae: {  	s11 =	sshrl.u32 s11, $0x3;
	[sflag:s31] =	ssyncset.done $0x0  }
0xaf: {  	s25 =	sadd.s32 s13, s11;
	[sflag:s31] =	ssyncadd.s32 $0xFFFFD800  }
0xb0: {  	[tilespmem:s4], [sflag:$0x3] =	stream.linear.gather [hbm4b:s25+s4], $0x50, $0x38;
	[tilespmem:$0x19200] =	vst v63  }
0xb1: {  	_ =	swait.ge [sflag:s31], $0x50  }
0xb2: {  	[sflag:s31] =	ssyncset.done $0x0  }
0xb3: {  	s11 =	sadd.s32 s14, s11;
	[sflag:s31] =	ssyncadd.s32 $0xFFFFFFB0  }
0xb4: {  	[tilespmem:s0], [sflag:$0x3] =	stream.linear.gather [hbm4b:s11+s4], $0x50, $0x38;
	[tilespmem:$0x19200] =	vst v63  }
0xb5: {  	_ =	swait.ge [sflag:s31], $0x50  }
0xb6: {  	[sflag:s31] =	ssyncset.done $0x0  }
0xb7: {  	[sflag:s31] =	ssyncadd.s32 $0xFFFFFFB0  }
0xb8: {  	[tilespmem:s30], [sflag:$0x1] =	stream.indirect.gather [hbm4b:s1+s3], $0x80, s4, s3, $0xb8;
	[tilespmem:$0x19200] =	vst v63  }
0xb9: {  	_ =	swait.ge [sflag:s9], $0x2800  }
0xba: {  	[sflag:s9] =	ssyncset.done $0x0  }
0xbb: {  	[sflag:s9] =	ssyncadd.s32 $0xFFFFD800  }
0xbc: {  	[spmem:s2] =	stream.indirect.scatter.add.f32 [tilespmem:s7], [sflag:$0x3], $0x80, s6, s3, $0xb8;
	[tilespmem:$0x19200] =	vst v63  }
0xbd: {  	_ =	swait.ge [sflag:s31], $0x2800  }
0xbe: {  	[sflag:s31] =	ssyncset.done $0x0  }
0xbf: {  	[sflag:s31] =	ssyncadd.s32 $0xFFFFD800  }
0xc0: {  	_ =	swait.ge [sflag:s8], $0x2800  }
0xc1: {  	[sflag:s8] =	ssyncset.done $0x0  }
0xc2: {  	[sflag:s8] =	ssyncadd.s32 $0xFFFFD800  }
0xc3: {  	[spmem:s2] =	stream.indirect.scatter.add.f32 [tilespmem:s30], [sflag:$0x3], $0x80, s0, s3, $0xb8;
	[tilespmem:$0x19200] =	vst v63  }
0xc4: {  	_ =	swait.ge [sflag:s31], $0x2800  }
0xc5: {  	[sflag:s31] =	ssyncset.done $0x0  }
0xc6: {  	[sflag:s31] =	ssyncadd.s32 $0xFFFFD800  }
0xc7: {  	[bflag:$0x0] =	sbarrier.arrive $0xFFFF  }
0xc8: {  	[tilespmem:s30], [sflag:$0x3] =	stream.linear.gather [spmem:s16], $0x2800, $0x38;
	[tilespmem:$0x19200] =	vst v63  }
0xc9: {  	_ =	swait.ge [sflag:s31], $0x2800  }
0xca: {  	[sflag:s31] =	ssyncset.done $0x0  }
0xcb: {  	s12 =	rddreg [dreg:$0x4];
	[sflag:s31] =	ssyncadd.s32 $0xFFFFD800  }
0xcc: {  	[hbm4b:s12+s4] =	stream.linear.scatter [tilespmem:s30], [sflag:$0x3], $0x2800, $0x38;
	[tilespmem:$0x19200] =	vst v63  }
0xcd: {  	_ =	swait.ge [sflag:s31], $0x2800  }
0xce: {  	[sflag:s31] =	ssyncset.done $0x0  }
0xcf: {  	[sflag:s31] =	ssyncadd.s32 $0xFFFFD800  }
0xd0: {  	[tilespmem:s30], [sflag:$0x3] =	stream.linear.gather [spmem:s17], $0x2800, $0x38;
	[tilespmem:$0x19200] =	vst v63  }
0xd1: {  	_ =	swait.ge [sflag:s31], $0x2800  }
0xd2: {  	[sflag:s31] =	ssyncset.done $0x0  }
0xd3: {  	s15 =	smov.u32 s16;
	s16 =	rddreg [dreg:$0x5];
	[sflag:s31] =	ssyncadd.s32 $0xFFFFD800  }
0xd4: {  	[hbm4b:s16+s4] =	stream.linear.scatter [tilespmem:s30], [sflag:$0x3], $0x2800, $0x38;
	[tilespmem:$0x19200] =	vst v63  }
0xd5: {  	_ =	swait.ge [sflag:s31], $0x2800  }
0xd6: {  	[sflag:s31] =	ssyncset.done $0x0  }
0xd7: {  	[sflag:s31] =	ssyncadd.s32 $0xFFFFD800  }
0xd8: {  	[tilespmem:s30], [sflag:$0x3] =	stream.linear.gather [spmem:s18], $0x2800, $0x38;
	[tilespmem:$0x19200] =	vst v63  }
0xd9: {  	_ =	swait.ge [sflag:s31], $0x2800  }
0xda: {  	[sflag:s31] =	ssyncset.done $0x0  }
0xdb: {  	s23 =	smov.u32 s17;
	s17 =	rddreg [dreg:$0x6];
	[sflag:s31] =	ssyncadd.s32 $0xFFFFD800  }
0xdc: {  	[hbm4b:s17+s4] =	stream.linear.scatter [tilespmem:s30], [sflag:$0x3], $0x2800, $0x38;
	[tilespmem:$0x19200] =	vst v63  }
0xdd: {  	_ =	swait.ge [sflag:s31], $0x2800  }
0xde: {  	[sflag:s31] =	ssyncset.done $0x0  }
0xdf: {  	[sflag:s31] =	ssyncadd.s32 $0xFFFFD800  }
0xe0: {  	[tilespmem:s30], [sflag:$0x3] =	stream.linear.gather [spmem:s19], $0x2800, $0x38;
	[tilespmem:$0x19200] =	vst v63  }
0xe1: {  	_ =	swait.ge [sflag:s31], $0x2800  }
0xe2: {  	[sflag:s31] =	ssyncset.done $0x0  }
0xe3: {  	s24 =	smov.u32 s18;
	s18 =	rddreg [dreg:$0x7];
	[sflag:s31] =	ssyncadd.s32 $0xFFFFD800  }
0xe4: {  	[hbm4b:s18+s4] =	stream.linear.scatter [tilespmem:s30], [sflag:$0x3], $0x2800, $0x38;
	[tilespmem:$0x19200] =	vst v63  }
0xe5: {  	_ =	swait.ge [sflag:s31], $0x2800  }
0xe6: {  	[sflag:s31] =	ssyncset.done $0x0  }
0xe7: {  	s25 =	smov.u32 s19;
	s19 =	rddreg [dreg:$0xc];
	[sflag:s31] =	ssyncadd.s32 $0xFFFFD800  }
0xe8: {  	[tilespmem:s30], [sflag:$0x3] =	stream.linear.gather [spmem:s19], $0x2800, $0x38;
	[tilespmem:$0x19200] =	vst v63  }
0xe9: {  	_ =	swait.ge [sflag:s31], $0x2800  }
0xea: {  	[sflag:s31] =	ssyncset.done $0x0  }
0xeb: {  	s12 =	rddreg [dreg:$0x8];
	[sflag:s31] =	ssyncadd.s32 $0xFFFFD800  }
0xec: {  	[hbm4b:s12+s4] =	stream.linear.scatter [tilespmem:s30], [sflag:$0x3], $0x2800, $0x38;
	[tilespmem:$0x19200] =	vst v63  }
0xed: {  	_ =	swait.ge [sflag:s31], $0x2800  }
0xee: {  	[sflag:s31] =	ssyncset.done $0x0  }
0xef: {  	[sflag:s31] =	ssyncadd.s32 $0xFFFFD800  }
0xf0: {  	[tilespmem:s30], [sflag:$0x3] =	stream.linear.gather [spmem:s20], $0x2800, $0x38;
	[tilespmem:$0x19200] =	vst v63  }
0xf1: {  	_ =	swait.ge [sflag:s31], $0x2800  }
0xf2: {  	[sflag:s31] =	ssyncset.done $0x0  }
0xf3: {  	s16 =	rddreg [dreg:$0x9];
	[sflag:s31] =	ssyncadd.s32 $0xFFFFD800  }
0xf4: {  	[hbm4b:s16+s4] =	stream.linear.scatter [tilespmem:s30], [sflag:$0x3], $0x2800, $0x38;
	[tilespmem:$0x19200] =	vst v63  }
0xf5: {  	_ =	swait.ge [sflag:s31], $0x2800  }
0xf6: {  	[sflag:s31] =	ssyncset.done $0x0  }
0xf7: {  	[sflag:s31] =	ssyncadd.s32 $0xFFFFD800  }
0xf8: {  	[tilespmem:s30], [sflag:$0x3] =	stream.linear.gather [spmem:s21], $0x2800, $0x38;
	[tilespmem:$0x19200] =	vst v63  }
0xf9: {  	_ =	swait.ge [sflag:s31], $0x2800  }
0xfa: {  	[sflag:s31] =	ssyncset.done $0x0  }
0xfb: {  	s17 =	rddreg [dreg:$0xa];
	[sflag:s31] =	ssyncadd.s32 $0xFFFFD800  }
0xfc: {  	[hbm4b:s17+s4] =	stream.linear.scatter [tilespmem:s30], [sflag:$0x3], $0x2800, $0x38;
	[tilespmem:$0x19200] =	vst v63  }
0xfd: {  	_ =	swait.ge [sflag:s31], $0x2800  }
0xfe: {  	[sflag:s31] =	ssyncset.done $0x0  }
0xff: {  	[sflag:s31] =	ssyncadd.s32 $0xFFFFD800  }
0x100: {  	[tilespmem:s30], [sflag:$0x3] =	stream.linear.gather [spmem:s22], $0x2800, $0x38;
	[tilespmem:$0x19200] =	vst v63  }
0x101: {  	_ =	swait.ge [sflag:s31], $0x2800  }
0x102: {  	[sflag:s31] =	ssyncset.done $0x0  }
0x103: {  	s18 =	rddreg [dreg:$0xb];
	[sflag:s31] =	ssyncadd.s32 $0xFFFFD800  }
0x104: {  	[hbm4b:s18+s4] =	stream.linear.scatter [tilespmem:s30], [sflag:$0x3], $0x2800, $0x38;
	[tilespmem:$0x19200] =	vst v63  }
0x105: {  	_ =	swait.ge [sflag:s31], $0x2800  }
0x106: {  	s10 =	sadd.s32 $0x1, s10;
	s19 =	rddreg [dreg:$0xf]  }
0x107: {  	p0 =	sne.s32 s10, s19  }
.Ltmp2:
0x108: {  	_ = 	snop;
	(pc) =	sbr.rel @p0 .LBB2_1-.Ltmp2, $3  }
0x109: {  	_ =	sdelay $0x1  }
0x10a: {  	[sflag:s31] =	ssyncset.done $0x0  }
0x10b: {  	[sflag:s31] =	ssyncadd.s32 $0xFFFFD800  }
0x10c: {  	_ =	sfence.sel $0x180000  }
0x10d: {  	[bflag:$0x0] =	sbarrier.arrive $0xFFFF  }
0x10e: {  	_ =	strace $0x90000047  }
0x10f: {  	s0 =	stileid.u32;
	[bflag:$0x2] =	sbarrier.arrive $0xFFFF  }
0x110: {  	p0 =	sne.s32 s0, $0x0;
	s0 =	rddreg [dreg:$0x3]  }
0x111: {  	s0 =	sadd.s32 @!p0 $0x100000, s0  }
0x112: {  	[sflag:s0] =	ssyncadd.tile.s32 @!p0 $0x1;
	_ =	shalt  }
.Lfunc_end2:
_tile_overlayer_lowered:
.L_overlay_start_2:
0x113: {  	(tag) =	ssettag $0x2  }
0x114: {  	s0 =	rddreg [dreg:$0x0];
	s2 =	stileid.u32  }
0x115: {  	s1 =	rddreg [dreg:$0x1];
	p0 =	sne.s32 s2, $0x0  }
0x116: {  	s3 =	rddreg [dreg:$0x2];
	[bflag:$0x3] =	sbarrier.arrive $0xFFFF;
	s2 =	simm.s32 @!p0 $0x1C03  }
0x117: {  	[timem:s3], [sflag:s2] =	dma.local @!p0 [hbm:s0], s1  }
0x118: {  	s0 =	simm.s32 @!p0 $0x3  }
0x119: {  	_ =	swait.ge @!p0 [sflag:s0], s1  }
0x11a: {  	s1 =	ssub.s32 @!p0 $0x0, s1;
	[sflag:s0] =	ssyncset.done @!p0 $0x0  }
0x11b: {  	[sflag:s0] =	ssyncadd.s32 @!p0 s1  }
0x11c: {  	[bflag:$0x3] =	sbarrier.arrive $0xFFFF  }
0x11d: {  	_ =	shalt  }

</sc_bundles>
